<compile_context>
chip_gen: v7x
topology: tpu7x:2x2x1
jax: 0.10.2.dev20260603
libtpu: 0.0.44.dev20260713+nightly
codegen_flags: <defaults>
</compile_context>

<pallas_src>
import functools

import jax
import jax.numpy as jnp
from jax import lax
from jax.experimental import pallas as pl
from jax.experimental.pallas import tpu as pltpu
from jax.experimental.pallas import tpu_sc as plsc

N = 10000
E = 160000
D = 256
H = 512
C = 64

NC = 2
NS = 16
NPAD = 10240
ROWS_PER_TILE = NPAD // NS

_SELU_ALPHA = 1.6732632423543772
_SELU_SCALE = 1.0507009873554805



NBUF = 5
PRE = 4


def _make_sc_segsum(nb, fb, const_rows=False):
  split_edges = (nb == 1)
  blocks_per_core = 1 if split_edges else nb // 2
  epw = E // (NC * NS) if split_edges else E // NS
  K = 40
  nchunks = epw // K
  GRP = 125
  assert nchunks % GRP == 0 and GRP % NBUF == 0
  ngroups = nchunks // GRP

  mesh = plsc.VectorSubcoreMesh(core_axis_name="c", subcore_axis_name="s")
  out_rows = 2 * NPAD if split_edges else nb * NPAD

  scratch = (
      [pltpu.VMEM((GRP * K,), jnp.int32),
       pltpu.VMEM((GRP, 1, K), jnp.int32)]
      + [pltpu.VMEM((K, fb), jnp.float32) for _ in range(NBUF)]
      + [pltpu.SemaphoreType.DMA for _ in range(2 * NBUF)]
      + [pltpu.VMEM_SHARED((NPAD, fb), jnp.float32)]
  )

  @functools.partial(
      pl.kernel, mesh=mesh,
      out_type=jax.ShapeDtypeStruct((out_rows, fb), jnp.float32),
      scratch_types=scratch,
  )
  def k(h_hbm, srcx_hbm, dstx_hbm, zeros_hbm, ones_hbm, out_hbm,
        sidx_g, didx_g, *bufs_sems_acc):
    rows = list(bufs_sems_acc[:NBUF])
    gsem = list(bufs_sems_acc[NBUF:2 * NBUF])
    ssem = list(bufs_sems_acc[2 * NBUF:3 * NBUF])
    acc = bufs_sems_acc[3 * NBUF]

    c = lax.axis_index("c")
    s = lax.axis_index("s")
    wid = s * NC + c
    ebase = (wid if split_edges else s) * epw
    cbase = (wid if split_edges else s) * nchunks
    r0 = s * ROWS_PER_TILE

    if const_rows:
      pltpu.sync_copy(ones_hbm, rows[0])

    def gather(l, b):
      pltpu.async_copy(h_hbm.at[sidx_g.at[pl.ds(l * K, K)]], rows[b], gsem[b])

    def gwait(b):
      pltpu.make_async_copy(h_hbm.at[sidx_g.at[pl.ds(0, K)]], rows[b],
                            gsem[b]).wait()

    def scatter(l, b):
      pltpu.async_copy(rows[0 if const_rows else b],
                       acc.at[didx_g.at[l, 0]], ssem[b], add=True)

    def swait(b):
      pltpu.make_async_copy(rows[0 if const_rows else b],
                            acc.at[didx_g.at[0, 0]], ssem[b]).wait()

    for kb in range(blocks_per_core):
      bglob = 0 if split_edges else c * blocks_per_core + kb
      pltpu.sync_copy(zeros_hbm, acc.at[pl.ds(r0, ROWS_PER_TILE)])
      plsc.subcore_barrier()

      def group(g, carry):
        pltpu.sync_copy(dstx_hbm.at[pl.ds(cbase + g * GRP, GRP)], didx_g)
        if const_rows:
          def cbody(t, carry2):
            for b in range(NBUF):
              l = t * NBUF + b
              pl.when(t > 0)(functools.partial(swait, b))
              scatter(l, b)
            return carry2

          lax.fori_loop(0, GRP // NBUF, cbody, 0)
        else:
          pltpu.sync_copy(
              srcx_hbm.at[pl.ds(bglob * E + ebase + g * GRP * K, GRP * K)],
              sidx_g)
          for b in range(PRE):
            gather(b, b)

          def body(t, carry2):
            for b in range(NBUF):
              l = t * NBUF + b
              gwait(b)
              scatter(l, b)
              bn = (b + PRE) % NBUF

              def refill(bn=bn, l=l):
                pl.when(l >= NBUF - PRE)(functools.partial(swait, bn))
                gather(l + PRE, bn)

              pl.when(l + PRE < GRP)(refill)
            return carry2

          lax.fori_loop(0, GRP // NBUF, body, 0)
        for b in range(NBUF):
          swait(b)
        return carry

      lax.fori_loop(0, ngroups, group, 0)

      plsc.subcore_barrier()
      obase = (c * NPAD if split_edges else bglob * NPAD) + r0
      pltpu.sync_copy(acc.at[pl.ds(r0, ROWS_PER_TILE)],
                      out_hbm.at[pl.ds(obase, ROWS_PER_TILE)])
      if kb + 1 < blocks_per_core:
        plsc.subcore_barrier()

  return k


_segsum_d = _make_sc_segsum(D // 128, 128)
_segsum_c = _make_sc_segsum(1, 128)
_deg_hist = _make_sc_segsum(1, 128, const_rows=True)


R = 1000
GRID = N // R


def _deg_vec(parts_ref):
  d = parts_ref[0, :, :1] + parts_ref[1, :, :1]
  return d


def _dinv(deg):
  return jnp.where(deg > 0, lax.rsqrt(jnp.maximum(deg, 1e-12)), 0.0)


def _scale1_body(parts_ref, x_ref, out_ref):
  deg = _deg_vec(parts_ref)
  xs = x_ref[...] * _dinv(deg)
  for kk in range(2):
    out_ref[kk] = xs[:, kk * 128:(kk + 1) * 128]


def _scale2_body(parts_ref, y_ref, out_ref):
  deg = _deg_vec(parts_ref)
  dinv2 = jnp.where(deg > 0, 1.0 / jnp.maximum(deg, 1e-12), 0.0)
  for kk in range(2):
    out_ref[kk] = y_ref[kk] * dinv2


def _scale3_body(parts_ref, y_ref, blk_ref, flat_ref):
  deg = _deg_vec(parts_ref)
  di = _dinv(deg)
  hs = [y_ref[kk] * di for kk in range(2)]
  for kk in range(2):
    blk_ref[kk] = hs[kk]
  flat_ref[...] = jnp.concatenate(hs, axis=1)


def _selu(x):
  return _SELU_SCALE * jnp.where(x > 0, x, _SELU_ALPHA * (jnp.exp(x) - 1.0))


def _layer1_body(parts_ref, sh_ref, h_ref, wl_ref, bl_ref, wr_ref, wl2_ref,
                 z1_ref, flat_ref):
  deg = _deg_vec(parts_ref)
  cnt = jnp.maximum(deg, 1.0)
  mean = jnp.concatenate([sh_ref[0], sh_ref[1]], axis=1) / cnt
  h1 = (jnp.dot(mean, wl_ref[...], preferred_element_type=jnp.float32)
        + bl_ref[...]
        + jnp.dot(h_ref[...], wr_ref[...], preferred_element_type=jnp.float32))
  h1 = _selu(h1)
  z1 = jnp.dot(h1, wl2_ref[...], preferred_element_type=jnp.float32)
  z1_ref[...] = jnp.concatenate(
      [z1, jnp.zeros((z1.shape[0], 128 - C), z1.dtype)], axis=1)
  flat_ref[...] = h1


def _softmax(z):
  m = jnp.max(z, axis=1, keepdims=True)
  e = jnp.exp(z - m)
  return e / jnp.sum(e, axis=1, keepdims=True)


def _layer2_body(parts_ref, s1_ref, h1_ref, bl_ref, wr_ref, t_ref,
                 p_ref, q_ref, qs_ref):
  deg = _deg_vec(parts_ref)
  cnt = jnp.maximum(deg, 1.0)
  sz1 = (s1_ref[0] + s1_ref[1])[:, :C]
  h2 = (sz1 / cnt
        + bl_ref[...]
        + jnp.dot(h1_ref[...], wr_ref[...], preferred_element_type=jnp.float32))
  p = _softmax(h2)
  q = jnp.dot(p, t_ref[...], preferred_element_type=jnp.float32)
  p_ref[...] = p
  q_ref[...] = q
  qs_ref[...] = jnp.concatenate(
      [q * _dinv(deg), jnp.zeros((q.shape[0], 128 - C), q.dtype)], axis=1)


def _scale4_body(parts_ref, y_ref, out_ref):
  deg = _deg_vec(parts_ref)
  dinv2 = jnp.where(deg > 0, 1.0 / jnp.maximum(deg, 1e-12), 0.0)
  out_ref[...] = (y_ref[0] + y_ref[1]) * dinv2


def _final_body(parts_ref, y_ref, out_ref):
  deg = _deg_vec(parts_ref)
  y = (y_ref[0] + y_ref[1])[:, :C] * _dinv(deg)
  out_ref[...] = _softmax(y)


def _bs(shape, imap):
  return pl.BlockSpec(shape, imap)


_PARTS_BS = _bs((2, R, 16), lambda i: (0, i, 0))


def _tc_call(body, in_specs, out_specs, out_shapes, *args):
  return pl.pallas_call(
      body, grid=(GRID,), in_specs=in_specs, out_specs=out_specs,
      out_shape=out_shapes)(*args)



def kernel(x, edge_index, T, W_l1, b_l1, W_r1, W_l2, b_l2, W_r2):
  src = edge_index[0]
  dst = edge_index[1]

  z128 = jnp.zeros((ROWS_PER_TILE, 128), jnp.float32)
  ones128 = jnp.ones((40, 128), jnp.float32)
  d40 = jnp.zeros((40, 128), jnp.float32)

  dstx40 = dst.reshape(E // 40, 1, 40)
  srcx1 = src
  off2 = (jnp.arange(2, dtype=jnp.int32) * NPAD)[:, None]
  srcx2 = (src[None, :] + off2).reshape(2 * E)

  deg_parts = _deg_hist(jnp.zeros((8, 128), jnp.float32), srcx1, dstx40,
                        z128, ones128)
  deg_parts = deg_parts.reshape(2, NPAD, 128)[:, :, :16]

  xs_blk = _tc_call(
      _scale1_body,
      [_PARTS_BS, _bs((R, D), lambda i: (i, 0))],
      _bs((2, R, 128), lambda i: (0, i, 0)),
      jax.ShapeDtypeStruct((2, NPAD, 128), jnp.float32),
      deg_parts, x)

  x2_blk = _segsum_d(xs_blk.reshape(2 * NPAD, 128), srcx2, dstx40, z128, d40)
  x2_blk = x2_blk.reshape(2, NPAD, 128)

  x2s_blk = _tc_call(
      _scale2_body,
      [_PARTS_BS, _bs((2, R, 128), lambda i: (0, i, 0))],
      _bs((2, R, 128), lambda i: (0, i, 0)),
      jax.ShapeDtypeStruct((2, NPAD, 128), jnp.float32),
      deg_parts, x2_blk)

  x3_blk = _segsum_d(x2s_blk.reshape(2 * NPAD, 128), srcx2, dstx40, z128, d40)
  x3_blk = x3_blk.reshape(2, NPAD, 128)

  h_blk, h_flat = _tc_call(
      _scale3_body,
      [_PARTS_BS, _bs((2, R, 128), lambda i: (0, i, 0))],
      [_bs((2, R, 128), lambda i: (0, i, 0)), _bs((R, D), lambda i: (i, 0))],
      [jax.ShapeDtypeStruct((2, NPAD, 128), jnp.float32),
       jax.ShapeDtypeStruct((N, D), jnp.float32)],
      deg_parts, x3_blk)

  sh_blk = _segsum_d(h_blk.reshape(2 * NPAD, 128), srcx2, dstx40, z128, d40)
  sh_blk = sh_blk.reshape(2, NPAD, 128)

  b_l1r = b_l1.reshape(1, H)
  z1_pad, h1_flat = _tc_call(
      _layer1_body,
      [_PARTS_BS,
       _bs((2, R, 128), lambda i: (0, i, 0)),
       _bs((R, D), lambda i: (i, 0)),
       _bs((D, H), lambda i: (0, 0)),
       _bs((1, H), lambda i: (0, 0)),
       _bs((D, H), lambda i: (0, 0)),
       _bs((H, C), lambda i: (0, 0))],
      [_bs((R, 128), lambda i: (i, 0)), _bs((R, H), lambda i: (i, 0))],
      [jax.ShapeDtypeStruct((N, 128), jnp.float32),
       jax.ShapeDtypeStruct((N, H), jnp.float32)],
      deg_parts, sh_blk, h_flat, W_l1, b_l1r, W_r1, W_l2)

  s1_blk = _segsum_c(z1_pad, srcx1, dstx40, z128, d40).reshape(2, NPAD, 128)

  b_l2r = b_l2.reshape(1, C)
  p, q, qs = _tc_call(
      _layer2_body,
      [_PARTS_BS,
       _bs((2, R, 128), lambda i: (0, i, 0)),
       _bs((R, H), lambda i: (i, 0)),
       _bs((1, C), lambda i: (0, 0)),
       _bs((H, C), lambda i: (0, 0)),
       _bs((C, C), lambda i: (0, 0))],
      [_bs((R, C), lambda i: (i, 0))] * 2 + [_bs((R, 128), lambda i: (i, 0))],
      [jax.ShapeDtypeStruct((N, C), jnp.float32)] * 2
      + [jax.ShapeDtypeStruct((N, 128), jnp.float32)],
      deg_parts, s1_blk, h1_flat, b_l2r, W_r2, T)

  y1_parts = _segsum_c(qs, srcx1, dstx40, z128,
                       d40).reshape(2, NPAD, 128)

  y1s = _tc_call(
      _scale4_body,
      [_PARTS_BS, _bs((2, R, 128), lambda i: (0, i, 0))],
      _bs((R, 128), lambda i: (i, 0)),
      jax.ShapeDtypeStruct((N, 128), jnp.float32),
      deg_parts, y1_parts)

  y2_parts = _segsum_c(y1s, srcx1, dstx40, z128,
                       d40).reshape(2, NPAD, 128)

  p_yt = _tc_call(
      _final_body,
      [_PARTS_BS, _bs((2, R, 128), lambda i: (0, i, 0))],
      _bs((R, C), lambda i: (i, 0)),
      jax.ShapeDtypeStruct((N, C), jnp.float32),
      deg_parts, y2_parts)

  return (p, q, p_yt)

# --- scband reference (transcript-rebuilt; emitter-appended) ---
"""Pipeline reference for scband-node-classifier-73796128080405 (READ-ONLY COPY).

The authoritative reference and input builder live on the scoring server;
editing this copy changes nothing except your own understanding.
"""

import jax, jax.numpy as jnp
import numpy as np

N = 10000
E = 160000
D = 256
H = 512
C = 64


def setup_inputs(seed: int = 0) -> dict:
    key = jax.random.key(seed)
    ks = jax.random.split(key, 10)
    x = jax.random.normal(ks[0], (N, D), dtype=jnp.float32)
    edge_index = jax.random.randint(ks[1], (2, E), 0, N, dtype=jnp.int32)
    T = jax.random.uniform(ks[2], (C, C), dtype=jnp.float32)
    T = T / jnp.sum(T, axis=1, keepdims=True)  # row-stochastic label transition matrix
    # SAGEConv1: lin_l (aggregated, with bias) and lin_r (root, no bias), in=D out=H
    W_l1 = jax.random.normal(ks[3], (D, H), dtype=jnp.float32) * (1.0 / np.sqrt(D))
    b_l1 = jnp.zeros((H,), dtype=jnp.float32)
    W_r1 = jax.random.normal(ks[4], (D, H), dtype=jnp.float32) * (1.0 / np.sqrt(D))
    # SAGEConv2: in=H out=C
    W_l2 = jax.random.normal(ks[5], (H, C), dtype=jnp.float32) * (1.0 / np.sqrt(H))
    b_l2 = jnp.zeros((C,), dtype=jnp.float32)
    W_r2 = jax.random.normal(ks[6], (H, C), dtype=jnp.float32) * (1.0 / np.sqrt(H))
    return {"x": x, "edge_index": edge_index, "T": T,
            "W_l1": W_l1, "b_l1": b_l1, "W_r1": W_r1,
            "W_l2": W_l2, "b_l2": b_l2, "W_r2": W_r2}


def reference(x, edge_index, T, W_l1, b_l1, W_r1, W_l2, b_l2, W_r2):
    src = edge_index[0]
    dst = edge_index[1]
    ones = jnp.ones((E,), dtype=jnp.float32)
    deg = jax.ops.segment_sum(ones, dst, num_segments=N)
    deg_inv_sqrt = jnp.where(deg > 0, jax.lax.rsqrt(jnp.maximum(deg, 1e-12)), 0.0)
    w = deg_inv_sqrt[src] * deg_inv_sqrt[dst]  # gcn_norm, no self loops

    def gcn_prop(h):
        return jax.ops.segment_sum(h[src] * w[:, None], dst, num_segments=N)

    # KProp x_prop: K=2 symmetric-normalized add aggregation, identity transform
    h = gcn_prop(gcn_prop(x))

    cnt = jnp.maximum(deg, 1.0)

    def mean_agg(h_):
        s = jax.ops.segment_sum(h_[src], dst, num_segments=N)
        return s / cnt[:, None]

    # SAGEConv 1 (mean aggr, root_weight=True, normalize=False)
    h1 = mean_agg(h) @ W_l1 + b_l1 + h @ W_r1
    h1 = jax.nn.selu(h1)  # SELU activation; dropout p=0.0 is identity
    # SAGEConv 2
    h2 = mean_agg(h1) @ W_l2 + b_l2 + h1 @ W_r2

    p_y_x = jax.nn.softmax(h2, axis=1)
    p_yp_x = p_y_x @ T  # forward correction
    # KProp y_prop: K=2 normalized add aggregation, softmax transform
    p_yt_x = jax.nn.softmax(gcn_prop(gcn_prop(p_yp_x)), axis=1)
    return (p_y_x, p_yp_x, p_yt_x)

if __name__ == "__main__":
    import jax
    _d = setup_inputs()
    print(jax.jit(kernel)(*tuple(_d.values())))

</pallas_src>

<mosaic_0001>
#map = affine_map<(d0, d1) -> (0, 0)>
#map1 = affine_map<(d0, d1) -> (0)>
#map2 = affine_map<(d0, d1) -> (0, 0, 0)>
module attributes {stable_mosaic.version = 14 : i64} {
  func.func @k(%arg0: i32, %arg1: i32, %arg2: memref<20480x128xf32, #tpu.memory_space<hbm>>, %arg3: memref<320000xi32, #tpu.memory_space<hbm>>, %arg4: memref<4000x1x40xi32, #tpu.memory_space<hbm>>, %arg5: memref<640x128xf32, #tpu.memory_space<hbm>>, %arg6: memref<40x128xf32, #tpu.memory_space<hbm>>, %arg7: memref<20480x128xf32, #tpu.memory_space<hbm>>, %arg8: memref<5000xi32, #tpu.memory_space<vmem>>, %arg9: memref<125x1x40xi32, #tpu.memory_space<vmem>>, %arg10: memref<40x128xf32, #tpu.memory_space<vmem>>, %arg11: memref<40x128xf32, #tpu.memory_space<vmem>>, %arg12: memref<40x128xf32, #tpu.memory_space<vmem>>, %arg13: memref<40x128xf32, #tpu.memory_space<vmem>>, %arg14: memref<40x128xf32, #tpu.memory_space<vmem>>, %arg15: memref<!tpu.dma_semaphore, #tpu.memory_space<semaphore_mem>>, %arg16: memref<!tpu.dma_semaphore, #tpu.memory_space<semaphore_mem>>, %arg17: memref<!tpu.dma_semaphore, #tpu.memory_space<semaphore_mem>>, %arg18: memref<!tpu.dma_semaphore, #tpu.memory_space<semaphore_mem>>, %arg19: memref<!tpu.dma_semaphore, #tpu.memory_space<semaphore_mem>>, %arg20: memref<!tpu.dma_semaphore, #tpu.memory_space<semaphore_mem>>, %arg21: memref<!tpu.dma_semaphore, #tpu.memory_space<semaphore_mem>>, %arg22: memref<!tpu.dma_semaphore, #tpu.memory_space<semaphore_mem>>, %arg23: memref<!tpu.dma_semaphore, #tpu.memory_space<semaphore_mem>>, %arg24: memref<!tpu.dma_semaphore, #tpu.memory_space<semaphore_mem>>, %arg25: memref<10240x128xf32, #tpu.memory_space<vmem_shared>>) attributes {dimension_semantics = [#tpu.dimension_semantics<core_parallel>, #tpu.dimension_semantics<subcore_parallel>], iteration_bounds = array<i64: 2, 16>, scalar_prefetch = 0 : i64, scratch_operands = 18 : i64, tpu.core_type = #tpu.core_type<sc_vector_subcore>, window_params = [{transform_indices = #map}, {transform_indices = #map1}, {transform_indices = #map2}, {transform_indices = #map}, {transform_indices = #map}, {transform_indices = #map}]} {
    %mul3A = arith.constant 2 : i32
    %mul3A_0 = arith.muli %arg1, %mul3A : i32
    %add3A = arith.addi %mul3A_0, %arg0 : i32
    %mul3A_1 = arith.constant 10000 : i32
    %mul3A_2 = arith.muli %arg1, %mul3A_1 : i32
    %mul3A_3 = arith.constant 250 : i32
    %mul3A_4 = arith.muli %arg1, %mul3A_3 : i32
    %mul3A_5 = arith.constant 640 : i32
    %mul3A_6 = arith.muli %arg1, %mul3A_5 : i32
    %mul3A_7 = arith.constant 1 : i32
    %mul3A_8 = arith.muli %arg0, %mul3A_7 : i32
    %add3A_9 = arith.constant 0 : i32
    %add3A_10 = arith.addi %mul3A_8, %add3A_9 : i32
    "tpu.region"() ({
      %run_scoped3A = tpu.sem_alloc : memref<!tpu.dma_semaphore, #tpu.memory_space<semaphore_mem>>
      %dma_start3A = arith.constant 0 : i32
      %dma_start3A_20 = tpu.memref_slice %arg25[%mul3A_6, %dma_start3A] : memref<10240x128xf32, #tpu.memory_space<vmem_shared>> -> memref<640x128xf32, #tpu.memory_space<vmem_shared>>
      tpu.enqueue_dma source(%arg5 : memref<640x128xf32, #tpu.memory_space<hbm>>) target(%dma_start3A_20 : memref<640x128xf32, #tpu.memory_space<vmem_shared>>) target_semaphore(%run_scoped3A : memref<!tpu.dma_semaphore, #tpu.memory_space<semaphore_mem>>)
      %dma_wait3A = arith.constant 0 : i32
      %dma_wait3A_21 = tpu.memref_slice %arg25[%mul3A_6, %dma_wait3A] : memref<10240x128xf32, #tpu.memory_space<vmem_shared>> -> memref<640x128xf32, #tpu.memory_space<vmem_shared>>
      tpu.wait_dma2 semaphore(%run_scoped3A : memref<!tpu.dma_semaphore, #tpu.memory_space<semaphore_mem>>) src(%arg5 : memref<640x128xf32, #tpu.memory_space<hbm>>) dst(%dma_wait3A_21 : memref<640x128xf32, #tpu.memory_space<vmem_shared>>)
      tpu.yield
    }) : () -> ()
    %barrier3A = arith.constant 0 : index
    tpu.barrier barrier_id(%barrier3A)
    %scan3A = arith.constant 0 : i32
    %scan3A_11 = arith.constant 0 : i32
    %scan3A_12 = arith.constant 2 : i32
    %scan3A_13 = arith.addi %scan3A_11, %scan3A_12 : i32
    %scan3A_14 = arith.constant 1 : i32
    scf.for %scan3A_20 = %scan3A_11 to %scan3A_13 step %scan3A_14  : i32 {
      %mul3A_21 = arith.constant 125 : i32
      %mul3A_22 = arith.muli %scan3A_20, %mul3A_21 : i32
      %add3A_23 = arith.addi %mul3A_4, %mul3A_22 : i32
      "tpu.region"() ({
        %run_scoped3A = tpu.sem_alloc : memref<!tpu.dma_semaphore, #tpu.memory_space<semaphore_mem>>
        %dma_start3A_96 = arith.constant 0 : i32
        %dma_start3A_97 = arith.constant 0 : i32
        %dma_start3A_98 = tpu.memref_slice %arg4[%add3A_23, %dma_start3A_96, %dma_start3A_97] : memref<4000x1x40xi32, #tpu.memory_space<hbm>> -> memref<125x1x40xi32, #tpu.memory_space<hbm>>
        %dma_start3A_99 = arith.constant 0 : i32
        %dma_start3A_100 = arith.constant 0 : i32
        %dma_start3A_101 = tpu.memref_slice %arg4[%add3A_23, %dma_start3A_99, %dma_start3A_100] : memref<4000x1x40xi32, #tpu.memory_space<hbm>> -> memref<125x1x40xi32, #tpu.memory_space<hbm>>
        tpu.enqueue_dma source(%dma_start3A_101 : memref<125x1x40xi32, #tpu.memory_space<hbm>>) target(%arg9 : memref<125x1x40xi32, #tpu.memory_space<vmem>>) target_semaphore(%run_scoped3A : memref<!tpu.dma_semaphore, #tpu.memory_space<semaphore_mem>>)
        %dma_wait3A_102 = arith.constant 0 : i32
        %dma_wait3A_103 = arith.constant 0 : i32
        %dma_wait3A_104 = tpu.memref_slice %arg4[%add3A_23, %dma_wait3A_102, %dma_wait3A_103] : memref<4000x1x40xi32, #tpu.memory_space<hbm>> -> memref<125x1x40xi32, #tpu.memory_space<hbm>>
        %dma_wait3A_105 = arith.constant 0 : i32
        %dma_wait3A_106 = arith.constant 0 : i32
        %dma_wait3A_107 = tpu.memref_slice %arg4[%add3A_23, %dma_wait3A_105, %dma_wait3A_106] : memref<4000x1x40xi32, #tpu.memory_space<hbm>> -> memref<125x1x40xi32, #tpu.memory_space<hbm>>
        tpu.wait_dma2 semaphore(%run_scoped3A : memref<!tpu.dma_semaphore, #tpu.memory_space<semaphore_mem>>) src(%dma_wait3A_107 : memref<125x1x40xi32, #tpu.memory_space<hbm>>) dst(%arg9 : memref<125x1x40xi32, #tpu.memory_space<vmem>>)
        tpu.yield
      }) : () -> ()
      %mul3A_24 = arith.constant 160000 : i32
      %mul3A_25 = arith.muli %add3A_10, %mul3A_24 : i32
      %add3A_26 = arith.addi %mul3A_25, %mul3A_2 : i32
      %mul3A_27 = arith.constant 125 : i32
      %mul3A_28 = arith.muli %scan3A_20, %mul3A_27 : i32
      %mul3A_29 = arith.constant 40 : i32
      %mul3A_30 = arith.muli %mul3A_28, %mul3A_29 : i32
      %add3A_31 = arith.addi %add3A_26, %mul3A_30 : i32
      "tpu.region"() ({
        %run_scoped3A = tpu.sem_alloc : memref<!tpu.dma_semaphore, #tpu.memory_space<semaphore_mem>>
        %dma_start3A_96 = tpu.memref_slice %arg3[%add3A_31] : memref<320000xi32, #tpu.memory_space<hbm>> -> memref<5000xi32, #tpu.memory_space<hbm>>
        %dma_start3A_97 = tpu.memref_slice %arg3[%add3A_31] : memref<320000xi32, #tpu.memory_space<hbm>> -> memref<5000xi32, #tpu.memory_space<hbm>>
        tpu.enqueue_dma source(%dma_start3A_97 : memref<5000xi32, #tpu.memory_space<hbm>>) target(%arg8 : memref<5000xi32, #tpu.memory_space<vmem>>) target_semaphore(%run_scoped3A : memref<!tpu.dma_semaphore, #tpu.memory_space<semaphore_mem>>)
        %dma_wait3A_98 = tpu.memref_slice %arg3[%add3A_31] : memref<320000xi32, #tpu.memory_space<hbm>> -> memref<5000xi32, #tpu.memory_space<hbm>>
        %dma_wait3A_99 = tpu.memref_slice %arg3[%add3A_31] : memref<320000xi32, #tpu.memory_space<hbm>> -> memref<5000xi32, #tpu.memory_space<hbm>>
        tpu.wait_dma2 semaphore(%run_scoped3A : memref<!tpu.dma_semaphore, #tpu.memory_space<semaphore_mem>>) src(%dma_wait3A_99 : memref<5000xi32, #tpu.memory_space<hbm>>) dst(%arg8 : memref<5000xi32, #tpu.memory_space<vmem>>)
        tpu.yield
      }) : () -> ()
      %dma_start3A = arith.constant 0 : i32
      %dma_start3A_32 = tpu.memref_slice %arg8[%dma_start3A] : memref<5000xi32, #tpu.memory_space<vmem>> -> memref<40xi32, #tpu.memory_space<vmem>>
      %dma_start3A_33 = arith.constant 0 : i32
      %dma_start3A_34 = arith.constant 0 : i32
      %dma_start3A_35 = tpu.memref_slice %arg2[%dma_start3A_33, %dma_start3A_34] : memref<20480x128xf32, #tpu.memory_space<hbm>> -> memref<20480x128xf32, #tpu.memory_space<hbm>>
      tpu.enqueue_indirect_dma source(%dma_start3A_35 : memref<20480x128xf32, #tpu.memory_space<hbm>>) target(%arg10 : memref<40x128xf32, #tpu.memory_space<vmem>>) offsets(%dma_start3A_32 : memref<40xi32, #tpu.memory_space<vmem>>) semaphore(%arg15 : memref<!tpu.dma_semaphore, #tpu.memory_space<semaphore_mem>>)
      %dma_start3A_36 = arith.constant 40 : i32
      %dma_start3A_37 = tpu.memref_slice %arg8[%dma_start3A_36] : memref<5000xi32, #tpu.memory_space<vmem>> -> memref<40xi32, #tpu.memory_space<vmem>>
      %dma_start3A_38 = arith.constant 0 : i32
      %dma_start3A_39 = arith.constant 0 : i32
      %dma_start3A_40 = tpu.memref_slice %arg2[%dma_start3A_38, %dma_start3A_39] : memref<20480x128xf32, #tpu.memory_space<hbm>> -> memref<20480x128xf32, #tpu.memory_space<hbm>>
      tpu.enqueue_indirect_dma source(%dma_start3A_40 : memref<20480x128xf32, #tpu.memory_space<hbm>>) target(%arg11 : memref<40x128xf32, #tpu.memory_space<vmem>>) offsets(%dma_start3A_37 : memref<40xi32, #tpu.memory_space<vmem>>) semaphore(%arg16 : memref<!tpu.dma_semaphore, #tpu.memory_space<semaphore_mem>>)
      %dma_start3A_41 = arith.constant 80 : i32
      %dma_start3A_42 = tpu.memref_slice %arg8[%dma_start3A_41] : memref<5000xi32, #tpu.memory_space<vmem>> -> memref<40xi32, #tpu.memory_space<vmem>>
      %dma_start3A_43 = arith.constant 0 : i32
      %dma_start3A_44 = arith.constant 0 : i32
      %dma_start3A_45 = tpu.memref_slice %arg2[%dma_start3A_43, %dma_start3A_44] : memref<20480x128xf32, #tpu.memory_space<hbm>> -> memref<20480x128xf32, #tpu.memory_space<hbm>>
      tpu.enqueue_indirect_dma source(%dma_start3A_45 : memref<20480x128xf32, #tpu.memory_space<hbm>>) target(%arg12 : memref<40x128xf32, #tpu.memory_space<vmem>>) offsets(%dma_start3A_42 : memref<40xi32, #tpu.memory_space<vmem>>) semaphore(%arg17 : memref<!tpu.dma_semaphore, #tpu.memory_space<semaphore_mem>>)
      %dma_start3A_46 = arith.constant 120 : i32
      %dma_start3A_47 = tpu.memref_slice %arg8[%dma_start3A_46] : memref<5000xi32, #tpu.memory_space<vmem>> -> memref<40xi32, #tpu.memory_space<vmem>>
      %dma_start3A_48 = arith.constant 0 : i32
      %dma_start3A_49 = arith.constant 0 : i32
      %dma_start3A_50 = tpu.memref_slice %arg2[%dma_start3A_48, %dma_start3A_49] : memref<20480x128xf32, #tpu.memory_space<hbm>> -> memref<20480x128xf32, #tpu.memory_space<hbm>>
      tpu.enqueue_indirect_dma source(%dma_start3A_50 : memref<20480x128xf32, #tpu.memory_space<hbm>>) target(%arg13 : memref<40x128xf32, #tpu.memory_space<vmem>>) offsets(%dma_start3A_47 : memref<40xi32, #tpu.memory_space<vmem>>) semaphore(%arg18 : memref<!tpu.dma_semaphore, #tpu.memory_space<semaphore_mem>>)
      %scan3A_51 = arith.constant 0 : i32
      %scan3A_52 = arith.constant 0 : i32
      %scan3A_53 = arith.constant 25 : i32
      %scan3A_54 = arith.addi %scan3A_52, %scan3A_53 : i32
      %scan3A_55 = arith.constant 1 : i32
      scf.for %scan3A_96 = %scan3A_52 to %scan3A_54 step %scan3A_55  : i32 {
        %mul3A_97 = arith.constant 5 : i32
        %mul3A_98 = arith.muli %scan3A_96, %mul3A_97 : i32
        %add3A_99 = arith.constant 0 : i32
        %add3A_100 = arith.addi %mul3A_98, %add3A_99 : i32
        %dma_wait3A_101 = arith.constant 0 : i32
        %dma_wait3A_102 = tpu.memref_slice %arg8[%dma_wait3A_101] : memref<5000xi32, #tpu.memory_space<vmem>> -> memref<40xi32, #tpu.memory_space<vmem>>
        %dma_wait3A_103 = arith.constant 0 : i32
        %dma_wait3A_104 = arith.constant 0 : i32
        %dma_wait3A_105 = tpu.memref_slice %arg2[%dma_wait3A_103, %dma_wait3A_104] : memref<20480x128xf32, #tpu.memory_space<hbm>> -> memref<20480x128xf32, #tpu.memory_space<hbm>>
        tpu.wait_indirect_dma semaphore(%arg15 : memref<!tpu.dma_semaphore, #tpu.memory_space<semaphore_mem>>) src(%dma_wait3A_105 : memref<20480x128xf32, #tpu.memory_space<hbm>>) dst(%arg10 : memref<40x128xf32, #tpu.memory_space<vmem>>)
        %dma_start3A_106 = arith.constant 0 : i32
        %dma_start3A_107 = arith.constant 0 : i32
        %dma_start3A_108 = tpu.memref_slice %arg9[%add3A_100, %dma_start3A_106, %dma_start3A_107] : memref<125x1x40xi32, #tpu.memory_space<vmem>> -> memref<1x1x40xi32, #tpu.memory_space<vmem>>
        %dma_start3A_109 = tpu.memref_squeeze %dma_start3A_108 : memref<1x1x40xi32, #tpu.memory_space<vmem>> -> memref<40xi32, #tpu.memory_space<vmem>>
        %dma_start3A_110 = arith.constant 0 : i32
        %dma_start3A_111 = arith.constant 0 : i32
        %dma_start3A_112 = tpu.memref_slice %arg25[%dma_start3A_110, %dma_start3A_111] : memref<10240x128xf32, #tpu.memory_space<vmem_shared>> -> memref<10240x128xf32, #tpu.memory_space<vmem_shared>>
        tpu.enqueue_indirect_dma source(%arg10 : memref<40x128xf32, #tpu.memory_space<vmem>>) target(%dma_start3A_112 : memref<10240x128xf32, #tpu.memory_space<vmem_shared>>) offsets(%dma_start3A_109 : memref<40xi32, #tpu.memory_space<vmem>>) semaphore(%arg20 : memref<!tpu.dma_semaphore, #tpu.memory_space<semaphore_mem>>) {add = true}
        %add3A_113 = arith.constant 4 : i32
        %add3A_114 = arith.addi %add3A_100, %add3A_113 : i32
        %lt3A = arith.constant 125 : i32
        %lt3A_115 = arith.cmpi slt, %add3A_114, %lt3A : i32
        %convert_element_type3A = arith.extui %lt3A_115 : i1 to i32
        %cond3A = arith.constant 0 : i32
        %cond3A_116 = arith.cmpi ne, %convert_element_type3A, %cond3A : i32
        scf.if %cond3A_116 {
          %ge3A = arith.constant 1 : i32
          %ge3A_209 = arith.cmpi sge, %add3A_100, %ge3A : i32
          %convert_element_type3A_210 = arith.extui %ge3A_209 : i1 to i32
          %cond3A_211 = arith.constant 0 : i32
          %cond3A_212 = arith.cmpi ne, %convert_element_type3A_210, %cond3A_211 : i32
          scf.if %cond3A_212 {
            %dma_wait3A_221 = arith.constant 0 : i32
            %dma_wait3A_222 = arith.constant 0 : i32
            %dma_wait3A_223 = arith.constant 0 : i32
            %dma_wait3A_224 = tpu.memref_slice %arg9[%dma_wait3A_221, %dma_wait3A_222, %dma_wait3A_223] : memref<125x1x40xi32, #tpu.memory_space<vmem>> -> memref<1x1x40xi32, #tpu.memory_space<vmem>>
            %dma_wait3A_225 = tpu.memref_squeeze %dma_wait3A_224 : memref<1x1x40xi32, #tpu.memory_space<vmem>> -> memref<40xi32, #tpu.memory_space<vmem>>
            %dma_wait3A_226 = arith.constant 0 : i32
            %dma_wait3A_227 = arith.constant 0 : i32
            %dma_wait3A_228 = tpu.memref_slice %arg25[%dma_wait3A_226, %dma_wait3A_227] : memref<10240x128xf32, #tpu.memory_space<vmem_shared>> -> memref<10240x128xf32, #tpu.memory_space<vmem_shared>>
            tpu.wait_indirect_dma semaphore(%arg24 : memref<!tpu.dma_semaphore, #tpu.memory_space<semaphore_mem>>) src(%arg14 : memref<40x128xf32, #tpu.memory_space<vmem>>) dst(%dma_wait3A_228 : memref<10240x128xf32, #tpu.memory_space<vmem_shared>>)
          } else {
          }
          %add3A_213 = arith.constant 4 : i32
          %add3A_214 = arith.addi %add3A_100, %add3A_213 : i32
          %mul3A_215 = arith.constant 40 : i32
          %mul3A_216 = arith.muli %add3A_214, %mul3A_215 : i32
          %dma_start3A_217 = tpu.memref_slice %arg8[%mul3A_216] : memref<5000xi32, #tpu.memory_space<vmem>> -> memref<40xi32, #tpu.memory_space<vmem>>
          %dma_start3A_218 = arith.constant 0 : i32
          %dma_start3A_219 = arith.constant 0 : i32
          %dma_start3A_220 = tpu.memref_slice %arg2[%dma_start3A_218, %dma_start3A_219] : memref<20480x128xf32, #tpu.memory_space<hbm>> -> memref<20480x128xf32, #tpu.memory_space<hbm>>
          tpu.enqueue_indirect_dma source(%dma_start3A_220 : memref<20480x128xf32, #tpu.memory_space<hbm>>) target(%arg14 : memref<40x128xf32, #tpu.memory_space<vmem>>) offsets(%dma_start3A_217 : memref<40xi32, #tpu.memory_space<vmem>>) semaphore(%arg19 : memref<!tpu.dma_semaphore, #tpu.memory_space<semaphore_mem>>)
        } else {
        }
        %mul3A_117 = arith.constant 5 : i32
        %mul3A_118 = arith.muli %scan3A_96, %mul3A_117 : i32
        %add3A_119 = arith.constant 1 : i32
        %add3A_120 = arith.addi %mul3A_118, %add3A_119 : i32
        %dma_wait3A_121 = arith.constant 0 : i32
        %dma_wait3A_122 = tpu.memref_slice %arg8[%dma_wait3A_121] : memref<5000xi32, #tpu.memory_space<vmem>> -> memref<40xi32, #tpu.memory_space<vmem>>
        %dma_wait3A_123 = arith.constant 0 : i32
        %dma_wait3A_124 = arith.constant 0 : i32
        %dma_wait3A_125 = tpu.memref_slice %arg2[%dma_wait3A_123, %dma_wait3A_124] : memref<20480x128xf32, #tpu.memory_space<hbm>> -> memref<20480x128xf32, #tpu.memory_space<hbm>>
        tpu.wait_indirect_dma semaphore(%arg16 : memref<!tpu.dma_semaphore, #tpu.memory_space<semaphore_mem>>) src(%dma_wait3A_125 : memref<20480x128xf32, #tpu.memory_space<hbm>>) dst(%arg11 : memref<40x128xf32, #tpu.memory_space<vmem>>)
        %dma_start3A_126 = arith.constant 0 : i32
        %dma_start3A_127 = arith.constant 0 : i32
        %dma_start3A_128 = tpu.memref_slice %arg9[%add3A_120, %dma_start3A_126, %dma_start3A_127] : memref<125x1x40xi32, #tpu.memory_space<vmem>> -> memref<1x1x40xi32, #tpu.memory_space<vmem>>
        %dma_start3A_129 = tpu.memref_squeeze %dma_start3A_128 : memref<1x1x40xi32, #tpu.memory_space<vmem>> -> memref<40xi32, #tpu.memory_space<vmem>>
        %dma_start3A_130 = arith.constant 0 : i32
        %dma_start3A_131 = arith.constant 0 : i32
        %dma_start3A_132 = tpu.memref_slice %arg25[%dma_start3A_130, %dma_start3A_131] : memref<10240x128xf32, #tpu.memory_space<vmem_shared>> -> memref<10240x128xf32, #tpu.memory_space<vmem_shared>>
        tpu.enqueue_indirect_dma source(%arg11 : memref<40x128xf32, #tpu.memory_space<vmem>>) target(%dma_start3A_132 : memref<10240x128xf32, #tpu.memory_space<vmem_shared>>) offsets(%dma_start3A_129 : memref<40xi32, #tpu.memory_space<vmem>>) semaphore(%arg21 : memref<!tpu.dma_semaphore, #tpu.memory_space<semaphore_mem>>) {add = true}
        %add3A_133 = arith.constant 4 : i32
        %add3A_134 = arith.addi %add3A_120, %add3A_133 : i32
        %lt3A_135 = arith.constant 125 : i32
        %lt3A_136 = arith.cmpi slt, %add3A_134, %lt3A_135 : i32
        %convert_element_type3A_137 = arith.extui %lt3A_136 : i1 to i32
        %cond3A_138 = arith.constant 0 : i32
        %cond3A_139 = arith.cmpi ne, %convert_element_type3A_137, %cond3A_138 : i32
        scf.if %cond3A_139 {
          %ge3A = arith.constant 1 : i32
          %ge3A_209 = arith.cmpi sge, %add3A_120, %ge3A : i32
          %convert_element_type3A_210 = arith.extui %ge3A_209 : i1 to i32
          %cond3A_211 = arith.constant 0 : i32
          %cond3A_212 = arith.cmpi ne, %convert_element_type3A_210, %cond3A_211 : i32
          scf.if %cond3A_212 {
            %dma_wait3A_221 = arith.constant 0 : i32
            %dma_wait3A_222 = arith.constant 0 : i32
            %dma_wait3A_223 = arith.constant 0 : i32
            %dma_wait3A_224 = tpu.memref_slice %arg9[%dma_wait3A_221, %dma_wait3A_222, %dma_wait3A_223] : memref<125x1x40xi32, #tpu.memory_space<vmem>> -> memref<1x1x40xi32, #tpu.memory_space<vmem>>
            %dma_wait3A_225 = tpu.memref_squeeze %dma_wait3A_224 : memref<1x1x40xi32, #tpu.memory_space<vmem>> -> memref<40xi32, #tpu.memory_space<vmem>>
            %dma_wait3A_226 = arith.constant 0 : i32
            %dma_wait3A_227 = arith.constant 0 : i32
            %dma_wait3A_228 = tpu.memref_slice %arg25[%dma_wait3A_226, %dma_wait3A_227] : memref<10240x128xf32, #tpu.memory_space<vmem_shared>> -> memref<10240x128xf32, #tpu.memory_space<vmem_shared>>
            tpu.wait_indirect_dma semaphore(%arg20 : memref<!tpu.dma_semaphore, #tpu.memory_space<semaphore_mem>>) src(%arg10 : memref<40x128xf32, #tpu.memory_space<vmem>>) dst(%dma_wait3A_228 : memref<10240x128xf32, #tpu.memory_space<vmem_shared>>)
          } else {
          }
          %add3A_213 = arith.constant 4 : i32
          %add3A_214 = arith.addi %add3A_120, %add3A_213 : i32
          %mul3A_215 = arith.constant 40 : i32
          %mul3A_216 = arith.muli %add3A_214, %mul3A_215 : i32
          %dma_start3A_217 = tpu.memref_slice %arg8[%mul3A_216] : memref<5000xi32, #tpu.memory_space<vmem>> -> memref<40xi32, #tpu.memory_space<vmem>>
          %dma_start3A_218 = arith.constant 0 : i32
          %dma_start3A_219 = arith.constant 0 : i32
          %dma_start3A_220 = tpu.memref_slice %arg2[%dma_start3A_218, %dma_start3A_219] : memref<20480x128xf32, #tpu.memory_space<hbm>> -> memref<20480x128xf32, #tpu.memory_space<hbm>>
          tpu.enqueue_indirect_dma source(%dma_start3A_220 : memref<20480x128xf32, #tpu.memory_space<hbm>>) target(%arg10 : memref<40x128xf32, #tpu.memory_space<vmem>>) offsets(%dma_start3A_217 : memref<40xi32, #tpu.memory_space<vmem>>) semaphore(%arg15 : memref<!tpu.dma_semaphore, #tpu.memory_space<semaphore_mem>>)
        } else {
        }
        %mul3A_140 = arith.constant 5 : i32
        %mul3A_141 = arith.muli %scan3A_96, %mul3A_140 : i32
        %add3A_142 = arith.constant 2 : i32
        %add3A_143 = arith.addi %mul3A_141, %add3A_142 : i32
        %dma_wait3A_144 = arith.constant 0 : i32
        %dma_wait3A_145 = tpu.memref_slice %arg8[%dma_wait3A_144] : memref<5000xi32, #tpu.memory_space<vmem>> -> memref<40xi32, #tpu.memory_space<vmem>>
        %dma_wait3A_146 = arith.constant 0 : i32
        %dma_wait3A_147 = arith.constant 0 : i32
        %dma_wait3A_148 = tpu.memref_slice %arg2[%dma_wait3A_146, %dma_wait3A_147] : memref<20480x128xf32, #tpu.memory_space<hbm>> -> memref<20480x128xf32, #tpu.memory_space<hbm>>
        tpu.wait_indirect_dma semaphore(%arg17 : memref<!tpu.dma_semaphore, #tpu.memory_space<semaphore_mem>>) src(%dma_wait3A_148 : memref<20480x128xf32, #tpu.memory_space<hbm>>) dst(%arg12 : memref<40x128xf32, #tpu.memory_space<vmem>>)
        %dma_start3A_149 = arith.constant 0 : i32
        %dma_start3A_150 = arith.constant 0 : i32
        %dma_start3A_151 = tpu.memref_slice %arg9[%add3A_143, %dma_start3A_149, %dma_start3A_150] : memref<125x1x40xi32, #tpu.memory_space<vmem>> -> memref<1x1x40xi32, #tpu.memory_space<vmem>>
        %dma_start3A_152 = tpu.memref_squeeze %dma_start3A_151 : memref<1x1x40xi32, #tpu.memory_space<vmem>> -> memref<40xi32, #tpu.memory_space<vmem>>
        %dma_start3A_153 = arith.constant 0 : i32
        %dma_start3A_154 = arith.constant 0 : i32
        %dma_start3A_155 = tpu.memref_slice %arg25[%dma_start3A_153, %dma_start3A_154] : memref<10240x128xf32, #tpu.memory_space<vmem_shared>> -> memref<10240x128xf32, #tpu.memory_space<vmem_shared>>
        tpu.enqueue_indirect_dma source(%arg12 : memref<40x128xf32, #tpu.memory_space<vmem>>) target(%dma_start3A_155 : memref<10240x128xf32, #tpu.memory_space<vmem_shared>>) offsets(%dma_start3A_152 : memref<40xi32, #tpu.memory_space<vmem>>) semaphore(%arg22 : memref<!tpu.dma_semaphore, #tpu.memory_space<semaphore_mem>>) {add = true}
        %add3A_156 = arith.constant 4 : i32
        %add3A_157 = arith.addi %add3A_143, %add3A_156 : i32
        %lt3A_158 = arith.constant 125 : i32
        %lt3A_159 = arith.cmpi slt, %add3A_157, %lt3A_158 : i32
        %convert_element_type3A_160 = arith.extui %lt3A_159 : i1 to i32
        %cond3A_161 = arith.constant 0 : i32
        %cond3A_162 = arith.cmpi ne, %convert_element_type3A_160, %cond3A_161 : i32
        scf.if %cond3A_162 {
          %ge3A = arith.constant 1 : i32
          %ge3A_209 = arith.cmpi sge, %add3A_143, %ge3A : i32
          %convert_element_type3A_210 = arith.extui %ge3A_209 : i1 to i32
          %cond3A_211 = arith.constant 0 : i32
          %cond3A_212 = arith.cmpi ne, %convert_element_type3A_210, %cond3A_211 : i32
          scf.if %cond3A_212 {
            %dma_wait3A_221 = arith.constant 0 : i32
            %dma_wait3A_222 = arith.constant 0 : i32
            %dma_wait3A_223 = arith.constant 0 : i32
            %dma_wait3A_224 = tpu.memref_slice %arg9[%dma_wait3A_221, %dma_wait3A_222, %dma_wait3A_223] : memref<125x1x40xi32, #tpu.memory_space<vmem>> -> memref<1x1x40xi32, #tpu.memory_space<vmem>>
            %dma_wait3A_225 = tpu.memref_squeeze %dma_wait3A_224 : memref<1x1x40xi32, #tpu.memory_space<vmem>> -> memref<40xi32, #tpu.memory_space<vmem>>
            %dma_wait3A_226 = arith.constant 0 : i32
            %dma_wait3A_227 = arith.constant 0 : i32
            %dma_wait3A_228 = tpu.memref_slice %arg25[%dma_wait3A_226, %dma_wait3A_227] : memref<10240x128xf32, #tpu.memory_space<vmem_shared>> -> memref<10240x128xf32, #tpu.memory_space<vmem_shared>>
            tpu.wait_indirect_dma semaphore(%arg21 : memref<!tpu.dma_semaphore, #tpu.memory_space<semaphore_mem>>) src(%arg11 : memref<40x128xf32, #tpu.memory_space<vmem>>) dst(%dma_wait3A_228 : memref<10240x128xf32, #tpu.memory_space<vmem_shared>>)
          } else {
          }
          %add3A_213 = arith.constant 4 : i32
          %add3A_214 = arith.addi %add3A_143, %add3A_213 : i32
          %mul3A_215 = arith.constant 40 : i32
          %mul3A_216 = arith.muli %add3A_214, %mul3A_215 : i32
          %dma_start3A_217 = tpu.memref_slice %arg8[%mul3A_216] : memref<5000xi32, #tpu.memory_space<vmem>> -> memref<40xi32, #tpu.memory_space<vmem>>
          %dma_start3A_218 = arith.constant 0 : i32
          %dma_start3A_219 = arith.constant 0 : i32
          %dma_start3A_220 = tpu.memref_slice %arg2[%dma_start3A_218, %dma_start3A_219] : memref<20480x128xf32, #tpu.memory_space<hbm>> -> memref<20480x128xf32, #tpu.memory_space<hbm>>
          tpu.enqueue_indirect_dma source(%dma_start3A_220 : memref<20480x128xf32, #tpu.memory_space<hbm>>) target(%arg11 : memref<40x128xf32, #tpu.memory_space<vmem>>) offsets(%dma_start3A_217 : memref<40xi32, #tpu.memory_space<vmem>>) semaphore(%arg16 : memref<!tpu.dma_semaphore, #tpu.memory_space<semaphore_mem>>)
        } else {
        }
        %mul3A_163 = arith.constant 5 : i32
        %mul3A_164 = arith.muli %scan3A_96, %mul3A_163 : i32
        %add3A_165 = arith.constant 3 : i32
        %add3A_166 = arith.addi %mul3A_164, %add3A_165 : i32
        %dma_wait3A_167 = arith.constant 0 : i32
        %dma_wait3A_168 = tpu.memref_slice %arg8[%dma_wait3A_167] : memref<5000xi32, #tpu.memory_space<vmem>> -> memref<40xi32, #tpu.memory_space<vmem>>
        %dma_wait3A_169 = arith.constant 0 : i32
        %dma_wait3A_170 = arith.constant 0 : i32
        %dma_wait3A_171 = tpu.memref_slice %arg2[%dma_wait3A_169, %dma_wait3A_170] : memref<20480x128xf32, #tpu.memory_space<hbm>> -> memref<20480x128xf32, #tpu.memory_space<hbm>>
        tpu.wait_indirect_dma semaphore(%arg18 : memref<!tpu.dma_semaphore, #tpu.memory_space<semaphore_mem>>) src(%dma_wait3A_171 : memref<20480x128xf32, #tpu.memory_space<hbm>>) dst(%arg13 : memref<40x128xf32, #tpu.memory_space<vmem>>)
        %dma_start3A_172 = arith.constant 0 : i32
        %dma_start3A_173 = arith.constant 0 : i32
        %dma_start3A_174 = tpu.memref_slice %arg9[%add3A_166, %dma_start3A_172, %dma_start3A_173] : memref<125x1x40xi32, #tpu.memory_space<vmem>> -> memref<1x1x40xi32, #tpu.memory_space<vmem>>
        %dma_start3A_175 = tpu.memref_squeeze %dma_start3A_174 : memref<1x1x40xi32, #tpu.memory_space<vmem>> -> memref<40xi32, #tpu.memory_space<vmem>>
        %dma_start3A_176 = arith.constant 0 : i32
        %dma_start3A_177 = arith.constant 0 : i32
        %dma_start3A_178 = tpu.memref_slice %arg25[%dma_start3A_176, %dma_start3A_177] : memref<10240x128xf32, #tpu.memory_space<vmem_shared>> -> memref<10240x128xf32, #tpu.memory_space<vmem_shared>>
        tpu.enqueue_indirect_dma source(%arg13 : memref<40x128xf32, #tpu.memory_space<vmem>>) target(%dma_start3A_178 : memref<10240x128xf32, #tpu.memory_space<vmem_shared>>) offsets(%dma_start3A_175 : memref<40xi32, #tpu.memory_space<vmem>>) semaphore(%arg23 : memref<!tpu.dma_semaphore, #tpu.memory_space<semaphore_mem>>) {add = true}
        %add3A_179 = arith.constant 4 : i32
        %add3A_180 = arith.addi %add3A_166, %add3A_179 : i32
        %lt3A_181 = arith.constant 125 : i32
        %lt3A_182 = arith.cmpi slt, %add3A_180, %lt3A_181 : i32
        %convert_element_type3A_183 = arith.extui %lt3A_182 : i1 to i32
        %cond3A_184 = arith.constant 0 : i32
        %cond3A_185 = arith.cmpi ne, %convert_element_type3A_183, %cond3A_184 : i32
        scf.if %cond3A_185 {
          %ge3A = arith.constant 1 : i32
          %ge3A_209 = arith.cmpi sge, %add3A_166, %ge3A : i32
          %convert_element_type3A_210 = arith.extui %ge3A_209 : i1 to i32
          %cond3A_211 = arith.constant 0 : i32
          %cond3A_212 = arith.cmpi ne, %convert_element_type3A_210, %cond3A_211 : i32
          scf.if %cond3A_212 {
            %dma_wait3A_221 = arith.constant 0 : i32
            %dma_wait3A_222 = arith.constant 0 : i32
            %dma_wait3A_223 = arith.constant 0 : i32
            %dma_wait3A_224 = tpu.memref_slice %arg9[%dma_wait3A_221, %dma_wait3A_222, %dma_wait3A_223] : memref<125x1x40xi32, #tpu.memory_space<vmem>> -> memref<1x1x40xi32, #tpu.memory_space<vmem>>
            %dma_wait3A_225 = tpu.memref_squeeze %dma_wait3A_224 : memref<1x1x40xi32, #tpu.memory_space<vmem>> -> memref<40xi32, #tpu.memory_space<vmem>>
            %dma_wait3A_226 = arith.constant 0 : i32
            %dma_wait3A_227 = arith.constant 0 : i32
            %dma_wait3A_228 = tpu.memref_slice %arg25[%dma_wait3A_226, %dma_wait3A_227] : memref<10240x128xf32, #tpu.memory_space<vmem_shared>> -> memref<10240x128xf32, #tpu.memory_space<vmem_shared>>
            tpu.wait_indirect_dma semaphore(%arg22 : memref<!tpu.dma_semaphore, #tpu.memory_space<semaphore_mem>>) src(%arg12 : memref<40x128xf32, #tpu.memory_space<vmem>>) dst(%dma_wait3A_228 : memref<10240x128xf32, #tpu.memory_space<vmem_shared>>)
          } else {
          }
          %add3A_213 = arith.constant 4 : i32
          %add3A_214 = arith.addi %add3A_166, %add3A_213 : i32
          %mul3A_215 = arith.constant 40 : i32
          %mul3A_216 = arith.muli %add3A_214, %mul3A_215 : i32
          %dma_start3A_217 = tpu.memref_slice %arg8[%mul3A_216] : memref<5000xi32, #tpu.memory_space<vmem>> -> memref<40xi32, #tpu.memory_space<vmem>>
          %dma_start3A_218 = arith.constant 0 : i32
          %dma_start3A_219 = arith.constant 0 : i32
          %dma_start3A_220 = tpu.memref_slice %arg2[%dma_start3A_218, %dma_start3A_219] : memref<20480x128xf32, #tpu.memory_space<hbm>> -> memref<20480x128xf32, #tpu.memory_space<hbm>>
          tpu.enqueue_indirect_dma source(%dma_start3A_220 : memref<20480x128xf32, #tpu.memory_space<hbm>>) target(%arg12 : memref<40x128xf32, #tpu.memory_space<vmem>>) offsets(%dma_start3A_217 : memref<40xi32, #tpu.memory_space<vmem>>) semaphore(%arg17 : memref<!tpu.dma_semaphore, #tpu.memory_space<semaphore_mem>>)
        } else {
        }
        %mul3A_186 = arith.constant 5 : i32
        %mul3A_187 = arith.muli %scan3A_96, %mul3A_186 : i32
        %add3A_188 = arith.constant 4 : i32
        %add3A_189 = arith.addi %mul3A_187, %add3A_188 : i32
        %dma_wait3A_190 = arith.constant 0 : i32
        %dma_wait3A_191 = tpu.memref_slice %arg8[%dma_wait3A_190] : memref<5000xi32, #tpu.memory_space<vmem>> -> memref<40xi32, #tpu.memory_space<vmem>>
        %dma_wait3A_192 = arith.constant 0 : i32
        %dma_wait3A_193 = arith.constant 0 : i32
        %dma_wait3A_194 = tpu.memref_slice %arg2[%dma_wait3A_192, %dma_wait3A_193] : memref<20480x128xf32, #tpu.memory_space<hbm>> -> memref<20480x128xf32, #tpu.memory_space<hbm>>
        tpu.wait_indirect_dma semaphore(%arg19 : memref<!tpu.dma_semaphore, #tpu.memory_space<semaphore_mem>>) src(%dma_wait3A_194 : memref<20480x128xf32, #tpu.memory_space<hbm>>) dst(%arg14 : memref<40x128xf32, #tpu.memory_space<vmem>>)
        %dma_start3A_195 = arith.constant 0 : i32
        %dma_start3A_196 = arith.constant 0 : i32
        %dma_start3A_197 = tpu.memref_slice %arg9[%add3A_189, %dma_start3A_195, %dma_start3A_196] : memref<125x1x40xi32, #tpu.memory_space<vmem>> -> memref<1x1x40xi32, #tpu.memory_space<vmem>>
        %dma_start3A_198 = tpu.memref_squeeze %dma_start3A_197 : memref<1x1x40xi32, #tpu.memory_space<vmem>> -> memref<40xi32, #tpu.memory_space<vmem>>
        %dma_start3A_199 = arith.constant 0 : i32
        %dma_start3A_200 = arith.constant 0 : i32
        %dma_start3A_201 = tpu.memref_slice %arg25[%dma_start3A_199, %dma_start3A_200] : memref<10240x128xf32, #tpu.memory_space<vmem_shared>> -> memref<10240x128xf32, #tpu.memory_space<vmem_shared>>
        tpu.enqueue_indirect_dma source(%arg14 : memref<40x128xf32, #tpu.memory_space<vmem>>) target(%dma_start3A_201 : memref<10240x128xf32, #tpu.memory_space<vmem_shared>>) offsets(%dma_start3A_198 : memref<40xi32, #tpu.memory_space<vmem>>) semaphore(%arg24 : memref<!tpu.dma_semaphore, #tpu.memory_space<semaphore_mem>>) {add = true}
        %add3A_202 = arith.constant 4 : i32
        %add3A_203 = arith.addi %add3A_189, %add3A_202 : i32
        %lt3A_204 = arith.constant 125 : i32
        %lt3A_205 = arith.cmpi slt, %add3A_203, %lt3A_204 : i32
        %convert_element_type3A_206 = arith.extui %lt3A_205 : i1 to i32
        %cond3A_207 = arith.constant 0 : i32
        %cond3A_208 = arith.cmpi ne, %convert_element_type3A_206, %cond3A_207 : i32
        scf.if %cond3A_208 {
          %ge3A = arith.constant 1 : i32
          %ge3A_209 = arith.cmpi sge, %add3A_189, %ge3A : i32
          %convert_element_type3A_210 = arith.extui %ge3A_209 : i1 to i32
          %cond3A_211 = arith.constant 0 : i32
          %cond3A_212 = arith.cmpi ne, %convert_element_type3A_210, %cond3A_211 : i32
          scf.if %cond3A_212 {
            %dma_wait3A_221 = arith.constant 0 : i32
            %dma_wait3A_222 = arith.constant 0 : i32
            %dma_wait3A_223 = arith.constant 0 : i32
            %dma_wait3A_224 = tpu.memref_slice %arg9[%dma_wait3A_221, %dma_wait3A_222, %dma_wait3A_223] : memref<125x1x40xi32, #tpu.memory_space<vmem>> -> memref<1x1x40xi32, #tpu.memory_space<vmem>>
            %dma_wait3A_225 = tpu.memref_squeeze %dma_wait3A_224 : memref<1x1x40xi32, #tpu.memory_space<vmem>> -> memref<40xi32, #tpu.memory_space<vmem>>
            %dma_wait3A_226 = arith.constant 0 : i32
            %dma_wait3A_227 = arith.constant 0 : i32
            %dma_wait3A_228 = tpu.memref_slice %arg25[%dma_wait3A_226, %dma_wait3A_227] : memref<10240x128xf32, #tpu.memory_space<vmem_shared>> -> memref<10240x128xf32, #tpu.memory_space<vmem_shared>>
            tpu.wait_indirect_dma semaphore(%arg23 : memref<!tpu.dma_semaphore, #tpu.memory_space<semaphore_mem>>) src(%arg13 : memref<40x128xf32, #tpu.memory_space<vmem>>) dst(%dma_wait3A_228 : memref<10240x128xf32, #tpu.memory_space<vmem_shared>>)
          } else {
          }
          %add3A_213 = arith.constant 4 : i32
          %add3A_214 = arith.addi %add3A_189, %add3A_213 : i32
          %mul3A_215 = arith.constant 40 : i32
          %mul3A_216 = arith.muli %add3A_214, %mul3A_215 : i32
          %dma_start3A_217 = tpu.memref_slice %arg8[%mul3A_216] : memref<5000xi32, #tpu.memory_space<vmem>> -> memref<40xi32, #tpu.memory_space<vmem>>
          %dma_start3A_218 = arith.constant 0 : i32
          %dma_start3A_219 = arith.constant 0 : i32
          %dma_start3A_220 = tpu.memref_slice %arg2[%dma_start3A_218, %dma_start3A_219] : memref<20480x128xf32, #tpu.memory_space<hbm>> -> memref<20480x128xf32, #tpu.memory_space<hbm>>
          tpu.enqueue_indirect_dma source(%dma_start3A_220 : memref<20480x128xf32, #tpu.memory_space<hbm>>) target(%arg13 : memref<40x128xf32, #tpu.memory_space<vmem>>) offsets(%dma_start3A_217 : memref<40xi32, #tpu.memory_space<vmem>>) semaphore(%arg18 : memref<!tpu.dma_semaphore, #tpu.memory_space<semaphore_mem>>)
        } else {
        }
      }
      %scan3A_56 = arith.constant 25 : i32
      %dma_wait3A = arith.constant 0 : i32
      %dma_wait3A_57 = arith.constant 0 : i32
      %dma_wait3A_58 = arith.constant 0 : i32
      %dma_wait3A_59 = tpu.memref_slice %arg9[%dma_wait3A, %dma_wait3A_57, %dma_wait3A_58] : memref<125x1x40xi32, #tpu.memory_space<vmem>> -> memref<1x1x40xi32, #tpu.memory_space<vmem>>
      %dma_wait3A_60 = tpu.memref_squeeze %dma_wait3A_59 : memref<1x1x40xi32, #tpu.memory_space<vmem>> -> memref<40xi32, #tpu.memory_space<vmem>>
      %dma_wait3A_61 = arith.constant 0 : i32
      %dma_wait3A_62 = arith.constant 0 : i32
      %dma_wait3A_63 = tpu.memref_slice %arg25[%dma_wait3A_61, %dma_wait3A_62] : memref<10240x128xf32, #tpu.memory_space<vmem_shared>> -> memref<10240x128xf32, #tpu.memory_space<vmem_shared>>
      tpu.wait_indirect_dma semaphore(%arg20 : memref<!tpu.dma_semaphore, #tpu.memory_space<semaphore_mem>>) src(%arg10 : memref<40x128xf32, #tpu.memory_space<vmem>>) dst(%dma_wait3A_63 : memref<10240x128xf32, #tpu.memory_space<vmem_shared>>)
      %dma_wait3A_64 = arith.constant 0 : i32
      %dma_wait3A_65 = arith.constant 0 : i32
      %dma_wait3A_66 = arith.constant 0 : i32
      %dma_wait3A_67 = tpu.memref_slice %arg9[%dma_wait3A_64, %dma_wait3A_65, %dma_wait3A_66] : memref<125x1x40xi32, #tpu.memory_space<vmem>> -> memref<1x1x40xi32, #tpu.memory_space<vmem>>
      %dma_wait3A_68 = tpu.memref_squeeze %dma_wait3A_67 : memref<1x1x40xi32, #tpu.memory_space<vmem>> -> memref<40xi32, #tpu.memory_space<vmem>>
      %dma_wait3A_69 = arith.constant 0 : i32
      %dma_wait3A_70 = arith.constant 0 : i32
      %dma_wait3A_71 = tpu.memref_slice %arg25[%dma_wait3A_69, %dma_wait3A_70] : memref<10240x128xf32, #tpu.memory_space<vmem_shared>> -> memref<10240x128xf32, #tpu.memory_space<vmem_shared>>
      tpu.wait_indirect_dma semaphore(%arg21 : memref<!tpu.dma_semaphore, #tpu.memory_space<semaphore_mem>>) src(%arg11 : memref<40x128xf32, #tpu.memory_space<vmem>>) dst(%dma_wait3A_71 : memref<10240x128xf32, #tpu.memory_space<vmem_shared>>)
      %dma_wait3A_72 = arith.constant 0 : i32
      %dma_wait3A_73 = arith.constant 0 : i32
      %dma_wait3A_74 = arith.constant 0 : i32
      %dma_wait3A_75 = tpu.memref_slice %arg9[%dma_wait3A_72, %dma_wait3A_73, %dma_wait3A_74] : memref<125x1x40xi32, #tpu.memory_space<vmem>> -> memref<1x1x40xi32, #tpu.memory_space<vmem>>
      %dma_wait3A_76 = tpu.memref_squeeze %dma_wait3A_75 : memref<1x1x40xi32, #tpu.memory_space<vmem>> -> memref<40xi32, #tpu.memory_space<vmem>>
      %dma_wait3A_77 = arith.constant 0 : i32
      %dma_wait3A_78 = arith.constant 0 : i32
      %dma_wait3A_79 = tpu.memref_slice %arg25[%dma_wait3A_77, %dma_wait3A_78] : memref<10240x128xf32, #tpu.memory_space<vmem_shared>> -> memref<10240x128xf32, #tpu.memory_space<vmem_shared>>
      tpu.wait_indirect_dma semaphore(%arg22 : memref<!tpu.dma_semaphore, #tpu.memory_space<semaphore_mem>>) src(%arg12 : memref<40x128xf32, #tpu.memory_space<vmem>>) dst(%dma_wait3A_79 : memref<10240x128xf32, #tpu.memory_space<vmem_shared>>)
      %dma_wait3A_80 = arith.constant 0 : i32
      %dma_wait3A_81 = arith.constant 0 : i32
      %dma_wait3A_82 = arith.constant 0 : i32
      %dma_wait3A_83 = tpu.memref_slice %arg9[%dma_wait3A_80, %dma_wait3A_81, %dma_wait3A_82] : memref<125x1x40xi32, #tpu.memory_space<vmem>> -> memref<1x1x40xi32, #tpu.memory_space<vmem>>
      %dma_wait3A_84 = tpu.memref_squeeze %dma_wait3A_83 : memref<1x1x40xi32, #tpu.memory_space<vmem>> -> memref<40xi32, #tpu.memory_space<vmem>>
      %dma_wait3A_85 = arith.constant 0 : i32
      %dma_wait3A_86 = arith.constant 0 : i32
      %dma_wait3A_87 = tpu.memref_slice %arg25[%dma_wait3A_85, %dma_wait3A_86] : memref<10240x128xf32, #tpu.memory_space<vmem_shared>> -> memref<10240x128xf32, #tpu.memory_space<vmem_shared>>
      tpu.wait_indirect_dma semaphore(%arg23 : memref<!tpu.dma_semaphore, #tpu.memory_space<semaphore_mem>>) src(%arg13 : memref<40x128xf32, #tpu.memory_space<vmem>>) dst(%dma_wait3A_87 : memref<10240x128xf32, #tpu.memory_space<vmem_shared>>)
      %dma_wait3A_88 = arith.constant 0 : i32
      %dma_wait3A_89 = arith.constant 0 : i32
      %dma_wait3A_90 = arith.constant 0 : i32
      %dma_wait3A_91 = tpu.memref_slice %arg9[%dma_wait3A_88, %dma_wait3A_89, %dma_wait3A_90] : memref<125x1x40xi32, #tpu.memory_space<vmem>> -> memref<1x1x40xi32, #tpu.memory_space<vmem>>
      %dma_wait3A_92 = tpu.memref_squeeze %dma_wait3A_91 : memref<1x1x40xi32, #tpu.memory_space<vmem>> -> memref<40xi32, #tpu.memory_space<vmem>>
      %dma_wait3A_93 = arith.constant 0 : i32
      %dma_wait3A_94 = arith.constant 0 : i32
      %dma_wait3A_95 = tpu.memref_slice %arg25[%dma_wait3A_93, %dma_wait3A_94] : memref<10240x128xf32, #tpu.memory_space<vmem_shared>> -> memref<10240x128xf32, #tpu.memory_space<vmem_shared>>
      tpu.wait_indirect_dma semaphore(%arg24 : memref<!tpu.dma_semaphore, #tpu.memory_space<semaphore_mem>>) src(%arg14 : memref<40x128xf32, #tpu.memory_space<vmem>>) dst(%dma_wait3A_95 : memref<10240x128xf32, #tpu.memory_space<vmem_shared>>)
    }
    %scan3A_15 = arith.constant 2 : i32
    %barrier3A_16 = arith.constant 0 : index
    tpu.barrier barrier_id(%barrier3A_16)
    %mul3A_17 = arith.constant 10240 : i32
    %mul3A_18 = arith.muli %add3A_10, %mul3A_17 : i32
    %add3A_19 = arith.addi %mul3A_18, %mul3A_6 : i32
    "tpu.region"() ({
      %run_scoped3A = tpu.sem_alloc : memref<!tpu.dma_semaphore, #tpu.memory_space<semaphore_mem>>
      %dma_start3A = arith.constant 0 : i32
      %dma_start3A_20 = tpu.memref_slice %arg7[%add3A_19, %dma_start3A] : memref<20480x128xf32, #tpu.memory_space<hbm>> -> memref<640x128xf32, #tpu.memory_space<hbm>>
      %dma_start3A_21 = arith.constant 0 : i32
      %dma_start3A_22 = tpu.memref_slice %arg25[%mul3A_6, %dma_start3A_21] : memref<10240x128xf32, #tpu.memory_space<vmem_shared>> -> memref<640x128xf32, #tpu.memory_space<vmem_shared>>
      tpu.enqueue_dma source(%dma_start3A_22 : memref<640x128xf32, #tpu.memory_space<vmem_shared>>) target(%dma_start3A_20 : memref<640x128xf32, #tpu.memory_space<hbm>>) target_semaphore(%run_scoped3A : memref<!tpu.dma_semaphore, #tpu.memory_space<semaphore_mem>>)
      %dma_wait3A = arith.constant 0 : i32
      %dma_wait3A_23 = tpu.memref_slice %arg7[%add3A_19, %dma_wait3A] : memref<20480x128xf32, #tpu.memory_space<hbm>> -> memref<640x128xf32, #tpu.memory_space<hbm>>
      %dma_wait3A_24 = arith.constant 0 : i32
      %dma_wait3A_25 = tpu.memref_slice %arg25[%mul3A_6, %dma_wait3A_24] : memref<10240x128xf32, #tpu.memory_space<vmem_shared>> -> memref<640x128xf32, #tpu.memory_space<vmem_shared>>
      tpu.wait_dma2 semaphore(%run_scoped3A : memref<!tpu.dma_semaphore, #tpu.memory_space<semaphore_mem>>) src(%dma_wait3A_25 : memref<640x128xf32, #tpu.memory_space<vmem_shared>>) dst(%dma_wait3A_23 : memref<640x128xf32, #tpu.memory_space<hbm>>)
      tpu.yield
    }) : () -> ()
    return
  }
}

#map = affine_map<(d0, d1) -> (0, 0)>
#map1 = affine_map<(d0, d1) -> (0)>
#map2 = affine_map<(d0, d1) -> (0, 0, 0)>
module attributes {stable_mosaic.version = 14 : i64} {
  func.func @k(%arg0: i32, %arg1: i32, %arg2: memref<8x128xf32, #tpu.memory_space<hbm>>, %arg3: memref<160000xi32, #tpu.memory_space<hbm>>, %arg4: memref<4000x1x40xi32, #tpu.memory_space<hbm>>, %arg5: memref<640x128xf32, #tpu.memory_space<hbm>>, %arg6: memref<40x128xf32, #tpu.memory_space<hbm>>, %arg7: memref<20480x128xf32, #tpu.memory_space<hbm>>, %arg8: memref<5000xi32, #tpu.memory_space<vmem>>, %arg9: memref<125x1x40xi32, #tpu.memory_space<vmem>>, %arg10: memref<40x128xf32, #tpu.memory_space<vmem>>, %arg11: memref<40x128xf32, #tpu.memory_space<vmem>>, %arg12: memref<40x128xf32, #tpu.memory_space<vmem>>, %arg13: memref<40x128xf32, #tpu.memory_space<vmem>>, %arg14: memref<40x128xf32, #tpu.memory_space<vmem>>, %arg15: memref<!tpu.dma_semaphore, #tpu.memory_space<semaphore_mem>>, %arg16: memref<!tpu.dma_semaphore, #tpu.memory_space<semaphore_mem>>, %arg17: memref<!tpu.dma_semaphore, #tpu.memory_space<semaphore_mem>>, %arg18: memref<!tpu.dma_semaphore, #tpu.memory_space<semaphore_mem>>, %arg19: memref<!tpu.dma_semaphore, #tpu.memory_space<semaphore_mem>>, %arg20: memref<!tpu.dma_semaphore, #tpu.memory_space<semaphore_mem>>, %arg21: memref<!tpu.dma_semaphore, #tpu.memory_space<semaphore_mem>>, %arg22: memref<!tpu.dma_semaphore, #tpu.memory_space<semaphore_mem>>, %arg23: memref<!tpu.dma_semaphore, #tpu.memory_space<semaphore_mem>>, %arg24: memref<!tpu.dma_semaphore, #tpu.memory_space<semaphore_mem>>, %arg25: memref<10240x128xf32, #tpu.memory_space<vmem_shared>>) attributes {dimension_semantics = [#tpu.dimension_semantics<core_parallel>, #tpu.dimension_semantics<subcore_parallel>], iteration_bounds = array<i64: 2, 16>, scalar_prefetch = 0 : i64, scratch_operands = 18 : i64, tpu.core_type = #tpu.core_type<sc_vector_subcore>, window_params = [{transform_indices = #map}, {transform_indices = #map1}, {transform_indices = #map2}, {transform_indices = #map}, {transform_indices = #map}, {transform_indices = #map}]} {
    %mul3A = arith.constant 2 : i32
    %mul3A_0 = arith.muli %arg1, %mul3A : i32
    %add3A = arith.addi %mul3A_0, %arg0 : i32
    %mul3A_1 = arith.constant 5000 : i32
    %mul3A_2 = arith.muli %add3A, %mul3A_1 : i32
    %mul3A_3 = arith.constant 125 : i32
    %mul3A_4 = arith.muli %add3A, %mul3A_3 : i32
    %mul3A_5 = arith.constant 640 : i32
    %mul3A_6 = arith.muli %arg1, %mul3A_5 : i32
    "tpu.region"() ({
      %run_scoped3A = tpu.sem_alloc : memref<!tpu.dma_semaphore, #tpu.memory_space<semaphore_mem>>
      tpu.enqueue_dma source(%arg6 : memref<40x128xf32, #tpu.memory_space<hbm>>) target(%arg10 : memref<40x128xf32, #tpu.memory_space<vmem>>) target_semaphore(%run_scoped3A : memref<!tpu.dma_semaphore, #tpu.memory_space<semaphore_mem>>)
      tpu.wait_dma2 semaphore(%run_scoped3A : memref<!tpu.dma_semaphore, #tpu.memory_space<semaphore_mem>>) src(%arg6 : memref<40x128xf32, #tpu.memory_space<hbm>>) dst(%arg10 : memref<40x128xf32, #tpu.memory_space<vmem>>)
      tpu.yield
    }) : () -> ()
    "tpu.region"() ({
      %run_scoped3A = tpu.sem_alloc : memref<!tpu.dma_semaphore, #tpu.memory_space<semaphore_mem>>
      %dma_start3A = arith.constant 0 : i32
      %dma_start3A_61 = tpu.memref_slice %arg25[%mul3A_6, %dma_start3A] : memref<10240x128xf32, #tpu.memory_space<vmem_shared>> -> memref<640x128xf32, #tpu.memory_space<vmem_shared>>
      tpu.enqueue_dma source(%arg5 : memref<640x128xf32, #tpu.memory_space<hbm>>) target(%dma_start3A_61 : memref<640x128xf32, #tpu.memory_space<vmem_shared>>) target_semaphore(%run_scoped3A : memref<!tpu.dma_semaphore, #tpu.memory_space<semaphore_mem>>)
      %dma_wait3A_62 = arith.constant 0 : i32
      %dma_wait3A_63 = tpu.memref_slice %arg25[%mul3A_6, %dma_wait3A_62] : memref<10240x128xf32, #tpu.memory_space<vmem_shared>> -> memref<640x128xf32, #tpu.memory_space<vmem_shared>>
      tpu.wait_dma2 semaphore(%run_scoped3A : memref<!tpu.dma_semaphore, #tpu.memory_space<semaphore_mem>>) src(%arg5 : memref<640x128xf32, #tpu.memory_space<hbm>>) dst(%dma_wait3A_63 : memref<640x128xf32, #tpu.memory_space<vmem_shared>>)
      tpu.yield
    }) : () -> ()
    %barrier3A = arith.constant 0 : index
    tpu.barrier barrier_id(%barrier3A)
    %scan3A = arith.constant 0 : i32
    %scan3A_7 = arith.constant 0 : i32
    %mul3A_8 = arith.constant 125 : i32
    %mul3A_9 = arith.muli %scan3A_7, %mul3A_8 : i32
    %add3A_10 = arith.addi %mul3A_4, %mul3A_9 : i32
    "tpu.region"() ({
      %run_scoped3A = tpu.sem_alloc : memref<!tpu.dma_semaphore, #tpu.memory_space<semaphore_mem>>
      %dma_start3A = arith.constant 0 : i32
      %dma_start3A_61 = arith.constant 0 : i32
      %dma_start3A_62 = tpu.memref_slice %arg4[%add3A_10, %dma_start3A, %dma_start3A_61] : memref<4000x1x40xi32, #tpu.memory_space<hbm>> -> memref<125x1x40xi32, #tpu.memory_space<hbm>>
      %dma_start3A_63 = arith.constant 0 : i32
      %dma_start3A_64 = arith.constant 0 : i32
      %dma_start3A_65 = tpu.memref_slice %arg4[%add3A_10, %dma_start3A_63, %dma_start3A_64] : memref<4000x1x40xi32, #tpu.memory_space<hbm>> -> memref<125x1x40xi32, #tpu.memory_space<hbm>>
      tpu.enqueue_dma source(%dma_start3A_65 : memref<125x1x40xi32, #tpu.memory_space<hbm>>) target(%arg9 : memref<125x1x40xi32, #tpu.memory_space<vmem>>) target_semaphore(%run_scoped3A : memref<!tpu.dma_semaphore, #tpu.memory_space<semaphore_mem>>)
      %dma_wait3A_66 = arith.constant 0 : i32
      %dma_wait3A_67 = arith.constant 0 : i32
      %dma_wait3A_68 = tpu.memref_slice %arg4[%add3A_10, %dma_wait3A_66, %dma_wait3A_67] : memref<4000x1x40xi32, #tpu.memory_space<hbm>> -> memref<125x1x40xi32, #tpu.memory_space<hbm>>
      %dma_wait3A_69 = arith.constant 0 : i32
      %dma_wait3A_70 = arith.constant 0 : i32
      %dma_wait3A_71 = tpu.memref_slice %arg4[%add3A_10, %dma_wait3A_69, %dma_wait3A_70] : memref<4000x1x40xi32, #tpu.memory_space<hbm>> -> memref<125x1x40xi32, #tpu.memory_space<hbm>>
      tpu.wait_dma2 semaphore(%run_scoped3A : memref<!tpu.dma_semaphore, #tpu.memory_space<semaphore_mem>>) src(%dma_wait3A_71 : memref<125x1x40xi32, #tpu.memory_space<hbm>>) dst(%arg9 : memref<125x1x40xi32, #tpu.memory_space<vmem>>)
      tpu.yield
    }) : () -> ()
    %scan3A_11 = arith.constant 0 : i32
    %scan3A_12 = arith.constant 0 : i32
    %scan3A_13 = arith.constant 25 : i32
    %scan3A_14 = arith.addi %scan3A_12, %scan3A_13 : i32
    %scan3A_15 = arith.constant 1 : i32
    scf.for %scan3A_61 = %scan3A_12 to %scan3A_14 step %scan3A_15  : i32 {
      %mul3A_62 = arith.constant 5 : i32
      %mul3A_63 = arith.muli %scan3A_61, %mul3A_62 : i32
      %add3A_64 = arith.constant 0 : i32
      %add3A_65 = arith.addi %mul3A_63, %add3A_64 : i32
      %gt3A = arith.constant 0 : i32
      %gt3A_66 = arith.cmpi sgt, %scan3A_61, %gt3A : i32
      %convert_element_type3A = arith.extui %gt3A_66 : i1 to i32
      %cond3A = arith.constant 0 : i32
      %cond3A_67 = arith.cmpi ne, %convert_element_type3A, %cond3A : i32
      scf.if %cond3A_67 {
        %dma_wait3A_138 = arith.constant 0 : i32
        %dma_wait3A_139 = arith.constant 0 : i32
        %dma_wait3A_140 = arith.constant 0 : i32
        %dma_wait3A_141 = tpu.memref_slice %arg9[%dma_wait3A_138, %dma_wait3A_139, %dma_wait3A_140] : memref<125x1x40xi32, #tpu.memory_space<vmem>> -> memref<1x1x40xi32, #tpu.memory_space<vmem>>
        %dma_wait3A_142 = tpu.memref_squeeze %dma_wait3A_141 : memref<1x1x40xi32, #tpu.memory_space<vmem>> -> memref<40xi32, #tpu.memory_space<vmem>>
        %dma_wait3A_143 = arith.constant 0 : i32
        %dma_wait3A_144 = arith.constant 0 : i32
        %dma_wait3A_145 = tpu.memref_slice %arg25[%dma_wait3A_143, %dma_wait3A_144] : memref<10240x128xf32, #tpu.memory_space<vmem_shared>> -> memref<10240x128xf32, #tpu.memory_space<vmem_shared>>
        tpu.wait_indirect_dma semaphore(%arg20 : memref<!tpu.dma_semaphore, #tpu.memory_space<semaphore_mem>>) src(%arg10 : memref<40x128xf32, #tpu.memory_space<vmem>>) dst(%dma_wait3A_145 : memref<10240x128xf32, #tpu.memory_space<vmem_shared>>)
      } else {
      }
      %dma_start3A = arith.constant 0 : i32
      %dma_start3A_68 = arith.constant 0 : i32
      %dma_start3A_69 = tpu.memref_slice %arg9[%add3A_65, %dma_start3A, %dma_start3A_68] : memref<125x1x40xi32, #tpu.memory_space<vmem>> -> memref<1x1x40xi32, #tpu.memory_space<vmem>>
      %dma_start3A_70 = tpu.memref_squeeze %dma_start3A_69 : memref<1x1x40xi32, #tpu.memory_space<vmem>> -> memref<40xi32, #tpu.memory_space<vmem>>
      %dma_start3A_71 = arith.constant 0 : i32
      %dma_start3A_72 = arith.constant 0 : i32
      %dma_start3A_73 = tpu.memref_slice %arg25[%dma_start3A_71, %dma_start3A_72] : memref<10240x128xf32, #tpu.memory_space<vmem_shared>> -> memref<10240x128xf32, #tpu.memory_space<vmem_shared>>
      tpu.enqueue_indirect_dma source(%arg10 : memref<40x128xf32, #tpu.memory_space<vmem>>) target(%dma_start3A_73 : memref<10240x128xf32, #tpu.memory_space<vmem_shared>>) offsets(%dma_start3A_70 : memref<40xi32, #tpu.memory_space<vmem>>) semaphore(%arg20 : memref<!tpu.dma_semaphore, #tpu.memory_space<semaphore_mem>>) {add = true}
      %mul3A_74 = arith.constant 5 : i32
      %mul3A_75 = arith.muli %scan3A_61, %mul3A_74 : i32
      %add3A_76 = arith.constant 1 : i32
      %add3A_77 = arith.addi %mul3A_75, %add3A_76 : i32
      %gt3A_78 = arith.constant 0 : i32
      %gt3A_79 = arith.cmpi sgt, %scan3A_61, %gt3A_78 : i32
      %convert_element_type3A_80 = arith.extui %gt3A_79 : i1 to i32
      %cond3A_81 = arith.constant 0 : i32
      %cond3A_82 = arith.cmpi ne, %convert_element_type3A_80, %cond3A_81 : i32
      scf.if %cond3A_82 {
        %dma_wait3A_138 = arith.constant 0 : i32
        %dma_wait3A_139 = arith.constant 0 : i32
        %dma_wait3A_140 = arith.constant 0 : i32
        %dma_wait3A_141 = tpu.memref_slice %arg9[%dma_wait3A_138, %dma_wait3A_139, %dma_wait3A_140] : memref<125x1x40xi32, #tpu.memory_space<vmem>> -> memref<1x1x40xi32, #tpu.memory_space<vmem>>
        %dma_wait3A_142 = tpu.memref_squeeze %dma_wait3A_141 : memref<1x1x40xi32, #tpu.memory_space<vmem>> -> memref<40xi32, #tpu.memory_space<vmem>>
        %dma_wait3A_143 = arith.constant 0 : i32
        %dma_wait3A_144 = arith.constant 0 : i32
        %dma_wait3A_145 = tpu.memref_slice %arg25[%dma_wait3A_143, %dma_wait3A_144] : memref<10240x128xf32, #tpu.memory_space<vmem_shared>> -> memref<10240x128xf32, #tpu.memory_space<vmem_shared>>
        tpu.wait_indirect_dma semaphore(%arg21 : memref<!tpu.dma_semaphore, #tpu.memory_space<semaphore_mem>>) src(%arg10 : memref<40x128xf32, #tpu.memory_space<vmem>>) dst(%dma_wait3A_145 : memref<10240x128xf32, #tpu.memory_space<vmem_shared>>)
      } else {
      }
      %dma_start3A_83 = arith.constant 0 : i32
      %dma_start3A_84 = arith.constant 0 : i32
      %dma_start3A_85 = tpu.memref_slice %arg9[%add3A_77, %dma_start3A_83, %dma_start3A_84] : memref<125x1x40xi32, #tpu.memory_space<vmem>> -> memref<1x1x40xi32, #tpu.memory_space<vmem>>
      %dma_start3A_86 = tpu.memref_squeeze %dma_start3A_85 : memref<1x1x40xi32, #tpu.memory_space<vmem>> -> memref<40xi32, #tpu.memory_space<vmem>>
      %dma_start3A_87 = arith.constant 0 : i32
      %dma_start3A_88 = arith.constant 0 : i32
      %dma_start3A_89 = tpu.memref_slice %arg25[%dma_start3A_87, %dma_start3A_88] : memref<10240x128xf32, #tpu.memory_space<vmem_shared>> -> memref<10240x128xf32, #tpu.memory_space<vmem_shared>>
      tpu.enqueue_indirect_dma source(%arg10 : memref<40x128xf32, #tpu.memory_space<vmem>>) target(%dma_start3A_89 : memref<10240x128xf32, #tpu.memory_space<vmem_shared>>) offsets(%dma_start3A_86 : memref<40xi32, #tpu.memory_space<vmem>>) semaphore(%arg21 : memref<!tpu.dma_semaphore, #tpu.memory_space<semaphore_mem>>) {add = true}
      %mul3A_90 = arith.constant 5 : i32
      %mul3A_91 = arith.muli %scan3A_61, %mul3A_90 : i32
      %add3A_92 = arith.constant 2 : i32
      %add3A_93 = arith.addi %mul3A_91, %add3A_92 : i32
      %gt3A_94 = arith.constant 0 : i32
      %gt3A_95 = arith.cmpi sgt, %scan3A_61, %gt3A_94 : i32
      %convert_element_type3A_96 = arith.extui %gt3A_95 : i1 to i32
      %cond3A_97 = arith.constant 0 : i32
      %cond3A_98 = arith.cmpi ne, %convert_element_type3A_96, %cond3A_97 : i32
      scf.if %cond3A_98 {
        %dma_wait3A_138 = arith.constant 0 : i32
        %dma_wait3A_139 = arith.constant 0 : i32
        %dma_wait3A_140 = arith.constant 0 : i32
        %dma_wait3A_141 = tpu.memref_slice %arg9[%dma_wait3A_138, %dma_wait3A_139, %dma_wait3A_140] : memref<125x1x40xi32, #tpu.memory_space<vmem>> -> memref<1x1x40xi32, #tpu.memory_space<vmem>>
        %dma_wait3A_142 = tpu.memref_squeeze %dma_wait3A_141 : memref<1x1x40xi32, #tpu.memory_space<vmem>> -> memref<40xi32, #tpu.memory_space<vmem>>
        %dma_wait3A_143 = arith.constant 0 : i32
        %dma_wait3A_144 = arith.constant 0 : i32
        %dma_wait3A_145 = tpu.memref_slice %arg25[%dma_wait3A_143, %dma_wait3A_144] : memref<10240x128xf32, #tpu.memory_space<vmem_shared>> -> memref<10240x128xf32, #tpu.memory_space<vmem_shared>>
        tpu.wait_indirect_dma semaphore(%arg22 : memref<!tpu.dma_semaphore, #tpu.memory_space<semaphore_mem>>) src(%arg10 : memref<40x128xf32, #tpu.memory_space<vmem>>) dst(%dma_wait3A_145 : memref<10240x128xf32, #tpu.memory_space<vmem_shared>>)
      } else {
      }
      %dma_start3A_99 = arith.constant 0 : i32
      %dma_start3A_100 = arith.constant 0 : i32
      %dma_start3A_101 = tpu.memref_slice %arg9[%add3A_93, %dma_start3A_99, %dma_start3A_100] : memref<125x1x40xi32, #tpu.memory_space<vmem>> -> memref<1x1x40xi32, #tpu.memory_space<vmem>>
      %dma_start3A_102 = tpu.memref_squeeze %dma_start3A_101 : memref<1x1x40xi32, #tpu.memory_space<vmem>> -> memref<40xi32, #tpu.memory_space<vmem>>
      %dma_start3A_103 = arith.constant 0 : i32
      %dma_start3A_104 = arith.constant 0 : i32
      %dma_start3A_105 = tpu.memref_slice %arg25[%dma_start3A_103, %dma_start3A_104] : memref<10240x128xf32, #tpu.memory_space<vmem_shared>> -> memref<10240x128xf32, #tpu.memory_space<vmem_shared>>
      tpu.enqueue_indirect_dma source(%arg10 : memref<40x128xf32, #tpu.memory_space<vmem>>) target(%dma_start3A_105 : memref<10240x128xf32, #tpu.memory_space<vmem_shared>>) offsets(%dma_start3A_102 : memref<40xi32, #tpu.memory_space<vmem>>) semaphore(%arg22 : memref<!tpu.dma_semaphore, #tpu.memory_space<semaphore_mem>>) {add = true}
      %mul3A_106 = arith.constant 5 : i32
      %mul3A_107 = arith.muli %scan3A_61, %mul3A_106 : i32
      %add3A_108 = arith.constant 3 : i32
      %add3A_109 = arith.addi %mul3A_107, %add3A_108 : i32
      %gt3A_110 = arith.constant 0 : i32
      %gt3A_111 = arith.cmpi sgt, %scan3A_61, %gt3A_110 : i32
      %convert_element_type3A_112 = arith.extui %gt3A_111 : i1 to i32
      %cond3A_113 = arith.constant 0 : i32
      %cond3A_114 = arith.cmpi ne, %convert_element_type3A_112, %cond3A_113 : i32
      scf.if %cond3A_114 {
        %dma_wait3A_138 = arith.constant 0 : i32
        %dma_wait3A_139 = arith.constant 0 : i32
        %dma_wait3A_140 = arith.constant 0 : i32
        %dma_wait3A_141 = tpu.memref_slice %arg9[%dma_wait3A_138, %dma_wait3A_139, %dma_wait3A_140] : memref<125x1x40xi32, #tpu.memory_space<vmem>> -> memref<1x1x40xi32, #tpu.memory_space<vmem>>
        %dma_wait3A_142 = tpu.memref_squeeze %dma_wait3A_141 : memref<1x1x40xi32, #tpu.memory_space<vmem>> -> memref<40xi32, #tpu.memory_space<vmem>>
        %dma_wait3A_143 = arith.constant 0 : i32
        %dma_wait3A_144 = arith.constant 0 : i32
        %dma_wait3A_145 = tpu.memref_slice %arg25[%dma_wait3A_143, %dma_wait3A_144] : memref<10240x128xf32, #tpu.memory_space<vmem_shared>> -> memref<10240x128xf32, #tpu.memory_space<vmem_shared>>
        tpu.wait_indirect_dma semaphore(%arg23 : memref<!tpu.dma_semaphore, #tpu.memory_space<semaphore_mem>>) src(%arg10 : memref<40x128xf32, #tpu.memory_space<vmem>>) dst(%dma_wait3A_145 : memref<10240x128xf32, #tpu.memory_space<vmem_shared>>)
      } else {
      }
      %dma_start3A_115 = arith.constant 0 : i32
      %dma_start3A_116 = arith.constant 0 : i32
      %dma_start3A_117 = tpu.memref_slice %arg9[%add3A_109, %dma_start3A_115, %dma_start3A_116] : memref<125x1x40xi32, #tpu.memory_space<vmem>> -> memref<1x1x40xi32, #tpu.memory_space<vmem>>
      %dma_start3A_118 = tpu.memref_squeeze %dma_start3A_117 : memref<1x1x40xi32, #tpu.memory_space<vmem>> -> memref<40xi32, #tpu.memory_space<vmem>>
      %dma_start3A_119 = arith.constant 0 : i32
      %dma_start3A_120 = arith.constant 0 : i32
      %dma_start3A_121 = tpu.memref_slice %arg25[%dma_start3A_119, %dma_start3A_120] : memref<10240x128xf32, #tpu.memory_space<vmem_shared>> -> memref<10240x128xf32, #tpu.memory_space<vmem_shared>>
      tpu.enqueue_indirect_dma source(%arg10 : memref<40x128xf32, #tpu.memory_space<vmem>>) target(%dma_start3A_121 : memref<10240x128xf32, #tpu.memory_space<vmem_shared>>) offsets(%dma_start3A_118 : memref<40xi32, #tpu.memory_space<vmem>>) semaphore(%arg23 : memref<!tpu.dma_semaphore, #tpu.memory_space<semaphore_mem>>) {add = true}
      %mul3A_122 = arith.constant 5 : i32
      %mul3A_123 = arith.muli %scan3A_61, %mul3A_122 : i32
      %add3A_124 = arith.constant 4 : i32
      %add3A_125 = arith.addi %mul3A_123, %add3A_124 : i32
      %gt3A_126 = arith.constant 0 : i32
      %gt3A_127 = arith.cmpi sgt, %scan3A_61, %gt3A_126 : i32
      %convert_element_type3A_128 = arith.extui %gt3A_127 : i1 to i32
      %cond3A_129 = arith.constant 0 : i32
      %cond3A_130 = arith.cmpi ne, %convert_element_type3A_128, %cond3A_129 : i32
      scf.if %cond3A_130 {
        %dma_wait3A_138 = arith.constant 0 : i32
        %dma_wait3A_139 = arith.constant 0 : i32
        %dma_wait3A_140 = arith.constant 0 : i32
        %dma_wait3A_141 = tpu.memref_slice %arg9[%dma_wait3A_138, %dma_wait3A_139, %dma_wait3A_140] : memref<125x1x40xi32, #tpu.memory_space<vmem>> -> memref<1x1x40xi32, #tpu.memory_space<vmem>>
        %dma_wait3A_142 = tpu.memref_squeeze %dma_wait3A_141 : memref<1x1x40xi32, #tpu.memory_space<vmem>> -> memref<40xi32, #tpu.memory_space<vmem>>
        %dma_wait3A_143 = arith.constant 0 : i32
        %dma_wait3A_144 = arith.constant 0 : i32
        %dma_wait3A_145 = tpu.memref_slice %arg25[%dma_wait3A_143, %dma_wait3A_144] : memref<10240x128xf32, #tpu.memory_space<vmem_shared>> -> memref<10240x128xf32, #tpu.memory_space<vmem_shared>>
        tpu.wait_indirect_dma semaphore(%arg24 : memref<!tpu.dma_semaphore, #tpu.memory_space<semaphore_mem>>) src(%arg10 : memref<40x128xf32, #tpu.memory_space<vmem>>) dst(%dma_wait3A_145 : memref<10240x128xf32, #tpu.memory_space<vmem_shared>>)
      } else {
      }
      %dma_start3A_131 = arith.constant 0 : i32
      %dma_start3A_132 = arith.constant 0 : i32
      %dma_start3A_133 = tpu.memref_slice %arg9[%add3A_125, %dma_start3A_131, %dma_start3A_132] : memref<125x1x40xi32, #tpu.memory_space<vmem>> -> memref<1x1x40xi32, #tpu.memory_space<vmem>>
      %dma_start3A_134 = tpu.memref_squeeze %dma_start3A_133 : memref<1x1x40xi32, #tpu.memory_space<vmem>> -> memref<40xi32, #tpu.memory_space<vmem>>
      %dma_start3A_135 = arith.constant 0 : i32
      %dma_start3A_136 = arith.constant 0 : i32
      %dma_start3A_137 = tpu.memref_slice %arg25[%dma_start3A_135, %dma_start3A_136] : memref<10240x128xf32, #tpu.memory_space<vmem_shared>> -> memref<10240x128xf32, #tpu.memory_space<vmem_shared>>
      tpu.enqueue_indirect_dma source(%arg10 : memref<40x128xf32, #tpu.memory_space<vmem>>) target(%dma_start3A_137 : memref<10240x128xf32, #tpu.memory_space<vmem_shared>>) offsets(%dma_start3A_134 : memref<40xi32, #tpu.memory_space<vmem>>) semaphore(%arg24 : memref<!tpu.dma_semaphore, #tpu.memory_space<semaphore_mem>>) {add = true}
    }
    %scan3A_16 = arith.constant 25 : i32
    %dma_wait3A = arith.constant 0 : i32
    %dma_wait3A_17 = arith.constant 0 : i32
    %dma_wait3A_18 = arith.constant 0 : i32
    %dma_wait3A_19 = tpu.memref_slice %arg9[%dma_wait3A, %dma_wait3A_17, %dma_wait3A_18] : memref<125x1x40xi32, #tpu.memory_space<vmem>> -> memref<1x1x40xi32, #tpu.memory_space<vmem>>
    %dma_wait3A_20 = tpu.memref_squeeze %dma_wait3A_19 : memref<1x1x40xi32, #tpu.memory_space<vmem>> -> memref<40xi32, #tpu.memory_space<vmem>>
    %dma_wait3A_21 = arith.constant 0 : i32
    %dma_wait3A_22 = arith.constant 0 : i32
    %dma_wait3A_23 = tpu.memref_slice %arg25[%dma_wait3A_21, %dma_wait3A_22] : memref<10240x128xf32, #tpu.memory_space<vmem_shared>> -> memref<10240x128xf32, #tpu.memory_space<vmem_shared>>
    tpu.wait_indirect_dma semaphore(%arg20 : memref<!tpu.dma_semaphore, #tpu.memory_space<semaphore_mem>>) src(%arg10 : memref<40x128xf32, #tpu.memory_space<vmem>>) dst(%dma_wait3A_23 : memref<10240x128xf32, #tpu.memory_space<vmem_shared>>)
    %dma_wait3A_24 = arith.constant 0 : i32
    %dma_wait3A_25 = arith.constant 0 : i32
    %dma_wait3A_26 = arith.constant 0 : i32
    %dma_wait3A_27 = tpu.memref_slice %arg9[%dma_wait3A_24, %dma_wait3A_25, %dma_wait3A_26] : memref<125x1x40xi32, #tpu.memory_space<vmem>> -> memref<1x1x40xi32, #tpu.memory_space<vmem>>
    %dma_wait3A_28 = tpu.memref_squeeze %dma_wait3A_27 : memref<1x1x40xi32, #tpu.memory_space<vmem>> -> memref<40xi32, #tpu.memory_space<vmem>>
    %dma_wait3A_29 = arith.constant 0 : i32
    %dma_wait3A_30 = arith.constant 0 : i32
    %dma_wait3A_31 = tpu.memref_slice %arg25[%dma_wait3A_29, %dma_wait3A_30] : memref<10240x128xf32, #tpu.memory_space<vmem_shared>> -> memref<10240x128xf32, #tpu.memory_space<vmem_shared>>
    tpu.wait_indirect_dma semaphore(%arg21 : memref<!tpu.dma_semaphore, #tpu.memory_space<semaphore_mem>>) src(%arg10 : memref<40x128xf32, #tpu.memory_space<vmem>>) dst(%dma_wait3A_31 : memref<10240x128xf32, #tpu.memory_space<vmem_shared>>)
    %dma_wait3A_32 = arith.constant 0 : i32
    %dma_wait3A_33 = arith.constant 0 : i32
    %dma_wait3A_34 = arith.constant 0 : i32
    %dma_wait3A_35 = tpu.memref_slice %arg9[%dma_wait3A_32, %dma_wait3A_33, %dma_wait3A_34] : memref<125x1x40xi32, #tpu.memory_space<vmem>> -> memref<1x1x40xi32, #tpu.memory_space<vmem>>
    %dma_wait3A_36 = tpu.memref_squeeze %dma_wait3A_35 : memref<1x1x40xi32, #tpu.memory_space<vmem>> -> memref<40xi32, #tpu.memory_space<vmem>>
    %dma_wait3A_37 = arith.constant 0 : i32
    %dma_wait3A_38 = arith.constant 0 : i32
    %dma_wait3A_39 = tpu.memref_slice %arg25[%dma_wait3A_37, %dma_wait3A_38] : memref<10240x128xf32, #tpu.memory_space<vmem_shared>> -> memref<10240x128xf32, #tpu.memory_space<vmem_shared>>
    tpu.wait_indirect_dma semaphore(%arg22 : memref<!tpu.dma_semaphore, #tpu.memory_space<semaphore_mem>>) src(%arg10 : memref<40x128xf32, #tpu.memory_space<vmem>>) dst(%dma_wait3A_39 : memref<10240x128xf32, #tpu.memory_space<vmem_shared>>)
    %dma_wait3A_40 = arith.constant 0 : i32
    %dma_wait3A_41 = arith.constant 0 : i32
    %dma_wait3A_42 = arith.constant 0 : i32
    %dma_wait3A_43 = tpu.memref_slice %arg9[%dma_wait3A_40, %dma_wait3A_41, %dma_wait3A_42] : memref<125x1x40xi32, #tpu.memory_space<vmem>> -> memref<1x1x40xi32, #tpu.memory_space<vmem>>
    %dma_wait3A_44 = tpu.memref_squeeze %dma_wait3A_43 : memref<1x1x40xi32, #tpu.memory_space<vmem>> -> memref<40xi32, #tpu.memory_space<vmem>>
    %dma_wait3A_45 = arith.constant 0 : i32
    %dma_wait3A_46 = arith.constant 0 : i32
    %dma_wait3A_47 = tpu.memref_slice %arg25[%dma_wait3A_45, %dma_wait3A_46] : memref<10240x128xf32, #tpu.memory_space<vmem_shared>> -> memref<10240x128xf32, #tpu.memory_space<vmem_shared>>
    tpu.wait_indirect_dma semaphore(%arg23 : memref<!tpu.dma_semaphore, #tpu.memory_space<semaphore_mem>>) src(%arg10 : memref<40x128xf32, #tpu.memory_space<vmem>>) dst(%dma_wait3A_47 : memref<10240x128xf32, #tpu.memory_space<vmem_shared>>)
    %dma_wait3A_48 = arith.constant 0 : i32
    %dma_wait3A_49 = arith.constant 0 : i32
    %dma_wait3A_50 = arith.constant 0 : i32
    %dma_wait3A_51 = tpu.memref_slice %arg9[%dma_wait3A_48, %dma_wait3A_49, %dma_wait3A_50] : memref<125x1x40xi32, #tpu.memory_space<vmem>> -> memref<1x1x40xi32, #tpu.memory_space<vmem>>
    %dma_wait3A_52 = tpu.memref_squeeze %dma_wait3A_51 : memref<1x1x40xi32, #tpu.memory_space<vmem>> -> memref<40xi32, #tpu.memory_space<vmem>>
    %dma_wait3A_53 = arith.constant 0 : i32
    %dma_wait3A_54 = arith.constant 0 : i32
    %dma_wait3A_55 = tpu.memref_slice %arg25[%dma_wait3A_53, %dma_wait3A_54] : memref<10240x128xf32, #tpu.memory_space<vmem_shared>> -> memref<10240x128xf32, #tpu.memory_space<vmem_shared>>
    tpu.wait_indirect_dma semaphore(%arg24 : memref<!tpu.dma_semaphore, #tpu.memory_space<semaphore_mem>>) src(%arg10 : memref<40x128xf32, #tpu.memory_space<vmem>>) dst(%dma_wait3A_55 : memref<10240x128xf32, #tpu.memory_space<vmem_shared>>)
    %scan3A_56 = arith.constant 1 : i32
    %barrier3A_57 = arith.constant 0 : index
    tpu.barrier barrier_id(%barrier3A_57)
    %mul3A_58 = arith.constant 10240 : i32
    %mul3A_59 = arith.muli %arg0, %mul3A_58 : i32
    %add3A_60 = arith.addi %mul3A_59, %mul3A_6 : i32
    "tpu.region"() ({
      %run_scoped3A = tpu.sem_alloc : memref<!tpu.dma_semaphore, #tpu.memory_space<semaphore_mem>>
      %dma_start3A = arith.constant 0 : i32
      %dma_start3A_61 = tpu.memref_slice %arg7[%add3A_60, %dma_start3A] : memref<20480x128xf32, #tpu.memory_space<hbm>> -> memref<640x128xf32, #tpu.memory_space<hbm>>
      %dma_start3A_62 = arith.constant 0 : i32
      %dma_start3A_63 = tpu.memref_slice %arg25[%mul3A_6, %dma_start3A_62] : memref<10240x128xf32, #tpu.memory_space<vmem_shared>> -> memref<640x128xf32, #tpu.memory_space<vmem_shared>>
      tpu.enqueue_dma source(%dma_start3A_63 : memref<640x128xf32, #tpu.memory_space<vmem_shared>>) target(%dma_start3A_61 : memref<640x128xf32, #tpu.memory_space<hbm>>) target_semaphore(%run_scoped3A : memref<!tpu.dma_semaphore, #tpu.memory_space<semaphore_mem>>)
      %dma_wait3A_64 = arith.constant 0 : i32
      %dma_wait3A_65 = tpu.memref_slice %arg7[%add3A_60, %dma_wait3A_64] : memref<20480x128xf32, #tpu.memory_space<hbm>> -> memref<640x128xf32, #tpu.memory_space<hbm>>
      %dma_wait3A_66 = arith.constant 0 : i32
      %dma_wait3A_67 = tpu.memref_slice %arg25[%mul3A_6, %dma_wait3A_66] : memref<10240x128xf32, #tpu.memory_space<vmem_shared>> -> memref<640x128xf32, #tpu.memory_space<vmem_shared>>
      tpu.wait_dma2 semaphore(%run_scoped3A : memref<!tpu.dma_semaphore, #tpu.memory_space<semaphore_mem>>) src(%dma_wait3A_67 : memref<640x128xf32, #tpu.memory_space<vmem_shared>>) dst(%dma_wait3A_65 : memref<640x128xf32, #tpu.memory_space<hbm>>)
      tpu.yield
    }) : () -> ()
    return
  }
}

#map = affine_map<(d0, d1) -> (0, 0)>
#map1 = affine_map<(d0, d1) -> (0)>
#map2 = affine_map<(d0, d1) -> (0, 0, 0)>
module attributes {stable_mosaic.version = 14 : i64} {
  func.func @k(%arg0: i32, %arg1: i32, %arg2: memref<20480x128xf32, #tpu.memory_space<hbm>>, %arg3: memref<320000xi32, #tpu.memory_space<hbm>>, %arg4: memref<4000x1x40xi32, #tpu.memory_space<hbm>>, %arg5: memref<640x128xf32, #tpu.memory_space<hbm>>, %arg6: memref<40x128xf32, #tpu.memory_space<hbm>>, %arg7: memref<20480x128xf32, #tpu.memory_space<hbm>>, %arg8: memref<5000xi32, #tpu.memory_space<vmem>>, %arg9: memref<125x1x40xi32, #tpu.memory_space<vmem>>, %arg10: memref<40x128xf32, #tpu.memory_space<vmem>>, %arg11: memref<40x128xf32, #tpu.memory_space<vmem>>, %arg12: memref<40x128xf32, #tpu.memory_space<vmem>>, %arg13: memref<40x128xf32, #tpu.memory_space<vmem>>, %arg14: memref<40x128xf32, #tpu.memory_space<vmem>>, %arg15: memref<!tpu.dma_semaphore, #tpu.memory_space<semaphore_mem>>, %arg16: memref<!tpu.dma_semaphore, #tpu.memory_space<semaphore_mem>>, %arg17: memref<!tpu.dma_semaphore, #tpu.memory_space<semaphore_mem>>, %arg18: memref<!tpu.dma_semaphore, #tpu.memory_space<semaphore_mem>>, %arg19: memref<!tpu.dma_semaphore, #tpu.memory_space<semaphore_mem>>, %arg20: memref<!tpu.dma_semaphore, #tpu.memory_space<semaphore_mem>>, %arg21: memref<!tpu.dma_semaphore, #tpu.memory_space<semaphore_mem>>, %arg22: memref<!tpu.dma_semaphore, #tpu.memory_space<semaphore_mem>>, %arg23: memref<!tpu.dma_semaphore, #tpu.memory_space<semaphore_mem>>, %arg24: memref<!tpu.dma_semaphore, #tpu.memory_space<semaphore_mem>>, %arg25: memref<10240x128xf32, #tpu.memory_space<vmem_shared>>) attributes {dimension_semantics = [#tpu.dimension_semantics<core_parallel>, #tpu.dimension_semantics<subcore_parallel>], iteration_bounds = array<i64: 2, 16>, scalar_prefetch = 0 : i64, scratch_operands = 18 : i64, tpu.core_type = #tpu.core_type<sc_vector_subcore>, window_params = [{transform_indices = #map}, {transform_indices = #map1}, {transform_indices = #map2}, {transform_indices = #map}, {transform_indices = #map}, {transform_indices = #map}]} {
    %mul3A = arith.constant 2 : i32
    %mul3A_0 = arith.muli %arg1, %mul3A : i32
    %add3A = arith.addi %mul3A_0, %arg0 : i32
    %mul3A_1 = arith.constant 10000 : i32
    %mul3A_2 = arith.muli %arg1, %mul3A_1 : i32
    %mul3A_3 = arith.constant 250 : i32
    %mul3A_4 = arith.muli %arg1, %mul3A_3 : i32
    %mul3A_5 = arith.constant 640 : i32
    %mul3A_6 = arith.muli %arg1, %mul3A_5 : i32
    %mul3A_7 = arith.constant 1 : i32
    %mul3A_8 = arith.muli %arg0, %mul3A_7 : i32
    %add3A_9 = arith.constant 0 : i32
    %add3A_10 = arith.addi %mul3A_8, %add3A_9 : i32
    "tpu.region"() ({
      %run_scoped3A = tpu.sem_alloc : memref<!tpu.dma_semaphore, #tpu.memory_space<semaphore_mem>>
      %dma_start3A = arith.constant 0 : i32
      %dma_start3A_20 = tpu.memref_slice %arg25[%mul3A_6, %dma_start3A] : memref<10240x128xf32, #tpu.memory_space<vmem_shared>> -> memref<640x128xf32, #tpu.memory_space<vmem_shared>>
      tpu.enqueue_dma source(%arg5 : memref<640x128xf32, #tpu.memory_space<hbm>>) target(%dma_start3A_20 : memref<640x128xf32, #tpu.memory_space<vmem_shared>>) target_semaphore(%run_scoped3A : memref<!tpu.dma_semaphore, #tpu.memory_space<semaphore_mem>>)
      %dma_wait3A = arith.constant 0 : i32
      %dma_wait3A_21 = tpu.memref_slice %arg25[%mul3A_6, %dma_wait3A] : memref<10240x128xf32, #tpu.memory_space<vmem_shared>> -> memref<640x128xf32, #tpu.memory_space<vmem_shared>>
      tpu.wait_dma2 semaphore(%run_scoped3A : memref<!tpu.dma_semaphore, #tpu.memory_space<semaphore_mem>>) src(%arg5 : memref<640x128xf32, #tpu.memory_space<hbm>>) dst(%dma_wait3A_21 : memref<640x128xf32, #tpu.memory_space<vmem_shared>>)
      tpu.yield
    }) : () -> ()
    %barrier3A = arith.constant 0 : index
    tpu.barrier barrier_id(%barrier3A)
    %scan3A = arith.constant 0 : i32
    %scan3A_11 = arith.constant 0 : i32
    %scan3A_12 = arith.constant 2 : i32
    %scan3A_13 = arith.addi %scan3A_11, %scan3A_12 : i32
    %scan3A_14 = arith.constant 1 : i32
    scf.for %scan3A_20 = %scan3A_11 to %scan3A_13 step %scan3A_14  : i32 {
      %mul3A_21 = arith.constant 125 : i32
      %mul3A_22 = arith.muli %scan3A_20, %mul3A_21 : i32
      %add3A_23 = arith.addi %mul3A_4, %mul3A_22 : i32
      "tpu.region"() ({
        %run_scoped3A = tpu.sem_alloc : memref<!tpu.dma_semaphore, #tpu.memory_space<semaphore_mem>>
        %dma_start3A_96 = arith.constant 0 : i32
        %dma_start3A_97 = arith.constant 0 : i32
        %dma_start3A_98 = tpu.memref_slice %arg4[%add3A_23, %dma_start3A_96, %dma_start3A_97] : memref<4000x1x40xi32, #tpu.memory_space<hbm>> -> memref<125x1x40xi32, #tpu.memory_space<hbm>>
        %dma_start3A_99 = arith.constant 0 : i32
        %dma_start3A_100 = arith.constant 0 : i32
        %dma_start3A_101 = tpu.memref_slice %arg4[%add3A_23, %dma_start3A_99, %dma_start3A_100] : memref<4000x1x40xi32, #tpu.memory_space<hbm>> -> memref<125x1x40xi32, #tpu.memory_space<hbm>>
        tpu.enqueue_dma source(%dma_start3A_101 : memref<125x1x40xi32, #tpu.memory_space<hbm>>) target(%arg9 : memref<125x1x40xi32, #tpu.memory_space<vmem>>) target_semaphore(%run_scoped3A : memref<!tpu.dma_semaphore, #tpu.memory_space<semaphore_mem>>)
        %dma_wait3A_102 = arith.constant 0 : i32
        %dma_wait3A_103 = arith.constant 0 : i32
        %dma_wait3A_104 = tpu.memref_slice %arg4[%add3A_23, %dma_wait3A_102, %dma_wait3A_103] : memref<4000x1x40xi32, #tpu.memory_space<hbm>> -> memref<125x1x40xi32, #tpu.memory_space<hbm>>
        %dma_wait3A_105 = arith.constant 0 : i32
        %dma_wait3A_106 = arith.constant 0 : i32
        %dma_wait3A_107 = tpu.memref_slice %arg4[%add3A_23, %dma_wait3A_105, %dma_wait3A_106] : memref<4000x1x40xi32, #tpu.memory_space<hbm>> -> memref<125x1x40xi32, #tpu.memory_space<hbm>>
        tpu.wait_dma2 semaphore(%run_scoped3A : memref<!tpu.dma_semaphore, #tpu.memory_space<semaphore_mem>>) src(%dma_wait3A_107 : memref<125x1x40xi32, #tpu.memory_space<hbm>>) dst(%arg9 : memref<125x1x40xi32, #tpu.memory_space<vmem>>)
        tpu.yield
      }) : () -> ()
      %mul3A_24 = arith.constant 160000 : i32
      %mul3A_25 = arith.muli %add3A_10, %mul3A_24 : i32
      %add3A_26 = arith.addi %mul3A_25, %mul3A_2 : i32
      %mul3A_27 = arith.constant 125 : i32
      %mul3A_28 = arith.muli %scan3A_20, %mul3A_27 : i32
      %mul3A_29 = arith.constant 40 : i32
      %mul3A_30 = arith.muli %mul3A_28, %mul3A_29 : i32
      %add3A_31 = arith.addi %add3A_26, %mul3A_30 : i32
      "tpu.region"() ({
        %run_scoped3A = tpu.sem_alloc : memref<!tpu.dma_semaphore, #tpu.memory_space<semaphore_mem>>
        %dma_start3A_96 = tpu.memref_slice %arg3[%add3A_31] : memref<320000xi32, #tpu.memory_space<hbm>> -> memref<5000xi32, #tpu.memory_space<hbm>>
        %dma_start3A_97 = tpu.memref_slice %arg3[%add3A_31] : memref<320000xi32, #tpu.memory_space<hbm>> -> memref<5000xi32, #tpu.memory_space<hbm>>
        tpu.enqueue_dma source(%dma_start3A_97 : memref<5000xi32, #tpu.memory_space<hbm>>) target(%arg8 : memref<5000xi32, #tpu.memory_space<vmem>>) target_semaphore(%run_scoped3A : memref<!tpu.dma_semaphore, #tpu.memory_space<semaphore_mem>>)
        %dma_wait3A_98 = tpu.memref_slice %arg3[%add3A_31] : memref<320000xi32, #tpu.memory_space<hbm>> -> memref<5000xi32, #tpu.memory_space<hbm>>
        %dma_wait3A_99 = tpu.memref_slice %arg3[%add3A_31] : memref<320000xi32, #tpu.memory_space<hbm>> -> memref<5000xi32, #tpu.memory_space<hbm>>
        tpu.wait_dma2 semaphore(%run_scoped3A : memref<!tpu.dma_semaphore, #tpu.memory_space<semaphore_mem>>) src(%dma_wait3A_99 : memref<5000xi32, #tpu.memory_space<hbm>>) dst(%arg8 : memref<5000xi32, #tpu.memory_space<vmem>>)
        tpu.yield
      }) : () -> ()
      %dma_start3A = arith.constant 0 : i32
      %dma_start3A_32 = tpu.memref_slice %arg8[%dma_start3A] : memref<5000xi32, #tpu.memory_space<vmem>> -> memref<40xi32, #tpu.memory_space<vmem>>
      %dma_start3A_33 = arith.constant 0 : i32
      %dma_start3A_34 = arith.constant 0 : i32
      %dma_start3A_35 = tpu.memref_slice %arg2[%dma_start3A_33, %dma_start3A_34] : memref<20480x128xf32, #tpu.memory_space<hbm>> -> memref<20480x128xf32, #tpu.memory_space<hbm>>
      tpu.enqueue_indirect_dma source(%dma_start3A_35 : memref<20480x128xf32, #tpu.memory_space<hbm>>) target(%arg10 : memref<40x128xf32, #tpu.memory_space<vmem>>) offsets(%dma_start3A_32 : memref<40xi32, #tpu.memory_space<vmem>>) semaphore(%arg15 : memref<!tpu.dma_semaphore, #tpu.memory_space<semaphore_mem>>)
      %dma_start3A_36 = arith.constant 40 : i32
      %dma_start3A_37 = tpu.memref_slice %arg8[%dma_start3A_36] : memref<5000xi32, #tpu.memory_space<vmem>> -> memref<40xi32, #tpu.memory_space<vmem>>
      %dma_start3A_38 = arith.constant 0 : i32
      %dma_start3A_39 = arith.constant 0 : i32
      %dma_start3A_40 = tpu.memref_slice %arg2[%dma_start3A_38, %dma_start3A_39] : memref<20480x128xf32, #tpu.memory_space<hbm>> -> memref<20480x128xf32, #tpu.memory_space<hbm>>
      tpu.enqueue_indirect_dma source(%dma_start3A_40 : memref<20480x128xf32, #tpu.memory_space<hbm>>) target(%arg11 : memref<40x128xf32, #tpu.memory_space<vmem>>) offsets(%dma_start3A_37 : memref<40xi32, #tpu.memory_space<vmem>>) semaphore(%arg16 : memref<!tpu.dma_semaphore, #tpu.memory_space<semaphore_mem>>)
      %dma_start3A_41 = arith.constant 80 : i32
      %dma_start3A_42 = tpu.memref_slice %arg8[%dma_start3A_41] : memref<5000xi32, #tpu.memory_space<vmem>> -> memref<40xi32, #tpu.memory_space<vmem>>
      %dma_start3A_43 = arith.constant 0 : i32
      %dma_start3A_44 = arith.constant 0 : i32
      %dma_start3A_45 = tpu.memref_slice %arg2[%dma_start3A_43, %dma_start3A_44] : memref<20480x128xf32, #tpu.memory_space<hbm>> -> memref<20480x128xf32, #tpu.memory_space<hbm>>
      tpu.enqueue_indirect_dma source(%dma_start3A_45 : memref<20480x128xf32, #tpu.memory_space<hbm>>) target(%arg12 : memref<40x128xf32, #tpu.memory_space<vmem>>) offsets(%dma_start3A_42 : memref<40xi32, #tpu.memory_space<vmem>>) semaphore(%arg17 : memref<!tpu.dma_semaphore, #tpu.memory_space<semaphore_mem>>)
      %dma_start3A_46 = arith.constant 120 : i32
      %dma_start3A_47 = tpu.memref_slice %arg8[%dma_start3A_46] : memref<5000xi32, #tpu.memory_space<vmem>> -> memref<40xi32, #tpu.memory_space<vmem>>
      %dma_start3A_48 = arith.constant 0 : i32
      %dma_start3A_49 = arith.constant 0 : i32
      %dma_start3A_50 = tpu.memref_slice %arg2[%dma_start3A_48, %dma_start3A_49] : memref<20480x128xf32, #tpu.memory_space<hbm>> -> memref<20480x128xf32, #tpu.memory_space<hbm>>
      tpu.enqueue_indirect_dma source(%dma_start3A_50 : memref<20480x128xf32, #tpu.memory_space<hbm>>) target(%arg13 : memref<40x128xf32, #tpu.memory_space<vmem>>) offsets(%dma_start3A_47 : memref<40xi32, #tpu.memory_space<vmem>>) semaphore(%arg18 : memref<!tpu.dma_semaphore, #tpu.memory_space<semaphore_mem>>)
      %scan3A_51 = arith.constant 0 : i32
      %scan3A_52 = arith.constant 0 : i32
      %scan3A_53 = arith.constant 25 : i32
      %scan3A_54 = arith.addi %scan3A_52, %scan3A_53 : i32
      %scan3A_55 = arith.constant 1 : i32
      scf.for %scan3A_96 = %scan3A_52 to %scan3A_54 step %scan3A_55  : i32 {
        %mul3A_97 = arith.constant 5 : i32
        %mul3A_98 = arith.muli %scan3A_96, %mul3A_97 : i32
        %add3A_99 = arith.constant 0 : i32
        %add3A_100 = arith.addi %mul3A_98, %add3A_99 : i32
        %dma_wait3A_101 = arith.constant 0 : i32
        %dma_wait3A_102 = tpu.memref_slice %arg8[%dma_wait3A_101] : memref<5000xi32, #tpu.memory_space<vmem>> -> memref<40xi32, #tpu.memory_space<vmem>>
        %dma_wait3A_103 = arith.constant 0 : i32
        %dma_wait3A_104 = arith.constant 0 : i32
        %dma_wait3A_105 = tpu.memref_slice %arg2[%dma_wait3A_103, %dma_wait3A_104] : memref<20480x128xf32, #tpu.memory_space<hbm>> -> memref<20480x128xf32, #tpu.memory_space<hbm>>
        tpu.wait_indirect_dma semaphore(%arg15 : memref<!tpu.dma_semaphore, #tpu.memory_space<semaphore_mem>>) src(%dma_wait3A_105 : memref<20480x128xf32, #tpu.memory_space<hbm>>) dst(%arg10 : memref<40x128xf32, #tpu.memory_space<vmem>>)
        %dma_start3A_106 = arith.constant 0 : i32
        %dma_start3A_107 = arith.constant 0 : i32
        %dma_start3A_108 = tpu.memref_slice %arg9[%add3A_100, %dma_start3A_106, %dma_start3A_107] : memref<125x1x40xi32, #tpu.memory_space<vmem>> -> memref<1x1x40xi32, #tpu.memory_space<vmem>>
        %dma_start3A_109 = tpu.memref_squeeze %dma_start3A_108 : memref<1x1x40xi32, #tpu.memory_space<vmem>> -> memref<40xi32, #tpu.memory_space<vmem>>
        %dma_start3A_110 = arith.constant 0 : i32
        %dma_start3A_111 = arith.constant 0 : i32
        %dma_start3A_112 = tpu.memref_slice %arg25[%dma_start3A_110, %dma_start3A_111] : memref<10240x128xf32, #tpu.memory_space<vmem_shared>> -> memref<10240x128xf32, #tpu.memory_space<vmem_shared>>
        tpu.enqueue_indirect_dma source(%arg10 : memref<40x128xf32, #tpu.memory_space<vmem>>) target(%dma_start3A_112 : memref<10240x128xf32, #tpu.memory_space<vmem_shared>>) offsets(%dma_start3A_109 : memref<40xi32, #tpu.memory_space<vmem>>) semaphore(%arg20 : memref<!tpu.dma_semaphore, #tpu.memory_space<semaphore_mem>>) {add = true}
        %add3A_113 = arith.constant 4 : i32
        %add3A_114 = arith.addi %add3A_100, %add3A_113 : i32
        %lt3A = arith.constant 125 : i32
        %lt3A_115 = arith.cmpi slt, %add3A_114, %lt3A : i32
        %convert_element_type3A = arith.extui %lt3A_115 : i1 to i32
        %cond3A = arith.constant 0 : i32
        %cond3A_116 = arith.cmpi ne, %convert_element_type3A, %cond3A : i32
        scf.if %cond3A_116 {
          %ge3A = arith.constant 1 : i32
          %ge3A_209 = arith.cmpi sge, %add3A_100, %ge3A : i32
          %convert_element_type3A_210 = arith.extui %ge3A_209 : i1 to i32
          %cond3A_211 = arith.constant 0 : i32
          %cond3A_212 = arith.cmpi ne, %convert_element_type3A_210, %cond3A_211 : i32
          scf.if %cond3A_212 {
            %dma_wait3A_221 = arith.constant 0 : i32
            %dma_wait3A_222 = arith.constant 0 : i32
            %dma_wait3A_223 = arith.constant 0 : i32
            %dma_wait3A_224 = tpu.memref_slice %arg9[%dma_wait3A_221, %dma_wait3A_222, %dma_wait3A_223] : memref<125x1x40xi32, #tpu.memory_space<vmem>> -> memref<1x1x40xi32, #tpu.memory_space<vmem>>
            %dma_wait3A_225 = tpu.memref_squeeze %dma_wait3A_224 : memref<1x1x40xi32, #tpu.memory_space<vmem>> -> memref<40xi32, #tpu.memory_space<vmem>>
            %dma_wait3A_226 = arith.constant 0 : i32
            %dma_wait3A_227 = arith.constant 0 : i32
            %dma_wait3A_228 = tpu.memref_slice %arg25[%dma_wait3A_226, %dma_wait3A_227] : memref<10240x128xf32, #tpu.memory_space<vmem_shared>> -> memref<10240x128xf32, #tpu.memory_space<vmem_shared>>
            tpu.wait_indirect_dma semaphore(%arg24 : memref<!tpu.dma_semaphore, #tpu.memory_space<semaphore_mem>>) src(%arg14 : memref<40x128xf32, #tpu.memory_space<vmem>>) dst(%dma_wait3A_228 : memref<10240x128xf32, #tpu.memory_space<vmem_shared>>)
          } else {
          }
          %add3A_213 = arith.constant 4 : i32
          %add3A_214 = arith.addi %add3A_100, %add3A_213 : i32
          %mul3A_215 = arith.constant 40 : i32
          %mul3A_216 = arith.muli %add3A_214, %mul3A_215 : i32
          %dma_start3A_217 = tpu.memref_slice %arg8[%mul3A_216] : memref<5000xi32, #tpu.memory_space<vmem>> -> memref<40xi32, #tpu.memory_space<vmem>>
          %dma_start3A_218 = arith.constant 0 : i32
          %dma_start3A_219 = arith.constant 0 : i32
          %dma_start3A_220 = tpu.memref_slice %arg2[%dma_start3A_218, %dma_start3A_219] : memref<20480x128xf32, #tpu.memory_space<hbm>> -> memref<20480x128xf32, #tpu.memory_space<hbm>>
          tpu.enqueue_indirect_dma source(%dma_start3A_220 : memref<20480x128xf32, #tpu.memory_space<hbm>>) target(%arg14 : memref<40x128xf32, #tpu.memory_space<vmem>>) offsets(%dma_start3A_217 : memref<40xi32, #tpu.memory_space<vmem>>) semaphore(%arg19 : memref<!tpu.dma_semaphore, #tpu.memory_space<semaphore_mem>>)
        } else {
        }
        %mul3A_117 = arith.constant 5 : i32
        %mul3A_118 = arith.muli %scan3A_96, %mul3A_117 : i32
        %add3A_119 = arith.constant 1 : i32
        %add3A_120 = arith.addi %mul3A_118, %add3A_119 : i32
        %dma_wait3A_121 = arith.constant 0 : i32
        %dma_wait3A_122 = tpu.memref_slice %arg8[%dma_wait3A_121] : memref<5000xi32, #tpu.memory_space<vmem>> -> memref<40xi32, #tpu.memory_space<vmem>>
        %dma_wait3A_123 = arith.constant 0 : i32
        %dma_wait3A_124 = arith.constant 0 : i32
        %dma_wait3A_125 = tpu.memref_slice %arg2[%dma_wait3A_123, %dma_wait3A_124] : memref<20480x128xf32, #tpu.memory_space<hbm>> -> memref<20480x128xf32, #tpu.memory_space<hbm>>
        tpu.wait_indirect_dma semaphore(%arg16 : memref<!tpu.dma_semaphore, #tpu.memory_space<semaphore_mem>>) src(%dma_wait3A_125 : memref<20480x128xf32, #tpu.memory_space<hbm>>) dst(%arg11 : memref<40x128xf32, #tpu.memory_space<vmem>>)
        %dma_start3A_126 = arith.constant 0 : i32
        %dma_start3A_127 = arith.constant 0 : i32
        %dma_start3A_128 = tpu.memref_slice %arg9[%add3A_120, %dma_start3A_126, %dma_start3A_127] : memref<125x1x40xi32, #tpu.memory_space<vmem>> -> memref<1x1x40xi32, #tpu.memory_space<vmem>>
        %dma_start3A_129 = tpu.memref_squeeze %dma_start3A_128 : memref<1x1x40xi32, #tpu.memory_space<vmem>> -> memref<40xi32, #tpu.memory_space<vmem>>
        %dma_start3A_130 = arith.constant 0 : i32
        %dma_start3A_131 = arith.constant 0 : i32
        %dma_start3A_132 = tpu.memref_slice %arg25[%dma_start3A_130, %dma_start3A_131] : memref<10240x128xf32, #tpu.memory_space<vmem_shared>> -> memref<10240x128xf32, #tpu.memory_space<vmem_shared>>
        tpu.enqueue_indirect_dma source(%arg11 : memref<40x128xf32, #tpu.memory_space<vmem>>) target(%dma_start3A_132 : memref<10240x128xf32, #tpu.memory_space<vmem_shared>>) offsets(%dma_start3A_129 : memref<40xi32, #tpu.memory_space<vmem>>) semaphore(%arg21 : memref<!tpu.dma_semaphore, #tpu.memory_space<semaphore_mem>>) {add = true}
        %add3A_133 = arith.constant 4 : i32
        %add3A_134 = arith.addi %add3A_120, %add3A_133 : i32
        %lt3A_135 = arith.constant 125 : i32
        %lt3A_136 = arith.cmpi slt, %add3A_134, %lt3A_135 : i32
        %convert_element_type3A_137 = arith.extui %lt3A_136 : i1 to i32
        %cond3A_138 = arith.constant 0 : i32
        %cond3A_139 = arith.cmpi ne, %convert_element_type3A_137, %cond3A_138 : i32
        scf.if %cond3A_139 {
          %ge3A = arith.constant 1 : i32
          %ge3A_209 = arith.cmpi sge, %add3A_120, %ge3A : i32
          %convert_element_type3A_210 = arith.extui %ge3A_209 : i1 to i32
          %cond3A_211 = arith.constant 0 : i32
          %cond3A_212 = arith.cmpi ne, %convert_element_type3A_210, %cond3A_211 : i32
          scf.if %cond3A_212 {
            %dma_wait3A_221 = arith.constant 0 : i32
            %dma_wait3A_222 = arith.constant 0 : i32
            %dma_wait3A_223 = arith.constant 0 : i32
            %dma_wait3A_224 = tpu.memref_slice %arg9[%dma_wait3A_221, %dma_wait3A_222, %dma_wait3A_223] : memref<125x1x40xi32, #tpu.memory_space<vmem>> -> memref<1x1x40xi32, #tpu.memory_space<vmem>>
            %dma_wait3A_225 = tpu.memref_squeeze %dma_wait3A_224 : memref<1x1x40xi32, #tpu.memory_space<vmem>> -> memref<40xi32, #tpu.memory_space<vmem>>
            %dma_wait3A_226 = arith.constant 0 : i32
            %dma_wait3A_227 = arith.constant 0 : i32
            %dma_wait3A_228 = tpu.memref_slice %arg25[%dma_wait3A_226, %dma_wait3A_227] : memref<10240x128xf32, #tpu.memory_space<vmem_shared>> -> memref<10240x128xf32, #tpu.memory_space<vmem_shared>>
            tpu.wait_indirect_dma semaphore(%arg20 : memref<!tpu.dma_semaphore, #tpu.memory_space<semaphore_mem>>) src(%arg10 : memref<40x128xf32, #tpu.memory_space<vmem>>) dst(%dma_wait3A_228 : memref<10240x128xf32, #tpu.memory_space<vmem_shared>>)
          } else {
          }
          %add3A_213 = arith.constant 4 : i32
          %add3A_214 = arith.addi %add3A_120, %add3A_213 : i32
          %mul3A_215 = arith.constant 40 : i32
          %mul3A_216 = arith.muli %add3A_214, %mul3A_215 : i32
          %dma_start3A_217 = tpu.memref_slice %arg8[%mul3A_216] : memref<5000xi32, #tpu.memory_space<vmem>> -> memref<40xi32, #tpu.memory_space<vmem>>
          %dma_start3A_218 = arith.constant 0 : i32
          %dma_start3A_219 = arith.constant 0 : i32
          %dma_start3A_220 = tpu.memref_slice %arg2[%dma_start3A_218, %dma_start3A_219] : memref<20480x128xf32, #tpu.memory_space<hbm>> -> memref<20480x128xf32, #tpu.memory_space<hbm>>
          tpu.enqueue_indirect_dma source(%dma_start3A_220 : memref<20480x128xf32, #tpu.memory_space<hbm>>) target(%arg10 : memref<40x128xf32, #tpu.memory_space<vmem>>) offsets(%dma_start3A_217 : memref<40xi32, #tpu.memory_space<vmem>>) semaphore(%arg15 : memref<!tpu.dma_semaphore, #tpu.memory_space<semaphore_mem>>)
        } else {
        }
        %mul3A_140 = arith.constant 5 : i32
        %mul3A_141 = arith.muli %scan3A_96, %mul3A_140 : i32
        %add3A_142 = arith.constant 2 : i32
        %add3A_143 = arith.addi %mul3A_141, %add3A_142 : i32
        %dma_wait3A_144 = arith.constant 0 : i32
        %dma_wait3A_145 = tpu.memref_slice %arg8[%dma_wait3A_144] : memref<5000xi32, #tpu.memory_space<vmem>> -> memref<40xi32, #tpu.memory_space<vmem>>
        %dma_wait3A_146 = arith.constant 0 : i32
        %dma_wait3A_147 = arith.constant 0 : i32
        %dma_wait3A_148 = tpu.memref_slice %arg2[%dma_wait3A_146, %dma_wait3A_147] : memref<20480x128xf32, #tpu.memory_space<hbm>> -> memref<20480x128xf32, #tpu.memory_space<hbm>>
        tpu.wait_indirect_dma semaphore(%arg17 : memref<!tpu.dma_semaphore, #tpu.memory_space<semaphore_mem>>) src(%dma_wait3A_148 : memref<20480x128xf32, #tpu.memory_space<hbm>>) dst(%arg12 : memref<40x128xf32, #tpu.memory_space<vmem>>)
        %dma_start3A_149 = arith.constant 0 : i32
        %dma_start3A_150 = arith.constant 0 : i32
        %dma_start3A_151 = tpu.memref_slice %arg9[%add3A_143, %dma_start3A_149, %dma_start3A_150] : memref<125x1x40xi32, #tpu.memory_space<vmem>> -> memref<1x1x40xi32, #tpu.memory_space<vmem>>
        %dma_start3A_152 = tpu.memref_squeeze %dma_start3A_151 : memref<1x1x40xi32, #tpu.memory_space<vmem>> -> memref<40xi32, #tpu.memory_space<vmem>>
        %dma_start3A_153 = arith.constant 0 : i32
        %dma_start3A_154 = arith.constant 0 : i32
        %dma_start3A_155 = tpu.memref_slice %arg25[%dma_start3A_153, %dma_start3A_154] : memref<10240x128xf32, #tpu.memory_space<vmem_shared>> -> memref<10240x128xf32, #tpu.memory_space<vmem_shared>>
        tpu.enqueue_indirect_dma source(%arg12 : memref<40x128xf32, #tpu.memory_space<vmem>>) target(%dma_start3A_155 : memref<10240x128xf32, #tpu.memory_space<vmem_shared>>) offsets(%dma_start3A_152 : memref<40xi32, #tpu.memory_space<vmem>>) semaphore(%arg22 : memref<!tpu.dma_semaphore, #tpu.memory_space<semaphore_mem>>) {add = true}
        %add3A_156 = arith.constant 4 : i32
        %add3A_157 = arith.addi %add3A_143, %add3A_156 : i32
        %lt3A_158 = arith.constant 125 : i32
        %lt3A_159 = arith.cmpi slt, %add3A_157, %lt3A_158 : i32
        %convert_element_type3A_160 = arith.extui %lt3A_159 : i1 to i32
        %cond3A_161 = arith.constant 0 : i32
        %cond3A_162 = arith.cmpi ne, %convert_element_type3A_160, %cond3A_161 : i32
        scf.if %cond3A_162 {
          %ge3A = arith.constant 1 : i32
          %ge3A_209 = arith.cmpi sge, %add3A_143, %ge3A : i32
          %convert_element_type3A_210 = arith.extui %ge3A_209 : i1 to i32
          %cond3A_211 = arith.constant 0 : i32
          %cond3A_212 = arith.cmpi ne, %convert_element_type3A_210, %cond3A_211 : i32
          scf.if %cond3A_212 {
            %dma_wait3A_221 = arith.constant 0 : i32
            %dma_wait3A_222 = arith.constant 0 : i32
            %dma_wait3A_223 = arith.constant 0 : i32
            %dma_wait3A_224 = tpu.memref_slice %arg9[%dma_wait3A_221, %dma_wait3A_222, %dma_wait3A_223] : memref<125x1x40xi32, #tpu.memory_space<vmem>> -> memref<1x1x40xi32, #tpu.memory_space<vmem>>
            %dma_wait3A_225 = tpu.memref_squeeze %dma_wait3A_224 : memref<1x1x40xi32, #tpu.memory_space<vmem>> -> memref<40xi32, #tpu.memory_space<vmem>>
            %dma_wait3A_226 = arith.constant 0 : i32
            %dma_wait3A_227 = arith.constant 0 : i32
            %dma_wait3A_228 = tpu.memref_slice %arg25[%dma_wait3A_226, %dma_wait3A_227] : memref<10240x128xf32, #tpu.memory_space<vmem_shared>> -> memref<10240x128xf32, #tpu.memory_space<vmem_shared>>
            tpu.wait_indirect_dma semaphore(%arg21 : memref<!tpu.dma_semaphore, #tpu.memory_space<semaphore_mem>>) src(%arg11 : memref<40x128xf32, #tpu.memory_space<vmem>>) dst(%dma_wait3A_228 : memref<10240x128xf32, #tpu.memory_space<vmem_shared>>)
          } else {
          }
          %add3A_213 = arith.constant 4 : i32
          %add3A_214 = arith.addi %add3A_143, %add3A_213 : i32
          %mul3A_215 = arith.constant 40 : i32
          %mul3A_216 = arith.muli %add3A_214, %mul3A_215 : i32
          %dma_start3A_217 = tpu.memref_slice %arg8[%mul3A_216] : memref<5000xi32, #tpu.memory_space<vmem>> -> memref<40xi32, #tpu.memory_space<vmem>>
          %dma_start3A_218 = arith.constant 0 : i32
          %dma_start3A_219 = arith.constant 0 : i32
          %dma_start3A_220 = tpu.memref_slice %arg2[%dma_start3A_218, %dma_start3A_219] : memref<20480x128xf32, #tpu.memory_space<hbm>> -> memref<20480x128xf32, #tpu.memory_space<hbm>>
          tpu.enqueue_indirect_dma source(%dma_start3A_220 : memref<20480x128xf32, #tpu.memory_space<hbm>>) target(%arg11 : memref<40x128xf32, #tpu.memory_space<vmem>>) offsets(%dma_start3A_217 : memref<40xi32, #tpu.memory_space<vmem>>) semaphore(%arg16 : memref<!tpu.dma_semaphore, #tpu.memory_space<semaphore_mem>>)
        } else {
        }
        %mul3A_163 = arith.constant 5 : i32
        %mul3A_164 = arith.muli %scan3A_96, %mul3A_163 : i32
        %add3A_165 = arith.constant 3 : i32
        %add3A_166 = arith.addi %mul3A_164, %add3A_165 : i32
        %dma_wait3A_167 = arith.constant 0 : i32
        %dma_wait3A_168 = tpu.memref_slice %arg8[%dma_wait3A_167] : memref<5000xi32, #tpu.memory_space<vmem>> -> memref<40xi32, #tpu.memory_space<vmem>>
        %dma_wait3A_169 = arith.constant 0 : i32
        %dma_wait3A_170 = arith.constant 0 : i32
        %dma_wait3A_171 = tpu.memref_slice %arg2[%dma_wait3A_169, %dma_wait3A_170] : memref<20480x128xf32, #tpu.memory_space<hbm>> -> memref<20480x128xf32, #tpu.memory_space<hbm>>
        tpu.wait_indirect_dma semaphore(%arg18 : memref<!tpu.dma_semaphore, #tpu.memory_space<semaphore_mem>>) src(%dma_wait3A_171 : memref<20480x128xf32, #tpu.memory_space<hbm>>) dst(%arg13 : memref<40x128xf32, #tpu.memory_space<vmem>>)
        %dma_start3A_172 = arith.constant 0 : i32
        %dma_start3A_173 = arith.constant 0 : i32
        %dma_start3A_174 = tpu.memref_slice %arg9[%add3A_166, %dma_start3A_172, %dma_start3A_173] : memref<125x1x40xi32, #tpu.memory_space<vmem>> -> memref<1x1x40xi32, #tpu.memory_space<vmem>>
        %dma_start3A_175 = tpu.memref_squeeze %dma_start3A_174 : memref<1x1x40xi32, #tpu.memory_space<vmem>> -> memref<40xi32, #tpu.memory_space<vmem>>
        %dma_start3A_176 = arith.constant 0 : i32
        %dma_start3A_177 = arith.constant 0 : i32
        %dma_start3A_178 = tpu.memref_slice %arg25[%dma_start3A_176, %dma_start3A_177] : memref<10240x128xf32, #tpu.memory_space<vmem_shared>> -> memref<10240x128xf32, #tpu.memory_space<vmem_shared>>
        tpu.enqueue_indirect_dma source(%arg13 : memref<40x128xf32, #tpu.memory_space<vmem>>) target(%dma_start3A_178 : memref<10240x128xf32, #tpu.memory_space<vmem_shared>>) offsets(%dma_start3A_175 : memref<40xi32, #tpu.memory_space<vmem>>) semaphore(%arg23 : memref<!tpu.dma_semaphore, #tpu.memory_space<semaphore_mem>>) {add = true}
        %add3A_179 = arith.constant 4 : i32
        %add3A_180 = arith.addi %add3A_166, %add3A_179 : i32
        %lt3A_181 = arith.constant 125 : i32
        %lt3A_182 = arith.cmpi slt, %add3A_180, %lt3A_181 : i32
        %convert_element_type3A_183 = arith.extui %lt3A_182 : i1 to i32
        %cond3A_184 = arith.constant 0 : i32
        %cond3A_185 = arith.cmpi ne, %convert_element_type3A_183, %cond3A_184 : i32
        scf.if %cond3A_185 {
          %ge3A = arith.constant 1 : i32
          %ge3A_209 = arith.cmpi sge, %add3A_166, %ge3A : i32
          %convert_element_type3A_210 = arith.extui %ge3A_209 : i1 to i32
          %cond3A_211 = arith.constant 0 : i32
          %cond3A_212 = arith.cmpi ne, %convert_element_type3A_210, %cond3A_211 : i32
          scf.if %cond3A_212 {
            %dma_wait3A_221 = arith.constant 0 : i32
            %dma_wait3A_222 = arith.constant 0 : i32
            %dma_wait3A_223 = arith.constant 0 : i32
            %dma_wait3A_224 = tpu.memref_slice %arg9[%dma_wait3A_221, %dma_wait3A_222, %dma_wait3A_223] : memref<125x1x40xi32, #tpu.memory_space<vmem>> -> memref<1x1x40xi32, #tpu.memory_space<vmem>>
            %dma_wait3A_225 = tpu.memref_squeeze %dma_wait3A_224 : memref<1x1x40xi32, #tpu.memory_space<vmem>> -> memref<40xi32, #tpu.memory_space<vmem>>
            %dma_wait3A_226 = arith.constant 0 : i32
            %dma_wait3A_227 = arith.constant 0 : i32
            %dma_wait3A_228 = tpu.memref_slice %arg25[%dma_wait3A_226, %dma_wait3A_227] : memref<10240x128xf32, #tpu.memory_space<vmem_shared>> -> memref<10240x128xf32, #tpu.memory_space<vmem_shared>>
            tpu.wait_indirect_dma semaphore(%arg22 : memref<!tpu.dma_semaphore, #tpu.memory_space<semaphore_mem>>) src(%arg12 : memref<40x128xf32, #tpu.memory_space<vmem>>) dst(%dma_wait3A_228 : memref<10240x128xf32, #tpu.memory_space<vmem_shared>>)
          } else {
          }
          %add3A_213 = arith.constant 4 : i32
          %add3A_214 = arith.addi %add3A_166, %add3A_213 : i32
          %mul3A_215 = arith.constant 40 : i32
          %mul3A_216 = arith.muli %add3A_214, %mul3A_215 : i32
          %dma_start3A_217 = tpu.memref_slice %arg8[%mul3A_216] : memref<5000xi32, #tpu.memory_space<vmem>> -> memref<40xi32, #tpu.memory_space<vmem>>
          %dma_start3A_218 = arith.constant 0 : i32
          %dma_start3A_219 = arith.constant 0 : i32
          %dma_start3A_220 = tpu.memref_slice %arg2[%dma_start3A_218, %dma_start3A_219] : memref<20480x128xf32, #tpu.memory_space<hbm>> -> memref<20480x128xf32, #tpu.memory_space<hbm>>
          tpu.enqueue_indirect_dma source(%dma_start3A_220 : memref<20480x128xf32, #tpu.memory_space<hbm>>) target(%arg12 : memref<40x128xf32, #tpu.memory_space<vmem>>) offsets(%dma_start3A_217 : memref<40xi32, #tpu.memory_space<vmem>>) semaphore(%arg17 : memref<!tpu.dma_semaphore, #tpu.memory_space<semaphore_mem>>)
        } else {
        }
        %mul3A_186 = arith.constant 5 : i32
        %mul3A_187 = arith.muli %scan3A_96, %mul3A_186 : i32
        %add3A_188 = arith.constant 4 : i32
        %add3A_189 = arith.addi %mul3A_187, %add3A_188 : i32
        %dma_wait3A_190 = arith.constant 0 : i32
        %dma_wait3A_191 = tpu.memref_slice %arg8[%dma_wait3A_190] : memref<5000xi32, #tpu.memory_space<vmem>> -> memref<40xi32, #tpu.memory_space<vmem>>
        %dma_wait3A_192 = arith.constant 0 : i32
        %dma_wait3A_193 = arith.constant 0 : i32
        %dma_wait3A_194 = tpu.memref_slice %arg2[%dma_wait3A_192, %dma_wait3A_193] : memref<20480x128xf32, #tpu.memory_space<hbm>> -> memref<20480x128xf32, #tpu.memory_space<hbm>>
        tpu.wait_indirect_dma semaphore(%arg19 : memref<!tpu.dma_semaphore, #tpu.memory_space<semaphore_mem>>) src(%dma_wait3A_194 : memref<20480x128xf32, #tpu.memory_space<hbm>>) dst(%arg14 : memref<40x128xf32, #tpu.memory_space<vmem>>)
        %dma_start3A_195 = arith.constant 0 : i32
        %dma_start3A_196 = arith.constant 0 : i32
        %dma_start3A_197 = tpu.memref_slice %arg9[%add3A_189, %dma_start3A_195, %dma_start3A_196] : memref<125x1x40xi32, #tpu.memory_space<vmem>> -> memref<1x1x40xi32, #tpu.memory_space<vmem>>
        %dma_start3A_198 = tpu.memref_squeeze %dma_start3A_197 : memref<1x1x40xi32, #tpu.memory_space<vmem>> -> memref<40xi32, #tpu.memory_space<vmem>>
        %dma_start3A_199 = arith.constant 0 : i32
        %dma_start3A_200 = arith.constant 0 : i32
        %dma_start3A_201 = tpu.memref_slice %arg25[%dma_start3A_199, %dma_start3A_200] : memref<10240x128xf32, #tpu.memory_space<vmem_shared>> -> memref<10240x128xf32, #tpu.memory_space<vmem_shared>>
        tpu.enqueue_indirect_dma source(%arg14 : memref<40x128xf32, #tpu.memory_space<vmem>>) target(%dma_start3A_201 : memref<10240x128xf32, #tpu.memory_space<vmem_shared>>) offsets(%dma_start3A_198 : memref<40xi32, #tpu.memory_space<vmem>>) semaphore(%arg24 : memref<!tpu.dma_semaphore, #tpu.memory_space<semaphore_mem>>) {add = true}
        %add3A_202 = arith.constant 4 : i32
        %add3A_203 = arith.addi %add3A_189, %add3A_202 : i32
        %lt3A_204 = arith.constant 125 : i32
        %lt3A_205 = arith.cmpi slt, %add3A_203, %lt3A_204 : i32
        %convert_element_type3A_206 = arith.extui %lt3A_205 : i1 to i32
        %cond3A_207 = arith.constant 0 : i32
        %cond3A_208 = arith.cmpi ne, %convert_element_type3A_206, %cond3A_207 : i32
        scf.if %cond3A_208 {
          %ge3A = arith.constant 1 : i32
          %ge3A_209 = arith.cmpi sge, %add3A_189, %ge3A : i32
          %convert_element_type3A_210 = arith.extui %ge3A_209 : i1 to i32
          %cond3A_211 = arith.constant 0 : i32
          %cond3A_212 = arith.cmpi ne, %convert_element_type3A_210, %cond3A_211 : i32
          scf.if %cond3A_212 {
            %dma_wait3A_221 = arith.constant 0 : i32
            %dma_wait3A_222 = arith.constant 0 : i32
            %dma_wait3A_223 = arith.constant 0 : i32
            %dma_wait3A_224 = tpu.memref_slice %arg9[%dma_wait3A_221, %dma_wait3A_222, %dma_wait3A_223] : memref<125x1x40xi32, #tpu.memory_space<vmem>> -> memref<1x1x40xi32, #tpu.memory_space<vmem>>
            %dma_wait3A_225 = tpu.memref_squeeze %dma_wait3A_224 : memref<1x1x40xi32, #tpu.memory_space<vmem>> -> memref<40xi32, #tpu.memory_space<vmem>>
            %dma_wait3A_226 = arith.constant 0 : i32
            %dma_wait3A_227 = arith.constant 0 : i32
            %dma_wait3A_228 = tpu.memref_slice %arg25[%dma_wait3A_226, %dma_wait3A_227] : memref<10240x128xf32, #tpu.memory_space<vmem_shared>> -> memref<10240x128xf32, #tpu.memory_space<vmem_shared>>
            tpu.wait_indirect_dma semaphore(%arg23 : memref<!tpu.dma_semaphore, #tpu.memory_space<semaphore_mem>>) src(%arg13 : memref<40x128xf32, #tpu.memory_space<vmem>>) dst(%dma_wait3A_228 : memref<10240x128xf32, #tpu.memory_space<vmem_shared>>)
          } else {
          }
          %add3A_213 = arith.constant 4 : i32
          %add3A_214 = arith.addi %add3A_189, %add3A_213 : i32
          %mul3A_215 = arith.constant 40 : i32
          %mul3A_216 = arith.muli %add3A_214, %mul3A_215 : i32
          %dma_start3A_217 = tpu.memref_slice %arg8[%mul3A_216] : memref<5000xi32, #tpu.memory_space<vmem>> -> memref<40xi32, #tpu.memory_space<vmem>>
          %dma_start3A_218 = arith.constant 0 : i32
          %dma_start3A_219 = arith.constant 0 : i32
          %dma_start3A_220 = tpu.memref_slice %arg2[%dma_start3A_218, %dma_start3A_219] : memref<20480x128xf32, #tpu.memory_space<hbm>> -> memref<20480x128xf32, #tpu.memory_space<hbm>>
          tpu.enqueue_indirect_dma source(%dma_start3A_220 : memref<20480x128xf32, #tpu.memory_space<hbm>>) target(%arg13 : memref<40x128xf32, #tpu.memory_space<vmem>>) offsets(%dma_start3A_217 : memref<40xi32, #tpu.memory_space<vmem>>) semaphore(%arg18 : memref<!tpu.dma_semaphore, #tpu.memory_space<semaphore_mem>>)
        } else {
        }
      }
      %scan3A_56 = arith.constant 25 : i32
      %dma_wait3A = arith.constant 0 : i32
      %dma_wait3A_57 = arith.constant 0 : i32
      %dma_wait3A_58 = arith.constant 0 : i32
      %dma_wait3A_59 = tpu.memref_slice %arg9[%dma_wait3A, %dma_wait3A_57, %dma_wait3A_58] : memref<125x1x40xi32, #tpu.memory_space<vmem>> -> memref<1x1x40xi32, #tpu.memory_space<vmem>>
      %dma_wait3A_60 = tpu.memref_squeeze %dma_wait3A_59 : memref<1x1x40xi32, #tpu.memory_space<vmem>> -> memref<40xi32, #tpu.memory_space<vmem>>
      %dma_wait3A_61 = arith.constant 0 : i32
      %dma_wait3A_62 = arith.constant 0 : i32
      %dma_wait3A_63 = tpu.memref_slice %arg25[%dma_wait3A_61, %dma_wait3A_62] : memref<10240x128xf32, #tpu.memory_space<vmem_shared>> -> memref<10240x128xf32, #tpu.memory_space<vmem_shared>>
      tpu.wait_indirect_dma semaphore(%arg20 : memref<!tpu.dma_semaphore, #tpu.memory_space<semaphore_mem>>) src(%arg10 : memref<40x128xf32, #tpu.memory_space<vmem>>) dst(%dma_wait3A_63 : memref<10240x128xf32, #tpu.memory_space<vmem_shared>>)
      %dma_wait3A_64 = arith.constant 0 : i32
      %dma_wait3A_65 = arith.constant 0 : i32
      %dma_wait3A_66 = arith.constant 0 : i32
      %dma_wait3A_67 = tpu.memref_slice %arg9[%dma_wait3A_64, %dma_wait3A_65, %dma_wait3A_66] : memref<125x1x40xi32, #tpu.memory_space<vmem>> -> memref<1x1x40xi32, #tpu.memory_space<vmem>>
      %dma_wait3A_68 = tpu.memref_squeeze %dma_wait3A_67 : memref<1x1x40xi32, #tpu.memory_space<vmem>> -> memref<40xi32, #tpu.memory_space<vmem>>
      %dma_wait3A_69 = arith.constant 0 : i32
      %dma_wait3A_70 = arith.constant 0 : i32
      %dma_wait3A_71 = tpu.memref_slice %arg25[%dma_wait3A_69, %dma_wait3A_70] : memref<10240x128xf32, #tpu.memory_space<vmem_shared>> -> memref<10240x128xf32, #tpu.memory_space<vmem_shared>>
      tpu.wait_indirect_dma semaphore(%arg21 : memref<!tpu.dma_semaphore, #tpu.memory_space<semaphore_mem>>) src(%arg11 : memref<40x128xf32, #tpu.memory_space<vmem>>) dst(%dma_wait3A_71 : memref<10240x128xf32, #tpu.memory_space<vmem_shared>>)
      %dma_wait3A_72 = arith.constant 0 : i32
      %dma_wait3A_73 = arith.constant 0 : i32
      %dma_wait3A_74 = arith.constant 0 : i32
      %dma_wait3A_75 = tpu.memref_slice %arg9[%dma_wait3A_72, %dma_wait3A_73, %dma_wait3A_74] : memref<125x1x40xi32, #tpu.memory_space<vmem>> -> memref<1x1x40xi32, #tpu.memory_space<vmem>>
      %dma_wait3A_76 = tpu.memref_squeeze %dma_wait3A_75 : memref<1x1x40xi32, #tpu.memory_space<vmem>> -> memref<40xi32, #tpu.memory_space<vmem>>
      %dma_wait3A_77 = arith.constant 0 : i32
      %dma_wait3A_78 = arith.constant 0 : i32
      %dma_wait3A_79 = tpu.memref_slice %arg25[%dma_wait3A_77, %dma_wait3A_78] : memref<10240x128xf32, #tpu.memory_space<vmem_shared>> -> memref<10240x128xf32, #tpu.memory_space<vmem_shared>>
      tpu.wait_indirect_dma semaphore(%arg22 : memref<!tpu.dma_semaphore, #tpu.memory_space<semaphore_mem>>) src(%arg12 : memref<40x128xf32, #tpu.memory_space<vmem>>) dst(%dma_wait3A_79 : memref<10240x128xf32, #tpu.memory_space<vmem_shared>>)
      %dma_wait3A_80 = arith.constant 0 : i32
      %dma_wait3A_81 = arith.constant 0 : i32
      %dma_wait3A_82 = arith.constant 0 : i32
      %dma_wait3A_83 = tpu.memref_slice %arg9[%dma_wait3A_80, %dma_wait3A_81, %dma_wait3A_82] : memref<125x1x40xi32, #tpu.memory_space<vmem>> -> memref<1x1x40xi32, #tpu.memory_space<vmem>>
      %dma_wait3A_84 = tpu.memref_squeeze %dma_wait3A_83 : memref<1x1x40xi32, #tpu.memory_space<vmem>> -> memref<40xi32, #tpu.memory_space<vmem>>
      %dma_wait3A_85 = arith.constant 0 : i32
      %dma_wait3A_86 = arith.constant 0 : i32
      %dma_wait3A_87 = tpu.memref_slice %arg25[%dma_wait3A_85, %dma_wait3A_86] : memref<10240x128xf32, #tpu.memory_space<vmem_shared>> -> memref<10240x128xf32, #tpu.memory_space<vmem_shared>>
      tpu.wait_indirect_dma semaphore(%arg23 : memref<!tpu.dma_semaphore, #tpu.memory_space<semaphore_mem>>) src(%arg13 : memref<40x128xf32, #tpu.memory_space<vmem>>) dst(%dma_wait3A_87 : memref<10240x128xf32, #tpu.memory_space<vmem_shared>>)
      %dma_wait3A_88 = arith.constant 0 : i32
      %dma_wait3A_89 = arith.constant 0 : i32
      %dma_wait3A_90 = arith.constant 0 : i32
      %dma_wait3A_91 = tpu.memref_slice %arg9[%dma_wait3A_88, %dma_wait3A_89, %dma_wait3A_90] : memref<125x1x40xi32, #tpu.memory_space<vmem>> -> memref<1x1x40xi32, #tpu.memory_space<vmem>>
      %dma_wait3A_92 = tpu.memref_squeeze %dma_wait3A_91 : memref<1x1x40xi32, #tpu.memory_space<vmem>> -> memref<40xi32, #tpu.memory_space<vmem>>
      %dma_wait3A_93 = arith.constant 0 : i32
      %dma_wait3A_94 = arith.constant 0 : i32
      %dma_wait3A_95 = tpu.memref_slice %arg25[%dma_wait3A_93, %dma_wait3A_94] : memref<10240x128xf32, #tpu.memory_space<vmem_shared>> -> memref<10240x128xf32, #tpu.memory_space<vmem_shared>>
      tpu.wait_indirect_dma semaphore(%arg24 : memref<!tpu.dma_semaphore, #tpu.memory_space<semaphore_mem>>) src(%arg14 : memref<40x128xf32, #tpu.memory_space<vmem>>) dst(%dma_wait3A_95 : memref<10240x128xf32, #tpu.memory_space<vmem_shared>>)
    }
    %scan3A_15 = arith.constant 2 : i32
    %barrier3A_16 = arith.constant 0 : index
    tpu.barrier barrier_id(%barrier3A_16)
    %mul3A_17 = arith.constant 10240 : i32
    %mul3A_18 = arith.muli %add3A_10, %mul3A_17 : i32
    %add3A_19 = arith.addi %mul3A_18, %mul3A_6 : i32
    "tpu.region"() ({
      %run_scoped3A = tpu.sem_alloc : memref<!tpu.dma_semaphore, #tpu.memory_space<semaphore_mem>>
      %dma_start3A = arith.constant 0 : i32
      %dma_start3A_20 = tpu.memref_slice %arg7[%add3A_19, %dma_start3A] : memref<20480x128xf32, #tpu.memory_space<hbm>> -> memref<640x128xf32, #tpu.memory_space<hbm>>
      %dma_start3A_21 = arith.constant 0 : i32
      %dma_start3A_22 = tpu.memref_slice %arg25[%mul3A_6, %dma_start3A_21] : memref<10240x128xf32, #tpu.memory_space<vmem_shared>> -> memref<640x128xf32, #tpu.memory_space<vmem_shared>>
      tpu.enqueue_dma source(%dma_start3A_22 : memref<640x128xf32, #tpu.memory_space<vmem_shared>>) target(%dma_start3A_20 : memref<640x128xf32, #tpu.memory_space<hbm>>) target_semaphore(%run_scoped3A : memref<!tpu.dma_semaphore, #tpu.memory_space<semaphore_mem>>)
      %dma_wait3A = arith.constant 0 : i32
      %dma_wait3A_23 = tpu.memref_slice %arg7[%add3A_19, %dma_wait3A] : memref<20480x128xf32, #tpu.memory_space<hbm>> -> memref<640x128xf32, #tpu.memory_space<hbm>>
      %dma_wait3A_24 = arith.constant 0 : i32
      %dma_wait3A_25 = tpu.memref_slice %arg25[%mul3A_6, %dma_wait3A_24] : memref<10240x128xf32, #tpu.memory_space<vmem_shared>> -> memref<640x128xf32, #tpu.memory_space<vmem_shared>>
      tpu.wait_dma2 semaphore(%run_scoped3A : memref<!tpu.dma_semaphore, #tpu.memory_space<semaphore_mem>>) src(%dma_wait3A_25 : memref<640x128xf32, #tpu.memory_space<vmem_shared>>) dst(%dma_wait3A_23 : memref<640x128xf32, #tpu.memory_space<hbm>>)
      tpu.yield
    }) : () -> ()
    return
  }
}

#map = affine_map<(d0, d1) -> (0, 0)>
#map1 = affine_map<(d0, d1) -> (0)>
#map2 = affine_map<(d0, d1) -> (0, 0, 0)>
module attributes {stable_mosaic.version = 14 : i64} {
  func.func @k(%arg0: i32, %arg1: i32, %arg2: memref<20480x128xf32, #tpu.memory_space<hbm>>, %arg3: memref<320000xi32, #tpu.memory_space<hbm>>, %arg4: memref<4000x1x40xi32, #tpu.memory_space<hbm>>, %arg5: memref<640x128xf32, #tpu.memory_space<hbm>>, %arg6: memref<40x128xf32, #tpu.memory_space<hbm>>, %arg7: memref<20480x128xf32, #tpu.memory_space<hbm>>, %arg8: memref<5000xi32, #tpu.memory_space<vmem>>, %arg9: memref<125x1x40xi32, #tpu.memory_space<vmem>>, %arg10: memref<40x128xf32, #tpu.memory_space<vmem>>, %arg11: memref<40x128xf32, #tpu.memory_space<vmem>>, %arg12: memref<40x128xf32, #tpu.memory_space<vmem>>, %arg13: memref<40x128xf32, #tpu.memory_space<vmem>>, %arg14: memref<40x128xf32, #tpu.memory_space<vmem>>, %arg15: memref<!tpu.dma_semaphore, #tpu.memory_space<semaphore_mem>>, %arg16: memref<!tpu.dma_semaphore, #tpu.memory_space<semaphore_mem>>, %arg17: memref<!tpu.dma_semaphore, #tpu.memory_space<semaphore_mem>>, %arg18: memref<!tpu.dma_semaphore, #tpu.memory_space<semaphore_mem>>, %arg19: memref<!tpu.dma_semaphore, #tpu.memory_space<semaphore_mem>>, %arg20: memref<!tpu.dma_semaphore, #tpu.memory_space<semaphore_mem>>, %arg21: memref<!tpu.dma_semaphore, #tpu.memory_space<semaphore_mem>>, %arg22: memref<!tpu.dma_semaphore, #tpu.memory_space<semaphore_mem>>, %arg23: memref<!tpu.dma_semaphore, #tpu.memory_space<semaphore_mem>>, %arg24: memref<!tpu.dma_semaphore, #tpu.memory_space<semaphore_mem>>, %arg25: memref<10240x128xf32, #tpu.memory_space<vmem_shared>>) attributes {dimension_semantics = [#tpu.dimension_semantics<core_parallel>, #tpu.dimension_semantics<subcore_parallel>], iteration_bounds = array<i64: 2, 16>, scalar_prefetch = 0 : i64, scratch_operands = 18 : i64, tpu.core_type = #tpu.core_type<sc_vector_subcore>, window_params = [{transform_indices = #map}, {transform_indices = #map1}, {transform_indices = #map2}, {transform_indices = #map}, {transform_indices = #map}, {transform_indices = #map}]} {
    %mul3A = arith.constant 2 : i32
    %mul3A_0 = arith.muli %arg1, %mul3A : i32
    %add3A = arith.addi %mul3A_0, %arg0 : i32
    %mul3A_1 = arith.constant 10000 : i32
    %mul3A_2 = arith.muli %arg1, %mul3A_1 : i32
    %mul3A_3 = arith.constant 250 : i32
    %mul3A_4 = arith.muli %arg1, %mul3A_3 : i32
    %mul3A_5 = arith.constant 640 : i32
    %mul3A_6 = arith.muli %arg1, %mul3A_5 : i32
    %mul3A_7 = arith.constant 1 : i32
    %mul3A_8 = arith.muli %arg0, %mul3A_7 : i32
    %add3A_9 = arith.constant 0 : i32
    %add3A_10 = arith.addi %mul3A_8, %add3A_9 : i32
    "tpu.region"() ({
      %run_scoped3A = tpu.sem_alloc : memref<!tpu.dma_semaphore, #tpu.memory_space<semaphore_mem>>
      %dma_start3A = arith.constant 0 : i32
      %dma_start3A_20 = tpu.memref_slice %arg25[%mul3A_6, %dma_start3A] : memref<10240x128xf32, #tpu.memory_space<vmem_shared>> -> memref<640x128xf32, #tpu.memory_space<vmem_shared>>
      tpu.enqueue_dma source(%arg5 : memref<640x128xf32, #tpu.memory_space<hbm>>) target(%dma_start3A_20 : memref<640x128xf32, #tpu.memory_space<vmem_shared>>) target_semaphore(%run_scoped3A : memref<!tpu.dma_semaphore, #tpu.memory_space<semaphore_mem>>)
      %dma_wait3A = arith.constant 0 : i32
      %dma_wait3A_21 = tpu.memref_slice %arg25[%mul3A_6, %dma_wait3A] : memref<10240x128xf32, #tpu.memory_space<vmem_shared>> -> memref<640x128xf32, #tpu.memory_space<vmem_shared>>
      tpu.wait_dma2 semaphore(%run_scoped3A : memref<!tpu.dma_semaphore, #tpu.memory_space<semaphore_mem>>) src(%arg5 : memref<640x128xf32, #tpu.memory_space<hbm>>) dst(%dma_wait3A_21 : memref<640x128xf32, #tpu.memory_space<vmem_shared>>)
      tpu.yield
    }) : () -> ()
    %barrier3A = arith.constant 0 : index
    tpu.barrier barrier_id(%barrier3A)
    %scan3A = arith.constant 0 : i32
    %scan3A_11 = arith.constant 0 : i32
    %scan3A_12 = arith.constant 2 : i32
    %scan3A_13 = arith.addi %scan3A_11, %scan3A_12 : i32
    %scan3A_14 = arith.constant 1 : i32
    scf.for %scan3A_20 = %scan3A_11 to %scan3A_13 step %scan3A_14  : i32 {
      %mul3A_21 = arith.constant 125 : i32
      %mul3A_22 = arith.muli %scan3A_20, %mul3A_21 : i32
      %add3A_23 = arith.addi %mul3A_4, %mul3A_22 : i32
      "tpu.region"() ({
        %run_scoped3A = tpu.sem_alloc : memref<!tpu.dma_semaphore, #tpu.memory_space<semaphore_mem>>
        %dma_start3A_96 = arith.constant 0 : i32
        %dma_start3A_97 = arith.constant 0 : i32
        %dma_start3A_98 = tpu.memref_slice %arg4[%add3A_23, %dma_start3A_96, %dma_start3A_97] : memref<4000x1x40xi32, #tpu.memory_space<hbm>> -> memref<125x1x40xi32, #tpu.memory_space<hbm>>
        %dma_start3A_99 = arith.constant 0 : i32
        %dma_start3A_100 = arith.constant 0 : i32
        %dma_start3A_101 = tpu.memref_slice %arg4[%add3A_23, %dma_start3A_99, %dma_start3A_100] : memref<4000x1x40xi32, #tpu.memory_space<hbm>> -> memref<125x1x40xi32, #tpu.memory_space<hbm>>
        tpu.enqueue_dma source(%dma_start3A_101 : memref<125x1x40xi32, #tpu.memory_space<hbm>>) target(%arg9 : memref<125x1x40xi32, #tpu.memory_space<vmem>>) target_semaphore(%run_scoped3A : memref<!tpu.dma_semaphore, #tpu.memory_space<semaphore_mem>>)
        %dma_wait3A_102 = arith.constant 0 : i32
        %dma_wait3A_103 = arith.constant 0 : i32
        %dma_wait3A_104 = tpu.memref_slice %arg4[%add3A_23, %dma_wait3A_102, %dma_wait3A_103] : memref<4000x1x40xi32, #tpu.memory_space<hbm>> -> memref<125x1x40xi32, #tpu.memory_space<hbm>>
        %dma_wait3A_105 = arith.constant 0 : i32
        %dma_wait3A_106 = arith.constant 0 : i32
        %dma_wait3A_107 = tpu.memref_slice %arg4[%add3A_23, %dma_wait3A_105, %dma_wait3A_106] : memref<4000x1x40xi32, #tpu.memory_space<hbm>> -> memref<125x1x40xi32, #tpu.memory_space<hbm>>
        tpu.wait_dma2 semaphore(%run_scoped3A : memref<!tpu.dma_semaphore, #tpu.memory_space<semaphore_mem>>) src(%dma_wait3A_107 : memref<125x1x40xi32, #tpu.memory_space<hbm>>) dst(%arg9 : memref<125x1x40xi32, #tpu.memory_space<vmem>>)
        tpu.yield
      }) : () -> ()
      %mul3A_24 = arith.constant 160000 : i32
      %mul3A_25 = arith.muli %add3A_10, %mul3A_24 : i32
      %add3A_26 = arith.addi %mul3A_25, %mul3A_2 : i32
      %mul3A_27 = arith.constant 125 : i32
      %mul3A_28 = arith.muli %scan3A_20, %mul3A_27 : i32
      %mul3A_29 = arith.constant 40 : i32
      %mul3A_30 = arith.muli %mul3A_28, %mul3A_29 : i32
      %add3A_31 = arith.addi %add3A_26, %mul3A_30 : i32
      "tpu.region"() ({
        %run_scoped3A = tpu.sem_alloc : memref<!tpu.dma_semaphore, #tpu.memory_space<semaphore_mem>>
        %dma_start3A_96 = tpu.memref_slice %arg3[%add3A_31] : memref<320000xi32, #tpu.memory_space<hbm>> -> memref<5000xi32, #tpu.memory_space<hbm>>
        %dma_start3A_97 = tpu.memref_slice %arg3[%add3A_31] : memref<320000xi32, #tpu.memory_space<hbm>> -> memref<5000xi32, #tpu.memory_space<hbm>>
        tpu.enqueue_dma source(%dma_start3A_97 : memref<5000xi32, #tpu.memory_space<hbm>>) target(%arg8 : memref<5000xi32, #tpu.memory_space<vmem>>) target_semaphore(%run_scoped3A : memref<!tpu.dma_semaphore, #tpu.memory_space<semaphore_mem>>)
        %dma_wait3A_98 = tpu.memref_slice %arg3[%add3A_31] : memref<320000xi32, #tpu.memory_space<hbm>> -> memref<5000xi32, #tpu.memory_space<hbm>>
        %dma_wait3A_99 = tpu.memref_slice %arg3[%add3A_31] : memref<320000xi32, #tpu.memory_space<hbm>> -> memref<5000xi32, #tpu.memory_space<hbm>>
        tpu.wait_dma2 semaphore(%run_scoped3A : memref<!tpu.dma_semaphore, #tpu.memory_space<semaphore_mem>>) src(%dma_wait3A_99 : memref<5000xi32, #tpu.memory_space<hbm>>) dst(%arg8 : memref<5000xi32, #tpu.memory_space<vmem>>)
        tpu.yield
      }) : () -> ()
      %dma_start3A = arith.constant 0 : i32
      %dma_start3A_32 = tpu.memref_slice %arg8[%dma_start3A] : memref<5000xi32, #tpu.memory_space<vmem>> -> memref<40xi32, #tpu.memory_space<vmem>>
      %dma_start3A_33 = arith.constant 0 : i32
      %dma_start3A_34 = arith.constant 0 : i32
      %dma_start3A_35 = tpu.memref_slice %arg2[%dma_start3A_33, %dma_start3A_34] : memref<20480x128xf32, #tpu.memory_space<hbm>> -> memref<20480x128xf32, #tpu.memory_space<hbm>>
      tpu.enqueue_indirect_dma source(%dma_start3A_35 : memref<20480x128xf32, #tpu.memory_space<hbm>>) target(%arg10 : memref<40x128xf32, #tpu.memory_space<vmem>>) offsets(%dma_start3A_32 : memref<40xi32, #tpu.memory_space<vmem>>) semaphore(%arg15 : memref<!tpu.dma_semaphore, #tpu.memory_space<semaphore_mem>>)
      %dma_start3A_36 = arith.constant 40 : i32
      %dma_start3A_37 = tpu.memref_slice %arg8[%dma_start3A_36] : memref<5000xi32, #tpu.memory_space<vmem>> -> memref<40xi32, #tpu.memory_space<vmem>>
      %dma_start3A_38 = arith.constant 0 : i32
      %dma_start3A_39 = arith.constant 0 : i32
      %dma_start3A_40 = tpu.memref_slice %arg2[%dma_start3A_38, %dma_start3A_39] : memref<20480x128xf32, #tpu.memory_space<hbm>> -> memref<20480x128xf32, #tpu.memory_space<hbm>>
      tpu.enqueue_indirect_dma source(%dma_start3A_40 : memref<20480x128xf32, #tpu.memory_space<hbm>>) target(%arg11 : memref<40x128xf32, #tpu.memory_space<vmem>>) offsets(%dma_start3A_37 : memref<40xi32, #tpu.memory_space<vmem>>) semaphore(%arg16 : memref<!tpu.dma_semaphore, #tpu.memory_space<semaphore_mem>>)
      %dma_start3A_41 = arith.constant 80 : i32
      %dma_start3A_42 = tpu.memref_slice %arg8[%dma_start3A_41] : memref<5000xi32, #tpu.memory_space<vmem>> -> memref<40xi32, #tpu.memory_space<vmem>>
      %dma_start3A_43 = arith.constant 0 : i32
      %dma_start3A_44 = arith.constant 0 : i32
      %dma_start3A_45 = tpu.memref_slice %arg2[%dma_start3A_43, %dma_start3A_44] : memref<20480x128xf32, #tpu.memory_space<hbm>> -> memref<20480x128xf32, #tpu.memory_space<hbm>>
      tpu.enqueue_indirect_dma source(%dma_start3A_45 : memref<20480x128xf32, #tpu.memory_space<hbm>>) target(%arg12 : memref<40x128xf32, #tpu.memory_space<vmem>>) offsets(%dma_start3A_42 : memref<40xi32, #tpu.memory_space<vmem>>) semaphore(%arg17 : memref<!tpu.dma_semaphore, #tpu.memory_space<semaphore_mem>>)
      %dma_start3A_46 = arith.constant 120 : i32
      %dma_start3A_47 = tpu.memref_slice %arg8[%dma_start3A_46] : memref<5000xi32, #tpu.memory_space<vmem>> -> memref<40xi32, #tpu.memory_space<vmem>>
      %dma_start3A_48 = arith.constant 0 : i32
      %dma_start3A_49 = arith.constant 0 : i32
      %dma_start3A_50 = tpu.memref_slice %arg2[%dma_start3A_48, %dma_start3A_49] : memref<20480x128xf32, #tpu.memory_space<hbm>> -> memref<20480x128xf32, #tpu.memory_space<hbm>>
      tpu.enqueue_indirect_dma source(%dma_start3A_50 : memref<20480x128xf32, #tpu.memory_space<hbm>>) target(%arg13 : memref<40x128xf32, #tpu.memory_space<vmem>>) offsets(%dma_start3A_47 : memref<40xi32, #tpu.memory_space<vmem>>) semaphore(%arg18 : memref<!tpu.dma_semaphore, #tpu.memory_space<semaphore_mem>>)
      %scan3A_51 = arith.constant 0 : i32
      %scan3A_52 = arith.constant 0 : i32
      %scan3A_53 = arith.constant 25 : i32
      %scan3A_54 = arith.addi %scan3A_52, %scan3A_53 : i32
      %scan3A_55 = arith.constant 1 : i32
      scf.for %scan3A_96 = %scan3A_52 to %scan3A_54 step %scan3A_55  : i32 {
        %mul3A_97 = arith.constant 5 : i32
        %mul3A_98 = arith.muli %scan3A_96, %mul3A_97 : i32
        %add3A_99 = arith.constant 0 : i32
        %add3A_100 = arith.addi %mul3A_98, %add3A_99 : i32
        %dma_wait3A_101 = arith.constant 0 : i32
        %dma_wait3A_102 = tpu.memref_slice %arg8[%dma_wait3A_101] : memref<5000xi32, #tpu.memory_space<vmem>> -> memref<40xi32, #tpu.memory_space<vmem>>
        %dma_wait3A_103 = arith.constant 0 : i32
        %dma_wait3A_104 = arith.constant 0 : i32
        %dma_wait3A_105 = tpu.memref_slice %arg2[%dma_wait3A_103, %dma_wait3A_104] : memref<20480x128xf32, #tpu.memory_space<hbm>> -> memref<20480x128xf32, #tpu.memory_space<hbm>>
        tpu.wait_indirect_dma semaphore(%arg15 : memref<!tpu.dma_semaphore, #tpu.memory_space<semaphore_mem>>) src(%dma_wait3A_105 : memref<20480x128xf32, #tpu.memory_space<hbm>>) dst(%arg10 : memref<40x128xf32, #tpu.memory_space<vmem>>)
        %dma_start3A_106 = arith.constant 0 : i32
        %dma_start3A_107 = arith.constant 0 : i32
        %dma_start3A_108 = tpu.memref_slice %arg9[%add3A_100, %dma_start3A_106, %dma_start3A_107] : memref<125x1x40xi32, #tpu.memory_space<vmem>> -> memref<1x1x40xi32, #tpu.memory_space<vmem>>
        %dma_start3A_109 = tpu.memref_squeeze %dma_start3A_108 : memref<1x1x40xi32, #tpu.memory_space<vmem>> -> memref<40xi32, #tpu.memory_space<vmem>>
        %dma_start3A_110 = arith.constant 0 : i32
        %dma_start3A_111 = arith.constant 0 : i32
        %dma_start3A_112 = tpu.memref_slice %arg25[%dma_start3A_110, %dma_start3A_111] : memref<10240x128xf32, #tpu.memory_space<vmem_shared>> -> memref<10240x128xf32, #tpu.memory_space<vmem_shared>>
        tpu.enqueue_indirect_dma source(%arg10 : memref<40x128xf32, #tpu.memory_space<vmem>>) target(%dma_start3A_112 : memref<10240x128xf32, #tpu.memory_space<vmem_shared>>) offsets(%dma_start3A_109 : memref<40xi32, #tpu.memory_space<vmem>>) semaphore(%arg20 : memref<!tpu.dma_semaphore, #tpu.memory_space<semaphore_mem>>) {add = true}
        %add3A_113 = arith.constant 4 : i32
        %add3A_114 = arith.addi %add3A_100, %add3A_113 : i32
        %lt3A = arith.constant 125 : i32
        %lt3A_115 = arith.cmpi slt, %add3A_114, %lt3A : i32
        %convert_element_type3A = arith.extui %lt3A_115 : i1 to i32
        %cond3A = arith.constant 0 : i32
        %cond3A_116 = arith.cmpi ne, %convert_element_type3A, %cond3A : i32
        scf.if %cond3A_116 {
          %ge3A = arith.constant 1 : i32
          %ge3A_209 = arith.cmpi sge, %add3A_100, %ge3A : i32
          %convert_element_type3A_210 = arith.extui %ge3A_209 : i1 to i32
          %cond3A_211 = arith.constant 0 : i32
          %cond3A_212 = arith.cmpi ne, %convert_element_type3A_210, %cond3A_211 : i32
          scf.if %cond3A_212 {
            %dma_wait3A_221 = arith.constant 0 : i32
            %dma_wait3A_222 = arith.constant 0 : i32
            %dma_wait3A_223 = arith.constant 0 : i32
            %dma_wait3A_224 = tpu.memref_slice %arg9[%dma_wait3A_221, %dma_wait3A_222, %dma_wait3A_223] : memref<125x1x40xi32, #tpu.memory_space<vmem>> -> memref<1x1x40xi32, #tpu.memory_space<vmem>>
            %dma_wait3A_225 = tpu.memref_squeeze %dma_wait3A_224 : memref<1x1x40xi32, #tpu.memory_space<vmem>> -> memref<40xi32, #tpu.memory_space<vmem>>
            %dma_wait3A_226 = arith.constant 0 : i32
            %dma_wait3A_227 = arith.constant 0 : i32
            %dma_wait3A_228 = tpu.memref_slice %arg25[%dma_wait3A_226, %dma_wait3A_227] : memref<10240x128xf32, #tpu.memory_space<vmem_shared>> -> memref<10240x128xf32, #tpu.memory_space<vmem_shared>>
            tpu.wait_indirect_dma semaphore(%arg24 : memref<!tpu.dma_semaphore, #tpu.memory_space<semaphore_mem>>) src(%arg14 : memref<40x128xf32, #tpu.memory_space<vmem>>) dst(%dma_wait3A_228 : memref<10240x128xf32, #tpu.memory_space<vmem_shared>>)
          } else {
          }
          %add3A_213 = arith.constant 4 : i32
          %add3A_214 = arith.addi %add3A_100, %add3A_213 : i32
          %mul3A_215 = arith.constant 40 : i32
          %mul3A_216 = arith.muli %add3A_214, %mul3A_215 : i32
          %dma_start3A_217 = tpu.memref_slice %arg8[%mul3A_216] : memref<5000xi32, #tpu.memory_space<vmem>> -> memref<40xi32, #tpu.memory_space<vmem>>
          %dma_start3A_218 = arith.constant 0 : i32
          %dma_start3A_219 = arith.constant 0 : i32
          %dma_start3A_220 = tpu.memref_slice %arg2[%dma_start3A_218, %dma_start3A_219] : memref<20480x128xf32, #tpu.memory_space<hbm>> -> memref<20480x128xf32, #tpu.memory_space<hbm>>
          tpu.enqueue_indirect_dma source(%dma_start3A_220 : memref<20480x128xf32, #tpu.memory_space<hbm>>) target(%arg14 : memref<40x128xf32, #tpu.memory_space<vmem>>) offsets(%dma_start3A_217 : memref<40xi32, #tpu.memory_space<vmem>>) semaphore(%arg19 : memref<!tpu.dma_semaphore, #tpu.memory_space<semaphore_mem>>)
        } else {
        }
        %mul3A_117 = arith.constant 5 : i32
        %mul3A_118 = arith.muli %scan3A_96, %mul3A_117 : i32
        %add3A_119 = arith.constant 1 : i32
        %add3A_120 = arith.addi %mul3A_118, %add3A_119 : i32
        %dma_wait3A_121 = arith.constant 0 : i32
        %dma_wait3A_122 = tpu.memref_slice %arg8[%dma_wait3A_121] : memref<5000xi32, #tpu.memory_space<vmem>> -> memref<40xi32, #tpu.memory_space<vmem>>
        %dma_wait3A_123 = arith.constant 0 : i32
        %dma_wait3A_124 = arith.constant 0 : i32
        %dma_wait3A_125 = tpu.memref_slice %arg2[%dma_wait3A_123, %dma_wait3A_124] : memref<20480x128xf32, #tpu.memory_space<hbm>> -> memref<20480x128xf32, #tpu.memory_space<hbm>>
        tpu.wait_indirect_dma semaphore(%arg16 : memref<!tpu.dma_semaphore, #tpu.memory_space<semaphore_mem>>) src(%dma_wait3A_125 : memref<20480x128xf32, #tpu.memory_space<hbm>>) dst(%arg11 : memref<40x128xf32, #tpu.memory_space<vmem>>)
        %dma_start3A_126 = arith.constant 0 : i32
        %dma_start3A_127 = arith.constant 0 : i32
        %dma_start3A_128 = tpu.memref_slice %arg9[%add3A_120, %dma_start3A_126, %dma_start3A_127] : memref<125x1x40xi32, #tpu.memory_space<vmem>> -> memref<1x1x40xi32, #tpu.memory_space<vmem>>
        %dma_start3A_129 = tpu.memref_squeeze %dma_start3A_128 : memref<1x1x40xi32, #tpu.memory_space<vmem>> -> memref<40xi32, #tpu.memory_space<vmem>>
        %dma_start3A_130 = arith.constant 0 : i32
        %dma_start3A_131 = arith.constant 0 : i32
        %dma_start3A_132 = tpu.memref_slice %arg25[%dma_start3A_130, %dma_start3A_131] : memref<10240x128xf32, #tpu.memory_space<vmem_shared>> -> memref<10240x128xf32, #tpu.memory_space<vmem_shared>>
        tpu.enqueue_indirect_dma source(%arg11 : memref<40x128xf32, #tpu.memory_space<vmem>>) target(%dma_start3A_132 : memref<10240x128xf32, #tpu.memory_space<vmem_shared>>) offsets(%dma_start3A_129 : memref<40xi32, #tpu.memory_space<vmem>>) semaphore(%arg21 : memref<!tpu.dma_semaphore, #tpu.memory_space<semaphore_mem>>) {add = true}
        %add3A_133 = arith.constant 4 : i32
        %add3A_134 = arith.addi %add3A_120, %add3A_133 : i32
        %lt3A_135 = arith.constant 125 : i32
        %lt3A_136 = arith.cmpi slt, %add3A_134, %lt3A_135 : i32
        %convert_element_type3A_137 = arith.extui %lt3A_136 : i1 to i32
        %cond3A_138 = arith.constant 0 : i32
        %cond3A_139 = arith.cmpi ne, %convert_element_type3A_137, %cond3A_138 : i32
        scf.if %cond3A_139 {
          %ge3A = arith.constant 1 : i32
          %ge3A_209 = arith.cmpi sge, %add3A_120, %ge3A : i32
          %convert_element_type3A_210 = arith.extui %ge3A_209 : i1 to i32
          %cond3A_211 = arith.constant 0 : i32
          %cond3A_212 = arith.cmpi ne, %convert_element_type3A_210, %cond3A_211 : i32
          scf.if %cond3A_212 {
            %dma_wait3A_221 = arith.constant 0 : i32
            %dma_wait3A_222 = arith.constant 0 : i32
            %dma_wait3A_223 = arith.constant 0 : i32
            %dma_wait3A_224 = tpu.memref_slice %arg9[%dma_wait3A_221, %dma_wait3A_222, %dma_wait3A_223] : memref<125x1x40xi32, #tpu.memory_space<vmem>> -> memref<1x1x40xi32, #tpu.memory_space<vmem>>
            %dma_wait3A_225 = tpu.memref_squeeze %dma_wait3A_224 : memref<1x1x40xi32, #tpu.memory_space<vmem>> -> memref<40xi32, #tpu.memory_space<vmem>>
            %dma_wait3A_226 = arith.constant 0 : i32
            %dma_wait3A_227 = arith.constant 0 : i32
            %dma_wait3A_228 = tpu.memref_slice %arg25[%dma_wait3A_226, %dma_wait3A_227] : memref<10240x128xf32, #tpu.memory_space<vmem_shared>> -> memref<10240x128xf32, #tpu.memory_space<vmem_shared>>
            tpu.wait_indirect_dma semaphore(%arg20 : memref<!tpu.dma_semaphore, #tpu.memory_space<semaphore_mem>>) src(%arg10 : memref<40x128xf32, #tpu.memory_space<vmem>>) dst(%dma_wait3A_228 : memref<10240x128xf32, #tpu.memory_space<vmem_shared>>)
          } else {
          }
          %add3A_213 = arith.constant 4 : i32
          %add3A_214 = arith.addi %add3A_120, %add3A_213 : i32
          %mul3A_215 = arith.constant 40 : i32
          %mul3A_216 = arith.muli %add3A_214, %mul3A_215 : i32
          %dma_start3A_217 = tpu.memref_slice %arg8[%mul3A_216] : memref<5000xi32, #tpu.memory_space<vmem>> -> memref<40xi32, #tpu.memory_space<vmem>>
          %dma_start3A_218 = arith.constant 0 : i32
          %dma_start3A_219 = arith.constant 0 : i32
          %dma_start3A_220 = tpu.memref_slice %arg2[%dma_start3A_218, %dma_start3A_219] : memref<20480x128xf32, #tpu.memory_space<hbm>> -> memref<20480x128xf32, #tpu.memory_space<hbm>>
          tpu.enqueue_indirect_dma source(%dma_start3A_220 : memref<20480x128xf32, #tpu.memory_space<hbm>>) target(%arg10 : memref<40x128xf32, #tpu.memory_space<vmem>>) offsets(%dma_start3A_217 : memref<40xi32, #tpu.memory_space<vmem>>) semaphore(%arg15 : memref<!tpu.dma_semaphore, #tpu.memory_space<semaphore_mem>>)
        } else {
        }
        %mul3A_140 = arith.constant 5 : i32
        %mul3A_141 = arith.muli %scan3A_96, %mul3A_140 : i32
        %add3A_142 = arith.constant 2 : i32
        %add3A_143 = arith.addi %mul3A_141, %add3A_142 : i32
        %dma_wait3A_144 = arith.constant 0 : i32
        %dma_wait3A_145 = tpu.memref_slice %arg8[%dma_wait3A_144] : memref<5000xi32, #tpu.memory_space<vmem>> -> memref<40xi32, #tpu.memory_space<vmem>>
        %dma_wait3A_146 = arith.constant 0 : i32
        %dma_wait3A_147 = arith.constant 0 : i32
        %dma_wait3A_148 = tpu.memref_slice %arg2[%dma_wait3A_146, %dma_wait3A_147] : memref<20480x128xf32, #tpu.memory_space<hbm>> -> memref<20480x128xf32, #tpu.memory_space<hbm>>
        tpu.wait_indirect_dma semaphore(%arg17 : memref<!tpu.dma_semaphore, #tpu.memory_space<semaphore_mem>>) src(%dma_wait3A_148 : memref<20480x128xf32, #tpu.memory_space<hbm>>) dst(%arg12 : memref<40x128xf32, #tpu.memory_space<vmem>>)
        %dma_start3A_149 = arith.constant 0 : i32
        %dma_start3A_150 = arith.constant 0 : i32
        %dma_start3A_151 = tpu.memref_slice %arg9[%add3A_143, %dma_start3A_149, %dma_start3A_150] : memref<125x1x40xi32, #tpu.memory_space<vmem>> -> memref<1x1x40xi32, #tpu.memory_space<vmem>>
        %dma_start3A_152 = tpu.memref_squeeze %dma_start3A_151 : memref<1x1x40xi32, #tpu.memory_space<vmem>> -> memref<40xi32, #tpu.memory_space<vmem>>
        %dma_start3A_153 = arith.constant 0 : i32
        %dma_start3A_154 = arith.constant 0 : i32
        %dma_start3A_155 = tpu.memref_slice %arg25[%dma_start3A_153, %dma_start3A_154] : memref<10240x128xf32, #tpu.memory_space<vmem_shared>> -> memref<10240x128xf32, #tpu.memory_space<vmem_shared>>
        tpu.enqueue_indirect_dma source(%arg12 : memref<40x128xf32, #tpu.memory_space<vmem>>) target(%dma_start3A_155 : memref<10240x128xf32, #tpu.memory_space<vmem_shared>>) offsets(%dma_start3A_152 : memref<40xi32, #tpu.memory_space<vmem>>) semaphore(%arg22 : memref<!tpu.dma_semaphore, #tpu.memory_space<semaphore_mem>>) {add = true}
        %add3A_156 = arith.constant 4 : i32
        %add3A_157 = arith.addi %add3A_143, %add3A_156 : i32
        %lt3A_158 = arith.constant 125 : i32
        %lt3A_159 = arith.cmpi slt, %add3A_157, %lt3A_158 : i32
        %convert_element_type3A_160 = arith.extui %lt3A_159 : i1 to i32
        %cond3A_161 = arith.constant 0 : i32
        %cond3A_162 = arith.cmpi ne, %convert_element_type3A_160, %cond3A_161 : i32
        scf.if %cond3A_162 {
          %ge3A = arith.constant 1 : i32
          %ge3A_209 = arith.cmpi sge, %add3A_143, %ge3A : i32
          %convert_element_type3A_210 = arith.extui %ge3A_209 : i1 to i32
          %cond3A_211 = arith.constant 0 : i32
          %cond3A_212 = arith.cmpi ne, %convert_element_type3A_210, %cond3A_211 : i32
          scf.if %cond3A_212 {
            %dma_wait3A_221 = arith.constant 0 : i32
            %dma_wait3A_222 = arith.constant 0 : i32
            %dma_wait3A_223 = arith.constant 0 : i32
            %dma_wait3A_224 = tpu.memref_slice %arg9[%dma_wait3A_221, %dma_wait3A_222, %dma_wait3A_223] : memref<125x1x40xi32, #tpu.memory_space<vmem>> -> memref<1x1x40xi32, #tpu.memory_space<vmem>>
            %dma_wait3A_225 = tpu.memref_squeeze %dma_wait3A_224 : memref<1x1x40xi32, #tpu.memory_space<vmem>> -> memref<40xi32, #tpu.memory_space<vmem>>
            %dma_wait3A_226 = arith.constant 0 : i32
            %dma_wait3A_227 = arith.constant 0 : i32
            %dma_wait3A_228 = tpu.memref_slice %arg25[%dma_wait3A_226, %dma_wait3A_227] : memref<10240x128xf32, #tpu.memory_space<vmem_shared>> -> memref<10240x128xf32, #tpu.memory_space<vmem_shared>>
            tpu.wait_indirect_dma semaphore(%arg21 : memref<!tpu.dma_semaphore, #tpu.memory_space<semaphore_mem>>) src(%arg11 : memref<40x128xf32, #tpu.memory_space<vmem>>) dst(%dma_wait3A_228 : memref<10240x128xf32, #tpu.memory_space<vmem_shared>>)
          } else {
          }
          %add3A_213 = arith.constant 4 : i32
          %add3A_214 = arith.addi %add3A_143, %add3A_213 : i32
          %mul3A_215 = arith.constant 40 : i32
          %mul3A_216 = arith.muli %add3A_214, %mul3A_215 : i32
          %dma_start3A_217 = tpu.memref_slice %arg8[%mul3A_216] : memref<5000xi32, #tpu.memory_space<vmem>> -> memref<40xi32, #tpu.memory_space<vmem>>
          %dma_start3A_218 = arith.constant 0 : i32
          %dma_start3A_219 = arith.constant 0 : i32
          %dma_start3A_220 = tpu.memref_slice %arg2[%dma_start3A_218, %dma_start3A_219] : memref<20480x128xf32, #tpu.memory_space<hbm>> -> memref<20480x128xf32, #tpu.memory_space<hbm>>
          tpu.enqueue_indirect_dma source(%dma_start3A_220 : memref<20480x128xf32, #tpu.memory_space<hbm>>) target(%arg11 : memref<40x128xf32, #tpu.memory_space<vmem>>) offsets(%dma_start3A_217 : memref<40xi32, #tpu.memory_space<vmem>>) semaphore(%arg16 : memref<!tpu.dma_semaphore, #tpu.memory_space<semaphore_mem>>)
        } else {
        }
        %mul3A_163 = arith.constant 5 : i32
        %mul3A_164 = arith.muli %scan3A_96, %mul3A_163 : i32
        %add3A_165 = arith.constant 3 : i32
        %add3A_166 = arith.addi %mul3A_164, %add3A_165 : i32
        %dma_wait3A_167 = arith.constant 0 : i32
        %dma_wait3A_168 = tpu.memref_slice %arg8[%dma_wait3A_167] : memref<5000xi32, #tpu.memory_space<vmem>> -> memref<40xi32, #tpu.memory_space<vmem>>
        %dma_wait3A_169 = arith.constant 0 : i32
        %dma_wait3A_170 = arith.constant 0 : i32
        %dma_wait3A_171 = tpu.memref_slice %arg2[%dma_wait3A_169, %dma_wait3A_170] : memref<20480x128xf32, #tpu.memory_space<hbm>> -> memref<20480x128xf32, #tpu.memory_space<hbm>>
        tpu.wait_indirect_dma semaphore(%arg18 : memref<!tpu.dma_semaphore, #tpu.memory_space<semaphore_mem>>) src(%dma_wait3A_171 : memref<20480x128xf32, #tpu.memory_space<hbm>>) dst(%arg13 : memref<40x128xf32, #tpu.memory_space<vmem>>)
        %dma_start3A_172 = arith.constant 0 : i32
        %dma_start3A_173 = arith.constant 0 : i32
        %dma_start3A_174 = tpu.memref_slice %arg9[%add3A_166, %dma_start3A_172, %dma_start3A_173] : memref<125x1x40xi32, #tpu.memory_space<vmem>> -> memref<1x1x40xi32, #tpu.memory_space<vmem>>
        %dma_start3A_175 = tpu.memref_squeeze %dma_start3A_174 : memref<1x1x40xi32, #tpu.memory_space<vmem>> -> memref<40xi32, #tpu.memory_space<vmem>>
        %dma_start3A_176 = arith.constant 0 : i32
        %dma_start3A_177 = arith.constant 0 : i32
        %dma_start3A_178 = tpu.memref_slice %arg25[%dma_start3A_176, %dma_start3A_177] : memref<10240x128xf32, #tpu.memory_space<vmem_shared>> -> memref<10240x128xf32, #tpu.memory_space<vmem_shared>>
        tpu.enqueue_indirect_dma source(%arg13 : memref<40x128xf32, #tpu.memory_space<vmem>>) target(%dma_start3A_178 : memref<10240x128xf32, #tpu.memory_space<vmem_shared>>) offsets(%dma_start3A_175 : memref<40xi32, #tpu.memory_space<vmem>>) semaphore(%arg23 : memref<!tpu.dma_semaphore, #tpu.memory_space<semaphore_mem>>) {add = true}
        %add3A_179 = arith.constant 4 : i32
        %add3A_180 = arith.addi %add3A_166, %add3A_179 : i32
        %lt3A_181 = arith.constant 125 : i32
        %lt3A_182 = arith.cmpi slt, %add3A_180, %lt3A_181 : i32
        %convert_element_type3A_183 = arith.extui %lt3A_182 : i1 to i32
        %cond3A_184 = arith.constant 0 : i32
        %cond3A_185 = arith.cmpi ne, %convert_element_type3A_183, %cond3A_184 : i32
        scf.if %cond3A_185 {
          %ge3A = arith.constant 1 : i32
          %ge3A_209 = arith.cmpi sge, %add3A_166, %ge3A : i32
          %convert_element_type3A_210 = arith.extui %ge3A_209 : i1 to i32
          %cond3A_211 = arith.constant 0 : i32
          %cond3A_212 = arith.cmpi ne, %convert_element_type3A_210, %cond3A_211 : i32
          scf.if %cond3A_212 {
            %dma_wait3A_221 = arith.constant 0 : i32
            %dma_wait3A_222 = arith.constant 0 : i32
            %dma_wait3A_223 = arith.constant 0 : i32
            %dma_wait3A_224 = tpu.memref_slice %arg9[%dma_wait3A_221, %dma_wait3A_222, %dma_wait3A_223] : memref<125x1x40xi32, #tpu.memory_space<vmem>> -> memref<1x1x40xi32, #tpu.memory_space<vmem>>
            %dma_wait3A_225 = tpu.memref_squeeze %dma_wait3A_224 : memref<1x1x40xi32, #tpu.memory_space<vmem>> -> memref<40xi32, #tpu.memory_space<vmem>>
            %dma_wait3A_226 = arith.constant 0 : i32
            %dma_wait3A_227 = arith.constant 0 : i32
            %dma_wait3A_228 = tpu.memref_slice %arg25[%dma_wait3A_226, %dma_wait3A_227] : memref<10240x128xf32, #tpu.memory_space<vmem_shared>> -> memref<10240x128xf32, #tpu.memory_space<vmem_shared>>
            tpu.wait_indirect_dma semaphore(%arg22 : memref<!tpu.dma_semaphore, #tpu.memory_space<semaphore_mem>>) src(%arg12 : memref<40x128xf32, #tpu.memory_space<vmem>>) dst(%dma_wait3A_228 : memref<10240x128xf32, #tpu.memory_space<vmem_shared>>)
          } else {
          }
          %add3A_213 = arith.constant 4 : i32
          %add3A_214 = arith.addi %add3A_166, %add3A_213 : i32
          %mul3A_215 = arith.constant 40 : i32
          %mul3A_216 = arith.muli %add3A_214, %mul3A_215 : i32
          %dma_start3A_217 = tpu.memref_slice %arg8[%mul3A_216] : memref<5000xi32, #tpu.memory_space<vmem>> -> memref<40xi32, #tpu.memory_space<vmem>>
          %dma_start3A_218 = arith.constant 0 : i32
          %dma_start3A_219 = arith.constant 0 : i32
          %dma_start3A_220 = tpu.memref_slice %arg2[%dma_start3A_218, %dma_start3A_219] : memref<20480x128xf32, #tpu.memory_space<hbm>> -> memref<20480x128xf32, #tpu.memory_space<hbm>>
          tpu.enqueue_indirect_dma source(%dma_start3A_220 : memref<20480x128xf32, #tpu.memory_space<hbm>>) target(%arg12 : memref<40x128xf32, #tpu.memory_space<vmem>>) offsets(%dma_start3A_217 : memref<40xi32, #tpu.memory_space<vmem>>) semaphore(%arg17 : memref<!tpu.dma_semaphore, #tpu.memory_space<semaphore_mem>>)
        } else {
        }
        %mul3A_186 = arith.constant 5 : i32
        %mul3A_187 = arith.muli %scan3A_96, %mul3A_186 : i32
        %add3A_188 = arith.constant 4 : i32
        %add3A_189 = arith.addi %mul3A_187, %add3A_188 : i32
        %dma_wait3A_190 = arith.constant 0 : i32
        %dma_wait3A_191 = tpu.memref_slice %arg8[%dma_wait3A_190] : memref<5000xi32, #tpu.memory_space<vmem>> -> memref<40xi32, #tpu.memory_space<vmem>>
        %dma_wait3A_192 = arith.constant 0 : i32
        %dma_wait3A_193 = arith.constant 0 : i32
        %dma_wait3A_194 = tpu.memref_slice %arg2[%dma_wait3A_192, %dma_wait3A_193] : memref<20480x128xf32, #tpu.memory_space<hbm>> -> memref<20480x128xf32, #tpu.memory_space<hbm>>
        tpu.wait_indirect_dma semaphore(%arg19 : memref<!tpu.dma_semaphore, #tpu.memory_space<semaphore_mem>>) src(%dma_wait3A_194 : memref<20480x128xf32, #tpu.memory_space<hbm>>) dst(%arg14 : memref<40x128xf32, #tpu.memory_space<vmem>>)
        %dma_start3A_195 = arith.constant 0 : i32
        %dma_start3A_196 = arith.constant 0 : i32
        %dma_start3A_197 = tpu.memref_slice %arg9[%add3A_189, %dma_start3A_195, %dma_start3A_196] : memref<125x1x40xi32, #tpu.memory_space<vmem>> -> memref<1x1x40xi32, #tpu.memory_space<vmem>>
        %dma_start3A_198 = tpu.memref_squeeze %dma_start3A_197 : memref<1x1x40xi32, #tpu.memory_space<vmem>> -> memref<40xi32, #tpu.memory_space<vmem>>
        %dma_start3A_199 = arith.constant 0 : i32
        %dma_start3A_200 = arith.constant 0 : i32
        %dma_start3A_201 = tpu.memref_slice %arg25[%dma_start3A_199, %dma_start3A_200] : memref<10240x128xf32, #tpu.memory_space<vmem_shared>> -> memref<10240x128xf32, #tpu.memory_space<vmem_shared>>
        tpu.enqueue_indirect_dma source(%arg14 : memref<40x128xf32, #tpu.memory_space<vmem>>) target(%dma_start3A_201 : memref<10240x128xf32, #tpu.memory_space<vmem_shared>>) offsets(%dma_start3A_198 : memref<40xi32, #tpu.memory_space<vmem>>) semaphore(%arg24 : memref<!tpu.dma_semaphore, #tpu.memory_space<semaphore_mem>>) {add = true}
        %add3A_202 = arith.constant 4 : i32
        %add3A_203 = arith.addi %add3A_189, %add3A_202 : i32
        %lt3A_204 = arith.constant 125 : i32
        %lt3A_205 = arith.cmpi slt, %add3A_203, %lt3A_204 : i32
        %convert_element_type3A_206 = arith.extui %lt3A_205 : i1 to i32
        %cond3A_207 = arith.constant 0 : i32
        %cond3A_208 = arith.cmpi ne, %convert_element_type3A_206, %cond3A_207 : i32
        scf.if %cond3A_208 {
          %ge3A = arith.constant 1 : i32
          %ge3A_209 = arith.cmpi sge, %add3A_189, %ge3A : i32
          %convert_element_type3A_210 = arith.extui %ge3A_209 : i1 to i32
          %cond3A_211 = arith.constant 0 : i32
          %cond3A_212 = arith.cmpi ne, %convert_element_type3A_210, %cond3A_211 : i32
          scf.if %cond3A_212 {
            %dma_wait3A_221 = arith.constant 0 : i32
            %dma_wait3A_222 = arith.constant 0 : i32
            %dma_wait3A_223 = arith.constant 0 : i32
            %dma_wait3A_224 = tpu.memref_slice %arg9[%dma_wait3A_221, %dma_wait3A_222, %dma_wait3A_223] : memref<125x1x40xi32, #tpu.memory_space<vmem>> -> memref<1x1x40xi32, #tpu.memory_space<vmem>>
            %dma_wait3A_225 = tpu.memref_squeeze %dma_wait3A_224 : memref<1x1x40xi32, #tpu.memory_space<vmem>> -> memref<40xi32, #tpu.memory_space<vmem>>
            %dma_wait3A_226 = arith.constant 0 : i32
            %dma_wait3A_227 = arith.constant 0 : i32
            %dma_wait3A_228 = tpu.memref_slice %arg25[%dma_wait3A_226, %dma_wait3A_227] : memref<10240x128xf32, #tpu.memory_space<vmem_shared>> -> memref<10240x128xf32, #tpu.memory_space<vmem_shared>>
            tpu.wait_indirect_dma semaphore(%arg23 : memref<!tpu.dma_semaphore, #tpu.memory_space<semaphore_mem>>) src(%arg13 : memref<40x128xf32, #tpu.memory_space<vmem>>) dst(%dma_wait3A_228 : memref<10240x128xf32, #tpu.memory_space<vmem_shared>>)
          } else {
          }
          %add3A_213 = arith.constant 4 : i32
          %add3A_214 = arith.addi %add3A_189, %add3A_213 : i32
          %mul3A_215 = arith.constant 40 : i32
          %mul3A_216 = arith.muli %add3A_214, %mul3A_215 : i32
          %dma_start3A_217 = tpu.memref_slice %arg8[%mul3A_216] : memref<5000xi32, #tpu.memory_space<vmem>> -> memref<40xi32, #tpu.memory_space<vmem>>
          %dma_start3A_218 = arith.constant 0 : i32
          %dma_start3A_219 = arith.constant 0 : i32
          %dma_start3A_220 = tpu.memref_slice %arg2[%dma_start3A_218, %dma_start3A_219] : memref<20480x128xf32, #tpu.memory_space<hbm>> -> memref<20480x128xf32, #tpu.memory_space<hbm>>
          tpu.enqueue_indirect_dma source(%dma_start3A_220 : memref<20480x128xf32, #tpu.memory_space<hbm>>) target(%arg13 : memref<40x128xf32, #tpu.memory_space<vmem>>) offsets(%dma_start3A_217 : memref<40xi32, #tpu.memory_space<vmem>>) semaphore(%arg18 : memref<!tpu.dma_semaphore, #tpu.memory_space<semaphore_mem>>)
        } else {
        }
      }
      %scan3A_56 = arith.constant 25 : i32
      %dma_wait3A = arith.constant 0 : i32
      %dma_wait3A_57 = arith.constant 0 : i32
      %dma_wait3A_58 = arith.constant 0 : i32
      %dma_wait3A_59 = tpu.memref_slice %arg9[%dma_wait3A, %dma_wait3A_57, %dma_wait3A_58] : memref<125x1x40xi32, #tpu.memory_space<vmem>> -> memref<1x1x40xi32, #tpu.memory_space<vmem>>
      %dma_wait3A_60 = tpu.memref_squeeze %dma_wait3A_59 : memref<1x1x40xi32, #tpu.memory_space<vmem>> -> memref<40xi32, #tpu.memory_space<vmem>>
      %dma_wait3A_61 = arith.constant 0 : i32
      %dma_wait3A_62 = arith.constant 0 : i32
      %dma_wait3A_63 = tpu.memref_slice %arg25[%dma_wait3A_61, %dma_wait3A_62] : memref<10240x128xf32, #tpu.memory_space<vmem_shared>> -> memref<10240x128xf32, #tpu.memory_space<vmem_shared>>
      tpu.wait_indirect_dma semaphore(%arg20 : memref<!tpu.dma_semaphore, #tpu.memory_space<semaphore_mem>>) src(%arg10 : memref<40x128xf32, #tpu.memory_space<vmem>>) dst(%dma_wait3A_63 : memref<10240x128xf32, #tpu.memory_space<vmem_shared>>)
      %dma_wait3A_64 = arith.constant 0 : i32
      %dma_wait3A_65 = arith.constant 0 : i32
      %dma_wait3A_66 = arith.constant 0 : i32
      %dma_wait3A_67 = tpu.memref_slice %arg9[%dma_wait3A_64, %dma_wait3A_65, %dma_wait3A_66] : memref<125x1x40xi32, #tpu.memory_space<vmem>> -> memref<1x1x40xi32, #tpu.memory_space<vmem>>
      %dma_wait3A_68 = tpu.memref_squeeze %dma_wait3A_67 : memref<1x1x40xi32, #tpu.memory_space<vmem>> -> memref<40xi32, #tpu.memory_space<vmem>>
      %dma_wait3A_69 = arith.constant 0 : i32
      %dma_wait3A_70 = arith.constant 0 : i32
      %dma_wait3A_71 = tpu.memref_slice %arg25[%dma_wait3A_69, %dma_wait3A_70] : memref<10240x128xf32, #tpu.memory_space<vmem_shared>> -> memref<10240x128xf32, #tpu.memory_space<vmem_shared>>
      tpu.wait_indirect_dma semaphore(%arg21 : memref<!tpu.dma_semaphore, #tpu.memory_space<semaphore_mem>>) src(%arg11 : memref<40x128xf32, #tpu.memory_space<vmem>>) dst(%dma_wait3A_71 : memref<10240x128xf32, #tpu.memory_space<vmem_shared>>)
      %dma_wait3A_72 = arith.constant 0 : i32
      %dma_wait3A_73 = arith.constant 0 : i32
      %dma_wait3A_74 = arith.constant 0 : i32
      %dma_wait3A_75 = tpu.memref_slice %arg9[%dma_wait3A_72, %dma_wait3A_73, %dma_wait3A_74] : memref<125x1x40xi32, #tpu.memory_space<vmem>> -> memref<1x1x40xi32, #tpu.memory_space<vmem>>
      %dma_wait3A_76 = tpu.memref_squeeze %dma_wait3A_75 : memref<1x1x40xi32, #tpu.memory_space<vmem>> -> memref<40xi32, #tpu.memory_space<vmem>>
      %dma_wait3A_77 = arith.constant 0 : i32
      %dma_wait3A_78 = arith.constant 0 : i32
      %dma_wait3A_79 = tpu.memref_slice %arg25[%dma_wait3A_77, %dma_wait3A_78] : memref<10240x128xf32, #tpu.memory_space<vmem_shared>> -> memref<10240x128xf32, #tpu.memory_space<vmem_shared>>
      tpu.wait_indirect_dma semaphore(%arg22 : memref<!tpu.dma_semaphore, #tpu.memory_space<semaphore_mem>>) src(%arg12 : memref<40x128xf32, #tpu.memory_space<vmem>>) dst(%dma_wait3A_79 : memref<10240x128xf32, #tpu.memory_space<vmem_shared>>)
      %dma_wait3A_80 = arith.constant 0 : i32
      %dma_wait3A_81 = arith.constant 0 : i32
      %dma_wait3A_82 = arith.constant 0 : i32
      %dma_wait3A_83 = tpu.memref_slice %arg9[%dma_wait3A_80, %dma_wait3A_81, %dma_wait3A_82] : memref<125x1x40xi32, #tpu.memory_space<vmem>> -> memref<1x1x40xi32, #tpu.memory_space<vmem>>
      %dma_wait3A_84 = tpu.memref_squeeze %dma_wait3A_83 : memref<1x1x40xi32, #tpu.memory_space<vmem>> -> memref<40xi32, #tpu.memory_space<vmem>>
      %dma_wait3A_85 = arith.constant 0 : i32
      %dma_wait3A_86 = arith.constant 0 : i32
      %dma_wait3A_87 = tpu.memref_slice %arg25[%dma_wait3A_85, %dma_wait3A_86] : memref<10240x128xf32, #tpu.memory_space<vmem_shared>> -> memref<10240x128xf32, #tpu.memory_space<vmem_shared>>
      tpu.wait_indirect_dma semaphore(%arg23 : memref<!tpu.dma_semaphore, #tpu.memory_space<semaphore_mem>>) src(%arg13 : memref<40x128xf32, #tpu.memory_space<vmem>>) dst(%dma_wait3A_87 : memref<10240x128xf32, #tpu.memory_space<vmem_shared>>)
      %dma_wait3A_88 = arith.constant 0 : i32
      %dma_wait3A_89 = arith.constant 0 : i32
      %dma_wait3A_90 = arith.constant 0 : i32
      %dma_wait3A_91 = tpu.memref_slice %arg9[%dma_wait3A_88, %dma_wait3A_89, %dma_wait3A_90] : memref<125x1x40xi32, #tpu.memory_space<vmem>> -> memref<1x1x40xi32, #tpu.memory_space<vmem>>
      %dma_wait3A_92 = tpu.memref_squeeze %dma_wait3A_91 : memref<1x1x40xi32, #tpu.memory_space<vmem>> -> memref<40xi32, #tpu.memory_space<vmem>>
      %dma_wait3A_93 = arith.constant 0 : i32
      %dma_wait3A_94 = arith.constant 0 : i32
      %dma_wait3A_95 = tpu.memref_slice %arg25[%dma_wait3A_93, %dma_wait3A_94] : memref<10240x128xf32, #tpu.memory_space<vmem_shared>> -> memref<10240x128xf32, #tpu.memory_space<vmem_shared>>
      tpu.wait_indirect_dma semaphore(%arg24 : memref<!tpu.dma_semaphore, #tpu.memory_space<semaphore_mem>>) src(%arg14 : memref<40x128xf32, #tpu.memory_space<vmem>>) dst(%dma_wait3A_95 : memref<10240x128xf32, #tpu.memory_space<vmem_shared>>)
    }
    %scan3A_15 = arith.constant 2 : i32
    %barrier3A_16 = arith.constant 0 : index
    tpu.barrier barrier_id(%barrier3A_16)
    %mul3A_17 = arith.constant 10240 : i32
    %mul3A_18 = arith.muli %add3A_10, %mul3A_17 : i32
    %add3A_19 = arith.addi %mul3A_18, %mul3A_6 : i32
    "tpu.region"() ({
      %run_scoped3A = tpu.sem_alloc : memref<!tpu.dma_semaphore, #tpu.memory_space<semaphore_mem>>
      %dma_start3A = arith.constant 0 : i32
      %dma_start3A_20 = tpu.memref_slice %arg7[%add3A_19, %dma_start3A] : memref<20480x128xf32, #tpu.memory_space<hbm>> -> memref<640x128xf32, #tpu.memory_space<hbm>>
      %dma_start3A_21 = arith.constant 0 : i32
      %dma_start3A_22 = tpu.memref_slice %arg25[%mul3A_6, %dma_start3A_21] : memref<10240x128xf32, #tpu.memory_space<vmem_shared>> -> memref<640x128xf32, #tpu.memory_space<vmem_shared>>
      tpu.enqueue_dma source(%dma_start3A_22 : memref<640x128xf32, #tpu.memory_space<vmem_shared>>) target(%dma_start3A_20 : memref<640x128xf32, #tpu.memory_space<hbm>>) target_semaphore(%run_scoped3A : memref<!tpu.dma_semaphore, #tpu.memory_space<semaphore_mem>>)
      %dma_wait3A = arith.constant 0 : i32
      %dma_wait3A_23 = tpu.memref_slice %arg7[%add3A_19, %dma_wait3A] : memref<20480x128xf32, #tpu.memory_space<hbm>> -> memref<640x128xf32, #tpu.memory_space<hbm>>
      %dma_wait3A_24 = arith.constant 0 : i32
      %dma_wait3A_25 = tpu.memref_slice %arg25[%mul3A_6, %dma_wait3A_24] : memref<10240x128xf32, #tpu.memory_space<vmem_shared>> -> memref<640x128xf32, #tpu.memory_space<vmem_shared>>
      tpu.wait_dma2 semaphore(%run_scoped3A : memref<!tpu.dma_semaphore, #tpu.memory_space<semaphore_mem>>) src(%dma_wait3A_25 : memref<640x128xf32, #tpu.memory_space<vmem_shared>>) dst(%dma_wait3A_23 : memref<640x128xf32, #tpu.memory_space<hbm>>)
      tpu.yield
    }) : () -> ()
    return
  }
}

#map = affine_map<(d0, d1) -> (0, 0)>
#map1 = affine_map<(d0, d1) -> (0)>
#map2 = affine_map<(d0, d1) -> (0, 0, 0)>
module attributes {stable_mosaic.version = 14 : i64} {
  func.func @k(%arg0: i32, %arg1: i32, %arg2: memref<10000x128xf32, #tpu.memory_space<hbm>>, %arg3: memref<160000xi32, #tpu.memory_space<hbm>>, %arg4: memref<4000x1x40xi32, #tpu.memory_space<hbm>>, %arg5: memref<640x128xf32, #tpu.memory_space<hbm>>, %arg6: memref<40x128xf32, #tpu.memory_space<hbm>>, %arg7: memref<20480x128xf32, #tpu.memory_space<hbm>>, %arg8: memref<5000xi32, #tpu.memory_space<vmem>>, %arg9: memref<125x1x40xi32, #tpu.memory_space<vmem>>, %arg10: memref<40x128xf32, #tpu.memory_space<vmem>>, %arg11: memref<40x128xf32, #tpu.memory_space<vmem>>, %arg12: memref<40x128xf32, #tpu.memory_space<vmem>>, %arg13: memref<40x128xf32, #tpu.memory_space<vmem>>, %arg14: memref<40x128xf32, #tpu.memory_space<vmem>>, %arg15: memref<!tpu.dma_semaphore, #tpu.memory_space<semaphore_mem>>, %arg16: memref<!tpu.dma_semaphore, #tpu.memory_space<semaphore_mem>>, %arg17: memref<!tpu.dma_semaphore, #tpu.memory_space<semaphore_mem>>, %arg18: memref<!tpu.dma_semaphore, #tpu.memory_space<semaphore_mem>>, %arg19: memref<!tpu.dma_semaphore, #tpu.memory_space<semaphore_mem>>, %arg20: memref<!tpu.dma_semaphore, #tpu.memory_space<semaphore_mem>>, %arg21: memref<!tpu.dma_semaphore, #tpu.memory_space<semaphore_mem>>, %arg22: memref<!tpu.dma_semaphore, #tpu.memory_space<semaphore_mem>>, %arg23: memref<!tpu.dma_semaphore, #tpu.memory_space<semaphore_mem>>, %arg24: memref<!tpu.dma_semaphore, #tpu.memory_space<semaphore_mem>>, %arg25: memref<10240x128xf32, #tpu.memory_space<vmem_shared>>) attributes {dimension_semantics = [#tpu.dimension_semantics<core_parallel>, #tpu.dimension_semantics<subcore_parallel>], iteration_bounds = array<i64: 2, 16>, scalar_prefetch = 0 : i64, scratch_operands = 18 : i64, tpu.core_type = #tpu.core_type<sc_vector_subcore>, window_params = [{transform_indices = #map}, {transform_indices = #map1}, {transform_indices = #map2}, {transform_indices = #map}, {transform_indices = #map}, {transform_indices = #map}]} {
    %mul3A = arith.constant 2 : i32
    %mul3A_0 = arith.muli %arg1, %mul3A : i32
    %add3A = arith.addi %mul3A_0, %arg0 : i32
    %mul3A_1 = arith.constant 5000 : i32
    %mul3A_2 = arith.muli %add3A, %mul3A_1 : i32
    %mul3A_3 = arith.constant 125 : i32
    %mul3A_4 = arith.muli %add3A, %mul3A_3 : i32
    %mul3A_5 = arith.constant 640 : i32
    %mul3A_6 = arith.muli %arg1, %mul3A_5 : i32
    "tpu.region"() ({
      %run_scoped3A = tpu.sem_alloc : memref<!tpu.dma_semaphore, #tpu.memory_space<semaphore_mem>>
      %dma_start3A_87 = arith.constant 0 : i32
      %dma_start3A_88 = tpu.memref_slice %arg25[%mul3A_6, %dma_start3A_87] : memref<10240x128xf32, #tpu.memory_space<vmem_shared>> -> memref<640x128xf32, #tpu.memory_space<vmem_shared>>
      tpu.enqueue_dma source(%arg5 : memref<640x128xf32, #tpu.memory_space<hbm>>) target(%dma_start3A_88 : memref<640x128xf32, #tpu.memory_space<vmem_shared>>) target_semaphore(%run_scoped3A : memref<!tpu.dma_semaphore, #tpu.memory_space<semaphore_mem>>)
      %dma_wait3A_89 = arith.constant 0 : i32
      %dma_wait3A_90 = tpu.memref_slice %arg25[%mul3A_6, %dma_wait3A_89] : memref<10240x128xf32, #tpu.memory_space<vmem_shared>> -> memref<640x128xf32, #tpu.memory_space<vmem_shared>>
      tpu.wait_dma2 semaphore(%run_scoped3A : memref<!tpu.dma_semaphore, #tpu.memory_space<semaphore_mem>>) src(%arg5 : memref<640x128xf32, #tpu.memory_space<hbm>>) dst(%dma_wait3A_90 : memref<640x128xf32, #tpu.memory_space<vmem_shared>>)
      tpu.yield
    }) : () -> ()
    %barrier3A = arith.constant 0 : index
    tpu.barrier barrier_id(%barrier3A)
    %scan3A = arith.constant 0 : i32
    %scan3A_7 = arith.constant 0 : i32
    %mul3A_8 = arith.constant 125 : i32
    %mul3A_9 = arith.muli %scan3A_7, %mul3A_8 : i32
    %add3A_10 = arith.addi %mul3A_4, %mul3A_9 : i32
    "tpu.region"() ({
      %run_scoped3A = tpu.sem_alloc : memref<!tpu.dma_semaphore, #tpu.memory_space<semaphore_mem>>
      %dma_start3A_87 = arith.constant 0 : i32
      %dma_start3A_88 = arith.constant 0 : i32
      %dma_start3A_89 = tpu.memref_slice %arg4[%add3A_10, %dma_start3A_87, %dma_start3A_88] : memref<4000x1x40xi32, #tpu.memory_space<hbm>> -> memref<125x1x40xi32, #tpu.memory_space<hbm>>
      %dma_start3A_90 = arith.constant 0 : i32
      %dma_start3A_91 = arith.constant 0 : i32
      %dma_start3A_92 = tpu.memref_slice %arg4[%add3A_10, %dma_start3A_90, %dma_start3A_91] : memref<4000x1x40xi32, #tpu.memory_space<hbm>> -> memref<125x1x40xi32, #tpu.memory_space<hbm>>
      tpu.enqueue_dma source(%dma_start3A_92 : memref<125x1x40xi32, #tpu.memory_space<hbm>>) target(%arg9 : memref<125x1x40xi32, #tpu.memory_space<vmem>>) target_semaphore(%run_scoped3A : memref<!tpu.dma_semaphore, #tpu.memory_space<semaphore_mem>>)
      %dma_wait3A_93 = arith.constant 0 : i32
      %dma_wait3A_94 = arith.constant 0 : i32
      %dma_wait3A_95 = tpu.memref_slice %arg4[%add3A_10, %dma_wait3A_93, %dma_wait3A_94] : memref<4000x1x40xi32, #tpu.memory_space<hbm>> -> memref<125x1x40xi32, #tpu.memory_space<hbm>>
      %dma_wait3A_96 = arith.constant 0 : i32
      %dma_wait3A_97 = arith.constant 0 : i32
      %dma_wait3A_98 = tpu.memref_slice %arg4[%add3A_10, %dma_wait3A_96, %dma_wait3A_97] : memref<4000x1x40xi32, #tpu.memory_space<hbm>> -> memref<125x1x40xi32, #tpu.memory_space<hbm>>
      tpu.wait_dma2 semaphore(%run_scoped3A : memref<!tpu.dma_semaphore, #tpu.memory_space<semaphore_mem>>) src(%dma_wait3A_98 : memref<125x1x40xi32, #tpu.memory_space<hbm>>) dst(%arg9 : memref<125x1x40xi32, #tpu.memory_space<vmem>>)
      tpu.yield
    }) : () -> ()
    %add3A_11 = arith.constant 0 : i32
    %add3A_12 = arith.addi %add3A_11, %mul3A_2 : i32
    %mul3A_13 = arith.constant 125 : i32
    %mul3A_14 = arith.muli %scan3A_7, %mul3A_13 : i32
    %mul3A_15 = arith.constant 40 : i32
    %mul3A_16 = arith.muli %mul3A_14, %mul3A_15 : i32
    %add3A_17 = arith.addi %add3A_12, %mul3A_16 : i32
    "tpu.region"() ({
      %run_scoped3A = tpu.sem_alloc : memref<!tpu.dma_semaphore, #tpu.memory_space<semaphore_mem>>
      %dma_start3A_87 = tpu.memref_slice %arg3[%add3A_17] : memref<160000xi32, #tpu.memory_space<hbm>> -> memref<5000xi32, #tpu.memory_space<hbm>>
      %dma_start3A_88 = tpu.memref_slice %arg3[%add3A_17] : memref<160000xi32, #tpu.memory_space<hbm>> -> memref<5000xi32, #tpu.memory_space<hbm>>
      tpu.enqueue_dma source(%dma_start3A_88 : memref<5000xi32, #tpu.memory_space<hbm>>) target(%arg8 : memref<5000xi32, #tpu.memory_space<vmem>>) target_semaphore(%run_scoped3A : memref<!tpu.dma_semaphore, #tpu.memory_space<semaphore_mem>>)
      %dma_wait3A_89 = tpu.memref_slice %arg3[%add3A_17] : memref<160000xi32, #tpu.memory_space<hbm>> -> memref<5000xi32, #tpu.memory_space<hbm>>
      %dma_wait3A_90 = tpu.memref_slice %arg3[%add3A_17] : memref<160000xi32, #tpu.memory_space<hbm>> -> memref<5000xi32, #tpu.memory_space<hbm>>
      tpu.wait_dma2 semaphore(%run_scoped3A : memref<!tpu.dma_semaphore, #tpu.memory_space<semaphore_mem>>) src(%dma_wait3A_90 : memref<5000xi32, #tpu.memory_space<hbm>>) dst(%arg8 : memref<5000xi32, #tpu.memory_space<vmem>>)
      tpu.yield
    }) : () -> ()
    %dma_start3A = arith.constant 0 : i32
    %dma_start3A_18 = tpu.memref_slice %arg8[%dma_start3A] : memref<5000xi32, #tpu.memory_space<vmem>> -> memref<40xi32, #tpu.memory_space<vmem>>
    %dma_start3A_19 = arith.constant 0 : i32
    %dma_start3A_20 = arith.constant 0 : i32
    %dma_start3A_21 = tpu.memref_slice %arg2[%dma_start3A_19, %dma_start3A_20] : memref<10000x128xf32, #tpu.memory_space<hbm>> -> memref<10000x128xf32, #tpu.memory_space<hbm>>
    tpu.enqueue_indirect_dma source(%dma_start3A_21 : memref<10000x128xf32, #tpu.memory_space<hbm>>) target(%arg10 : memref<40x128xf32, #tpu.memory_space<vmem>>) offsets(%dma_start3A_18 : memref<40xi32, #tpu.memory_space<vmem>>) semaphore(%arg15 : memref<!tpu.dma_semaphore, #tpu.memory_space<semaphore_mem>>)
    %dma_start3A_22 = arith.constant 40 : i32
    %dma_start3A_23 = tpu.memref_slice %arg8[%dma_start3A_22] : memref<5000xi32, #tpu.memory_space<vmem>> -> memref<40xi32, #tpu.memory_space<vmem>>
    %dma_start3A_24 = arith.constant 0 : i32
    %dma_start3A_25 = arith.constant 0 : i32
    %dma_start3A_26 = tpu.memref_slice %arg2[%dma_start3A_24, %dma_start3A_25] : memref<10000x128xf32, #tpu.memory_space<hbm>> -> memref<10000x128xf32, #tpu.memory_space<hbm>>
    tpu.enqueue_indirect_dma source(%dma_start3A_26 : memref<10000x128xf32, #tpu.memory_space<hbm>>) target(%arg11 : memref<40x128xf32, #tpu.memory_space<vmem>>) offsets(%dma_start3A_23 : memref<40xi32, #tpu.memory_space<vmem>>) semaphore(%arg16 : memref<!tpu.dma_semaphore, #tpu.memory_space<semaphore_mem>>)
    %dma_start3A_27 = arith.constant 80 : i32
    %dma_start3A_28 = tpu.memref_slice %arg8[%dma_start3A_27] : memref<5000xi32, #tpu.memory_space<vmem>> -> memref<40xi32, #tpu.memory_space<vmem>>
    %dma_start3A_29 = arith.constant 0 : i32
    %dma_start3A_30 = arith.constant 0 : i32
    %dma_start3A_31 = tpu.memref_slice %arg2[%dma_start3A_29, %dma_start3A_30] : memref<10000x128xf32, #tpu.memory_space<hbm>> -> memref<10000x128xf32, #tpu.memory_space<hbm>>
    tpu.enqueue_indirect_dma source(%dma_start3A_31 : memref<10000x128xf32, #tpu.memory_space<hbm>>) target(%arg12 : memref<40x128xf32, #tpu.memory_space<vmem>>) offsets(%dma_start3A_28 : memref<40xi32, #tpu.memory_space<vmem>>) semaphore(%arg17 : memref<!tpu.dma_semaphore, #tpu.memory_space<semaphore_mem>>)
    %dma_start3A_32 = arith.constant 120 : i32
    %dma_start3A_33 = tpu.memref_slice %arg8[%dma_start3A_32] : memref<5000xi32, #tpu.memory_space<vmem>> -> memref<40xi32, #tpu.memory_space<vmem>>
    %dma_start3A_34 = arith.constant 0 : i32
    %dma_start3A_35 = arith.constant 0 : i32
    %dma_start3A_36 = tpu.memref_slice %arg2[%dma_start3A_34, %dma_start3A_35] : memref<10000x128xf32, #tpu.memory_space<hbm>> -> memref<10000x128xf32, #tpu.memory_space<hbm>>
    tpu.enqueue_indirect_dma source(%dma_start3A_36 : memref<10000x128xf32, #tpu.memory_space<hbm>>) target(%arg13 : memref<40x128xf32, #tpu.memory_space<vmem>>) offsets(%dma_start3A_33 : memref<40xi32, #tpu.memory_space<vmem>>) semaphore(%arg18 : memref<!tpu.dma_semaphore, #tpu.memory_space<semaphore_mem>>)
    %scan3A_37 = arith.constant 0 : i32
    %scan3A_38 = arith.constant 0 : i32
    %scan3A_39 = arith.constant 25 : i32
    %scan3A_40 = arith.addi %scan3A_38, %scan3A_39 : i32
    %scan3A_41 = arith.constant 1 : i32
    scf.for %scan3A_87 = %scan3A_38 to %scan3A_40 step %scan3A_41  : i32 {
      %mul3A_88 = arith.constant 5 : i32
      %mul3A_89 = arith.muli %scan3A_87, %mul3A_88 : i32
      %add3A_90 = arith.constant 0 : i32
      %add3A_91 = arith.addi %mul3A_89, %add3A_90 : i32
      %dma_wait3A_92 = arith.constant 0 : i32
      %dma_wait3A_93 = tpu.memref_slice %arg8[%dma_wait3A_92] : memref<5000xi32, #tpu.memory_space<vmem>> -> memref<40xi32, #tpu.memory_space<vmem>>
      %dma_wait3A_94 = arith.constant 0 : i32
      %dma_wait3A_95 = arith.constant 0 : i32
      %dma_wait3A_96 = tpu.memref_slice %arg2[%dma_wait3A_94, %dma_wait3A_95] : memref<10000x128xf32, #tpu.memory_space<hbm>> -> memref<10000x128xf32, #tpu.memory_space<hbm>>
      tpu.wait_indirect_dma semaphore(%arg15 : memref<!tpu.dma_semaphore, #tpu.memory_space<semaphore_mem>>) src(%dma_wait3A_96 : memref<10000x128xf32, #tpu.memory_space<hbm>>) dst(%arg10 : memref<40x128xf32, #tpu.memory_space<vmem>>)
      %dma_start3A_97 = arith.constant 0 : i32
      %dma_start3A_98 = arith.constant 0 : i32
      %dma_start3A_99 = tpu.memref_slice %arg9[%add3A_91, %dma_start3A_97, %dma_start3A_98] : memref<125x1x40xi32, #tpu.memory_space<vmem>> -> memref<1x1x40xi32, #tpu.memory_space<vmem>>
      %dma_start3A_100 = tpu.memref_squeeze %dma_start3A_99 : memref<1x1x40xi32, #tpu.memory_space<vmem>> -> memref<40xi32, #tpu.memory_space<vmem>>
      %dma_start3A_101 = arith.constant 0 : i32
      %dma_start3A_102 = arith.constant 0 : i32
      %dma_start3A_103 = tpu.memref_slice %arg25[%dma_start3A_101, %dma_start3A_102] : memref<10240x128xf32, #tpu.memory_space<vmem_shared>> -> memref<10240x128xf32, #tpu.memory_space<vmem_shared>>
      tpu.enqueue_indirect_dma source(%arg10 : memref<40x128xf32, #tpu.memory_space<vmem>>) target(%dma_start3A_103 : memref<10240x128xf32, #tpu.memory_space<vmem_shared>>) offsets(%dma_start3A_100 : memref<40xi32, #tpu.memory_space<vmem>>) semaphore(%arg20 : memref<!tpu.dma_semaphore, #tpu.memory_space<semaphore_mem>>) {add = true}
      %add3A_104 = arith.constant 4 : i32
      %add3A_105 = arith.addi %add3A_91, %add3A_104 : i32
      %lt3A = arith.constant 125 : i32
      %lt3A_106 = arith.cmpi slt, %add3A_105, %lt3A : i32
      %convert_element_type3A = arith.extui %lt3A_106 : i1 to i32
      %cond3A = arith.constant 0 : i32
      %cond3A_107 = arith.cmpi ne, %convert_element_type3A, %cond3A : i32
      scf.if %cond3A_107 {
        %ge3A = arith.constant 1 : i32
        %ge3A_200 = arith.cmpi sge, %add3A_91, %ge3A : i32
        %convert_element_type3A_201 = arith.extui %ge3A_200 : i1 to i32
        %cond3A_202 = arith.constant 0 : i32
        %cond3A_203 = arith.cmpi ne, %convert_element_type3A_201, %cond3A_202 : i32
        scf.if %cond3A_203 {
          %dma_wait3A_212 = arith.constant 0 : i32
          %dma_wait3A_213 = arith.constant 0 : i32
          %dma_wait3A_214 = arith.constant 0 : i32
          %dma_wait3A_215 = tpu.memref_slice %arg9[%dma_wait3A_212, %dma_wait3A_213, %dma_wait3A_214] : memref<125x1x40xi32, #tpu.memory_space<vmem>> -> memref<1x1x40xi32, #tpu.memory_space<vmem>>
          %dma_wait3A_216 = tpu.memref_squeeze %dma_wait3A_215 : memref<1x1x40xi32, #tpu.memory_space<vmem>> -> memref<40xi32, #tpu.memory_space<vmem>>
          %dma_wait3A_217 = arith.constant 0 : i32
          %dma_wait3A_218 = arith.constant 0 : i32
          %dma_wait3A_219 = tpu.memref_slice %arg25[%dma_wait3A_217, %dma_wait3A_218] : memref<10240x128xf32, #tpu.memory_space<vmem_shared>> -> memref<10240x128xf32, #tpu.memory_space<vmem_shared>>
          tpu.wait_indirect_dma semaphore(%arg24 : memref<!tpu.dma_semaphore, #tpu.memory_space<semaphore_mem>>) src(%arg14 : memref<40x128xf32, #tpu.memory_space<vmem>>) dst(%dma_wait3A_219 : memref<10240x128xf32, #tpu.memory_space<vmem_shared>>)
        } else {
        }
        %add3A_204 = arith.constant 4 : i32
        %add3A_205 = arith.addi %add3A_91, %add3A_204 : i32
        %mul3A_206 = arith.constant 40 : i32
        %mul3A_207 = arith.muli %add3A_205, %mul3A_206 : i32
        %dma_start3A_208 = tpu.memref_slice %arg8[%mul3A_207] : memref<5000xi32, #tpu.memory_space<vmem>> -> memref<40xi32, #tpu.memory_space<vmem>>
        %dma_start3A_209 = arith.constant 0 : i32
        %dma_start3A_210 = arith.constant 0 : i32
        %dma_start3A_211 = tpu.memref_slice %arg2[%dma_start3A_209, %dma_start3A_210] : memref<10000x128xf32, #tpu.memory_space<hbm>> -> memref<10000x128xf32, #tpu.memory_space<hbm>>
        tpu.enqueue_indirect_dma source(%dma_start3A_211 : memref<10000x128xf32, #tpu.memory_space<hbm>>) target(%arg14 : memref<40x128xf32, #tpu.memory_space<vmem>>) offsets(%dma_start3A_208 : memref<40xi32, #tpu.memory_space<vmem>>) semaphore(%arg19 : memref<!tpu.dma_semaphore, #tpu.memory_space<semaphore_mem>>)
      } else {
      }
      %mul3A_108 = arith.constant 5 : i32
      %mul3A_109 = arith.muli %scan3A_87, %mul3A_108 : i32
      %add3A_110 = arith.constant 1 : i32
      %add3A_111 = arith.addi %mul3A_109, %add3A_110 : i32
      %dma_wait3A_112 = arith.constant 0 : i32
      %dma_wait3A_113 = tpu.memref_slice %arg8[%dma_wait3A_112] : memref<5000xi32, #tpu.memory_space<vmem>> -> memref<40xi32, #tpu.memory_space<vmem>>
      %dma_wait3A_114 = arith.constant 0 : i32
      %dma_wait3A_115 = arith.constant 0 : i32
      %dma_wait3A_116 = tpu.memref_slice %arg2[%dma_wait3A_114, %dma_wait3A_115] : memref<10000x128xf32, #tpu.memory_space<hbm>> -> memref<10000x128xf32, #tpu.memory_space<hbm>>
      tpu.wait_indirect_dma semaphore(%arg16 : memref<!tpu.dma_semaphore, #tpu.memory_space<semaphore_mem>>) src(%dma_wait3A_116 : memref<10000x128xf32, #tpu.memory_space<hbm>>) dst(%arg11 : memref<40x128xf32, #tpu.memory_space<vmem>>)
      %dma_start3A_117 = arith.constant 0 : i32
      %dma_start3A_118 = arith.constant 0 : i32
      %dma_start3A_119 = tpu.memref_slice %arg9[%add3A_111, %dma_start3A_117, %dma_start3A_118] : memref<125x1x40xi32, #tpu.memory_space<vmem>> -> memref<1x1x40xi32, #tpu.memory_space<vmem>>
      %dma_start3A_120 = tpu.memref_squeeze %dma_start3A_119 : memref<1x1x40xi32, #tpu.memory_space<vmem>> -> memref<40xi32, #tpu.memory_space<vmem>>
      %dma_start3A_121 = arith.constant 0 : i32
      %dma_start3A_122 = arith.constant 0 : i32
      %dma_start3A_123 = tpu.memref_slice %arg25[%dma_start3A_121, %dma_start3A_122] : memref<10240x128xf32, #tpu.memory_space<vmem_shared>> -> memref<10240x128xf32, #tpu.memory_space<vmem_shared>>
      tpu.enqueue_indirect_dma source(%arg11 : memref<40x128xf32, #tpu.memory_space<vmem>>) target(%dma_start3A_123 : memref<10240x128xf32, #tpu.memory_space<vmem_shared>>) offsets(%dma_start3A_120 : memref<40xi32, #tpu.memory_space<vmem>>) semaphore(%arg21 : memref<!tpu.dma_semaphore, #tpu.memory_space<semaphore_mem>>) {add = true}
      %add3A_124 = arith.constant 4 : i32
      %add3A_125 = arith.addi %add3A_111, %add3A_124 : i32
      %lt3A_126 = arith.constant 125 : i32
      %lt3A_127 = arith.cmpi slt, %add3A_125, %lt3A_126 : i32
      %convert_element_type3A_128 = arith.extui %lt3A_127 : i1 to i32
      %cond3A_129 = arith.constant 0 : i32
      %cond3A_130 = arith.cmpi ne, %convert_element_type3A_128, %cond3A_129 : i32
      scf.if %cond3A_130 {
        %ge3A = arith.constant 1 : i32
        %ge3A_200 = arith.cmpi sge, %add3A_111, %ge3A : i32
        %convert_element_type3A_201 = arith.extui %ge3A_200 : i1 to i32
        %cond3A_202 = arith.constant 0 : i32
        %cond3A_203 = arith.cmpi ne, %convert_element_type3A_201, %cond3A_202 : i32
        scf.if %cond3A_203 {
          %dma_wait3A_212 = arith.constant 0 : i32
          %dma_wait3A_213 = arith.constant 0 : i32
          %dma_wait3A_214 = arith.constant 0 : i32
          %dma_wait3A_215 = tpu.memref_slice %arg9[%dma_wait3A_212, %dma_wait3A_213, %dma_wait3A_214] : memref<125x1x40xi32, #tpu.memory_space<vmem>> -> memref<1x1x40xi32, #tpu.memory_space<vmem>>
          %dma_wait3A_216 = tpu.memref_squeeze %dma_wait3A_215 : memref<1x1x40xi32, #tpu.memory_space<vmem>> -> memref<40xi32, #tpu.memory_space<vmem>>
          %dma_wait3A_217 = arith.constant 0 : i32
          %dma_wait3A_218 = arith.constant 0 : i32
          %dma_wait3A_219 = tpu.memref_slice %arg25[%dma_wait3A_217, %dma_wait3A_218] : memref<10240x128xf32, #tpu.memory_space<vmem_shared>> -> memref<10240x128xf32, #tpu.memory_space<vmem_shared>>
          tpu.wait_indirect_dma semaphore(%arg20 : memref<!tpu.dma_semaphore, #tpu.memory_space<semaphore_mem>>) src(%arg10 : memref<40x128xf32, #tpu.memory_space<vmem>>) dst(%dma_wait3A_219 : memref<10240x128xf32, #tpu.memory_space<vmem_shared>>)
        } else {
        }
        %add3A_204 = arith.constant 4 : i32
        %add3A_205 = arith.addi %add3A_111, %add3A_204 : i32
        %mul3A_206 = arith.constant 40 : i32
        %mul3A_207 = arith.muli %add3A_205, %mul3A_206 : i32
        %dma_start3A_208 = tpu.memref_slice %arg8[%mul3A_207] : memref<5000xi32, #tpu.memory_space<vmem>> -> memref<40xi32, #tpu.memory_space<vmem>>
        %dma_start3A_209 = arith.constant 0 : i32
        %dma_start3A_210 = arith.constant 0 : i32
        %dma_start3A_211 = tpu.memref_slice %arg2[%dma_start3A_209, %dma_start3A_210] : memref<10000x128xf32, #tpu.memory_space<hbm>> -> memref<10000x128xf32, #tpu.memory_space<hbm>>
        tpu.enqueue_indirect_dma source(%dma_start3A_211 : memref<10000x128xf32, #tpu.memory_space<hbm>>) target(%arg10 : memref<40x128xf32, #tpu.memory_space<vmem>>) offsets(%dma_start3A_208 : memref<40xi32, #tpu.memory_space<vmem>>) semaphore(%arg15 : memref<!tpu.dma_semaphore, #tpu.memory_space<semaphore_mem>>)
      } else {
      }
      %mul3A_131 = arith.constant 5 : i32
      %mul3A_132 = arith.muli %scan3A_87, %mul3A_131 : i32
      %add3A_133 = arith.constant 2 : i32
      %add3A_134 = arith.addi %mul3A_132, %add3A_133 : i32
      %dma_wait3A_135 = arith.constant 0 : i32
      %dma_wait3A_136 = tpu.memref_slice %arg8[%dma_wait3A_135] : memref<5000xi32, #tpu.memory_space<vmem>> -> memref<40xi32, #tpu.memory_space<vmem>>
      %dma_wait3A_137 = arith.constant 0 : i32
      %dma_wait3A_138 = arith.constant 0 : i32
      %dma_wait3A_139 = tpu.memref_slice %arg2[%dma_wait3A_137, %dma_wait3A_138] : memref<10000x128xf32, #tpu.memory_space<hbm>> -> memref<10000x128xf32, #tpu.memory_space<hbm>>
      tpu.wait_indirect_dma semaphore(%arg17 : memref<!tpu.dma_semaphore, #tpu.memory_space<semaphore_mem>>) src(%dma_wait3A_139 : memref<10000x128xf32, #tpu.memory_space<hbm>>) dst(%arg12 : memref<40x128xf32, #tpu.memory_space<vmem>>)
      %dma_start3A_140 = arith.constant 0 : i32
      %dma_start3A_141 = arith.constant 0 : i32
      %dma_start3A_142 = tpu.memref_slice %arg9[%add3A_134, %dma_start3A_140, %dma_start3A_141] : memref<125x1x40xi32, #tpu.memory_space<vmem>> -> memref<1x1x40xi32, #tpu.memory_space<vmem>>
      %dma_start3A_143 = tpu.memref_squeeze %dma_start3A_142 : memref<1x1x40xi32, #tpu.memory_space<vmem>> -> memref<40xi32, #tpu.memory_space<vmem>>
      %dma_start3A_144 = arith.constant 0 : i32
      %dma_start3A_145 = arith.constant 0 : i32
      %dma_start3A_146 = tpu.memref_slice %arg25[%dma_start3A_144, %dma_start3A_145] : memref<10240x128xf32, #tpu.memory_space<vmem_shared>> -> memref<10240x128xf32, #tpu.memory_space<vmem_shared>>
      tpu.enqueue_indirect_dma source(%arg12 : memref<40x128xf32, #tpu.memory_space<vmem>>) target(%dma_start3A_146 : memref<10240x128xf32, #tpu.memory_space<vmem_shared>>) offsets(%dma_start3A_143 : memref<40xi32, #tpu.memory_space<vmem>>) semaphore(%arg22 : memref<!tpu.dma_semaphore, #tpu.memory_space<semaphore_mem>>) {add = true}
      %add3A_147 = arith.constant 4 : i32
      %add3A_148 = arith.addi %add3A_134, %add3A_147 : i32
      %lt3A_149 = arith.constant 125 : i32
      %lt3A_150 = arith.cmpi slt, %add3A_148, %lt3A_149 : i32
      %convert_element_type3A_151 = arith.extui %lt3A_150 : i1 to i32
      %cond3A_152 = arith.constant 0 : i32
      %cond3A_153 = arith.cmpi ne, %convert_element_type3A_151, %cond3A_152 : i32
      scf.if %cond3A_153 {
        %ge3A = arith.constant 1 : i32
        %ge3A_200 = arith.cmpi sge, %add3A_134, %ge3A : i32
        %convert_element_type3A_201 = arith.extui %ge3A_200 : i1 to i32
        %cond3A_202 = arith.constant 0 : i32
        %cond3A_203 = arith.cmpi ne, %convert_element_type3A_201, %cond3A_202 : i32
        scf.if %cond3A_203 {
          %dma_wait3A_212 = arith.constant 0 : i32
          %dma_wait3A_213 = arith.constant 0 : i32
          %dma_wait3A_214 = arith.constant 0 : i32
          %dma_wait3A_215 = tpu.memref_slice %arg9[%dma_wait3A_212, %dma_wait3A_213, %dma_wait3A_214] : memref<125x1x40xi32, #tpu.memory_space<vmem>> -> memref<1x1x40xi32, #tpu.memory_space<vmem>>
          %dma_wait3A_216 = tpu.memref_squeeze %dma_wait3A_215 : memref<1x1x40xi32, #tpu.memory_space<vmem>> -> memref<40xi32, #tpu.memory_space<vmem>>
          %dma_wait3A_217 = arith.constant 0 : i32
          %dma_wait3A_218 = arith.constant 0 : i32
          %dma_wait3A_219 = tpu.memref_slice %arg25[%dma_wait3A_217, %dma_wait3A_218] : memref<10240x128xf32, #tpu.memory_space<vmem_shared>> -> memref<10240x128xf32, #tpu.memory_space<vmem_shared>>
          tpu.wait_indirect_dma semaphore(%arg21 : memref<!tpu.dma_semaphore, #tpu.memory_space<semaphore_mem>>) src(%arg11 : memref<40x128xf32, #tpu.memory_space<vmem>>) dst(%dma_wait3A_219 : memref<10240x128xf32, #tpu.memory_space<vmem_shared>>)
        } else {
        }
        %add3A_204 = arith.constant 4 : i32
        %add3A_205 = arith.addi %add3A_134, %add3A_204 : i32
        %mul3A_206 = arith.constant 40 : i32
        %mul3A_207 = arith.muli %add3A_205, %mul3A_206 : i32
        %dma_start3A_208 = tpu.memref_slice %arg8[%mul3A_207] : memref<5000xi32, #tpu.memory_space<vmem>> -> memref<40xi32, #tpu.memory_space<vmem>>
        %dma_start3A_209 = arith.constant 0 : i32
        %dma_start3A_210 = arith.constant 0 : i32
        %dma_start3A_211 = tpu.memref_slice %arg2[%dma_start3A_209, %dma_start3A_210] : memref<10000x128xf32, #tpu.memory_space<hbm>> -> memref<10000x128xf32, #tpu.memory_space<hbm>>
        tpu.enqueue_indirect_dma source(%dma_start3A_211 : memref<10000x128xf32, #tpu.memory_space<hbm>>) target(%arg11 : memref<40x128xf32, #tpu.memory_space<vmem>>) offsets(%dma_start3A_208 : memref<40xi32, #tpu.memory_space<vmem>>) semaphore(%arg16 : memref<!tpu.dma_semaphore, #tpu.memory_space<semaphore_mem>>)
      } else {
      }
      %mul3A_154 = arith.constant 5 : i32
      %mul3A_155 = arith.muli %scan3A_87, %mul3A_154 : i32
      %add3A_156 = arith.constant 3 : i32
      %add3A_157 = arith.addi %mul3A_155, %add3A_156 : i32
      %dma_wait3A_158 = arith.constant 0 : i32
      %dma_wait3A_159 = tpu.memref_slice %arg8[%dma_wait3A_158] : memref<5000xi32, #tpu.memory_space<vmem>> -> memref<40xi32, #tpu.memory_space<vmem>>
      %dma_wait3A_160 = arith.constant 0 : i32
      %dma_wait3A_161 = arith.constant 0 : i32
      %dma_wait3A_162 = tpu.memref_slice %arg2[%dma_wait3A_160, %dma_wait3A_161] : memref<10000x128xf32, #tpu.memory_space<hbm>> -> memref<10000x128xf32, #tpu.memory_space<hbm>>
      tpu.wait_indirect_dma semaphore(%arg18 : memref<!tpu.dma_semaphore, #tpu.memory_space<semaphore_mem>>) src(%dma_wait3A_162 : memref<10000x128xf32, #tpu.memory_space<hbm>>) dst(%arg13 : memref<40x128xf32, #tpu.memory_space<vmem>>)
      %dma_start3A_163 = arith.constant 0 : i32
      %dma_start3A_164 = arith.constant 0 : i32
      %dma_start3A_165 = tpu.memref_slice %arg9[%add3A_157, %dma_start3A_163, %dma_start3A_164] : memref<125x1x40xi32, #tpu.memory_space<vmem>> -> memref<1x1x40xi32, #tpu.memory_space<vmem>>
      %dma_start3A_166 = tpu.memref_squeeze %dma_start3A_165 : memref<1x1x40xi32, #tpu.memory_space<vmem>> -> memref<40xi32, #tpu.memory_space<vmem>>
      %dma_start3A_167 = arith.constant 0 : i32
      %dma_start3A_168 = arith.constant 0 : i32
      %dma_start3A_169 = tpu.memref_slice %arg25[%dma_start3A_167, %dma_start3A_168] : memref<10240x128xf32, #tpu.memory_space<vmem_shared>> -> memref<10240x128xf32, #tpu.memory_space<vmem_shared>>
      tpu.enqueue_indirect_dma source(%arg13 : memref<40x128xf32, #tpu.memory_space<vmem>>) target(%dma_start3A_169 : memref<10240x128xf32, #tpu.memory_space<vmem_shared>>) offsets(%dma_start3A_166 : memref<40xi32, #tpu.memory_space<vmem>>) semaphore(%arg23 : memref<!tpu.dma_semaphore, #tpu.memory_space<semaphore_mem>>) {add = true}
      %add3A_170 = arith.constant 4 : i32
      %add3A_171 = arith.addi %add3A_157, %add3A_170 : i32
      %lt3A_172 = arith.constant 125 : i32
      %lt3A_173 = arith.cmpi slt, %add3A_171, %lt3A_172 : i32
      %convert_element_type3A_174 = arith.extui %lt3A_173 : i1 to i32
      %cond3A_175 = arith.constant 0 : i32
      %cond3A_176 = arith.cmpi ne, %convert_element_type3A_174, %cond3A_175 : i32
      scf.if %cond3A_176 {
        %ge3A = arith.constant 1 : i32
        %ge3A_200 = arith.cmpi sge, %add3A_157, %ge3A : i32
        %convert_element_type3A_201 = arith.extui %ge3A_200 : i1 to i32
        %cond3A_202 = arith.constant 0 : i32
        %cond3A_203 = arith.cmpi ne, %convert_element_type3A_201, %cond3A_202 : i32
        scf.if %cond3A_203 {
          %dma_wait3A_212 = arith.constant 0 : i32
          %dma_wait3A_213 = arith.constant 0 : i32
          %dma_wait3A_214 = arith.constant 0 : i32
          %dma_wait3A_215 = tpu.memref_slice %arg9[%dma_wait3A_212, %dma_wait3A_213, %dma_wait3A_214] : memref<125x1x40xi32, #tpu.memory_space<vmem>> -> memref<1x1x40xi32, #tpu.memory_space<vmem>>
          %dma_wait3A_216 = tpu.memref_squeeze %dma_wait3A_215 : memref<1x1x40xi32, #tpu.memory_space<vmem>> -> memref<40xi32, #tpu.memory_space<vmem>>
          %dma_wait3A_217 = arith.constant 0 : i32
          %dma_wait3A_218 = arith.constant 0 : i32
          %dma_wait3A_219 = tpu.memref_slice %arg25[%dma_wait3A_217, %dma_wait3A_218] : memref<10240x128xf32, #tpu.memory_space<vmem_shared>> -> memref<10240x128xf32, #tpu.memory_space<vmem_shared>>
          tpu.wait_indirect_dma semaphore(%arg22 : memref<!tpu.dma_semaphore, #tpu.memory_space<semaphore_mem>>) src(%arg12 : memref<40x128xf32, #tpu.memory_space<vmem>>) dst(%dma_wait3A_219 : memref<10240x128xf32, #tpu.memory_space<vmem_shared>>)
        } else {
        }
        %add3A_204 = arith.constant 4 : i32
        %add3A_205 = arith.addi %add3A_157, %add3A_204 : i32
        %mul3A_206 = arith.constant 40 : i32
        %mul3A_207 = arith.muli %add3A_205, %mul3A_206 : i32
        %dma_start3A_208 = tpu.memref_slice %arg8[%mul3A_207] : memref<5000xi32, #tpu.memory_space<vmem>> -> memref<40xi32, #tpu.memory_space<vmem>>
        %dma_start3A_209 = arith.constant 0 : i32
        %dma_start3A_210 = arith.constant 0 : i32
        %dma_start3A_211 = tpu.memref_slice %arg2[%dma_start3A_209, %dma_start3A_210] : memref<10000x128xf32, #tpu.memory_space<hbm>> -> memref<10000x128xf32, #tpu.memory_space<hbm>>
        tpu.enqueue_indirect_dma source(%dma_start3A_211 : memref<10000x128xf32, #tpu.memory_space<hbm>>) target(%arg12 : memref<40x128xf32, #tpu.memory_space<vmem>>) offsets(%dma_start3A_208 : memref<40xi32, #tpu.memory_space<vmem>>) semaphore(%arg17 : memref<!tpu.dma_semaphore, #tpu.memory_space<semaphore_mem>>)
      } else {
      }
      %mul3A_177 = arith.constant 5 : i32
      %mul3A_178 = arith.muli %scan3A_87, %mul3A_177 : i32
      %add3A_179 = arith.constant 4 : i32
      %add3A_180 = arith.addi %mul3A_178, %add3A_179 : i32
      %dma_wait3A_181 = arith.constant 0 : i32
      %dma_wait3A_182 = tpu.memref_slice %arg8[%dma_wait3A_181] : memref<5000xi32, #tpu.memory_space<vmem>> -> memref<40xi32, #tpu.memory_space<vmem>>
      %dma_wait3A_183 = arith.constant 0 : i32
      %dma_wait3A_184 = arith.constant 0 : i32
      %dma_wait3A_185 = tpu.memref_slice %arg2[%dma_wait3A_183, %dma_wait3A_184] : memref<10000x128xf32, #tpu.memory_space<hbm>> -> memref<10000x128xf32, #tpu.memory_space<hbm>>
      tpu.wait_indirect_dma semaphore(%arg19 : memref<!tpu.dma_semaphore, #tpu.memory_space<semaphore_mem>>) src(%dma_wait3A_185 : memref<10000x128xf32, #tpu.memory_space<hbm>>) dst(%arg14 : memref<40x128xf32, #tpu.memory_space<vmem>>)
      %dma_start3A_186 = arith.constant 0 : i32
      %dma_start3A_187 = arith.constant 0 : i32
      %dma_start3A_188 = tpu.memref_slice %arg9[%add3A_180, %dma_start3A_186, %dma_start3A_187] : memref<125x1x40xi32, #tpu.memory_space<vmem>> -> memref<1x1x40xi32, #tpu.memory_space<vmem>>
      %dma_start3A_189 = tpu.memref_squeeze %dma_start3A_188 : memref<1x1x40xi32, #tpu.memory_space<vmem>> -> memref<40xi32, #tpu.memory_space<vmem>>
      %dma_start3A_190 = arith.constant 0 : i32
      %dma_start3A_191 = arith.constant 0 : i32
      %dma_start3A_192 = tpu.memref_slice %arg25[%dma_start3A_190, %dma_start3A_191] : memref<10240x128xf32, #tpu.memory_space<vmem_shared>> -> memref<10240x128xf32, #tpu.memory_space<vmem_shared>>
      tpu.enqueue_indirect_dma source(%arg14 : memref<40x128xf32, #tpu.memory_space<vmem>>) target(%dma_start3A_192 : memref<10240x128xf32, #tpu.memory_space<vmem_shared>>) offsets(%dma_start3A_189 : memref<40xi32, #tpu.memory_space<vmem>>) semaphore(%arg24 : memref<!tpu.dma_semaphore, #tpu.memory_space<semaphore_mem>>) {add = true}
      %add3A_193 = arith.constant 4 : i32
      %add3A_194 = arith.addi %add3A_180, %add3A_193 : i32
      %lt3A_195 = arith.constant 125 : i32
      %lt3A_196 = arith.cmpi slt, %add3A_194, %lt3A_195 : i32
      %convert_element_type3A_197 = arith.extui %lt3A_196 : i1 to i32
      %cond3A_198 = arith.constant 0 : i32
      %cond3A_199 = arith.cmpi ne, %convert_element_type3A_197, %cond3A_198 : i32
      scf.if %cond3A_199 {
        %ge3A = arith.constant 1 : i32
        %ge3A_200 = arith.cmpi sge, %add3A_180, %ge3A : i32
        %convert_element_type3A_201 = arith.extui %ge3A_200 : i1 to i32
        %cond3A_202 = arith.constant 0 : i32
        %cond3A_203 = arith.cmpi ne, %convert_element_type3A_201, %cond3A_202 : i32
        scf.if %cond3A_203 {
          %dma_wait3A_212 = arith.constant 0 : i32
          %dma_wait3A_213 = arith.constant 0 : i32
          %dma_wait3A_214 = arith.constant 0 : i32
          %dma_wait3A_215 = tpu.memref_slice %arg9[%dma_wait3A_212, %dma_wait3A_213, %dma_wait3A_214] : memref<125x1x40xi32, #tpu.memory_space<vmem>> -> memref<1x1x40xi32, #tpu.memory_space<vmem>>
          %dma_wait3A_216 = tpu.memref_squeeze %dma_wait3A_215 : memref<1x1x40xi32, #tpu.memory_space<vmem>> -> memref<40xi32, #tpu.memory_space<vmem>>
          %dma_wait3A_217 = arith.constant 0 : i32
          %dma_wait3A_218 = arith.constant 0 : i32
          %dma_wait3A_219 = tpu.memref_slice %arg25[%dma_wait3A_217, %dma_wait3A_218] : memref<10240x128xf32, #tpu.memory_space<vmem_shared>> -> memref<10240x128xf32, #tpu.memory_space<vmem_shared>>
          tpu.wait_indirect_dma semaphore(%arg23 : memref<!tpu.dma_semaphore, #tpu.memory_space<semaphore_mem>>) src(%arg13 : memref<40x128xf32, #tpu.memory_space<vmem>>) dst(%dma_wait3A_219 : memref<10240x128xf32, #tpu.memory_space<vmem_shared>>)
        } else {
        }
        %add3A_204 = arith.constant 4 : i32
        %add3A_205 = arith.addi %add3A_180, %add3A_204 : i32
        %mul3A_206 = arith.constant 40 : i32
        %mul3A_207 = arith.muli %add3A_205, %mul3A_206 : i32
        %dma_start3A_208 = tpu.memref_slice %arg8[%mul3A_207] : memref<5000xi32, #tpu.memory_space<vmem>> -> memref<40xi32, #tpu.memory_space<vmem>>
        %dma_start3A_209 = arith.constant 0 : i32
        %dma_start3A_210 = arith.constant 0 : i32
        %dma_start3A_211 = tpu.memref_slice %arg2[%dma_start3A_209, %dma_start3A_210] : memref<10000x128xf32, #tpu.memory_space<hbm>> -> memref<10000x128xf32, #tpu.memory_space<hbm>>
        tpu.enqueue_indirect_dma source(%dma_start3A_211 : memref<10000x128xf32, #tpu.memory_space<hbm>>) target(%arg13 : memref<40x128xf32, #tpu.memory_space<vmem>>) offsets(%dma_start3A_208 : memref<40xi32, #tpu.memory_space<vmem>>) semaphore(%arg18 : memref<!tpu.dma_semaphore, #tpu.memory_space<semaphore_mem>>)
      } else {
      }
    }
    %scan3A_42 = arith.constant 25 : i32
    %dma_wait3A = arith.constant 0 : i32
    %dma_wait3A_43 = arith.constant 0 : i32
    %dma_wait3A_44 = arith.constant 0 : i32
    %dma_wait3A_45 = tpu.memref_slice %arg9[%dma_wait3A, %dma_wait3A_43, %dma_wait3A_44] : memref<125x1x40xi32, #tpu.memory_space<vmem>> -> memref<1x1x40xi32, #tpu.memory_space<vmem>>
    %dma_wait3A_46 = tpu.memref_squeeze %dma_wait3A_45 : memref<1x1x40xi32, #tpu.memory_space<vmem>> -> memref<40xi32, #tpu.memory_space<vmem>>
    %dma_wait3A_47 = arith.constant 0 : i32
    %dma_wait3A_48 = arith.constant 0 : i32
    %dma_wait3A_49 = tpu.memref_slice %arg25[%dma_wait3A_47, %dma_wait3A_48] : memref<10240x128xf32, #tpu.memory_space<vmem_shared>> -> memref<10240x128xf32, #tpu.memory_space<vmem_shared>>
    tpu.wait_indirect_dma semaphore(%arg20 : memref<!tpu.dma_semaphore, #tpu.memory_space<semaphore_mem>>) src(%arg10 : memref<40x128xf32, #tpu.memory_space<vmem>>) dst(%dma_wait3A_49 : memref<10240x128xf32, #tpu.memory_space<vmem_shared>>)
    %dma_wait3A_50 = arith.constant 0 : i32
    %dma_wait3A_51 = arith.constant 0 : i32
    %dma_wait3A_52 = arith.constant 0 : i32
    %dma_wait3A_53 = tpu.memref_slice %arg9[%dma_wait3A_50, %dma_wait3A_51, %dma_wait3A_52] : memref<125x1x40xi32, #tpu.memory_space<vmem>> -> memref<1x1x40xi32, #tpu.memory_space<vmem>>
    %dma_wait3A_54 = tpu.memref_squeeze %dma_wait3A_53 : memref<1x1x40xi32, #tpu.memory_space<vmem>> -> memref<40xi32, #tpu.memory_space<vmem>>
    %dma_wait3A_55 = arith.constant 0 : i32
    %dma_wait3A_56 = arith.constant 0 : i32
    %dma_wait3A_57 = tpu.memref_slice %arg25[%dma_wait3A_55, %dma_wait3A_56] : memref<10240x128xf32, #tpu.memory_space<vmem_shared>> -> memref<10240x128xf32, #tpu.memory_space<vmem_shared>>
    tpu.wait_indirect_dma semaphore(%arg21 : memref<!tpu.dma_semaphore, #tpu.memory_space<semaphore_mem>>) src(%arg11 : memref<40x128xf32, #tpu.memory_space<vmem>>) dst(%dma_wait3A_57 : memref<10240x128xf32, #tpu.memory_space<vmem_shared>>)
    %dma_wait3A_58 = arith.constant 0 : i32
    %dma_wait3A_59 = arith.constant 0 : i32
    %dma_wait3A_60 = arith.constant 0 : i32
    %dma_wait3A_61 = tpu.memref_slice %arg9[%dma_wait3A_58, %dma_wait3A_59, %dma_wait3A_60] : memref<125x1x40xi32, #tpu.memory_space<vmem>> -> memref<1x1x40xi32, #tpu.memory_space<vmem>>
    %dma_wait3A_62 = tpu.memref_squeeze %dma_wait3A_61 : memref<1x1x40xi32, #tpu.memory_space<vmem>> -> memref<40xi32, #tpu.memory_space<vmem>>
    %dma_wait3A_63 = arith.constant 0 : i32
    %dma_wait3A_64 = arith.constant 0 : i32
    %dma_wait3A_65 = tpu.memref_slice %arg25[%dma_wait3A_63, %dma_wait3A_64] : memref<10240x128xf32, #tpu.memory_space<vmem_shared>> -> memref<10240x128xf32, #tpu.memory_space<vmem_shared>>
    tpu.wait_indirect_dma semaphore(%arg22 : memref<!tpu.dma_semaphore, #tpu.memory_space<semaphore_mem>>) src(%arg12 : memref<40x128xf32, #tpu.memory_space<vmem>>) dst(%dma_wait3A_65 : memref<10240x128xf32, #tpu.memory_space<vmem_shared>>)
    %dma_wait3A_66 = arith.constant 0 : i32
    %dma_wait3A_67 = arith.constant 0 : i32
    %dma_wait3A_68 = arith.constant 0 : i32
    %dma_wait3A_69 = tpu.memref_slice %arg9[%dma_wait3A_66, %dma_wait3A_67, %dma_wait3A_68] : memref<125x1x40xi32, #tpu.memory_space<vmem>> -> memref<1x1x40xi32, #tpu.memory_space<vmem>>
    %dma_wait3A_70 = tpu.memref_squeeze %dma_wait3A_69 : memref<1x1x40xi32, #tpu.memory_space<vmem>> -> memref<40xi32, #tpu.memory_space<vmem>>
    %dma_wait3A_71 = arith.constant 0 : i32
    %dma_wait3A_72 = arith.constant 0 : i32
    %dma_wait3A_73 = tpu.memref_slice %arg25[%dma_wait3A_71, %dma_wait3A_72] : memref<10240x128xf32, #tpu.memory_space<vmem_shared>> -> memref<10240x128xf32, #tpu.memory_space<vmem_shared>>
    tpu.wait_indirect_dma semaphore(%arg23 : memref<!tpu.dma_semaphore, #tpu.memory_space<semaphore_mem>>) src(%arg13 : memref<40x128xf32, #tpu.memory_space<vmem>>) dst(%dma_wait3A_73 : memref<10240x128xf32, #tpu.memory_space<vmem_shared>>)
    %dma_wait3A_74 = arith.constant 0 : i32
    %dma_wait3A_75 = arith.constant 0 : i32
    %dma_wait3A_76 = arith.constant 0 : i32
    %dma_wait3A_77 = tpu.memref_slice %arg9[%dma_wait3A_74, %dma_wait3A_75, %dma_wait3A_76] : memref<125x1x40xi32, #tpu.memory_space<vmem>> -> memref<1x1x40xi32, #tpu.memory_space<vmem>>
    %dma_wait3A_78 = tpu.memref_squeeze %dma_wait3A_77 : memref<1x1x40xi32, #tpu.memory_space<vmem>> -> memref<40xi32, #tpu.memory_space<vmem>>
    %dma_wait3A_79 = arith.constant 0 : i32
    %dma_wait3A_80 = arith.constant 0 : i32
    %dma_wait3A_81 = tpu.memref_slice %arg25[%dma_wait3A_79, %dma_wait3A_80] : memref<10240x128xf32, #tpu.memory_space<vmem_shared>> -> memref<10240x128xf32, #tpu.memory_space<vmem_shared>>
    tpu.wait_indirect_dma semaphore(%arg24 : memref<!tpu.dma_semaphore, #tpu.memory_space<semaphore_mem>>) src(%arg14 : memref<40x128xf32, #tpu.memory_space<vmem>>) dst(%dma_wait3A_81 : memref<10240x128xf32, #tpu.memory_space<vmem_shared>>)
    %scan3A_82 = arith.constant 1 : i32
    %barrier3A_83 = arith.constant 0 : index
    tpu.barrier barrier_id(%barrier3A_83)
    %mul3A_84 = arith.constant 10240 : i32
    %mul3A_85 = arith.muli %arg0, %mul3A_84 : i32
    %add3A_86 = arith.addi %mul3A_85, %mul3A_6 : i32
    "tpu.region"() ({
      %run_scoped3A = tpu.sem_alloc : memref<!tpu.dma_semaphore, #tpu.memory_space<semaphore_mem>>
      %dma_start3A_87 = arith.constant 0 : i32
      %dma_start3A_88 = tpu.memref_slice %arg7[%add3A_86, %dma_start3A_87] : memref<20480x128xf32, #tpu.memory_space<hbm>> -> memref<640x128xf32, #tpu.memory_space<hbm>>
      %dma_start3A_89 = arith.constant 0 : i32
      %dma_start3A_90 = tpu.memref_slice %arg25[%mul3A_6, %dma_start3A_89] : memref<10240x128xf32, #tpu.memory_space<vmem_shared>> -> memref<640x128xf32, #tpu.memory_space<vmem_shared>>
      tpu.enqueue_dma source(%dma_start3A_90 : memref<640x128xf32, #tpu.memory_space<vmem_shared>>) target(%dma_start3A_88 : memref<640x128xf32, #tpu.memory_space<hbm>>) target_semaphore(%run_scoped3A : memref<!tpu.dma_semaphore, #tpu.memory_space<semaphore_mem>>)
      %dma_wait3A_91 = arith.constant 0 : i32
      %dma_wait3A_92 = tpu.memref_slice %arg7[%add3A_86, %dma_wait3A_91] : memref<20480x128xf32, #tpu.memory_space<hbm>> -> memref<640x128xf32, #tpu.memory_space<hbm>>
      %dma_wait3A_93 = arith.constant 0 : i32
      %dma_wait3A_94 = tpu.memref_slice %arg25[%mul3A_6, %dma_wait3A_93] : memref<10240x128xf32, #tpu.memory_space<vmem_shared>> -> memref<640x128xf32, #tpu.memory_space<vmem_shared>>
      tpu.wait_dma2 semaphore(%run_scoped3A : memref<!tpu.dma_semaphore, #tpu.memory_space<semaphore_mem>>) src(%dma_wait3A_94 : memref<640x128xf32, #tpu.memory_space<vmem_shared>>) dst(%dma_wait3A_92 : memref<640x128xf32, #tpu.memory_space<hbm>>)
      tpu.yield
    }) : () -> ()
    return
  }
}

#map = affine_map<(d0, d1) -> (0, 0)>
#map1 = affine_map<(d0, d1) -> (0)>
#map2 = affine_map<(d0, d1) -> (0, 0, 0)>
module attributes {stable_mosaic.version = 14 : i64} {
  func.func @k(%arg0: i32, %arg1: i32, %arg2: memref<10000x128xf32, #tpu.memory_space<hbm>>, %arg3: memref<160000xi32, #tpu.memory_space<hbm>>, %arg4: memref<4000x1x40xi32, #tpu.memory_space<hbm>>, %arg5: memref<640x128xf32, #tpu.memory_space<hbm>>, %arg6: memref<40x128xf32, #tpu.memory_space<hbm>>, %arg7: memref<20480x128xf32, #tpu.memory_space<hbm>>, %arg8: memref<5000xi32, #tpu.memory_space<vmem>>, %arg9: memref<125x1x40xi32, #tpu.memory_space<vmem>>, %arg10: memref<40x128xf32, #tpu.memory_space<vmem>>, %arg11: memref<40x128xf32, #tpu.memory_space<vmem>>, %arg12: memref<40x128xf32, #tpu.memory_space<vmem>>, %arg13: memref<40x128xf32, #tpu.memory_space<vmem>>, %arg14: memref<40x128xf32, #tpu.memory_space<vmem>>, %arg15: memref<!tpu.dma_semaphore, #tpu.memory_space<semaphore_mem>>, %arg16: memref<!tpu.dma_semaphore, #tpu.memory_space<semaphore_mem>>, %arg17: memref<!tpu.dma_semaphore, #tpu.memory_space<semaphore_mem>>, %arg18: memref<!tpu.dma_semaphore, #tpu.memory_space<semaphore_mem>>, %arg19: memref<!tpu.dma_semaphore, #tpu.memory_space<semaphore_mem>>, %arg20: memref<!tpu.dma_semaphore, #tpu.memory_space<semaphore_mem>>, %arg21: memref<!tpu.dma_semaphore, #tpu.memory_space<semaphore_mem>>, %arg22: memref<!tpu.dma_semaphore, #tpu.memory_space<semaphore_mem>>, %arg23: memref<!tpu.dma_semaphore, #tpu.memory_space<semaphore_mem>>, %arg24: memref<!tpu.dma_semaphore, #tpu.memory_space<semaphore_mem>>, %arg25: memref<10240x128xf32, #tpu.memory_space<vmem_shared>>) attributes {dimension_semantics = [#tpu.dimension_semantics<core_parallel>, #tpu.dimension_semantics<subcore_parallel>], iteration_bounds = array<i64: 2, 16>, scalar_prefetch = 0 : i64, scratch_operands = 18 : i64, tpu.core_type = #tpu.core_type<sc_vector_subcore>, window_params = [{transform_indices = #map}, {transform_indices = #map1}, {transform_indices = #map2}, {transform_indices = #map}, {transform_indices = #map}, {transform_indices = #map}]} {
    %mul3A = arith.constant 2 : i32
    %mul3A_0 = arith.muli %arg1, %mul3A : i32
    %add3A = arith.addi %mul3A_0, %arg0 : i32
    %mul3A_1 = arith.constant 5000 : i32
    %mul3A_2 = arith.muli %add3A, %mul3A_1 : i32
    %mul3A_3 = arith.constant 125 : i32
    %mul3A_4 = arith.muli %add3A, %mul3A_3 : i32
    %mul3A_5 = arith.constant 640 : i32
    %mul3A_6 = arith.muli %arg1, %mul3A_5 : i32
    "tpu.region"() ({
      %run_scoped3A = tpu.sem_alloc : memref<!tpu.dma_semaphore, #tpu.memory_space<semaphore_mem>>
      %dma_start3A_87 = arith.constant 0 : i32
      %dma_start3A_88 = tpu.memref_slice %arg25[%mul3A_6, %dma_start3A_87] : memref<10240x128xf32, #tpu.memory_space<vmem_shared>> -> memref<640x128xf32, #tpu.memory_space<vmem_shared>>
      tpu.enqueue_dma source(%arg5 : memref<640x128xf32, #tpu.memory_space<hbm>>) target(%dma_start3A_88 : memref<640x128xf32, #tpu.memory_space<vmem_shared>>) target_semaphore(%run_scoped3A : memref<!tpu.dma_semaphore, #tpu.memory_space<semaphore_mem>>)
      %dma_wait3A_89 = arith.constant 0 : i32
      %dma_wait3A_90 = tpu.memref_slice %arg25[%mul3A_6, %dma_wait3A_89] : memref<10240x128xf32, #tpu.memory_space<vmem_shared>> -> memref<640x128xf32, #tpu.memory_space<vmem_shared>>
      tpu.wait_dma2 semaphore(%run_scoped3A : memref<!tpu.dma_semaphore, #tpu.memory_space<semaphore_mem>>) src(%arg5 : memref<640x128xf32, #tpu.memory_space<hbm>>) dst(%dma_wait3A_90 : memref<640x128xf32, #tpu.memory_space<vmem_shared>>)
      tpu.yield
    }) : () -> ()
    %barrier3A = arith.constant 0 : index
    tpu.barrier barrier_id(%barrier3A)
    %scan3A = arith.constant 0 : i32
    %scan3A_7 = arith.constant 0 : i32
    %mul3A_8 = arith.constant 125 : i32
    %mul3A_9 = arith.muli %scan3A_7, %mul3A_8 : i32
    %add3A_10 = arith.addi %mul3A_4, %mul3A_9 : i32
    "tpu.region"() ({
      %run_scoped3A = tpu.sem_alloc : memref<!tpu.dma_semaphore, #tpu.memory_space<semaphore_mem>>
      %dma_start3A_87 = arith.constant 0 : i32
      %dma_start3A_88 = arith.constant 0 : i32
      %dma_start3A_89 = tpu.memref_slice %arg4[%add3A_10, %dma_start3A_87, %dma_start3A_88] : memref<4000x1x40xi32, #tpu.memory_space<hbm>> -> memref<125x1x40xi32, #tpu.memory_space<hbm>>
      %dma_start3A_90 = arith.constant 0 : i32
      %dma_start3A_91 = arith.constant 0 : i32
      %dma_start3A_92 = tpu.memref_slice %arg4[%add3A_10, %dma_start3A_90, %dma_start3A_91] : memref<4000x1x40xi32, #tpu.memory_space<hbm>> -> memref<125x1x40xi32, #tpu.memory_space<hbm>>
      tpu.enqueue_dma source(%dma_start3A_92 : memref<125x1x40xi32, #tpu.memory_space<hbm>>) target(%arg9 : memref<125x1x40xi32, #tpu.memory_space<vmem>>) target_semaphore(%run_scoped3A : memref<!tpu.dma_semaphore, #tpu.memory_space<semaphore_mem>>)
      %dma_wait3A_93 = arith.constant 0 : i32
      %dma_wait3A_94 = arith.constant 0 : i32
      %dma_wait3A_95 = tpu.memref_slice %arg4[%add3A_10, %dma_wait3A_93, %dma_wait3A_94] : memref<4000x1x40xi32, #tpu.memory_space<hbm>> -> memref<125x1x40xi32, #tpu.memory_space<hbm>>
      %dma_wait3A_96 = arith.constant 0 : i32
      %dma_wait3A_97 = arith.constant 0 : i32
      %dma_wait3A_98 = tpu.memref_slice %arg4[%add3A_10, %dma_wait3A_96, %dma_wait3A_97] : memref<4000x1x40xi32, #tpu.memory_space<hbm>> -> memref<125x1x40xi32, #tpu.memory_space<hbm>>
      tpu.wait_dma2 semaphore(%run_scoped3A : memref<!tpu.dma_semaphore, #tpu.memory_space<semaphore_mem>>) src(%dma_wait3A_98 : memref<125x1x40xi32, #tpu.memory_space<hbm>>) dst(%arg9 : memref<125x1x40xi32, #tpu.memory_space<vmem>>)
      tpu.yield
    }) : () -> ()
    %add3A_11 = arith.constant 0 : i32
    %add3A_12 = arith.addi %add3A_11, %mul3A_2 : i32
    %mul3A_13 = arith.constant 125 : i32
    %mul3A_14 = arith.muli %scan3A_7, %mul3A_13 : i32
    %mul3A_15 = arith.constant 40 : i32
    %mul3A_16 = arith.muli %mul3A_14, %mul3A_15 : i32
    %add3A_17 = arith.addi %add3A_12, %mul3A_16 : i32
    "tpu.region"() ({
      %run_scoped3A = tpu.sem_alloc : memref<!tpu.dma_semaphore, #tpu.memory_space<semaphore_mem>>
      %dma_start3A_87 = tpu.memref_slice %arg3[%add3A_17] : memref<160000xi32, #tpu.memory_space<hbm>> -> memref<5000xi32, #tpu.memory_space<hbm>>
      %dma_start3A_88 = tpu.memref_slice %arg3[%add3A_17] : memref<160000xi32, #tpu.memory_space<hbm>> -> memref<5000xi32, #tpu.memory_space<hbm>>
      tpu.enqueue_dma source(%dma_start3A_88 : memref<5000xi32, #tpu.memory_space<hbm>>) target(%arg8 : memref<5000xi32, #tpu.memory_space<vmem>>) target_semaphore(%run_scoped3A : memref<!tpu.dma_semaphore, #tpu.memory_space<semaphore_mem>>)
      %dma_wait3A_89 = tpu.memref_slice %arg3[%add3A_17] : memref<160000xi32, #tpu.memory_space<hbm>> -> memref<5000xi32, #tpu.memory_space<hbm>>
      %dma_wait3A_90 = tpu.memref_slice %arg3[%add3A_17] : memref<160000xi32, #tpu.memory_space<hbm>> -> memref<5000xi32, #tpu.memory_space<hbm>>
      tpu.wait_dma2 semaphore(%run_scoped3A : memref<!tpu.dma_semaphore, #tpu.memory_space<semaphore_mem>>) src(%dma_wait3A_90 : memref<5000xi32, #tpu.memory_space<hbm>>) dst(%arg8 : memref<5000xi32, #tpu.memory_space<vmem>>)
      tpu.yield
    }) : () -> ()
    %dma_start3A = arith.constant 0 : i32
    %dma_start3A_18 = tpu.memref_slice %arg8[%dma_start3A] : memref<5000xi32, #tpu.memory_space<vmem>> -> memref<40xi32, #tpu.memory_space<vmem>>
    %dma_start3A_19 = arith.constant 0 : i32
    %dma_start3A_20 = arith.constant 0 : i32
    %dma_start3A_21 = tpu.memref_slice %arg2[%dma_start3A_19, %dma_start3A_20] : memref<10000x128xf32, #tpu.memory_space<hbm>> -> memref<10000x128xf32, #tpu.memory_space<hbm>>
    tpu.enqueue_indirect_dma source(%dma_start3A_21 : memref<10000x128xf32, #tpu.memory_space<hbm>>) target(%arg10 : memref<40x128xf32, #tpu.memory_space<vmem>>) offsets(%dma_start3A_18 : memref<40xi32, #tpu.memory_space<vmem>>) semaphore(%arg15 : memref<!tpu.dma_semaphore, #tpu.memory_space<semaphore_mem>>)
    %dma_start3A_22 = arith.constant 40 : i32
    %dma_start3A_23 = tpu.memref_slice %arg8[%dma_start3A_22] : memref<5000xi32, #tpu.memory_space<vmem>> -> memref<40xi32, #tpu.memory_space<vmem>>
    %dma_start3A_24 = arith.constant 0 : i32
    %dma_start3A_25 = arith.constant 0 : i32
    %dma_start3A_26 = tpu.memref_slice %arg2[%dma_start3A_24, %dma_start3A_25] : memref<10000x128xf32, #tpu.memory_space<hbm>> -> memref<10000x128xf32, #tpu.memory_space<hbm>>
    tpu.enqueue_indirect_dma source(%dma_start3A_26 : memref<10000x128xf32, #tpu.memory_space<hbm>>) target(%arg11 : memref<40x128xf32, #tpu.memory_space<vmem>>) offsets(%dma_start3A_23 : memref<40xi32, #tpu.memory_space<vmem>>) semaphore(%arg16 : memref<!tpu.dma_semaphore, #tpu.memory_space<semaphore_mem>>)
    %dma_start3A_27 = arith.constant 80 : i32
    %dma_start3A_28 = tpu.memref_slice %arg8[%dma_start3A_27] : memref<5000xi32, #tpu.memory_space<vmem>> -> memref<40xi32, #tpu.memory_space<vmem>>
    %dma_start3A_29 = arith.constant 0 : i32
    %dma_start3A_30 = arith.constant 0 : i32
    %dma_start3A_31 = tpu.memref_slice %arg2[%dma_start3A_29, %dma_start3A_30] : memref<10000x128xf32, #tpu.memory_space<hbm>> -> memref<10000x128xf32, #tpu.memory_space<hbm>>
    tpu.enqueue_indirect_dma source(%dma_start3A_31 : memref<10000x128xf32, #tpu.memory_space<hbm>>) target(%arg12 : memref<40x128xf32, #tpu.memory_space<vmem>>) offsets(%dma_start3A_28 : memref<40xi32, #tpu.memory_space<vmem>>) semaphore(%arg17 : memref<!tpu.dma_semaphore, #tpu.memory_space<semaphore_mem>>)
    %dma_start3A_32 = arith.constant 120 : i32
    %dma_start3A_33 = tpu.memref_slice %arg8[%dma_start3A_32] : memref<5000xi32, #tpu.memory_space<vmem>> -> memref<40xi32, #tpu.memory_space<vmem>>
    %dma_start3A_34 = arith.constant 0 : i32
    %dma_start3A_35 = arith.constant 0 : i32
    %dma_start3A_36 = tpu.memref_slice %arg2[%dma_start3A_34, %dma_start3A_35] : memref<10000x128xf32, #tpu.memory_space<hbm>> -> memref<10000x128xf32, #tpu.memory_space<hbm>>
    tpu.enqueue_indirect_dma source(%dma_start3A_36 : memref<10000x128xf32, #tpu.memory_space<hbm>>) target(%arg13 : memref<40x128xf32, #tpu.memory_space<vmem>>) offsets(%dma_start3A_33 : memref<40xi32, #tpu.memory_space<vmem>>) semaphore(%arg18 : memref<!tpu.dma_semaphore, #tpu.memory_space<semaphore_mem>>)
    %scan3A_37 = arith.constant 0 : i32
    %scan3A_38 = arith.constant 0 : i32
    %scan3A_39 = arith.constant 25 : i32
    %scan3A_40 = arith.addi %scan3A_38, %scan3A_39 : i32
    %scan3A_41 = arith.constant 1 : i32
    scf.for %scan3A_87 = %scan3A_38 to %scan3A_40 step %scan3A_41  : i32 {
      %mul3A_88 = arith.constant 5 : i32
      %mul3A_89 = arith.muli %scan3A_87, %mul3A_88 : i32
      %add3A_90 = arith.constant 0 : i32
      %add3A_91 = arith.addi %mul3A_89, %add3A_90 : i32
      %dma_wait3A_92 = arith.constant 0 : i32
      %dma_wait3A_93 = tpu.memref_slice %arg8[%dma_wait3A_92] : memref<5000xi32, #tpu.memory_space<vmem>> -> memref<40xi32, #tpu.memory_space<vmem>>
      %dma_wait3A_94 = arith.constant 0 : i32
      %dma_wait3A_95 = arith.constant 0 : i32
      %dma_wait3A_96 = tpu.memref_slice %arg2[%dma_wait3A_94, %dma_wait3A_95] : memref<10000x128xf32, #tpu.memory_space<hbm>> -> memref<10000x128xf32, #tpu.memory_space<hbm>>
      tpu.wait_indirect_dma semaphore(%arg15 : memref<!tpu.dma_semaphore, #tpu.memory_space<semaphore_mem>>) src(%dma_wait3A_96 : memref<10000x128xf32, #tpu.memory_space<hbm>>) dst(%arg10 : memref<40x128xf32, #tpu.memory_space<vmem>>)
      %dma_start3A_97 = arith.constant 0 : i32
      %dma_start3A_98 = arith.constant 0 : i32
      %dma_start3A_99 = tpu.memref_slice %arg9[%add3A_91, %dma_start3A_97, %dma_start3A_98] : memref<125x1x40xi32, #tpu.memory_space<vmem>> -> memref<1x1x40xi32, #tpu.memory_space<vmem>>
      %dma_start3A_100 = tpu.memref_squeeze %dma_start3A_99 : memref<1x1x40xi32, #tpu.memory_space<vmem>> -> memref<40xi32, #tpu.memory_space<vmem>>
      %dma_start3A_101 = arith.constant 0 : i32
      %dma_start3A_102 = arith.constant 0 : i32
      %dma_start3A_103 = tpu.memref_slice %arg25[%dma_start3A_101, %dma_start3A_102] : memref<10240x128xf32, #tpu.memory_space<vmem_shared>> -> memref<10240x128xf32, #tpu.memory_space<vmem_shared>>
      tpu.enqueue_indirect_dma source(%arg10 : memref<40x128xf32, #tpu.memory_space<vmem>>) target(%dma_start3A_103 : memref<10240x128xf32, #tpu.memory_space<vmem_shared>>) offsets(%dma_start3A_100 : memref<40xi32, #tpu.memory_space<vmem>>) semaphore(%arg20 : memref<!tpu.dma_semaphore, #tpu.memory_space<semaphore_mem>>) {add = true}
      %add3A_104 = arith.constant 4 : i32
      %add3A_105 = arith.addi %add3A_91, %add3A_104 : i32
      %lt3A = arith.constant 125 : i32
      %lt3A_106 = arith.cmpi slt, %add3A_105, %lt3A : i32
      %convert_element_type3A = arith.extui %lt3A_106 : i1 to i32
      %cond3A = arith.constant 0 : i32
      %cond3A_107 = arith.cmpi ne, %convert_element_type3A, %cond3A : i32
      scf.if %cond3A_107 {
        %ge3A = arith.constant 1 : i32
        %ge3A_200 = arith.cmpi sge, %add3A_91, %ge3A : i32
        %convert_element_type3A_201 = arith.extui %ge3A_200 : i1 to i32
        %cond3A_202 = arith.constant 0 : i32
        %cond3A_203 = arith.cmpi ne, %convert_element_type3A_201, %cond3A_202 : i32
        scf.if %cond3A_203 {
          %dma_wait3A_212 = arith.constant 0 : i32
          %dma_wait3A_213 = arith.constant 0 : i32
          %dma_wait3A_214 = arith.constant 0 : i32
          %dma_wait3A_215 = tpu.memref_slice %arg9[%dma_wait3A_212, %dma_wait3A_213, %dma_wait3A_214] : memref<125x1x40xi32, #tpu.memory_space<vmem>> -> memref<1x1x40xi32, #tpu.memory_space<vmem>>
          %dma_wait3A_216 = tpu.memref_squeeze %dma_wait3A_215 : memref<1x1x40xi32, #tpu.memory_space<vmem>> -> memref<40xi32, #tpu.memory_space<vmem>>
          %dma_wait3A_217 = arith.constant 0 : i32
          %dma_wait3A_218 = arith.constant 0 : i32
          %dma_wait3A_219 = tpu.memref_slice %arg25[%dma_wait3A_217, %dma_wait3A_218] : memref<10240x128xf32, #tpu.memory_space<vmem_shared>> -> memref<10240x128xf32, #tpu.memory_space<vmem_shared>>
          tpu.wait_indirect_dma semaphore(%arg24 : memref<!tpu.dma_semaphore, #tpu.memory_space<semaphore_mem>>) src(%arg14 : memref<40x128xf32, #tpu.memory_space<vmem>>) dst(%dma_wait3A_219 : memref<10240x128xf32, #tpu.memory_space<vmem_shared>>)
        } else {
        }
        %add3A_204 = arith.constant 4 : i32
        %add3A_205 = arith.addi %add3A_91, %add3A_204 : i32
        %mul3A_206 = arith.constant 40 : i32
        %mul3A_207 = arith.muli %add3A_205, %mul3A_206 : i32
        %dma_start3A_208 = tpu.memref_slice %arg8[%mul3A_207] : memref<5000xi32, #tpu.memory_space<vmem>> -> memref<40xi32, #tpu.memory_space<vmem>>
        %dma_start3A_209 = arith.constant 0 : i32
        %dma_start3A_210 = arith.constant 0 : i32
        %dma_start3A_211 = tpu.memref_slice %arg2[%dma_start3A_209, %dma_start3A_210] : memref<10000x128xf32, #tpu.memory_space<hbm>> -> memref<10000x128xf32, #tpu.memory_space<hbm>>
        tpu.enqueue_indirect_dma source(%dma_start3A_211 : memref<10000x128xf32, #tpu.memory_space<hbm>>) target(%arg14 : memref<40x128xf32, #tpu.memory_space<vmem>>) offsets(%dma_start3A_208 : memref<40xi32, #tpu.memory_space<vmem>>) semaphore(%arg19 : memref<!tpu.dma_semaphore, #tpu.memory_space<semaphore_mem>>)
      } else {
      }
      %mul3A_108 = arith.constant 5 : i32
      %mul3A_109 = arith.muli %scan3A_87, %mul3A_108 : i32
      %add3A_110 = arith.constant 1 : i32
      %add3A_111 = arith.addi %mul3A_109, %add3A_110 : i32
      %dma_wait3A_112 = arith.constant 0 : i32
      %dma_wait3A_113 = tpu.memref_slice %arg8[%dma_wait3A_112] : memref<5000xi32, #tpu.memory_space<vmem>> -> memref<40xi32, #tpu.memory_space<vmem>>
      %dma_wait3A_114 = arith.constant 0 : i32
      %dma_wait3A_115 = arith.constant 0 : i32
      %dma_wait3A_116 = tpu.memref_slice %arg2[%dma_wait3A_114, %dma_wait3A_115] : memref<10000x128xf32, #tpu.memory_space<hbm>> -> memref<10000x128xf32, #tpu.memory_space<hbm>>
      tpu.wait_indirect_dma semaphore(%arg16 : memref<!tpu.dma_semaphore, #tpu.memory_space<semaphore_mem>>) src(%dma_wait3A_116 : memref<10000x128xf32, #tpu.memory_space<hbm>>) dst(%arg11 : memref<40x128xf32, #tpu.memory_space<vmem>>)
      %dma_start3A_117 = arith.constant 0 : i32
      %dma_start3A_118 = arith.constant 0 : i32
      %dma_start3A_119 = tpu.memref_slice %arg9[%add3A_111, %dma_start3A_117, %dma_start3A_118] : memref<125x1x40xi32, #tpu.memory_space<vmem>> -> memref<1x1x40xi32, #tpu.memory_space<vmem>>
      %dma_start3A_120 = tpu.memref_squeeze %dma_start3A_119 : memref<1x1x40xi32, #tpu.memory_space<vmem>> -> memref<40xi32, #tpu.memory_space<vmem>>
      %dma_start3A_121 = arith.constant 0 : i32
      %dma_start3A_122 = arith.constant 0 : i32
      %dma_start3A_123 = tpu.memref_slice %arg25[%dma_start3A_121, %dma_start3A_122] : memref<10240x128xf32, #tpu.memory_space<vmem_shared>> -> memref<10240x128xf32, #tpu.memory_space<vmem_shared>>
      tpu.enqueue_indirect_dma source(%arg11 : memref<40x128xf32, #tpu.memory_space<vmem>>) target(%dma_start3A_123 : memref<10240x128xf32, #tpu.memory_space<vmem_shared>>) offsets(%dma_start3A_120 : memref<40xi32, #tpu.memory_space<vmem>>) semaphore(%arg21 : memref<!tpu.dma_semaphore, #tpu.memory_space<semaphore_mem>>) {add = true}
      %add3A_124 = arith.constant 4 : i32
      %add3A_125 = arith.addi %add3A_111, %add3A_124 : i32
      %lt3A_126 = arith.constant 125 : i32
      %lt3A_127 = arith.cmpi slt, %add3A_125, %lt3A_126 : i32
      %convert_element_type3A_128 = arith.extui %lt3A_127 : i1 to i32
      %cond3A_129 = arith.constant 0 : i32
      %cond3A_130 = arith.cmpi ne, %convert_element_type3A_128, %cond3A_129 : i32
      scf.if %cond3A_130 {
        %ge3A = arith.constant 1 : i32
        %ge3A_200 = arith.cmpi sge, %add3A_111, %ge3A : i32
        %convert_element_type3A_201 = arith.extui %ge3A_200 : i1 to i32
        %cond3A_202 = arith.constant 0 : i32
        %cond3A_203 = arith.cmpi ne, %convert_element_type3A_201, %cond3A_202 : i32
        scf.if %cond3A_203 {
          %dma_wait3A_212 = arith.constant 0 : i32
          %dma_wait3A_213 = arith.constant 0 : i32
          %dma_wait3A_214 = arith.constant 0 : i32
          %dma_wait3A_215 = tpu.memref_slice %arg9[%dma_wait3A_212, %dma_wait3A_213, %dma_wait3A_214] : memref<125x1x40xi32, #tpu.memory_space<vmem>> -> memref<1x1x40xi32, #tpu.memory_space<vmem>>
          %dma_wait3A_216 = tpu.memref_squeeze %dma_wait3A_215 : memref<1x1x40xi32, #tpu.memory_space<vmem>> -> memref<40xi32, #tpu.memory_space<vmem>>
          %dma_wait3A_217 = arith.constant 0 : i32
          %dma_wait3A_218 = arith.constant 0 : i32
          %dma_wait3A_219 = tpu.memref_slice %arg25[%dma_wait3A_217, %dma_wait3A_218] : memref<10240x128xf32, #tpu.memory_space<vmem_shared>> -> memref<10240x128xf32, #tpu.memory_space<vmem_shared>>
          tpu.wait_indirect_dma semaphore(%arg20 : memref<!tpu.dma_semaphore, #tpu.memory_space<semaphore_mem>>) src(%arg10 : memref<40x128xf32, #tpu.memory_space<vmem>>) dst(%dma_wait3A_219 : memref<10240x128xf32, #tpu.memory_space<vmem_shared>>)
        } else {
        }
        %add3A_204 = arith.constant 4 : i32
        %add3A_205 = arith.addi %add3A_111, %add3A_204 : i32
        %mul3A_206 = arith.constant 40 : i32
        %mul3A_207 = arith.muli %add3A_205, %mul3A_206 : i32
        %dma_start3A_208 = tpu.memref_slice %arg8[%mul3A_207] : memref<5000xi32, #tpu.memory_space<vmem>> -> memref<40xi32, #tpu.memory_space<vmem>>
        %dma_start3A_209 = arith.constant 0 : i32
        %dma_start3A_210 = arith.constant 0 : i32
        %dma_start3A_211 = tpu.memref_slice %arg2[%dma_start3A_209, %dma_start3A_210] : memref<10000x128xf32, #tpu.memory_space<hbm>> -> memref<10000x128xf32, #tpu.memory_space<hbm>>
        tpu.enqueue_indirect_dma source(%dma_start3A_211 : memref<10000x128xf32, #tpu.memory_space<hbm>>) target(%arg10 : memref<40x128xf32, #tpu.memory_space<vmem>>) offsets(%dma_start3A_208 : memref<40xi32, #tpu.memory_space<vmem>>) semaphore(%arg15 : memref<!tpu.dma_semaphore, #tpu.memory_space<semaphore_mem>>)
      } else {
      }
      %mul3A_131 = arith.constant 5 : i32
      %mul3A_132 = arith.muli %scan3A_87, %mul3A_131 : i32
      %add3A_133 = arith.constant 2 : i32
      %add3A_134 = arith.addi %mul3A_132, %add3A_133 : i32
      %dma_wait3A_135 = arith.constant 0 : i32
      %dma_wait3A_136 = tpu.memref_slice %arg8[%dma_wait3A_135] : memref<5000xi32, #tpu.memory_space<vmem>> -> memref<40xi32, #tpu.memory_space<vmem>>
      %dma_wait3A_137 = arith.constant 0 : i32
      %dma_wait3A_138 = arith.constant 0 : i32
      %dma_wait3A_139 = tpu.memref_slice %arg2[%dma_wait3A_137, %dma_wait3A_138] : memref<10000x128xf32, #tpu.memory_space<hbm>> -> memref<10000x128xf32, #tpu.memory_space<hbm>>
      tpu.wait_indirect_dma semaphore(%arg17 : memref<!tpu.dma_semaphore, #tpu.memory_space<semaphore_mem>>) src(%dma_wait3A_139 : memref<10000x128xf32, #tpu.memory_space<hbm>>) dst(%arg12 : memref<40x128xf32, #tpu.memory_space<vmem>>)
      %dma_start3A_140 = arith.constant 0 : i32
      %dma_start3A_141 = arith.constant 0 : i32
      %dma_start3A_142 = tpu.memref_slice %arg9[%add3A_134, %dma_start3A_140, %dma_start3A_141] : memref<125x1x40xi32, #tpu.memory_space<vmem>> -> memref<1x1x40xi32, #tpu.memory_space<vmem>>
      %dma_start3A_143 = tpu.memref_squeeze %dma_start3A_142 : memref<1x1x40xi32, #tpu.memory_space<vmem>> -> memref<40xi32, #tpu.memory_space<vmem>>
      %dma_start3A_144 = arith.constant 0 : i32
      %dma_start3A_145 = arith.constant 0 : i32
      %dma_start3A_146 = tpu.memref_slice %arg25[%dma_start3A_144, %dma_start3A_145] : memref<10240x128xf32, #tpu.memory_space<vmem_shared>> -> memref<10240x128xf32, #tpu.memory_space<vmem_shared>>
      tpu.enqueue_indirect_dma source(%arg12 : memref<40x128xf32, #tpu.memory_space<vmem>>) target(%dma_start3A_146 : memref<10240x128xf32, #tpu.memory_space<vmem_shared>>) offsets(%dma_start3A_143 : memref<40xi32, #tpu.memory_space<vmem>>) semaphore(%arg22 : memref<!tpu.dma_semaphore, #tpu.memory_space<semaphore_mem>>) {add = true}
      %add3A_147 = arith.constant 4 : i32
      %add3A_148 = arith.addi %add3A_134, %add3A_147 : i32
      %lt3A_149 = arith.constant 125 : i32
      %lt3A_150 = arith.cmpi slt, %add3A_148, %lt3A_149 : i32
      %convert_element_type3A_151 = arith.extui %lt3A_150 : i1 to i32
      %cond3A_152 = arith.constant 0 : i32
      %cond3A_153 = arith.cmpi ne, %convert_element_type3A_151, %cond3A_152 : i32
      scf.if %cond3A_153 {
        %ge3A = arith.constant 1 : i32
        %ge3A_200 = arith.cmpi sge, %add3A_134, %ge3A : i32
        %convert_element_type3A_201 = arith.extui %ge3A_200 : i1 to i32
        %cond3A_202 = arith.constant 0 : i32
        %cond3A_203 = arith.cmpi ne, %convert_element_type3A_201, %cond3A_202 : i32
        scf.if %cond3A_203 {
          %dma_wait3A_212 = arith.constant 0 : i32
          %dma_wait3A_213 = arith.constant 0 : i32
          %dma_wait3A_214 = arith.constant 0 : i32
          %dma_wait3A_215 = tpu.memref_slice %arg9[%dma_wait3A_212, %dma_wait3A_213, %dma_wait3A_214] : memref<125x1x40xi32, #tpu.memory_space<vmem>> -> memref<1x1x40xi32, #tpu.memory_space<vmem>>
          %dma_wait3A_216 = tpu.memref_squeeze %dma_wait3A_215 : memref<1x1x40xi32, #tpu.memory_space<vmem>> -> memref<40xi32, #tpu.memory_space<vmem>>
          %dma_wait3A_217 = arith.constant 0 : i32
          %dma_wait3A_218 = arith.constant 0 : i32
          %dma_wait3A_219 = tpu.memref_slice %arg25[%dma_wait3A_217, %dma_wait3A_218] : memref<10240x128xf32, #tpu.memory_space<vmem_shared>> -> memref<10240x128xf32, #tpu.memory_space<vmem_shared>>
          tpu.wait_indirect_dma semaphore(%arg21 : memref<!tpu.dma_semaphore, #tpu.memory_space<semaphore_mem>>) src(%arg11 : memref<40x128xf32, #tpu.memory_space<vmem>>) dst(%dma_wait3A_219 : memref<10240x128xf32, #tpu.memory_space<vmem_shared>>)
        } else {
        }
        %add3A_204 = arith.constant 4 : i32
        %add3A_205 = arith.addi %add3A_134, %add3A_204 : i32
        %mul3A_206 = arith.constant 40 : i32
        %mul3A_207 = arith.muli %add3A_205, %mul3A_206 : i32
        %dma_start3A_208 = tpu.memref_slice %arg8[%mul3A_207] : memref<5000xi32, #tpu.memory_space<vmem>> -> memref<40xi32, #tpu.memory_space<vmem>>
        %dma_start3A_209 = arith.constant 0 : i32
        %dma_start3A_210 = arith.constant 0 : i32
        %dma_start3A_211 = tpu.memref_slice %arg2[%dma_start3A_209, %dma_start3A_210] : memref<10000x128xf32, #tpu.memory_space<hbm>> -> memref<10000x128xf32, #tpu.memory_space<hbm>>
        tpu.enqueue_indirect_dma source(%dma_start3A_211 : memref<10000x128xf32, #tpu.memory_space<hbm>>) target(%arg11 : memref<40x128xf32, #tpu.memory_space<vmem>>) offsets(%dma_start3A_208 : memref<40xi32, #tpu.memory_space<vmem>>) semaphore(%arg16 : memref<!tpu.dma_semaphore, #tpu.memory_space<semaphore_mem>>)
      } else {
      }
      %mul3A_154 = arith.constant 5 : i32
      %mul3A_155 = arith.muli %scan3A_87, %mul3A_154 : i32
      %add3A_156 = arith.constant 3 : i32
      %add3A_157 = arith.addi %mul3A_155, %add3A_156 : i32
      %dma_wait3A_158 = arith.constant 0 : i32
      %dma_wait3A_159 = tpu.memref_slice %arg8[%dma_wait3A_158] : memref<5000xi32, #tpu.memory_space<vmem>> -> memref<40xi32, #tpu.memory_space<vmem>>
      %dma_wait3A_160 = arith.constant 0 : i32
      %dma_wait3A_161 = arith.constant 0 : i32
      %dma_wait3A_162 = tpu.memref_slice %arg2[%dma_wait3A_160, %dma_wait3A_161] : memref<10000x128xf32, #tpu.memory_space<hbm>> -> memref<10000x128xf32, #tpu.memory_space<hbm>>
      tpu.wait_indirect_dma semaphore(%arg18 : memref<!tpu.dma_semaphore, #tpu.memory_space<semaphore_mem>>) src(%dma_wait3A_162 : memref<10000x128xf32, #tpu.memory_space<hbm>>) dst(%arg13 : memref<40x128xf32, #tpu.memory_space<vmem>>)
      %dma_start3A_163 = arith.constant 0 : i32
      %dma_start3A_164 = arith.constant 0 : i32
      %dma_start3A_165 = tpu.memref_slice %arg9[%add3A_157, %dma_start3A_163, %dma_start3A_164] : memref<125x1x40xi32, #tpu.memory_space<vmem>> -> memref<1x1x40xi32, #tpu.memory_space<vmem>>
      %dma_start3A_166 = tpu.memref_squeeze %dma_start3A_165 : memref<1x1x40xi32, #tpu.memory_space<vmem>> -> memref<40xi32, #tpu.memory_space<vmem>>
      %dma_start3A_167 = arith.constant 0 : i32
      %dma_start3A_168 = arith.constant 0 : i32
      %dma_start3A_169 = tpu.memref_slice %arg25[%dma_start3A_167, %dma_start3A_168] : memref<10240x128xf32, #tpu.memory_space<vmem_shared>> -> memref<10240x128xf32, #tpu.memory_space<vmem_shared>>
      tpu.enqueue_indirect_dma source(%arg13 : memref<40x128xf32, #tpu.memory_space<vmem>>) target(%dma_start3A_169 : memref<10240x128xf32, #tpu.memory_space<vmem_shared>>) offsets(%dma_start3A_166 : memref<40xi32, #tpu.memory_space<vmem>>) semaphore(%arg23 : memref<!tpu.dma_semaphore, #tpu.memory_space<semaphore_mem>>) {add = true}
      %add3A_170 = arith.constant 4 : i32
      %add3A_171 = arith.addi %add3A_157, %add3A_170 : i32
      %lt3A_172 = arith.constant 125 : i32
      %lt3A_173 = arith.cmpi slt, %add3A_171, %lt3A_172 : i32
      %convert_element_type3A_174 = arith.extui %lt3A_173 : i1 to i32
      %cond3A_175 = arith.constant 0 : i32
      %cond3A_176 = arith.cmpi ne, %convert_element_type3A_174, %cond3A_175 : i32
      scf.if %cond3A_176 {
        %ge3A = arith.constant 1 : i32
        %ge3A_200 = arith.cmpi sge, %add3A_157, %ge3A : i32
        %convert_element_type3A_201 = arith.extui %ge3A_200 : i1 to i32
        %cond3A_202 = arith.constant 0 : i32
        %cond3A_203 = arith.cmpi ne, %convert_element_type3A_201, %cond3A_202 : i32
        scf.if %cond3A_203 {
          %dma_wait3A_212 = arith.constant 0 : i32
          %dma_wait3A_213 = arith.constant 0 : i32
          %dma_wait3A_214 = arith.constant 0 : i32
          %dma_wait3A_215 = tpu.memref_slice %arg9[%dma_wait3A_212, %dma_wait3A_213, %dma_wait3A_214] : memref<125x1x40xi32, #tpu.memory_space<vmem>> -> memref<1x1x40xi32, #tpu.memory_space<vmem>>
          %dma_wait3A_216 = tpu.memref_squeeze %dma_wait3A_215 : memref<1x1x40xi32, #tpu.memory_space<vmem>> -> memref<40xi32, #tpu.memory_space<vmem>>
          %dma_wait3A_217 = arith.constant 0 : i32
          %dma_wait3A_218 = arith.constant 0 : i32
          %dma_wait3A_219 = tpu.memref_slice %arg25[%dma_wait3A_217, %dma_wait3A_218] : memref<10240x128xf32, #tpu.memory_space<vmem_shared>> -> memref<10240x128xf32, #tpu.memory_space<vmem_shared>>
          tpu.wait_indirect_dma semaphore(%arg22 : memref<!tpu.dma_semaphore, #tpu.memory_space<semaphore_mem>>) src(%arg12 : memref<40x128xf32, #tpu.memory_space<vmem>>) dst(%dma_wait3A_219 : memref<10240x128xf32, #tpu.memory_space<vmem_shared>>)
        } else {
        }
        %add3A_204 = arith.constant 4 : i32
        %add3A_205 = arith.addi %add3A_157, %add3A_204 : i32
        %mul3A_206 = arith.constant 40 : i32
        %mul3A_207 = arith.muli %add3A_205, %mul3A_206 : i32
        %dma_start3A_208 = tpu.memref_slice %arg8[%mul3A_207] : memref<5000xi32, #tpu.memory_space<vmem>> -> memref<40xi32, #tpu.memory_space<vmem>>
        %dma_start3A_209 = arith.constant 0 : i32
        %dma_start3A_210 = arith.constant 0 : i32
        %dma_start3A_211 = tpu.memref_slice %arg2[%dma_start3A_209, %dma_start3A_210] : memref<10000x128xf32, #tpu.memory_space<hbm>> -> memref<10000x128xf32, #tpu.memory_space<hbm>>
        tpu.enqueue_indirect_dma source(%dma_start3A_211 : memref<10000x128xf32, #tpu.memory_space<hbm>>) target(%arg12 : memref<40x128xf32, #tpu.memory_space<vmem>>) offsets(%dma_start3A_208 : memref<40xi32, #tpu.memory_space<vmem>>) semaphore(%arg17 : memref<!tpu.dma_semaphore, #tpu.memory_space<semaphore_mem>>)
      } else {
      }
      %mul3A_177 = arith.constant 5 : i32
      %mul3A_178 = arith.muli %scan3A_87, %mul3A_177 : i32
      %add3A_179 = arith.constant 4 : i32
      %add3A_180 = arith.addi %mul3A_178, %add3A_179 : i32
      %dma_wait3A_181 = arith.constant 0 : i32
      %dma_wait3A_182 = tpu.memref_slice %arg8[%dma_wait3A_181] : memref<5000xi32, #tpu.memory_space<vmem>> -> memref<40xi32, #tpu.memory_space<vmem>>
      %dma_wait3A_183 = arith.constant 0 : i32
      %dma_wait3A_184 = arith.constant 0 : i32
      %dma_wait3A_185 = tpu.memref_slice %arg2[%dma_wait3A_183, %dma_wait3A_184] : memref<10000x128xf32, #tpu.memory_space<hbm>> -> memref<10000x128xf32, #tpu.memory_space<hbm>>
      tpu.wait_indirect_dma semaphore(%arg19 : memref<!tpu.dma_semaphore, #tpu.memory_space<semaphore_mem>>) src(%dma_wait3A_185 : memref<10000x128xf32, #tpu.memory_space<hbm>>) dst(%arg14 : memref<40x128xf32, #tpu.memory_space<vmem>>)
      %dma_start3A_186 = arith.constant 0 : i32
      %dma_start3A_187 = arith.constant 0 : i32
      %dma_start3A_188 = tpu.memref_slice %arg9[%add3A_180, %dma_start3A_186, %dma_start3A_187] : memref<125x1x40xi32, #tpu.memory_space<vmem>> -> memref<1x1x40xi32, #tpu.memory_space<vmem>>
      %dma_start3A_189 = tpu.memref_squeeze %dma_start3A_188 : memref<1x1x40xi32, #tpu.memory_space<vmem>> -> memref<40xi32, #tpu.memory_space<vmem>>
      %dma_start3A_190 = arith.constant 0 : i32
      %dma_start3A_191 = arith.constant 0 : i32
      %dma_start3A_192 = tpu.memref_slice %arg25[%dma_start3A_190, %dma_start3A_191] : memref<10240x128xf32, #tpu.memory_space<vmem_shared>> -> memref<10240x128xf32, #tpu.memory_space<vmem_shared>>
      tpu.enqueue_indirect_dma source(%arg14 : memref<40x128xf32, #tpu.memory_space<vmem>>) target(%dma_start3A_192 : memref<10240x128xf32, #tpu.memory_space<vmem_shared>>) offsets(%dma_start3A_189 : memref<40xi32, #tpu.memory_space<vmem>>) semaphore(%arg24 : memref<!tpu.dma_semaphore, #tpu.memory_space<semaphore_mem>>) {add = true}
      %add3A_193 = arith.constant 4 : i32
      %add3A_194 = arith.addi %add3A_180, %add3A_193 : i32
      %lt3A_195 = arith.constant 125 : i32
      %lt3A_196 = arith.cmpi slt, %add3A_194, %lt3A_195 : i32
      %convert_element_type3A_197 = arith.extui %lt3A_196 : i1 to i32
      %cond3A_198 = arith.constant 0 : i32
      %cond3A_199 = arith.cmpi ne, %convert_element_type3A_197, %cond3A_198 : i32
      scf.if %cond3A_199 {
        %ge3A = arith.constant 1 : i32
        %ge3A_200 = arith.cmpi sge, %add3A_180, %ge3A : i32
        %convert_element_type3A_201 = arith.extui %ge3A_200 : i1 to i32
        %cond3A_202 = arith.constant 0 : i32
        %cond3A_203 = arith.cmpi ne, %convert_element_type3A_201, %cond3A_202 : i32
        scf.if %cond3A_203 {
          %dma_wait3A_212 = arith.constant 0 : i32
          %dma_wait3A_213 = arith.constant 0 : i32
          %dma_wait3A_214 = arith.constant 0 : i32
          %dma_wait3A_215 = tpu.memref_slice %arg9[%dma_wait3A_212, %dma_wait3A_213, %dma_wait3A_214] : memref<125x1x40xi32, #tpu.memory_space<vmem>> -> memref<1x1x40xi32, #tpu.memory_space<vmem>>
          %dma_wait3A_216 = tpu.memref_squeeze %dma_wait3A_215 : memref<1x1x40xi32, #tpu.memory_space<vmem>> -> memref<40xi32, #tpu.memory_space<vmem>>
          %dma_wait3A_217 = arith.constant 0 : i32
          %dma_wait3A_218 = arith.constant 0 : i32
          %dma_wait3A_219 = tpu.memref_slice %arg25[%dma_wait3A_217, %dma_wait3A_218] : memref<10240x128xf32, #tpu.memory_space<vmem_shared>> -> memref<10240x128xf32, #tpu.memory_space<vmem_shared>>
          tpu.wait_indirect_dma semaphore(%arg23 : memref<!tpu.dma_semaphore, #tpu.memory_space<semaphore_mem>>) src(%arg13 : memref<40x128xf32, #tpu.memory_space<vmem>>) dst(%dma_wait3A_219 : memref<10240x128xf32, #tpu.memory_space<vmem_shared>>)
        } else {
        }
        %add3A_204 = arith.constant 4 : i32
        %add3A_205 = arith.addi %add3A_180, %add3A_204 : i32
        %mul3A_206 = arith.constant 40 : i32
        %mul3A_207 = arith.muli %add3A_205, %mul3A_206 : i32
        %dma_start3A_208 = tpu.memref_slice %arg8[%mul3A_207] : memref<5000xi32, #tpu.memory_space<vmem>> -> memref<40xi32, #tpu.memory_space<vmem>>
        %dma_start3A_209 = arith.constant 0 : i32
        %dma_start3A_210 = arith.constant 0 : i32
        %dma_start3A_211 = tpu.memref_slice %arg2[%dma_start3A_209, %dma_start3A_210] : memref<10000x128xf32, #tpu.memory_space<hbm>> -> memref<10000x128xf32, #tpu.memory_space<hbm>>
        tpu.enqueue_indirect_dma source(%dma_start3A_211 : memref<10000x128xf32, #tpu.memory_space<hbm>>) target(%arg13 : memref<40x128xf32, #tpu.memory_space<vmem>>) offsets(%dma_start3A_208 : memref<40xi32, #tpu.memory_space<vmem>>) semaphore(%arg18 : memref<!tpu.dma_semaphore, #tpu.memory_space<semaphore_mem>>)
      } else {
      }
    }
    %scan3A_42 = arith.constant 25 : i32
    %dma_wait3A = arith.constant 0 : i32
    %dma_wait3A_43 = arith.constant 0 : i32
    %dma_wait3A_44 = arith.constant 0 : i32
    %dma_wait3A_45 = tpu.memref_slice %arg9[%dma_wait3A, %dma_wait3A_43, %dma_wait3A_44] : memref<125x1x40xi32, #tpu.memory_space<vmem>> -> memref<1x1x40xi32, #tpu.memory_space<vmem>>
    %dma_wait3A_46 = tpu.memref_squeeze %dma_wait3A_45 : memref<1x1x40xi32, #tpu.memory_space<vmem>> -> memref<40xi32, #tpu.memory_space<vmem>>
    %dma_wait3A_47 = arith.constant 0 : i32
    %dma_wait3A_48 = arith.constant 0 : i32
    %dma_wait3A_49 = tpu.memref_slice %arg25[%dma_wait3A_47, %dma_wait3A_48] : memref<10240x128xf32, #tpu.memory_space<vmem_shared>> -> memref<10240x128xf32, #tpu.memory_space<vmem_shared>>
    tpu.wait_indirect_dma semaphore(%arg20 : memref<!tpu.dma_semaphore, #tpu.memory_space<semaphore_mem>>) src(%arg10 : memref<40x128xf32, #tpu.memory_space<vmem>>) dst(%dma_wait3A_49 : memref<10240x128xf32, #tpu.memory_space<vmem_shared>>)
    %dma_wait3A_50 = arith.constant 0 : i32
    %dma_wait3A_51 = arith.constant 0 : i32
    %dma_wait3A_52 = arith.constant 0 : i32
    %dma_wait3A_53 = tpu.memref_slice %arg9[%dma_wait3A_50, %dma_wait3A_51, %dma_wait3A_52] : memref<125x1x40xi32, #tpu.memory_space<vmem>> -> memref<1x1x40xi32, #tpu.memory_space<vmem>>
    %dma_wait3A_54 = tpu.memref_squeeze %dma_wait3A_53 : memref<1x1x40xi32, #tpu.memory_space<vmem>> -> memref<40xi32, #tpu.memory_space<vmem>>
    %dma_wait3A_55 = arith.constant 0 : i32
    %dma_wait3A_56 = arith.constant 0 : i32
    %dma_wait3A_57 = tpu.memref_slice %arg25[%dma_wait3A_55, %dma_wait3A_56] : memref<10240x128xf32, #tpu.memory_space<vmem_shared>> -> memref<10240x128xf32, #tpu.memory_space<vmem_shared>>
    tpu.wait_indirect_dma semaphore(%arg21 : memref<!tpu.dma_semaphore, #tpu.memory_space<semaphore_mem>>) src(%arg11 : memref<40x128xf32, #tpu.memory_space<vmem>>) dst(%dma_wait3A_57 : memref<10240x128xf32, #tpu.memory_space<vmem_shared>>)
    %dma_wait3A_58 = arith.constant 0 : i32
    %dma_wait3A_59 = arith.constant 0 : i32
    %dma_wait3A_60 = arith.constant 0 : i32
    %dma_wait3A_61 = tpu.memref_slice %arg9[%dma_wait3A_58, %dma_wait3A_59, %dma_wait3A_60] : memref<125x1x40xi32, #tpu.memory_space<vmem>> -> memref<1x1x40xi32, #tpu.memory_space<vmem>>
    %dma_wait3A_62 = tpu.memref_squeeze %dma_wait3A_61 : memref<1x1x40xi32, #tpu.memory_space<vmem>> -> memref<40xi32, #tpu.memory_space<vmem>>
    %dma_wait3A_63 = arith.constant 0 : i32
    %dma_wait3A_64 = arith.constant 0 : i32
    %dma_wait3A_65 = tpu.memref_slice %arg25[%dma_wait3A_63, %dma_wait3A_64] : memref<10240x128xf32, #tpu.memory_space<vmem_shared>> -> memref<10240x128xf32, #tpu.memory_space<vmem_shared>>
    tpu.wait_indirect_dma semaphore(%arg22 : memref<!tpu.dma_semaphore, #tpu.memory_space<semaphore_mem>>) src(%arg12 : memref<40x128xf32, #tpu.memory_space<vmem>>) dst(%dma_wait3A_65 : memref<10240x128xf32, #tpu.memory_space<vmem_shared>>)
    %dma_wait3A_66 = arith.constant 0 : i32
    %dma_wait3A_67 = arith.constant 0 : i32
    %dma_wait3A_68 = arith.constant 0 : i32
    %dma_wait3A_69 = tpu.memref_slice %arg9[%dma_wait3A_66, %dma_wait3A_67, %dma_wait3A_68] : memref<125x1x40xi32, #tpu.memory_space<vmem>> -> memref<1x1x40xi32, #tpu.memory_space<vmem>>
    %dma_wait3A_70 = tpu.memref_squeeze %dma_wait3A_69 : memref<1x1x40xi32, #tpu.memory_space<vmem>> -> memref<40xi32, #tpu.memory_space<vmem>>
    %dma_wait3A_71 = arith.constant 0 : i32
    %dma_wait3A_72 = arith.constant 0 : i32
    %dma_wait3A_73 = tpu.memref_slice %arg25[%dma_wait3A_71, %dma_wait3A_72] : memref<10240x128xf32, #tpu.memory_space<vmem_shared>> -> memref<10240x128xf32, #tpu.memory_space<vmem_shared>>
    tpu.wait_indirect_dma semaphore(%arg23 : memref<!tpu.dma_semaphore, #tpu.memory_space<semaphore_mem>>) src(%arg13 : memref<40x128xf32, #tpu.memory_space<vmem>>) dst(%dma_wait3A_73 : memref<10240x128xf32, #tpu.memory_space<vmem_shared>>)
    %dma_wait3A_74 = arith.constant 0 : i32
    %dma_wait3A_75 = arith.constant 0 : i32
    %dma_wait3A_76 = arith.constant 0 : i32
    %dma_wait3A_77 = tpu.memref_slice %arg9[%dma_wait3A_74, %dma_wait3A_75, %dma_wait3A_76] : memref<125x1x40xi32, #tpu.memory_space<vmem>> -> memref<1x1x40xi32, #tpu.memory_space<vmem>>
    %dma_wait3A_78 = tpu.memref_squeeze %dma_wait3A_77 : memref<1x1x40xi32, #tpu.memory_space<vmem>> -> memref<40xi32, #tpu.memory_space<vmem>>
    %dma_wait3A_79 = arith.constant 0 : i32
    %dma_wait3A_80 = arith.constant 0 : i32
    %dma_wait3A_81 = tpu.memref_slice %arg25[%dma_wait3A_79, %dma_wait3A_80] : memref<10240x128xf32, #tpu.memory_space<vmem_shared>> -> memref<10240x128xf32, #tpu.memory_space<vmem_shared>>
    tpu.wait_indirect_dma semaphore(%arg24 : memref<!tpu.dma_semaphore, #tpu.memory_space<semaphore_mem>>) src(%arg14 : memref<40x128xf32, #tpu.memory_space<vmem>>) dst(%dma_wait3A_81 : memref<10240x128xf32, #tpu.memory_space<vmem_shared>>)
    %scan3A_82 = arith.constant 1 : i32
    %barrier3A_83 = arith.constant 0 : index
    tpu.barrier barrier_id(%barrier3A_83)
    %mul3A_84 = arith.constant 10240 : i32
    %mul3A_85 = arith.muli %arg0, %mul3A_84 : i32
    %add3A_86 = arith.addi %mul3A_85, %mul3A_6 : i32
    "tpu.region"() ({
      %run_scoped3A = tpu.sem_alloc : memref<!tpu.dma_semaphore, #tpu.memory_space<semaphore_mem>>
      %dma_start3A_87 = arith.constant 0 : i32
      %dma_start3A_88 = tpu.memref_slice %arg7[%add3A_86, %dma_start3A_87] : memref<20480x128xf32, #tpu.memory_space<hbm>> -> memref<640x128xf32, #tpu.memory_space<hbm>>
      %dma_start3A_89 = arith.constant 0 : i32
      %dma_start3A_90 = tpu.memref_slice %arg25[%mul3A_6, %dma_start3A_89] : memref<10240x128xf32, #tpu.memory_space<vmem_shared>> -> memref<640x128xf32, #tpu.memory_space<vmem_shared>>
      tpu.enqueue_dma source(%dma_start3A_90 : memref<640x128xf32, #tpu.memory_space<vmem_shared>>) target(%dma_start3A_88 : memref<640x128xf32, #tpu.memory_space<hbm>>) target_semaphore(%run_scoped3A : memref<!tpu.dma_semaphore, #tpu.memory_space<semaphore_mem>>)
      %dma_wait3A_91 = arith.constant 0 : i32
      %dma_wait3A_92 = tpu.memref_slice %arg7[%add3A_86, %dma_wait3A_91] : memref<20480x128xf32, #tpu.memory_space<hbm>> -> memref<640x128xf32, #tpu.memory_space<hbm>>
      %dma_wait3A_93 = arith.constant 0 : i32
      %dma_wait3A_94 = tpu.memref_slice %arg25[%mul3A_6, %dma_wait3A_93] : memref<10240x128xf32, #tpu.memory_space<vmem_shared>> -> memref<640x128xf32, #tpu.memory_space<vmem_shared>>
      tpu.wait_dma2 semaphore(%run_scoped3A : memref<!tpu.dma_semaphore, #tpu.memory_space<semaphore_mem>>) src(%dma_wait3A_94 : memref<640x128xf32, #tpu.memory_space<vmem_shared>>) dst(%dma_wait3A_92 : memref<640x128xf32, #tpu.memory_space<hbm>>)
      tpu.yield
    }) : () -> ()
    return
  }
}

#map = affine_map<(d0, d1) -> (0, 0)>
#map1 = affine_map<(d0, d1) -> (0)>
#map2 = affine_map<(d0, d1) -> (0, 0, 0)>
module attributes {stable_mosaic.version = 14 : i64} {
  func.func @k(%arg0: i32, %arg1: i32, %arg2: memref<10000x128xf32, #tpu.memory_space<hbm>>, %arg3: memref<160000xi32, #tpu.memory_space<hbm>>, %arg4: memref<4000x1x40xi32, #tpu.memory_space<hbm>>, %arg5: memref<640x128xf32, #tpu.memory_space<hbm>>, %arg6: memref<40x128xf32, #tpu.memory_space<hbm>>, %arg7: memref<20480x128xf32, #tpu.memory_space<hbm>>, %arg8: memref<5000xi32, #tpu.memory_space<vmem>>, %arg9: memref<125x1x40xi32, #tpu.memory_space<vmem>>, %arg10: memref<40x128xf32, #tpu.memory_space<vmem>>, %arg11: memref<40x128xf32, #tpu.memory_space<vmem>>, %arg12: memref<40x128xf32, #tpu.memory_space<vmem>>, %arg13: memref<40x128xf32, #tpu.memory_space<vmem>>, %arg14: memref<40x128xf32, #tpu.memory_space<vmem>>, %arg15: memref<!tpu.dma_semaphore, #tpu.memory_space<semaphore_mem>>, %arg16: memref<!tpu.dma_semaphore, #tpu.memory_space<semaphore_mem>>, %arg17: memref<!tpu.dma_semaphore, #tpu.memory_space<semaphore_mem>>, %arg18: memref<!tpu.dma_semaphore, #tpu.memory_space<semaphore_mem>>, %arg19: memref<!tpu.dma_semaphore, #tpu.memory_space<semaphore_mem>>, %arg20: memref<!tpu.dma_semaphore, #tpu.memory_space<semaphore_mem>>, %arg21: memref<!tpu.dma_semaphore, #tpu.memory_space<semaphore_mem>>, %arg22: memref<!tpu.dma_semaphore, #tpu.memory_space<semaphore_mem>>, %arg23: memref<!tpu.dma_semaphore, #tpu.memory_space<semaphore_mem>>, %arg24: memref<!tpu.dma_semaphore, #tpu.memory_space<semaphore_mem>>, %arg25: memref<10240x128xf32, #tpu.memory_space<vmem_shared>>) attributes {dimension_semantics = [#tpu.dimension_semantics<core_parallel>, #tpu.dimension_semantics<subcore_parallel>], iteration_bounds = array<i64: 2, 16>, scalar_prefetch = 0 : i64, scratch_operands = 18 : i64, tpu.core_type = #tpu.core_type<sc_vector_subcore>, window_params = [{transform_indices = #map}, {transform_indices = #map1}, {transform_indices = #map2}, {transform_indices = #map}, {transform_indices = #map}, {transform_indices = #map}]} {
    %mul3A = arith.constant 2 : i32
    %mul3A_0 = arith.muli %arg1, %mul3A : i32
    %add3A = arith.addi %mul3A_0, %arg0 : i32
    %mul3A_1 = arith.constant 5000 : i32
    %mul3A_2 = arith.muli %add3A, %mul3A_1 : i32
    %mul3A_3 = arith.constant 125 : i32
    %mul3A_4 = arith.muli %add3A, %mul3A_3 : i32
    %mul3A_5 = arith.constant 640 : i32
    %mul3A_6 = arith.muli %arg1, %mul3A_5 : i32
    "tpu.region"() ({
      %run_scoped3A = tpu.sem_alloc : memref<!tpu.dma_semaphore, #tpu.memory_space<semaphore_mem>>
      %dma_start3A_87 = arith.constant 0 : i32
      %dma_start3A_88 = tpu.memref_slice %arg25[%mul3A_6, %dma_start3A_87] : memref<10240x128xf32, #tpu.memory_space<vmem_shared>> -> memref<640x128xf32, #tpu.memory_space<vmem_shared>>
      tpu.enqueue_dma source(%arg5 : memref<640x128xf32, #tpu.memory_space<hbm>>) target(%dma_start3A_88 : memref<640x128xf32, #tpu.memory_space<vmem_shared>>) target_semaphore(%run_scoped3A : memref<!tpu.dma_semaphore, #tpu.memory_space<semaphore_mem>>)
      %dma_wait3A_89 = arith.constant 0 : i32
      %dma_wait3A_90 = tpu.memref_slice %arg25[%mul3A_6, %dma_wait3A_89] : memref<10240x128xf32, #tpu.memory_space<vmem_shared>> -> memref<640x128xf32, #tpu.memory_space<vmem_shared>>
      tpu.wait_dma2 semaphore(%run_scoped3A : memref<!tpu.dma_semaphore, #tpu.memory_space<semaphore_mem>>) src(%arg5 : memref<640x128xf32, #tpu.memory_space<hbm>>) dst(%dma_wait3A_90 : memref<640x128xf32, #tpu.memory_space<vmem_shared>>)
      tpu.yield
    }) : () -> ()
    %barrier3A = arith.constant 0 : index
    tpu.barrier barrier_id(%barrier3A)
    %scan3A = arith.constant 0 : i32
    %scan3A_7 = arith.constant 0 : i32
    %mul3A_8 = arith.constant 125 : i32
    %mul3A_9 = arith.muli %scan3A_7, %mul3A_8 : i32
    %add3A_10 = arith.addi %mul3A_4, %mul3A_9 : i32
    "tpu.region"() ({
      %run_scoped3A = tpu.sem_alloc : memref<!tpu.dma_semaphore, #tpu.memory_space<semaphore_mem>>
      %dma_start3A_87 = arith.constant 0 : i32
      %dma_start3A_88 = arith.constant 0 : i32
      %dma_start3A_89 = tpu.memref_slice %arg4[%add3A_10, %dma_start3A_87, %dma_start3A_88] : memref<4000x1x40xi32, #tpu.memory_space<hbm>> -> memref<125x1x40xi32, #tpu.memory_space<hbm>>
      %dma_start3A_90 = arith.constant 0 : i32
      %dma_start3A_91 = arith.constant 0 : i32
      %dma_start3A_92 = tpu.memref_slice %arg4[%add3A_10, %dma_start3A_90, %dma_start3A_91] : memref<4000x1x40xi32, #tpu.memory_space<hbm>> -> memref<125x1x40xi32, #tpu.memory_space<hbm>>
      tpu.enqueue_dma source(%dma_start3A_92 : memref<125x1x40xi32, #tpu.memory_space<hbm>>) target(%arg9 : memref<125x1x40xi32, #tpu.memory_space<vmem>>) target_semaphore(%run_scoped3A : memref<!tpu.dma_semaphore, #tpu.memory_space<semaphore_mem>>)
      %dma_wait3A_93 = arith.constant 0 : i32
      %dma_wait3A_94 = arith.constant 0 : i32
      %dma_wait3A_95 = tpu.memref_slice %arg4[%add3A_10, %dma_wait3A_93, %dma_wait3A_94] : memref<4000x1x40xi32, #tpu.memory_space<hbm>> -> memref<125x1x40xi32, #tpu.memory_space<hbm>>
      %dma_wait3A_96 = arith.constant 0 : i32
      %dma_wait3A_97 = arith.constant 0 : i32
      %dma_wait3A_98 = tpu.memref_slice %arg4[%add3A_10, %dma_wait3A_96, %dma_wait3A_97] : memref<4000x1x40xi32, #tpu.memory_space<hbm>> -> memref<125x1x40xi32, #tpu.memory_space<hbm>>
      tpu.wait_dma2 semaphore(%run_scoped3A : memref<!tpu.dma_semaphore, #tpu.memory_space<semaphore_mem>>) src(%dma_wait3A_98 : memref<125x1x40xi32, #tpu.memory_space<hbm>>) dst(%arg9 : memref<125x1x40xi32, #tpu.memory_space<vmem>>)
      tpu.yield
    }) : () -> ()
    %add3A_11 = arith.constant 0 : i32
    %add3A_12 = arith.addi %add3A_11, %mul3A_2 : i32
    %mul3A_13 = arith.constant 125 : i32
    %mul3A_14 = arith.muli %scan3A_7, %mul3A_13 : i32
    %mul3A_15 = arith.constant 40 : i32
    %mul3A_16 = arith.muli %mul3A_14, %mul3A_15 : i32
    %add3A_17 = arith.addi %add3A_12, %mul3A_16 : i32
    "tpu.region"() ({
      %run_scoped3A = tpu.sem_alloc : memref<!tpu.dma_semaphore, #tpu.memory_space<semaphore_mem>>
      %dma_start3A_87 = tpu.memref_slice %arg3[%add3A_17] : memref<160000xi32, #tpu.memory_space<hbm>> -> memref<5000xi32, #tpu.memory_space<hbm>>
      %dma_start3A_88 = tpu.memref_slice %arg3[%add3A_17] : memref<160000xi32, #tpu.memory_space<hbm>> -> memref<5000xi32, #tpu.memory_space<hbm>>
      tpu.enqueue_dma source(%dma_start3A_88 : memref<5000xi32, #tpu.memory_space<hbm>>) target(%arg8 : memref<5000xi32, #tpu.memory_space<vmem>>) target_semaphore(%run_scoped3A : memref<!tpu.dma_semaphore, #tpu.memory_space<semaphore_mem>>)
      %dma_wait3A_89 = tpu.memref_slice %arg3[%add3A_17] : memref<160000xi32, #tpu.memory_space<hbm>> -> memref<5000xi32, #tpu.memory_space<hbm>>
      %dma_wait3A_90 = tpu.memref_slice %arg3[%add3A_17] : memref<160000xi32, #tpu.memory_space<hbm>> -> memref<5000xi32, #tpu.memory_space<hbm>>
      tpu.wait_dma2 semaphore(%run_scoped3A : memref<!tpu.dma_semaphore, #tpu.memory_space<semaphore_mem>>) src(%dma_wait3A_90 : memref<5000xi32, #tpu.memory_space<hbm>>) dst(%arg8 : memref<5000xi32, #tpu.memory_space<vmem>>)
      tpu.yield
    }) : () -> ()
    %dma_start3A = arith.constant 0 : i32
    %dma_start3A_18 = tpu.memref_slice %arg8[%dma_start3A] : memref<5000xi32, #tpu.memory_space<vmem>> -> memref<40xi32, #tpu.memory_space<vmem>>
    %dma_start3A_19 = arith.constant 0 : i32
    %dma_start3A_20 = arith.constant 0 : i32
    %dma_start3A_21 = tpu.memref_slice %arg2[%dma_start3A_19, %dma_start3A_20] : memref<10000x128xf32, #tpu.memory_space<hbm>> -> memref<10000x128xf32, #tpu.memory_space<hbm>>
    tpu.enqueue_indirect_dma source(%dma_start3A_21 : memref<10000x128xf32, #tpu.memory_space<hbm>>) target(%arg10 : memref<40x128xf32, #tpu.memory_space<vmem>>) offsets(%dma_start3A_18 : memref<40xi32, #tpu.memory_space<vmem>>) semaphore(%arg15 : memref<!tpu.dma_semaphore, #tpu.memory_space<semaphore_mem>>)
    %dma_start3A_22 = arith.constant 40 : i32
    %dma_start3A_23 = tpu.memref_slice %arg8[%dma_start3A_22] : memref<5000xi32, #tpu.memory_space<vmem>> -> memref<40xi32, #tpu.memory_space<vmem>>
    %dma_start3A_24 = arith.constant 0 : i32
    %dma_start3A_25 = arith.constant 0 : i32
    %dma_start3A_26 = tpu.memref_slice %arg2[%dma_start3A_24, %dma_start3A_25] : memref<10000x128xf32, #tpu.memory_space<hbm>> -> memref<10000x128xf32, #tpu.memory_space<hbm>>
    tpu.enqueue_indirect_dma source(%dma_start3A_26 : memref<10000x128xf32, #tpu.memory_space<hbm>>) target(%arg11 : memref<40x128xf32, #tpu.memory_space<vmem>>) offsets(%dma_start3A_23 : memref<40xi32, #tpu.memory_space<vmem>>) semaphore(%arg16 : memref<!tpu.dma_semaphore, #tpu.memory_space<semaphore_mem>>)
    %dma_start3A_27 = arith.constant 80 : i32
    %dma_start3A_28 = tpu.memref_slice %arg8[%dma_start3A_27] : memref<5000xi32, #tpu.memory_space<vmem>> -> memref<40xi32, #tpu.memory_space<vmem>>
    %dma_start3A_29 = arith.constant 0 : i32
    %dma_start3A_30 = arith.constant 0 : i32
    %dma_start3A_31 = tpu.memref_slice %arg2[%dma_start3A_29, %dma_start3A_30] : memref<10000x128xf32, #tpu.memory_space<hbm>> -> memref<10000x128xf32, #tpu.memory_space<hbm>>
    tpu.enqueue_indirect_dma source(%dma_start3A_31 : memref<10000x128xf32, #tpu.memory_space<hbm>>) target(%arg12 : memref<40x128xf32, #tpu.memory_space<vmem>>) offsets(%dma_start3A_28 : memref<40xi32, #tpu.memory_space<vmem>>) semaphore(%arg17 : memref<!tpu.dma_semaphore, #tpu.memory_space<semaphore_mem>>)
    %dma_start3A_32 = arith.constant 120 : i32
    %dma_start3A_33 = tpu.memref_slice %arg8[%dma_start3A_32] : memref<5000xi32, #tpu.memory_space<vmem>> -> memref<40xi32, #tpu.memory_space<vmem>>
    %dma_start3A_34 = arith.constant 0 : i32
    %dma_start3A_35 = arith.constant 0 : i32
    %dma_start3A_36 = tpu.memref_slice %arg2[%dma_start3A_34, %dma_start3A_35] : memref<10000x128xf32, #tpu.memory_space<hbm>> -> memref<10000x128xf32, #tpu.memory_space<hbm>>
    tpu.enqueue_indirect_dma source(%dma_start3A_36 : memref<10000x128xf32, #tpu.memory_space<hbm>>) target(%arg13 : memref<40x128xf32, #tpu.memory_space<vmem>>) offsets(%dma_start3A_33 : memref<40xi32, #tpu.memory_space<vmem>>) semaphore(%arg18 : memref<!tpu.dma_semaphore, #tpu.memory_space<semaphore_mem>>)
    %scan3A_37 = arith.constant 0 : i32
    %scan3A_38 = arith.constant 0 : i32
    %scan3A_39 = arith.constant 25 : i32
    %scan3A_40 = arith.addi %scan3A_38, %scan3A_39 : i32
    %scan3A_41 = arith.constant 1 : i32
    scf.for %scan3A_87 = %scan3A_38 to %scan3A_40 step %scan3A_41  : i32 {
      %mul3A_88 = arith.constant 5 : i32
      %mul3A_89 = arith.muli %scan3A_87, %mul3A_88 : i32
      %add3A_90 = arith.constant 0 : i32
      %add3A_91 = arith.addi %mul3A_89, %add3A_90 : i32
      %dma_wait3A_92 = arith.constant 0 : i32
      %dma_wait3A_93 = tpu.memref_slice %arg8[%dma_wait3A_92] : memref<5000xi32, #tpu.memory_space<vmem>> -> memref<40xi32, #tpu.memory_space<vmem>>
      %dma_wait3A_94 = arith.constant 0 : i32
      %dma_wait3A_95 = arith.constant 0 : i32
      %dma_wait3A_96 = tpu.memref_slice %arg2[%dma_wait3A_94, %dma_wait3A_95] : memref<10000x128xf32, #tpu.memory_space<hbm>> -> memref<10000x128xf32, #tpu.memory_space<hbm>>
      tpu.wait_indirect_dma semaphore(%arg15 : memref<!tpu.dma_semaphore, #tpu.memory_space<semaphore_mem>>) src(%dma_wait3A_96 : memref<10000x128xf32, #tpu.memory_space<hbm>>) dst(%arg10 : memref<40x128xf32, #tpu.memory_space<vmem>>)
      %dma_start3A_97 = arith.constant 0 : i32
      %dma_start3A_98 = arith.constant 0 : i32
      %dma_start3A_99 = tpu.memref_slice %arg9[%add3A_91, %dma_start3A_97, %dma_start3A_98] : memref<125x1x40xi32, #tpu.memory_space<vmem>> -> memref<1x1x40xi32, #tpu.memory_space<vmem>>
      %dma_start3A_100 = tpu.memref_squeeze %dma_start3A_99 : memref<1x1x40xi32, #tpu.memory_space<vmem>> -> memref<40xi32, #tpu.memory_space<vmem>>
      %dma_start3A_101 = arith.constant 0 : i32
      %dma_start3A_102 = arith.constant 0 : i32
      %dma_start3A_103 = tpu.memref_slice %arg25[%dma_start3A_101, %dma_start3A_102] : memref<10240x128xf32, #tpu.memory_space<vmem_shared>> -> memref<10240x128xf32, #tpu.memory_space<vmem_shared>>
      tpu.enqueue_indirect_dma source(%arg10 : memref<40x128xf32, #tpu.memory_space<vmem>>) target(%dma_start3A_103 : memref<10240x128xf32, #tpu.memory_space<vmem_shared>>) offsets(%dma_start3A_100 : memref<40xi32, #tpu.memory_space<vmem>>) semaphore(%arg20 : memref<!tpu.dma_semaphore, #tpu.memory_space<semaphore_mem>>) {add = true}
      %add3A_104 = arith.constant 4 : i32
      %add3A_105 = arith.addi %add3A_91, %add3A_104 : i32
      %lt3A = arith.constant 125 : i32
      %lt3A_106 = arith.cmpi slt, %add3A_105, %lt3A : i32
      %convert_element_type3A = arith.extui %lt3A_106 : i1 to i32
      %cond3A = arith.constant 0 : i32
      %cond3A_107 = arith.cmpi ne, %convert_element_type3A, %cond3A : i32
      scf.if %cond3A_107 {
        %ge3A = arith.constant 1 : i32
        %ge3A_200 = arith.cmpi sge, %add3A_91, %ge3A : i32
        %convert_element_type3A_201 = arith.extui %ge3A_200 : i1 to i32
        %cond3A_202 = arith.constant 0 : i32
        %cond3A_203 = arith.cmpi ne, %convert_element_type3A_201, %cond3A_202 : i32
        scf.if %cond3A_203 {
          %dma_wait3A_212 = arith.constant 0 : i32
          %dma_wait3A_213 = arith.constant 0 : i32
          %dma_wait3A_214 = arith.constant 0 : i32
          %dma_wait3A_215 = tpu.memref_slice %arg9[%dma_wait3A_212, %dma_wait3A_213, %dma_wait3A_214] : memref<125x1x40xi32, #tpu.memory_space<vmem>> -> memref<1x1x40xi32, #tpu.memory_space<vmem>>
          %dma_wait3A_216 = tpu.memref_squeeze %dma_wait3A_215 : memref<1x1x40xi32, #tpu.memory_space<vmem>> -> memref<40xi32, #tpu.memory_space<vmem>>
          %dma_wait3A_217 = arith.constant 0 : i32
          %dma_wait3A_218 = arith.constant 0 : i32
          %dma_wait3A_219 = tpu.memref_slice %arg25[%dma_wait3A_217, %dma_wait3A_218] : memref<10240x128xf32, #tpu.memory_space<vmem_shared>> -> memref<10240x128xf32, #tpu.memory_space<vmem_shared>>
          tpu.wait_indirect_dma semaphore(%arg24 : memref<!tpu.dma_semaphore, #tpu.memory_space<semaphore_mem>>) src(%arg14 : memref<40x128xf32, #tpu.memory_space<vmem>>) dst(%dma_wait3A_219 : memref<10240x128xf32, #tpu.memory_space<vmem_shared>>)
        } else {
        }
        %add3A_204 = arith.constant 4 : i32
        %add3A_205 = arith.addi %add3A_91, %add3A_204 : i32
        %mul3A_206 = arith.constant 40 : i32
        %mul3A_207 = arith.muli %add3A_205, %mul3A_206 : i32
        %dma_start3A_208 = tpu.memref_slice %arg8[%mul3A_207] : memref<5000xi32, #tpu.memory_space<vmem>> -> memref<40xi32, #tpu.memory_space<vmem>>
        %dma_start3A_209 = arith.constant 0 : i32
        %dma_start3A_210 = arith.constant 0 : i32
        %dma_start3A_211 = tpu.memref_slice %arg2[%dma_start3A_209, %dma_start3A_210] : memref<10000x128xf32, #tpu.memory_space<hbm>> -> memref<10000x128xf32, #tpu.memory_space<hbm>>
        tpu.enqueue_indirect_dma source(%dma_start3A_211 : memref<10000x128xf32, #tpu.memory_space<hbm>>) target(%arg14 : memref<40x128xf32, #tpu.memory_space<vmem>>) offsets(%dma_start3A_208 : memref<40xi32, #tpu.memory_space<vmem>>) semaphore(%arg19 : memref<!tpu.dma_semaphore, #tpu.memory_space<semaphore_mem>>)
      } else {
      }
      %mul3A_108 = arith.constant 5 : i32
      %mul3A_109 = arith.muli %scan3A_87, %mul3A_108 : i32
      %add3A_110 = arith.constant 1 : i32
      %add3A_111 = arith.addi %mul3A_109, %add3A_110 : i32
      %dma_wait3A_112 = arith.constant 0 : i32
      %dma_wait3A_113 = tpu.memref_slice %arg8[%dma_wait3A_112] : memref<5000xi32, #tpu.memory_space<vmem>> -> memref<40xi32, #tpu.memory_space<vmem>>
      %dma_wait3A_114 = arith.constant 0 : i32
      %dma_wait3A_115 = arith.constant 0 : i32
      %dma_wait3A_116 = tpu.memref_slice %arg2[%dma_wait3A_114, %dma_wait3A_115] : memref<10000x128xf32, #tpu.memory_space<hbm>> -> memref<10000x128xf32, #tpu.memory_space<hbm>>
      tpu.wait_indirect_dma semaphore(%arg16 : memref<!tpu.dma_semaphore, #tpu.memory_space<semaphore_mem>>) src(%dma_wait3A_116 : memref<10000x128xf32, #tpu.memory_space<hbm>>) dst(%arg11 : memref<40x128xf32, #tpu.memory_space<vmem>>)
      %dma_start3A_117 = arith.constant 0 : i32
      %dma_start3A_118 = arith.constant 0 : i32
      %dma_start3A_119 = tpu.memref_slice %arg9[%add3A_111, %dma_start3A_117, %dma_start3A_118] : memref<125x1x40xi32, #tpu.memory_space<vmem>> -> memref<1x1x40xi32, #tpu.memory_space<vmem>>
      %dma_start3A_120 = tpu.memref_squeeze %dma_start3A_119 : memref<1x1x40xi32, #tpu.memory_space<vmem>> -> memref<40xi32, #tpu.memory_space<vmem>>
      %dma_start3A_121 = arith.constant 0 : i32
      %dma_start3A_122 = arith.constant 0 : i32
      %dma_start3A_123 = tpu.memref_slice %arg25[%dma_start3A_121, %dma_start3A_122] : memref<10240x128xf32, #tpu.memory_space<vmem_shared>> -> memref<10240x128xf32, #tpu.memory_space<vmem_shared>>
      tpu.enqueue_indirect_dma source(%arg11 : memref<40x128xf32, #tpu.memory_space<vmem>>) target(%dma_start3A_123 : memref<10240x128xf32, #tpu.memory_space<vmem_shared>>) offsets(%dma_start3A_120 : memref<40xi32, #tpu.memory_space<vmem>>) semaphore(%arg21 : memref<!tpu.dma_semaphore, #tpu.memory_space<semaphore_mem>>) {add = true}
      %add3A_124 = arith.constant 4 : i32
      %add3A_125 = arith.addi %add3A_111, %add3A_124 : i32
      %lt3A_126 = arith.constant 125 : i32
      %lt3A_127 = arith.cmpi slt, %add3A_125, %lt3A_126 : i32
      %convert_element_type3A_128 = arith.extui %lt3A_127 : i1 to i32
      %cond3A_129 = arith.constant 0 : i32
      %cond3A_130 = arith.cmpi ne, %convert_element_type3A_128, %cond3A_129 : i32
      scf.if %cond3A_130 {
        %ge3A = arith.constant 1 : i32
        %ge3A_200 = arith.cmpi sge, %add3A_111, %ge3A : i32
        %convert_element_type3A_201 = arith.extui %ge3A_200 : i1 to i32
        %cond3A_202 = arith.constant 0 : i32
        %cond3A_203 = arith.cmpi ne, %convert_element_type3A_201, %cond3A_202 : i32
        scf.if %cond3A_203 {
          %dma_wait3A_212 = arith.constant 0 : i32
          %dma_wait3A_213 = arith.constant 0 : i32
          %dma_wait3A_214 = arith.constant 0 : i32
          %dma_wait3A_215 = tpu.memref_slice %arg9[%dma_wait3A_212, %dma_wait3A_213, %dma_wait3A_214] : memref<125x1x40xi32, #tpu.memory_space<vmem>> -> memref<1x1x40xi32, #tpu.memory_space<vmem>>
          %dma_wait3A_216 = tpu.memref_squeeze %dma_wait3A_215 : memref<1x1x40xi32, #tpu.memory_space<vmem>> -> memref<40xi32, #tpu.memory_space<vmem>>
          %dma_wait3A_217 = arith.constant 0 : i32
          %dma_wait3A_218 = arith.constant 0 : i32
          %dma_wait3A_219 = tpu.memref_slice %arg25[%dma_wait3A_217, %dma_wait3A_218] : memref<10240x128xf32, #tpu.memory_space<vmem_shared>> -> memref<10240x128xf32, #tpu.memory_space<vmem_shared>>
          tpu.wait_indirect_dma semaphore(%arg20 : memref<!tpu.dma_semaphore, #tpu.memory_space<semaphore_mem>>) src(%arg10 : memref<40x128xf32, #tpu.memory_space<vmem>>) dst(%dma_wait3A_219 : memref<10240x128xf32, #tpu.memory_space<vmem_shared>>)
        } else {
        }
        %add3A_204 = arith.constant 4 : i32
        %add3A_205 = arith.addi %add3A_111, %add3A_204 : i32
        %mul3A_206 = arith.constant 40 : i32
        %mul3A_207 = arith.muli %add3A_205, %mul3A_206 : i32
        %dma_start3A_208 = tpu.memref_slice %arg8[%mul3A_207] : memref<5000xi32, #tpu.memory_space<vmem>> -> memref<40xi32, #tpu.memory_space<vmem>>
        %dma_start3A_209 = arith.constant 0 : i32
        %dma_start3A_210 = arith.constant 0 : i32
        %dma_start3A_211 = tpu.memref_slice %arg2[%dma_start3A_209, %dma_start3A_210] : memref<10000x128xf32, #tpu.memory_space<hbm>> -> memref<10000x128xf32, #tpu.memory_space<hbm>>
        tpu.enqueue_indirect_dma source(%dma_start3A_211 : memref<10000x128xf32, #tpu.memory_space<hbm>>) target(%arg10 : memref<40x128xf32, #tpu.memory_space<vmem>>) offsets(%dma_start3A_208 : memref<40xi32, #tpu.memory_space<vmem>>) semaphore(%arg15 : memref<!tpu.dma_semaphore, #tpu.memory_space<semaphore_mem>>)
      } else {
      }
      %mul3A_131 = arith.constant 5 : i32
      %mul3A_132 = arith.muli %scan3A_87, %mul3A_131 : i32
      %add3A_133 = arith.constant 2 : i32
      %add3A_134 = arith.addi %mul3A_132, %add3A_133 : i32
      %dma_wait3A_135 = arith.constant 0 : i32
      %dma_wait3A_136 = tpu.memref_slice %arg8[%dma_wait3A_135] : memref<5000xi32, #tpu.memory_space<vmem>> -> memref<40xi32, #tpu.memory_space<vmem>>
      %dma_wait3A_137 = arith.constant 0 : i32
      %dma_wait3A_138 = arith.constant 0 : i32
      %dma_wait3A_139 = tpu.memref_slice %arg2[%dma_wait3A_137, %dma_wait3A_138] : memref<10000x128xf32, #tpu.memory_space<hbm>> -> memref<10000x128xf32, #tpu.memory_space<hbm>>
      tpu.wait_indirect_dma semaphore(%arg17 : memref<!tpu.dma_semaphore, #tpu.memory_space<semaphore_mem>>) src(%dma_wait3A_139 : memref<10000x128xf32, #tpu.memory_space<hbm>>) dst(%arg12 : memref<40x128xf32, #tpu.memory_space<vmem>>)
      %dma_start3A_140 = arith.constant 0 : i32
      %dma_start3A_141 = arith.constant 0 : i32
      %dma_start3A_142 = tpu.memref_slice %arg9[%add3A_134, %dma_start3A_140, %dma_start3A_141] : memref<125x1x40xi32, #tpu.memory_space<vmem>> -> memref<1x1x40xi32, #tpu.memory_space<vmem>>
      %dma_start3A_143 = tpu.memref_squeeze %dma_start3A_142 : memref<1x1x40xi32, #tpu.memory_space<vmem>> -> memref<40xi32, #tpu.memory_space<vmem>>
      %dma_start3A_144 = arith.constant 0 : i32
      %dma_start3A_145 = arith.constant 0 : i32
      %dma_start3A_146 = tpu.memref_slice %arg25[%dma_start3A_144, %dma_start3A_145] : memref<10240x128xf32, #tpu.memory_space<vmem_shared>> -> memref<10240x128xf32, #tpu.memory_space<vmem_shared>>
      tpu.enqueue_indirect_dma source(%arg12 : memref<40x128xf32, #tpu.memory_space<vmem>>) target(%dma_start3A_146 : memref<10240x128xf32, #tpu.memory_space<vmem_shared>>) offsets(%dma_start3A_143 : memref<40xi32, #tpu.memory_space<vmem>>) semaphore(%arg22 : memref<!tpu.dma_semaphore, #tpu.memory_space<semaphore_mem>>) {add = true}
      %add3A_147 = arith.constant 4 : i32
      %add3A_148 = arith.addi %add3A_134, %add3A_147 : i32
      %lt3A_149 = arith.constant 125 : i32
      %lt3A_150 = arith.cmpi slt, %add3A_148, %lt3A_149 : i32
      %convert_element_type3A_151 = arith.extui %lt3A_150 : i1 to i32
      %cond3A_152 = arith.constant 0 : i32
      %cond3A_153 = arith.cmpi ne, %convert_element_type3A_151, %cond3A_152 : i32
      scf.if %cond3A_153 {
        %ge3A = arith.constant 1 : i32
        %ge3A_200 = arith.cmpi sge, %add3A_134, %ge3A : i32
        %convert_element_type3A_201 = arith.extui %ge3A_200 : i1 to i32
        %cond3A_202 = arith.constant 0 : i32
        %cond3A_203 = arith.cmpi ne, %convert_element_type3A_201, %cond3A_202 : i32
        scf.if %cond3A_203 {
          %dma_wait3A_212 = arith.constant 0 : i32
          %dma_wait3A_213 = arith.constant 0 : i32
          %dma_wait3A_214 = arith.constant 0 : i32
          %dma_wait3A_215 = tpu.memref_slice %arg9[%dma_wait3A_212, %dma_wait3A_213, %dma_wait3A_214] : memref<125x1x40xi32, #tpu.memory_space<vmem>> -> memref<1x1x40xi32, #tpu.memory_space<vmem>>
          %dma_wait3A_216 = tpu.memref_squeeze %dma_wait3A_215 : memref<1x1x40xi32, #tpu.memory_space<vmem>> -> memref<40xi32, #tpu.memory_space<vmem>>
          %dma_wait3A_217 = arith.constant 0 : i32
          %dma_wait3A_218 = arith.constant 0 : i32
          %dma_wait3A_219 = tpu.memref_slice %arg25[%dma_wait3A_217, %dma_wait3A_218] : memref<10240x128xf32, #tpu.memory_space<vmem_shared>> -> memref<10240x128xf32, #tpu.memory_space<vmem_shared>>
          tpu.wait_indirect_dma semaphore(%arg21 : memref<!tpu.dma_semaphore, #tpu.memory_space<semaphore_mem>>) src(%arg11 : memref<40x128xf32, #tpu.memory_space<vmem>>) dst(%dma_wait3A_219 : memref<10240x128xf32, #tpu.memory_space<vmem_shared>>)
        } else {
        }
        %add3A_204 = arith.constant 4 : i32
        %add3A_205 = arith.addi %add3A_134, %add3A_204 : i32
        %mul3A_206 = arith.constant 40 : i32
        %mul3A_207 = arith.muli %add3A_205, %mul3A_206 : i32
        %dma_start3A_208 = tpu.memref_slice %arg8[%mul3A_207] : memref<5000xi32, #tpu.memory_space<vmem>> -> memref<40xi32, #tpu.memory_space<vmem>>
        %dma_start3A_209 = arith.constant 0 : i32
        %dma_start3A_210 = arith.constant 0 : i32
        %dma_start3A_211 = tpu.memref_slice %arg2[%dma_start3A_209, %dma_start3A_210] : memref<10000x128xf32, #tpu.memory_space<hbm>> -> memref<10000x128xf32, #tpu.memory_space<hbm>>
        tpu.enqueue_indirect_dma source(%dma_start3A_211 : memref<10000x128xf32, #tpu.memory_space<hbm>>) target(%arg11 : memref<40x128xf32, #tpu.memory_space<vmem>>) offsets(%dma_start3A_208 : memref<40xi32, #tpu.memory_space<vmem>>) semaphore(%arg16 : memref<!tpu.dma_semaphore, #tpu.memory_space<semaphore_mem>>)
      } else {
      }
      %mul3A_154 = arith.constant 5 : i32
      %mul3A_155 = arith.muli %scan3A_87, %mul3A_154 : i32
      %add3A_156 = arith.constant 3 : i32
      %add3A_157 = arith.addi %mul3A_155, %add3A_156 : i32
      %dma_wait3A_158 = arith.constant 0 : i32
      %dma_wait3A_159 = tpu.memref_slice %arg8[%dma_wait3A_158] : memref<5000xi32, #tpu.memory_space<vmem>> -> memref<40xi32, #tpu.memory_space<vmem>>
      %dma_wait3A_160 = arith.constant 0 : i32
      %dma_wait3A_161 = arith.constant 0 : i32
      %dma_wait3A_162 = tpu.memref_slice %arg2[%dma_wait3A_160, %dma_wait3A_161] : memref<10000x128xf32, #tpu.memory_space<hbm>> -> memref<10000x128xf32, #tpu.memory_space<hbm>>
      tpu.wait_indirect_dma semaphore(%arg18 : memref<!tpu.dma_semaphore, #tpu.memory_space<semaphore_mem>>) src(%dma_wait3A_162 : memref<10000x128xf32, #tpu.memory_space<hbm>>) dst(%arg13 : memref<40x128xf32, #tpu.memory_space<vmem>>)
      %dma_start3A_163 = arith.constant 0 : i32
      %dma_start3A_164 = arith.constant 0 : i32
      %dma_start3A_165 = tpu.memref_slice %arg9[%add3A_157, %dma_start3A_163, %dma_start3A_164] : memref<125x1x40xi32, #tpu.memory_space<vmem>> -> memref<1x1x40xi32, #tpu.memory_space<vmem>>
      %dma_start3A_166 = tpu.memref_squeeze %dma_start3A_165 : memref<1x1x40xi32, #tpu.memory_space<vmem>> -> memref<40xi32, #tpu.memory_space<vmem>>
      %dma_start3A_167 = arith.constant 0 : i32
      %dma_start3A_168 = arith.constant 0 : i32
      %dma_start3A_169 = tpu.memref_slice %arg25[%dma_start3A_167, %dma_start3A_168] : memref<10240x128xf32, #tpu.memory_space<vmem_shared>> -> memref<10240x128xf32, #tpu.memory_space<vmem_shared>>
      tpu.enqueue_indirect_dma source(%arg13 : memref<40x128xf32, #tpu.memory_space<vmem>>) target(%dma_start3A_169 : memref<10240x128xf32, #tpu.memory_space<vmem_shared>>) offsets(%dma_start3A_166 : memref<40xi32, #tpu.memory_space<vmem>>) semaphore(%arg23 : memref<!tpu.dma_semaphore, #tpu.memory_space<semaphore_mem>>) {add = true}
      %add3A_170 = arith.constant 4 : i32
      %add3A_171 = arith.addi %add3A_157, %add3A_170 : i32
      %lt3A_172 = arith.constant 125 : i32
      %lt3A_173 = arith.cmpi slt, %add3A_171, %lt3A_172 : i32
      %convert_element_type3A_174 = arith.extui %lt3A_173 : i1 to i32
      %cond3A_175 = arith.constant 0 : i32
      %cond3A_176 = arith.cmpi ne, %convert_element_type3A_174, %cond3A_175 : i32
      scf.if %cond3A_176 {
        %ge3A = arith.constant 1 : i32
        %ge3A_200 = arith.cmpi sge, %add3A_157, %ge3A : i32
        %convert_element_type3A_201 = arith.extui %ge3A_200 : i1 to i32
        %cond3A_202 = arith.constant 0 : i32
        %cond3A_203 = arith.cmpi ne, %convert_element_type3A_201, %cond3A_202 : i32
        scf.if %cond3A_203 {
          %dma_wait3A_212 = arith.constant 0 : i32
          %dma_wait3A_213 = arith.constant 0 : i32
          %dma_wait3A_214 = arith.constant 0 : i32
          %dma_wait3A_215 = tpu.memref_slice %arg9[%dma_wait3A_212, %dma_wait3A_213, %dma_wait3A_214] : memref<125x1x40xi32, #tpu.memory_space<vmem>> -> memref<1x1x40xi32, #tpu.memory_space<vmem>>
          %dma_wait3A_216 = tpu.memref_squeeze %dma_wait3A_215 : memref<1x1x40xi32, #tpu.memory_space<vmem>> -> memref<40xi32, #tpu.memory_space<vmem>>
          %dma_wait3A_217 = arith.constant 0 : i32
          %dma_wait3A_218 = arith.constant 0 : i32
          %dma_wait3A_219 = tpu.memref_slice %arg25[%dma_wait3A_217, %dma_wait3A_218] : memref<10240x128xf32, #tpu.memory_space<vmem_shared>> -> memref<10240x128xf32, #tpu.memory_space<vmem_shared>>
          tpu.wait_indirect_dma semaphore(%arg22 : memref<!tpu.dma_semaphore, #tpu.memory_space<semaphore_mem>>) src(%arg12 : memref<40x128xf32, #tpu.memory_space<vmem>>) dst(%dma_wait3A_219 : memref<10240x128xf32, #tpu.memory_space<vmem_shared>>)
        } else {
        }
        %add3A_204 = arith.constant 4 : i32
        %add3A_205 = arith.addi %add3A_157, %add3A_204 : i32
        %mul3A_206 = arith.constant 40 : i32
        %mul3A_207 = arith.muli %add3A_205, %mul3A_206 : i32
        %dma_start3A_208 = tpu.memref_slice %arg8[%mul3A_207] : memref<5000xi32, #tpu.memory_space<vmem>> -> memref<40xi32, #tpu.memory_space<vmem>>
        %dma_start3A_209 = arith.constant 0 : i32
        %dma_start3A_210 = arith.constant 0 : i32
        %dma_start3A_211 = tpu.memref_slice %arg2[%dma_start3A_209, %dma_start3A_210] : memref<10000x128xf32, #tpu.memory_space<hbm>> -> memref<10000x128xf32, #tpu.memory_space<hbm>>
        tpu.enqueue_indirect_dma source(%dma_start3A_211 : memref<10000x128xf32, #tpu.memory_space<hbm>>) target(%arg12 : memref<40x128xf32, #tpu.memory_space<vmem>>) offsets(%dma_start3A_208 : memref<40xi32, #tpu.memory_space<vmem>>) semaphore(%arg17 : memref<!tpu.dma_semaphore, #tpu.memory_space<semaphore_mem>>)
      } else {
      }
      %mul3A_177 = arith.constant 5 : i32
      %mul3A_178 = arith.muli %scan3A_87, %mul3A_177 : i32
      %add3A_179 = arith.constant 4 : i32
      %add3A_180 = arith.addi %mul3A_178, %add3A_179 : i32
      %dma_wait3A_181 = arith.constant 0 : i32
      %dma_wait3A_182 = tpu.memref_slice %arg8[%dma_wait3A_181] : memref<5000xi32, #tpu.memory_space<vmem>> -> memref<40xi32, #tpu.memory_space<vmem>>
      %dma_wait3A_183 = arith.constant 0 : i32
      %dma_wait3A_184 = arith.constant 0 : i32
      %dma_wait3A_185 = tpu.memref_slice %arg2[%dma_wait3A_183, %dma_wait3A_184] : memref<10000x128xf32, #tpu.memory_space<hbm>> -> memref<10000x128xf32, #tpu.memory_space<hbm>>
      tpu.wait_indirect_dma semaphore(%arg19 : memref<!tpu.dma_semaphore, #tpu.memory_space<semaphore_mem>>) src(%dma_wait3A_185 : memref<10000x128xf32, #tpu.memory_space<hbm>>) dst(%arg14 : memref<40x128xf32, #tpu.memory_space<vmem>>)
      %dma_start3A_186 = arith.constant 0 : i32
      %dma_start3A_187 = arith.constant 0 : i32
      %dma_start3A_188 = tpu.memref_slice %arg9[%add3A_180, %dma_start3A_186, %dma_start3A_187] : memref<125x1x40xi32, #tpu.memory_space<vmem>> -> memref<1x1x40xi32, #tpu.memory_space<vmem>>
      %dma_start3A_189 = tpu.memref_squeeze %dma_start3A_188 : memref<1x1x40xi32, #tpu.memory_space<vmem>> -> memref<40xi32, #tpu.memory_space<vmem>>
      %dma_start3A_190 = arith.constant 0 : i32
      %dma_start3A_191 = arith.constant 0 : i32
      %dma_start3A_192 = tpu.memref_slice %arg25[%dma_start3A_190, %dma_start3A_191] : memref<10240x128xf32, #tpu.memory_space<vmem_shared>> -> memref<10240x128xf32, #tpu.memory_space<vmem_shared>>
      tpu.enqueue_indirect_dma source(%arg14 : memref<40x128xf32, #tpu.memory_space<vmem>>) target(%dma_start3A_192 : memref<10240x128xf32, #tpu.memory_space<vmem_shared>>) offsets(%dma_start3A_189 : memref<40xi32, #tpu.memory_space<vmem>>) semaphore(%arg24 : memref<!tpu.dma_semaphore, #tpu.memory_space<semaphore_mem>>) {add = true}
      %add3A_193 = arith.constant 4 : i32
      %add3A_194 = arith.addi %add3A_180, %add3A_193 : i32
      %lt3A_195 = arith.constant 125 : i32
      %lt3A_196 = arith.cmpi slt, %add3A_194, %lt3A_195 : i32
      %convert_element_type3A_197 = arith.extui %lt3A_196 : i1 to i32
      %cond3A_198 = arith.constant 0 : i32
      %cond3A_199 = arith.cmpi ne, %convert_element_type3A_197, %cond3A_198 : i32
      scf.if %cond3A_199 {
        %ge3A = arith.constant 1 : i32
        %ge3A_200 = arith.cmpi sge, %add3A_180, %ge3A : i32
        %convert_element_type3A_201 = arith.extui %ge3A_200 : i1 to i32
        %cond3A_202 = arith.constant 0 : i32
        %cond3A_203 = arith.cmpi ne, %convert_element_type3A_201, %cond3A_202 : i32
        scf.if %cond3A_203 {
          %dma_wait3A_212 = arith.constant 0 : i32
          %dma_wait3A_213 = arith.constant 0 : i32
          %dma_wait3A_214 = arith.constant 0 : i32
          %dma_wait3A_215 = tpu.memref_slice %arg9[%dma_wait3A_212, %dma_wait3A_213, %dma_wait3A_214] : memref<125x1x40xi32, #tpu.memory_space<vmem>> -> memref<1x1x40xi32, #tpu.memory_space<vmem>>
          %dma_wait3A_216 = tpu.memref_squeeze %dma_wait3A_215 : memref<1x1x40xi32, #tpu.memory_space<vmem>> -> memref<40xi32, #tpu.memory_space<vmem>>
          %dma_wait3A_217 = arith.constant 0 : i32
          %dma_wait3A_218 = arith.constant 0 : i32
          %dma_wait3A_219 = tpu.memref_slice %arg25[%dma_wait3A_217, %dma_wait3A_218] : memref<10240x128xf32, #tpu.memory_space<vmem_shared>> -> memref<10240x128xf32, #tpu.memory_space<vmem_shared>>
          tpu.wait_indirect_dma semaphore(%arg23 : memref<!tpu.dma_semaphore, #tpu.memory_space<semaphore_mem>>) src(%arg13 : memref<40x128xf32, #tpu.memory_space<vmem>>) dst(%dma_wait3A_219 : memref<10240x128xf32, #tpu.memory_space<vmem_shared>>)
        } else {
        }
        %add3A_204 = arith.constant 4 : i32
        %add3A_205 = arith.addi %add3A_180, %add3A_204 : i32
        %mul3A_206 = arith.constant 40 : i32
        %mul3A_207 = arith.muli %add3A_205, %mul3A_206 : i32
        %dma_start3A_208 = tpu.memref_slice %arg8[%mul3A_207] : memref<5000xi32, #tpu.memory_space<vmem>> -> memref<40xi32, #tpu.memory_space<vmem>>
        %dma_start3A_209 = arith.constant 0 : i32
        %dma_start3A_210 = arith.constant 0 : i32
        %dma_start3A_211 = tpu.memref_slice %arg2[%dma_start3A_209, %dma_start3A_210] : memref<10000x128xf32, #tpu.memory_space<hbm>> -> memref<10000x128xf32, #tpu.memory_space<hbm>>
        tpu.enqueue_indirect_dma source(%dma_start3A_211 : memref<10000x128xf32, #tpu.memory_space<hbm>>) target(%arg13 : memref<40x128xf32, #tpu.memory_space<vmem>>) offsets(%dma_start3A_208 : memref<40xi32, #tpu.memory_space<vmem>>) semaphore(%arg18 : memref<!tpu.dma_semaphore, #tpu.memory_space<semaphore_mem>>)
      } else {
      }
    }
    %scan3A_42 = arith.constant 25 : i32
    %dma_wait3A = arith.constant 0 : i32
    %dma_wait3A_43 = arith.constant 0 : i32
    %dma_wait3A_44 = arith.constant 0 : i32
    %dma_wait3A_45 = tpu.memref_slice %arg9[%dma_wait3A, %dma_wait3A_43, %dma_wait3A_44] : memref<125x1x40xi32, #tpu.memory_space<vmem>> -> memref<1x1x40xi32, #tpu.memory_space<vmem>>
    %dma_wait3A_46 = tpu.memref_squeeze %dma_wait3A_45 : memref<1x1x40xi32, #tpu.memory_space<vmem>> -> memref<40xi32, #tpu.memory_space<vmem>>
    %dma_wait3A_47 = arith.constant 0 : i32
    %dma_wait3A_48 = arith.constant 0 : i32
    %dma_wait3A_49 = tpu.memref_slice %arg25[%dma_wait3A_47, %dma_wait3A_48] : memref<10240x128xf32, #tpu.memory_space<vmem_shared>> -> memref<10240x128xf32, #tpu.memory_space<vmem_shared>>
    tpu.wait_indirect_dma semaphore(%arg20 : memref<!tpu.dma_semaphore, #tpu.memory_space<semaphore_mem>>) src(%arg10 : memref<40x128xf32, #tpu.memory_space<vmem>>) dst(%dma_wait3A_49 : memref<10240x128xf32, #tpu.memory_space<vmem_shared>>)
    %dma_wait3A_50 = arith.constant 0 : i32
    %dma_wait3A_51 = arith.constant 0 : i32
    %dma_wait3A_52 = arith.constant 0 : i32
    %dma_wait3A_53 = tpu.memref_slice %arg9[%dma_wait3A_50, %dma_wait3A_51, %dma_wait3A_52] : memref<125x1x40xi32, #tpu.memory_space<vmem>> -> memref<1x1x40xi32, #tpu.memory_space<vmem>>
    %dma_wait3A_54 = tpu.memref_squeeze %dma_wait3A_53 : memref<1x1x40xi32, #tpu.memory_space<vmem>> -> memref<40xi32, #tpu.memory_space<vmem>>
    %dma_wait3A_55 = arith.constant 0 : i32
    %dma_wait3A_56 = arith.constant 0 : i32
    %dma_wait3A_57 = tpu.memref_slice %arg25[%dma_wait3A_55, %dma_wait3A_56] : memref<10240x128xf32, #tpu.memory_space<vmem_shared>> -> memref<10240x128xf32, #tpu.memory_space<vmem_shared>>
    tpu.wait_indirect_dma semaphore(%arg21 : memref<!tpu.dma_semaphore, #tpu.memory_space<semaphore_mem>>) src(%arg11 : memref<40x128xf32, #tpu.memory_space<vmem>>) dst(%dma_wait3A_57 : memref<10240x128xf32, #tpu.memory_space<vmem_shared>>)
    %dma_wait3A_58 = arith.constant 0 : i32
    %dma_wait3A_59 = arith.constant 0 : i32
    %dma_wait3A_60 = arith.constant 0 : i32
    %dma_wait3A_61 = tpu.memref_slice %arg9[%dma_wait3A_58, %dma_wait3A_59, %dma_wait3A_60] : memref<125x1x40xi32, #tpu.memory_space<vmem>> -> memref<1x1x40xi32, #tpu.memory_space<vmem>>
    %dma_wait3A_62 = tpu.memref_squeeze %dma_wait3A_61 : memref<1x1x40xi32, #tpu.memory_space<vmem>> -> memref<40xi32, #tpu.memory_space<vmem>>
    %dma_wait3A_63 = arith.constant 0 : i32
    %dma_wait3A_64 = arith.constant 0 : i32
    %dma_wait3A_65 = tpu.memref_slice %arg25[%dma_wait3A_63, %dma_wait3A_64] : memref<10240x128xf32, #tpu.memory_space<vmem_shared>> -> memref<10240x128xf32, #tpu.memory_space<vmem_shared>>
    tpu.wait_indirect_dma semaphore(%arg22 : memref<!tpu.dma_semaphore, #tpu.memory_space<semaphore_mem>>) src(%arg12 : memref<40x128xf32, #tpu.memory_space<vmem>>) dst(%dma_wait3A_65 : memref<10240x128xf32, #tpu.memory_space<vmem_shared>>)
    %dma_wait3A_66 = arith.constant 0 : i32
    %dma_wait3A_67 = arith.constant 0 : i32
    %dma_wait3A_68 = arith.constant 0 : i32
    %dma_wait3A_69 = tpu.memref_slice %arg9[%dma_wait3A_66, %dma_wait3A_67, %dma_wait3A_68] : memref<125x1x40xi32, #tpu.memory_space<vmem>> -> memref<1x1x40xi32, #tpu.memory_space<vmem>>
    %dma_wait3A_70 = tpu.memref_squeeze %dma_wait3A_69 : memref<1x1x40xi32, #tpu.memory_space<vmem>> -> memref<40xi32, #tpu.memory_space<vmem>>
    %dma_wait3A_71 = arith.constant 0 : i32
    %dma_wait3A_72 = arith.constant 0 : i32
    %dma_wait3A_73 = tpu.memref_slice %arg25[%dma_wait3A_71, %dma_wait3A_72] : memref<10240x128xf32, #tpu.memory_space<vmem_shared>> -> memref<10240x128xf32, #tpu.memory_space<vmem_shared>>
    tpu.wait_indirect_dma semaphore(%arg23 : memref<!tpu.dma_semaphore, #tpu.memory_space<semaphore_mem>>) src(%arg13 : memref<40x128xf32, #tpu.memory_space<vmem>>) dst(%dma_wait3A_73 : memref<10240x128xf32, #tpu.memory_space<vmem_shared>>)
    %dma_wait3A_74 = arith.constant 0 : i32
    %dma_wait3A_75 = arith.constant 0 : i32
    %dma_wait3A_76 = arith.constant 0 : i32
    %dma_wait3A_77 = tpu.memref_slice %arg9[%dma_wait3A_74, %dma_wait3A_75, %dma_wait3A_76] : memref<125x1x40xi32, #tpu.memory_space<vmem>> -> memref<1x1x40xi32, #tpu.memory_space<vmem>>
    %dma_wait3A_78 = tpu.memref_squeeze %dma_wait3A_77 : memref<1x1x40xi32, #tpu.memory_space<vmem>> -> memref<40xi32, #tpu.memory_space<vmem>>
    %dma_wait3A_79 = arith.constant 0 : i32
    %dma_wait3A_80 = arith.constant 0 : i32
    %dma_wait3A_81 = tpu.memref_slice %arg25[%dma_wait3A_79, %dma_wait3A_80] : memref<10240x128xf32, #tpu.memory_space<vmem_shared>> -> memref<10240x128xf32, #tpu.memory_space<vmem_shared>>
    tpu.wait_indirect_dma semaphore(%arg24 : memref<!tpu.dma_semaphore, #tpu.memory_space<semaphore_mem>>) src(%arg14 : memref<40x128xf32, #tpu.memory_space<vmem>>) dst(%dma_wait3A_81 : memref<10240x128xf32, #tpu.memory_space<vmem_shared>>)
    %scan3A_82 = arith.constant 1 : i32
    %barrier3A_83 = arith.constant 0 : index
    tpu.barrier barrier_id(%barrier3A_83)
    %mul3A_84 = arith.constant 10240 : i32
    %mul3A_85 = arith.muli %arg0, %mul3A_84 : i32
    %add3A_86 = arith.addi %mul3A_85, %mul3A_6 : i32
    "tpu.region"() ({
      %run_scoped3A = tpu.sem_alloc : memref<!tpu.dma_semaphore, #tpu.memory_space<semaphore_mem>>
      %dma_start3A_87 = arith.constant 0 : i32
      %dma_start3A_88 = tpu.memref_slice %arg7[%add3A_86, %dma_start3A_87] : memref<20480x128xf32, #tpu.memory_space<hbm>> -> memref<640x128xf32, #tpu.memory_space<hbm>>
      %dma_start3A_89 = arith.constant 0 : i32
      %dma_start3A_90 = tpu.memref_slice %arg25[%mul3A_6, %dma_start3A_89] : memref<10240x128xf32, #tpu.memory_space<vmem_shared>> -> memref<640x128xf32, #tpu.memory_space<vmem_shared>>
      tpu.enqueue_dma source(%dma_start3A_90 : memref<640x128xf32, #tpu.memory_space<vmem_shared>>) target(%dma_start3A_88 : memref<640x128xf32, #tpu.memory_space<hbm>>) target_semaphore(%run_scoped3A : memref<!tpu.dma_semaphore, #tpu.memory_space<semaphore_mem>>)
      %dma_wait3A_91 = arith.constant 0 : i32
      %dma_wait3A_92 = tpu.memref_slice %arg7[%add3A_86, %dma_wait3A_91] : memref<20480x128xf32, #tpu.memory_space<hbm>> -> memref<640x128xf32, #tpu.memory_space<hbm>>
      %dma_wait3A_93 = arith.constant 0 : i32
      %dma_wait3A_94 = tpu.memref_slice %arg25[%mul3A_6, %dma_wait3A_93] : memref<10240x128xf32, #tpu.memory_space<vmem_shared>> -> memref<640x128xf32, #tpu.memory_space<vmem_shared>>
      tpu.wait_dma2 semaphore(%run_scoped3A : memref<!tpu.dma_semaphore, #tpu.memory_space<semaphore_mem>>) src(%dma_wait3A_94 : memref<640x128xf32, #tpu.memory_space<vmem_shared>>) dst(%dma_wait3A_92 : memref<640x128xf32, #tpu.memory_space<hbm>>)
      tpu.yield
    }) : () -> ()
    return
  }
}

module attributes {stable_mosaic.version = 14 : i64} {
  func.func @_scale1_body(%arg0: i32, %arg1: memref<2x1000x16xf32, #tpu.memory_space<vmem>>, %arg2: memref<1000x256xf32, #tpu.memory_space<vmem>>, %arg3: memref<2x1000x128xf32, #tpu.memory_space<vmem>>) attributes {dimension_semantics = [#tpu.dimension_semantics<arbitrary>], iteration_bounds = array<i64: 10>, scalar_prefetch = 0 : i64, scratch_operands = 0 : i64, tpu.core_type = #tpu.core_type<tc>, window_params = [{transform_indices = @transform_0, window_bounds = array<i64: 2, 1000, 16>}, {transform_indices = @transform_1, window_bounds = array<i64: 1000, 256>}, {transform_indices = @transform_2, window_bounds = array<i64: 2, 1000, 128>}]} {
    %get3A = arith.constant 0 : index
    %get3A_0 = arith.constant 0 : index
    %get3A_1 = arith.constant 0 : index
    %get3A_2 = vector.load %arg1[%get3A, %get3A_0, %get3A_1] : memref<2x1000x16xf32, #tpu.memory_space<vmem>>, vector<1x1000x1xf32>
    %get3A_3 = vector.shape_cast %get3A_2 : vector<1x1000x1xf32> to vector<1000x1xf32>
    %get3A_4 = arith.constant 1 : index
    %get3A_5 = arith.constant 0 : index
    %get3A_6 = arith.constant 0 : index
    %get3A_7 = vector.load %arg1[%get3A_4, %get3A_5, %get3A_6] : memref<2x1000x16xf32, #tpu.memory_space<vmem>>, vector<1x1000x1xf32>
    %get3A_8 = vector.shape_cast %get3A_7 : vector<1x1000x1xf32> to vector<1000x1xf32>
    %add3A = arith.addf %get3A_3, %get3A_8 : vector<1000x1xf32>
    %get3A_9 = arith.constant 0 : index
    %get3A_10 = arith.constant 0 : index
    %get3A_11 = vector.load %arg2[%get3A_9, %get3A_10] : memref<1000x256xf32, #tpu.memory_space<vmem>>, vector<1000x256xf32>
    %gt3A = arith.constant 0.000000e+00 : f32
    %gt3A_12 = vector.broadcast %gt3A : f32 to vector<1000x1xf32>
    %gt3A_13 = arith.cmpf ogt, %add3A, %gt3A_12 : vector<1000x1xf32>
    %max3A = arith.constant 9.99999996E-13 : f32
    %max3A_14 = vector.broadcast %max3A : f32 to vector<1000x1xf32>
    %max3A_15 = arith.maximumf %add3A, %max3A_14 : vector<1000x1xf32>
    %rsqrt3A = math.rsqrt %max3A_15 : vector<1000x1xf32>
    %jit3A = arith.constant 0.000000e+00 : f32
    %broadcast_in_dim3A = vector.broadcast %jit3A : f32 to vector<1000x1xf32>
    %select_n3A = arith.select %gt3A_13, %rsqrt3A, %broadcast_in_dim3A : vector<1000x1xi1>, vector<1000x1xf32>
    %mul3A = vector.broadcast %select_n3A : vector<1000x1xf32> to vector<1000x256xf32>
    %mul3A_16 = arith.mulf %get3A_11, %mul3A : vector<1000x256xf32>
    %slice3A = vector.extract_strided_slice %mul3A_16 {offsets = [0, 0], sizes = [1000, 128], strides = [1, 1]} : vector<1000x256xf32> to vector<1000x128xf32>
    %swap3A = arith.constant 0 : index
    %swap3A_17 = arith.constant 0 : index
    %swap3A_18 = arith.constant 0 : index
    %swap3A_19 = vector.load %arg3[%swap3A, %swap3A_17, %swap3A_18] : memref<2x1000x128xf32, #tpu.memory_space<vmem>>, vector<1x1000x128xf32>
    %swap3A_20 = vector.shape_cast %swap3A_19 : vector<1x1000x128xf32> to vector<1000x128xf32>
    %swap3A_21 = vector.shape_cast %slice3A : vector<1000x128xf32> to vector<1x1000x128xf32>
    tpu.vector_store %arg3[%swap3A, %swap3A_17, %swap3A_18], %swap3A_21 {strides = array<i32>} : memref<2x1000x128xf32, #tpu.memory_space<vmem>>, vector<1x1000x128xf32>,
    %slice3A_22 = vector.extract_strided_slice %mul3A_16 {offsets = [0, 128], sizes = [1000, 128], strides = [1, 1]} : vector<1000x256xf32> to vector<1000x128xf32>
    %swap3A_23 = arith.constant 1 : index
    %swap3A_24 = arith.constant 0 : index
    %swap3A_25 = arith.constant 0 : index
    %swap3A_26 = vector.load %arg3[%swap3A_23, %swap3A_24, %swap3A_25] : memref<2x1000x128xf32, #tpu.memory_space<vmem>>, vector<1x1000x128xf32>
    %swap3A_27 = vector.shape_cast %swap3A_26 : vector<1x1000x128xf32> to vector<1000x128xf32>
    %swap3A_28 = vector.shape_cast %slice3A_22 : vector<1000x128xf32> to vector<1x1000x128xf32>
    tpu.vector_store %arg3[%swap3A_23, %swap3A_24, %swap3A_25], %swap3A_28 {strides = array<i32>} : memref<2x1000x128xf32, #tpu.memory_space<vmem>>, vector<1x1000x128xf32>,
    return
  }
  func.func @transform_0(%arg0: i32) -> (i32, i32, i32) {
    %c0_i32 = arith.constant 0 : i32
    %c0_i32_0 = arith.constant 0 : i32
    %c0_i32_1 = arith.constant 0 : i32
    return %c0_i32, %arg0, %c0_i32_0 : i32, i32, i32
  }
  func.func @transform_1(%arg0: i32) -> (i32, i32) {
    %c0_i32 = arith.constant 0 : i32
    %c0_i32_0 = arith.constant 0 : i32
    return %arg0, %c0_i32 : i32, i32
  }
  func.func @transform_2(%arg0: i32) -> (i32, i32, i32) {
    %c0_i32 = arith.constant 0 : i32
    %c0_i32_0 = arith.constant 0 : i32
    %c0_i32_1 = arith.constant 0 : i32
    return %c0_i32, %arg0, %c0_i32_0 : i32, i32, i32
  }
}

module attributes {stable_mosaic.version = 14 : i64} {
  func.func @_scale2_body(%arg0: i32, %arg1: memref<2x1000x16xf32, #tpu.memory_space<vmem>>, %arg2: memref<2x1000x128xf32, #tpu.memory_space<vmem>>, %arg3: memref<2x1000x128xf32, #tpu.memory_space<vmem>>) attributes {dimension_semantics = [#tpu.dimension_semantics<arbitrary>], iteration_bounds = array<i64: 10>, scalar_prefetch = 0 : i64, scratch_operands = 0 : i64, tpu.core_type = #tpu.core_type<tc>, window_params = [{transform_indices = @transform_0, window_bounds = array<i64: 2, 1000, 16>}, {transform_indices = @transform_1, window_bounds = array<i64: 2, 1000, 128>}, {transform_indices = @transform_2, window_bounds = array<i64: 2, 1000, 128>}]} {
    %get3A = arith.constant 0 : index
    %get3A_0 = arith.constant 0 : index
    %get3A_1 = arith.constant 0 : index
    %get3A_2 = vector.load %arg1[%get3A, %get3A_0, %get3A_1] : memref<2x1000x16xf32, #tpu.memory_space<vmem>>, vector<1x1000x1xf32>
    %get3A_3 = vector.shape_cast %get3A_2 : vector<1x1000x1xf32> to vector<1000x1xf32>
    %get3A_4 = arith.constant 1 : index
    %get3A_5 = arith.constant 0 : index
    %get3A_6 = arith.constant 0 : index
    %get3A_7 = vector.load %arg1[%get3A_4, %get3A_5, %get3A_6] : memref<2x1000x16xf32, #tpu.memory_space<vmem>>, vector<1x1000x1xf32>
    %get3A_8 = vector.shape_cast %get3A_7 : vector<1x1000x1xf32> to vector<1000x1xf32>
    %add3A = arith.addf %get3A_3, %get3A_8 : vector<1000x1xf32>
    %gt3A = arith.constant 0.000000e+00 : f32
    %gt3A_9 = vector.broadcast %gt3A : f32 to vector<1000x1xf32>
    %gt3A_10 = arith.cmpf ogt, %add3A, %gt3A_9 : vector<1000x1xf32>
    %max3A = arith.constant 9.99999996E-13 : f32
    %max3A_11 = vector.broadcast %max3A : f32 to vector<1000x1xf32>
    %max3A_12 = arith.maximumf %add3A, %max3A_11 : vector<1000x1xf32>
    %div3A = arith.constant 1.000000e+00 : f32
    %div3A_13 = vector.broadcast %div3A : f32 to vector<1000x1xf32>
    %div3A_14 = arith.divf %div3A_13, %max3A_12 : vector<1000x1xf32>
    %jit3A = arith.constant 0.000000e+00 : f32
    %broadcast_in_dim3A = vector.broadcast %jit3A : f32 to vector<1000x1xf32>
    %select_n3A = arith.select %gt3A_10, %div3A_14, %broadcast_in_dim3A : vector<1000x1xi1>, vector<1000x1xf32>
    %get3A_15 = arith.constant 0 : index
    %get3A_16 = arith.constant 0 : index
    %get3A_17 = arith.constant 0 : index
    %get3A_18 = vector.load %arg2[%get3A_15, %get3A_16, %get3A_17] : memref<2x1000x128xf32, #tpu.memory_space<vmem>>, vector<1x1000x128xf32>
    %get3A_19 = vector.shape_cast %get3A_18 : vector<1x1000x128xf32> to vector<1000x128xf32>
    %mul3A = vector.broadcast %select_n3A : vector<1000x1xf32> to vector<1000x128xf32>
    %mul3A_20 = arith.mulf %get3A_19, %mul3A : vector<1000x128xf32>
    %swap3A = arith.constant 0 : index
    %swap3A_21 = arith.constant 0 : index
    %swap3A_22 = arith.constant 0 : index
    %swap3A_23 = vector.load %arg3[%swap3A, %swap3A_21, %swap3A_22] : memref<2x1000x128xf32, #tpu.memory_space<vmem>>, vector<1x1000x128xf32>
    %swap3A_24 = vector.shape_cast %swap3A_23 : vector<1x1000x128xf32> to vector<1000x128xf32>
    %swap3A_25 = vector.shape_cast %mul3A_20 : vector<1000x128xf32> to vector<1x1000x128xf32>
    tpu.vector_store %arg3[%swap3A, %swap3A_21, %swap3A_22], %swap3A_25 {strides = array<i32>} : memref<2x1000x128xf32, #tpu.memory_space<vmem>>, vector<1x1000x128xf32>,
    %get3A_26 = arith.constant 1 : index
    %get3A_27 = arith.constant 0 : index
    %get3A_28 = arith.constant 0 : index
    %get3A_29 = vector.load %arg2[%get3A_26, %get3A_27, %get3A_28] : memref<2x1000x128xf32, #tpu.memory_space<vmem>>, vector<1x1000x128xf32>
    %get3A_30 = vector.shape_cast %get3A_29 : vector<1x1000x128xf32> to vector<1000x128xf32>
    %mul3A_31 = vector.broadcast %select_n3A : vector<1000x1xf32> to vector<1000x128xf32>
    %mul3A_32 = arith.mulf %get3A_30, %mul3A_31 : vector<1000x128xf32>
    %swap3A_33 = arith.constant 1 : index
    %swap3A_34 = arith.constant 0 : index
    %swap3A_35 = arith.constant 0 : index
    %swap3A_36 = vector.load %arg3[%swap3A_33, %swap3A_34, %swap3A_35] : memref<2x1000x128xf32, #tpu.memory_space<vmem>>, vector<1x1000x128xf32>
    %swap3A_37 = vector.shape_cast %swap3A_36 : vector<1x1000x128xf32> to vector<1000x128xf32>
    %swap3A_38 = vector.shape_cast %mul3A_32 : vector<1000x128xf32> to vector<1x1000x128xf32>
    tpu.vector_store %arg3[%swap3A_33, %swap3A_34, %swap3A_35], %swap3A_38 {strides = array<i32>} : memref<2x1000x128xf32, #tpu.memory_space<vmem>>, vector<1x1000x128xf32>,
    return
  }
  func.func @transform_0(%arg0: i32) -> (i32, i32, i32) {
    %c0_i32 = arith.constant 0 : i32
    %c0_i32_0 = arith.constant 0 : i32
    %c0_i32_1 = arith.constant 0 : i32
    return %c0_i32, %arg0, %c0_i32_0 : i32, i32, i32
  }
  func.func @transform_1(%arg0: i32) -> (i32, i32, i32) {
    %c0_i32 = arith.constant 0 : i32
    %c0_i32_0 = arith.constant 0 : i32
    %c0_i32_1 = arith.constant 0 : i32
    return %c0_i32, %arg0, %c0_i32_0 : i32, i32, i32
  }
  func.func @transform_2(%arg0: i32) -> (i32, i32, i32) {
    %c0_i32 = arith.constant 0 : i32
    %c0_i32_0 = arith.constant 0 : i32
    %c0_i32_1 = arith.constant 0 : i32
    return %c0_i32, %arg0, %c0_i32_0 : i32, i32, i32
  }
}

module attributes {stable_mosaic.version = 14 : i64} {
  func.func @_scale3_body(%arg0: i32, %arg1: memref<2x1000x16xf32, #tpu.memory_space<vmem>>, %arg2: memref<2x1000x128xf32, #tpu.memory_space<vmem>>, %arg3: memref<2x1000x128xf32, #tpu.memory_space<vmem>>, %arg4: memref<1000x256xf32, #tpu.memory_space<vmem>>) attributes {dimension_semantics = [#tpu.dimension_semantics<arbitrary>], iteration_bounds = array<i64: 10>, scalar_prefetch = 0 : i64, scratch_operands = 0 : i64, tpu.core_type = #tpu.core_type<tc>, window_params = [{transform_indices = @transform_0, window_bounds = array<i64: 2, 1000, 16>}, {transform_indices = @transform_1, window_bounds = array<i64: 2, 1000, 128>}, {transform_indices = @transform_2, window_bounds = array<i64: 2, 1000, 128>}, {transform_indices = @transform_3, window_bounds = array<i64: 1000, 256>}]} {
    %get3A = arith.constant 0 : index
    %get3A_0 = arith.constant 0 : index
    %get3A_1 = arith.constant 0 : index
    %get3A_2 = vector.load %arg1[%get3A, %get3A_0, %get3A_1] : memref<2x1000x16xf32, #tpu.memory_space<vmem>>, vector<1x1000x1xf32>
    %get3A_3 = vector.shape_cast %get3A_2 : vector<1x1000x1xf32> to vector<1000x1xf32>
    %get3A_4 = arith.constant 1 : index
    %get3A_5 = arith.constant 0 : index
    %get3A_6 = arith.constant 0 : index
    %get3A_7 = vector.load %arg1[%get3A_4, %get3A_5, %get3A_6] : memref<2x1000x16xf32, #tpu.memory_space<vmem>>, vector<1x1000x1xf32>
    %get3A_8 = vector.shape_cast %get3A_7 : vector<1x1000x1xf32> to vector<1000x1xf32>
    %add3A = arith.addf %get3A_3, %get3A_8 : vector<1000x1xf32>
    %gt3A = arith.constant 0.000000e+00 : f32
    %gt3A_9 = vector.broadcast %gt3A : f32 to vector<1000x1xf32>
    %gt3A_10 = arith.cmpf ogt, %add3A, %gt3A_9 : vector<1000x1xf32>
    %max3A = arith.constant 9.99999996E-13 : f32
    %max3A_11 = vector.broadcast %max3A : f32 to vector<1000x1xf32>
    %max3A_12 = arith.maximumf %add3A, %max3A_11 : vector<1000x1xf32>
    %rsqrt3A = math.rsqrt %max3A_12 : vector<1000x1xf32>
    %jit3A = arith.constant 0.000000e+00 : f32
    %broadcast_in_dim3A = vector.broadcast %jit3A : f32 to vector<1000x1xf32>
    %select_n3A = arith.select %gt3A_10, %rsqrt3A, %broadcast_in_dim3A : vector<1000x1xi1>, vector<1000x1xf32>
    %get3A_13 = arith.constant 0 : index
    %get3A_14 = arith.constant 0 : index
    %get3A_15 = arith.constant 0 : index
    %get3A_16 = vector.load %arg2[%get3A_13, %get3A_14, %get3A_15] : memref<2x1000x128xf32, #tpu.memory_space<vmem>>, vector<1x1000x128xf32>
    %get3A_17 = vector.shape_cast %get3A_16 : vector<1x1000x128xf32> to vector<1000x128xf32>
    %mul3A = vector.broadcast %select_n3A : vector<1000x1xf32> to vector<1000x128xf32>
    %mul3A_18 = arith.mulf %get3A_17, %mul3A : vector<1000x128xf32>
    %get3A_19 = arith.constant 1 : index
    %get3A_20 = arith.constant 0 : index
    %get3A_21 = arith.constant 0 : index
    %get3A_22 = vector.load %arg2[%get3A_19, %get3A_20, %get3A_21] : memref<2x1000x128xf32, #tpu.memory_space<vmem>>, vector<1x1000x128xf32>
    %get3A_23 = vector.shape_cast %get3A_22 : vector<1x1000x128xf32> to vector<1000x128xf32>
    %mul3A_24 = vector.broadcast %select_n3A : vector<1000x1xf32> to vector<1000x128xf32>
    %mul3A_25 = arith.mulf %get3A_23, %mul3A_24 : vector<1000x128xf32>
    %swap3A = arith.constant 0 : index
    %swap3A_26 = arith.constant 0 : index
    %swap3A_27 = arith.constant 0 : index
    %swap3A_28 = vector.load %arg3[%swap3A, %swap3A_26, %swap3A_27] : memref<2x1000x128xf32, #tpu.memory_space<vmem>>, vector<1x1000x128xf32>
    %swap3A_29 = vector.shape_cast %swap3A_28 : vector<1x1000x128xf32> to vector<1000x128xf32>
    %swap3A_30 = vector.shape_cast %mul3A_18 : vector<1000x128xf32> to vector<1x1000x128xf32>
    tpu.vector_store %arg3[%swap3A, %swap3A_26, %swap3A_27], %swap3A_30 {strides = array<i32>} : memref<2x1000x128xf32, #tpu.memory_space<vmem>>, vector<1x1000x128xf32>,
    %swap3A_31 = arith.constant 1 : index
    %swap3A_32 = arith.constant 0 : index
    %swap3A_33 = arith.constant 0 : index
    %swap3A_34 = vector.load %arg3[%swap3A_31, %swap3A_32, %swap3A_33] : memref<2x1000x128xf32, #tpu.memory_space<vmem>>, vector<1x1000x128xf32>
    %swap3A_35 = vector.shape_cast %swap3A_34 : vector<1x1000x128xf32> to vector<1000x128xf32>
    %swap3A_36 = vector.shape_cast %mul3A_25 : vector<1000x128xf32> to vector<1x1000x128xf32>
    tpu.vector_store %arg3[%swap3A_31, %swap3A_32, %swap3A_33], %swap3A_36 {strides = array<i32>} : memref<2x1000x128xf32, #tpu.memory_space<vmem>>, vector<1x1000x128xf32>,
    %concatenate3A = tpu.concatenate %mul3A_18, %mul3A_25 in 1 : vector<1000x128xf32>, vector<1000x128xf32> -> vector<1000x256xf32>
    %swap3A_37 = arith.constant 0 : index
    %swap3A_38 = arith.constant 0 : index
    %swap3A_39 = vector.load %arg4[%swap3A_37, %swap3A_38] : memref<1000x256xf32, #tpu.memory_space<vmem>>, vector<1000x256xf32>
    tpu.vector_store %arg4[%swap3A_37, %swap3A_38], %concatenate3A {strides = array<i32>} : memref<1000x256xf32, #tpu.memory_space<vmem>>, vector<1000x256xf32>,
    return
  }
  func.func @transform_0(%arg0: i32) -> (i32, i32, i32) {
    %c0_i32 = arith.constant 0 : i32
    %c0_i32_0 = arith.constant 0 : i32
    %c0_i32_1 = arith.constant 0 : i32
    return %c0_i32, %arg0, %c0_i32_0 : i32, i32, i32
  }
  func.func @transform_1(%arg0: i32) -> (i32, i32, i32) {
    %c0_i32 = arith.constant 0 : i32
    %c0_i32_0 = arith.constant 0 : i32
    %c0_i32_1 = arith.constant 0 : i32
    return %c0_i32, %arg0, %c0_i32_0 : i32, i32, i32
  }
  func.func @transform_2(%arg0: i32) -> (i32, i32, i32) {
    %c0_i32 = arith.constant 0 : i32
    %c0_i32_0 = arith.constant 0 : i32
    %c0_i32_1 = arith.constant 0 : i32
    return %c0_i32, %arg0, %c0_i32_0 : i32, i32, i32
  }
  func.func @transform_3(%arg0: i32) -> (i32, i32) {
    %c0_i32 = arith.constant 0 : i32
    %c0_i32_0 = arith.constant 0 : i32
    return %arg0, %c0_i32 : i32, i32
  }
}

module attributes {stable_mosaic.version = 14 : i64} {
  func.func @_layer1_body(%arg0: i32, %arg1: memref<2x1000x16xf32, #tpu.memory_space<vmem>>, %arg2: memref<2x1000x128xf32, #tpu.memory_space<vmem>>, %arg3: memref<1000x256xf32, #tpu.memory_space<vmem>>, %arg4: memref<256x512xf32, #tpu.memory_space<vmem>>, %arg5: memref<1x512xf32, #tpu.memory_space<vmem>>, %arg6: memref<256x512xf32, #tpu.memory_space<vmem>>, %arg7: memref<512x64xf32, #tpu.memory_space<vmem>>, %arg8: memref<1000x128xf32, #tpu.memory_space<vmem>>, %arg9: memref<1000x512xf32, #tpu.memory_space<vmem>>) attributes {dimension_semantics = [#tpu.dimension_semantics<arbitrary>], iteration_bounds = array<i64: 10>, scalar_prefetch = 0 : i64, scratch_operands = 0 : i64, tpu.core_type = #tpu.core_type<tc>, window_params = [{transform_indices = @transform_0, window_bounds = array<i64: 2, 1000, 16>}, {transform_indices = @transform_1, window_bounds = array<i64: 2, 1000, 128>}, {transform_indices = @transform_2, window_bounds = array<i64: 1000, 256>}, {pipeline_mode = #tpu.pipeline_mode<synchronous>, transform_indices = @transform_3, window_bounds = array<i64: 256, 512>}, {pipeline_mode = #tpu.pipeline_mode<synchronous>, transform_indices = @transform_4, window_bounds = array<i64: 1, 512>}, {pipeline_mode = #tpu.pipeline_mode<synchronous>, transform_indices = @transform_5, window_bounds = array<i64: 256, 512>}, {pipeline_mode = #tpu.pipeline_mode<synchronous>, transform_indices = @transform_6, window_bounds = array<i64: 512, 64>}, {transform_indices = @transform_7, window_bounds = array<i64: 1000, 128>}, {transform_indices = @transform_8, window_bounds = array<i64: 1000, 512>}]} {
    %get3A = arith.constant 0 : index
    %get3A_0 = arith.constant 0 : index
    %get3A_1 = arith.constant 0 : index
    %get3A_2 = vector.load %arg1[%get3A, %get3A_0, %get3A_1] : memref<2x1000x16xf32, #tpu.memory_space<vmem>>, vector<1x1000x1xf32>
    %get3A_3 = vector.shape_cast %get3A_2 : vector<1x1000x1xf32> to vector<1000x1xf32>
    %get3A_4 = arith.constant 1 : index
    %get3A_5 = arith.constant 0 : index
    %get3A_6 = arith.constant 0 : index
    %get3A_7 = vector.load %arg1[%get3A_4, %get3A_5, %get3A_6] : memref<2x1000x16xf32, #tpu.memory_space<vmem>>, vector<1x1000x1xf32>
    %get3A_8 = vector.shape_cast %get3A_7 : vector<1x1000x1xf32> to vector<1000x1xf32>
    %add3A = arith.addf %get3A_3, %get3A_8 : vector<1000x1xf32>
    %max3A = arith.constant 1.000000e+00 : f32
    %max3A_9 = vector.broadcast %max3A : f32 to vector<1000x1xf32>
    %max3A_10 = arith.maximumf %add3A, %max3A_9 : vector<1000x1xf32>
    %get3A_11 = arith.constant 0 : index
    %get3A_12 = arith.constant 0 : index
    %get3A_13 = arith.constant 0 : index
    %get3A_14 = vector.load %arg2[%get3A_11, %get3A_12, %get3A_13] : memref<2x1000x128xf32, #tpu.memory_space<vmem>>, vector<1x1000x128xf32>
    %get3A_15 = vector.shape_cast %get3A_14 : vector<1x1000x128xf32> to vector<1000x128xf32>
    %get3A_16 = arith.constant 1 : index
    %get3A_17 = arith.constant 0 : index
    %get3A_18 = arith.constant 0 : index
    %get3A_19 = vector.load %arg2[%get3A_16, %get3A_17, %get3A_18] : memref<2x1000x128xf32, #tpu.memory_space<vmem>>, vector<1x1000x128xf32>
    %get3A_20 = vector.shape_cast %get3A_19 : vector<1x1000x128xf32> to vector<1000x128xf32>
    %concatenate3A = tpu.concatenate %get3A_15, %get3A_20 in 1 : vector<1000x128xf32>, vector<1000x128xf32> -> vector<1000x256xf32>
    %div3A = vector.broadcast %max3A_10 : vector<1000x1xf32> to vector<1000x256xf32>
    %div3A_21 = arith.divf %concatenate3A, %div3A : vector<1000x256xf32>
    %get3A_22 = arith.constant 0 : index
    %get3A_23 = arith.constant 0 : index
    %get3A_24 = vector.load %arg4[%get3A_22, %get3A_23] : memref<256x512xf32, #tpu.memory_space<vmem>>, vector<256x512xf32>
    %dot_general3A = arith.constant dense<0.000000e+00> : vector<1000x512xf32>
    %dot_general3A_25 = tpu.matmul %div3A_21, %get3A_24, %dot_general3A {dimension_numbers = #tpu.dot_dimension_numbers<[1], [0], [0], [1], [0, 0, 1, 1], [], []>, transpose_lhs_hint = false} : vector<1000x256xf32>, vector<256x512xf32>, vector<1000x512xf32> -> vector<1000x512xf32>
    %get3A_26 = arith.constant 0 : index
    %get3A_27 = arith.constant 0 : index
    %get3A_28 = vector.load %arg5[%get3A_26, %get3A_27] : memref<1x512xf32, #tpu.memory_space<vmem>>, vector<1x512xf32>
    %add3A_29 = vector.broadcast %get3A_28 : vector<1x512xf32> to vector<1000x512xf32>
    %add3A_30 = arith.addf %dot_general3A_25, %add3A_29 : vector<1000x512xf32>
    %get3A_31 = arith.constant 0 : index
    %get3A_32 = arith.constant 0 : index
    %get3A_33 = vector.load %arg3[%get3A_31, %get3A_32] : memref<1000x256xf32, #tpu.memory_space<vmem>>, vector<1000x256xf32>
    %get3A_34 = arith.constant 0 : index
    %get3A_35 = arith.constant 0 : index
    %get3A_36 = vector.load %arg6[%get3A_34, %get3A_35] : memref<256x512xf32, #tpu.memory_space<vmem>>, vector<256x512xf32>
    %dot_general3A_37 = arith.constant dense<0.000000e+00> : vector<1000x512xf32>
    %dot_general3A_38 = tpu.matmul %get3A_33, %get3A_36, %dot_general3A_37 {dimension_numbers = #tpu.dot_dimension_numbers<[1], [0], [0], [1], [0, 0, 1, 1], [], []>, transpose_lhs_hint = false} : vector<1000x256xf32>, vector<256x512xf32>, vector<1000x512xf32> -> vector<1000x512xf32>
    %add3A_39 = arith.addf %add3A_30, %dot_general3A_38 : vector<1000x512xf32>
    %gt3A = arith.constant 0.000000e+00 : f32
    %gt3A_40 = vector.broadcast %gt3A : f32 to vector<1000x512xf32>
    %gt3A_41 = arith.cmpf ogt, %add3A_39, %gt3A_40 : vector<1000x512xf32>
    %exp3A = math.exp %add3A_39 : vector<1000x512xf32>
    %sub3A = arith.constant 1.000000e+00 : f32
    %sub3A_42 = vector.broadcast %sub3A : f32 to vector<1000x512xf32>
    %sub3A_43 = arith.subf %exp3A, %sub3A_42 : vector<1000x512xf32>
    %mul3A = arith.constant 1.67326319 : f32
    %mul3A_44 = vector.broadcast %mul3A : f32 to vector<1000x512xf32>
    %mul3A_45 = arith.mulf %mul3A_44, %sub3A_43 : vector<1000x512xf32>
    %select_n3A = arith.select %gt3A_41, %add3A_39, %mul3A_45 : vector<1000x512xi1>, vector<1000x512xf32>
    %mul3A_46 = arith.constant 1.05070102 : f32
    %mul3A_47 = vector.broadcast %mul3A_46 : f32 to vector<1000x512xf32>
    %mul3A_48 = arith.mulf %mul3A_47, %select_n3A : vector<1000x512xf32>
    %get3A_49 = arith.constant 0 : index
    %get3A_50 = arith.constant 0 : index
    %get3A_51 = vector.load %arg7[%get3A_49, %get3A_50] : memref<512x64xf32, #tpu.memory_space<vmem>>, vector<512x64xf32>
    %dot_general3A_52 = arith.constant dense<0.000000e+00> : vector<1000x64xf32>
    %dot_general3A_53 = tpu.matmul %mul3A_48, %get3A_51, %dot_general3A_52 {dimension_numbers = #tpu.dot_dimension_numbers<[1], [0], [0], [1], [0, 0, 1, 1], [], []>, transpose_lhs_hint = false} : vector<1000x512xf32>, vector<512x64xf32>, vector<1000x64xf32> -> vector<1000x64xf32>
    %broadcast_in_dim3A = arith.constant 0.000000e+00 : f32
    %broadcast_in_dim3A_54 = vector.broadcast %broadcast_in_dim3A : f32 to vector<1000x64xf32>
    %concatenate3A_55 = tpu.concatenate %dot_general3A_53, %broadcast_in_dim3A_54 in 1 : vector<1000x64xf32>, vector<1000x64xf32> -> vector<1000x128xf32>
    %swap3A = arith.constant 0 : index
    %swap3A_56 = arith.constant 0 : index
    %swap3A_57 = vector.load %arg8[%swap3A, %swap3A_56] : memref<1000x128xf32, #tpu.memory_space<vmem>>, vector<1000x128xf32>
    tpu.vector_store %arg8[%swap3A, %swap3A_56], %concatenate3A_55 {strides = array<i32>} : memref<1000x128xf32, #tpu.memory_space<vmem>>, vector<1000x128xf32>,
    %swap3A_58 = arith.constant 0 : index
    %swap3A_59 = arith.constant 0 : index
    %swap3A_60 = vector.load %arg9[%swap3A_58, %swap3A_59] : memref<1000x512xf32, #tpu.memory_space<vmem>>, vector<1000x512xf32>
    tpu.vector_store %arg9[%swap3A_58, %swap3A_59], %mul3A_48 {strides = array<i32>} : memref<1000x512xf32, #tpu.memory_space<vmem>>, vector<1000x512xf32>,
    return
  }
  func.func @transform_0(%arg0: i32) -> (i32, i32, i32) {
    %c0_i32 = arith.constant 0 : i32
    %c0_i32_0 = arith.constant 0 : i32
    %c0_i32_1 = arith.constant 0 : i32
    return %c0_i32, %arg0, %c0_i32_0 : i32, i32, i32
  }
  func.func @transform_1(%arg0: i32) -> (i32, i32, i32) {
    %c0_i32 = arith.constant 0 : i32
    %c0_i32_0 = arith.constant 0 : i32
    %c0_i32_1 = arith.constant 0 : i32
    return %c0_i32, %arg0, %c0_i32_0 : i32, i32, i32
  }
  func.func @transform_2(%arg0: i32) -> (i32, i32) {
    %c0_i32 = arith.constant 0 : i32
    %c0_i32_0 = arith.constant 0 : i32
    return %arg0, %c0_i32 : i32, i32
  }
  func.func @transform_3(%arg0: i32) -> (i32, i32) {
    %c0_i32 = arith.constant 0 : i32
    %c0_i32_0 = arith.constant 0 : i32
    %c0_i32_1 = arith.constant 0 : i32
    return %c0_i32, %c0_i32_0 : i32, i32
  }
  func.func @transform_4(%arg0: i32) -> (i32, i32) {
    %c0_i32 = arith.constant 0 : i32
    %c0_i32_0 = arith.constant 0 : i32
    %c0_i32_1 = arith.constant 0 : i32
    return %c0_i32, %c0_i32_0 : i32, i32
  }
  func.func @transform_5(%arg0: i32) -> (i32, i32) {
    %c0_i32 = arith.constant 0 : i32
    %c0_i32_0 = arith.constant 0 : i32
    %c0_i32_1 = arith.constant 0 : i32
    return %c0_i32, %c0_i32_0 : i32, i32
  }
  func.func @transform_6(%arg0: i32) -> (i32, i32) {
    %c0_i32 = arith.constant 0 : i32
    %c0_i32_0 = arith.constant 0 : i32
    %c0_i32_1 = arith.constant 0 : i32
    return %c0_i32, %c0_i32_0 : i32, i32
  }
  func.func @transform_7(%arg0: i32) -> (i32, i32) {
    %c0_i32 = arith.constant 0 : i32
    %c0_i32_0 = arith.constant 0 : i32
    return %arg0, %c0_i32 : i32, i32
  }
  func.func @transform_8(%arg0: i32) -> (i32, i32) {
    %c0_i32 = arith.constant 0 : i32
    %c0_i32_0 = arith.constant 0 : i32
    return %arg0, %c0_i32 : i32, i32
  }
}

module attributes {stable_mosaic.version = 14 : i64} {
  func.func @_layer2_body(%arg0: i32, %arg1: memref<2x1000x16xf32, #tpu.memory_space<vmem>>, %arg2: memref<2x1000x128xf32, #tpu.memory_space<vmem>>, %arg3: memref<1000x512xf32, #tpu.memory_space<vmem>>, %arg4: memref<1x64xf32, #tpu.memory_space<vmem>>, %arg5: memref<512x64xf32, #tpu.memory_space<vmem>>, %arg6: memref<64x64xf32, #tpu.memory_space<vmem>>, %arg7: memref<1000x64xf32, #tpu.memory_space<vmem>>, %arg8: memref<1000x64xf32, #tpu.memory_space<vmem>>, %arg9: memref<1000x128xf32, #tpu.memory_space<vmem>>) attributes {dimension_semantics = [#tpu.dimension_semantics<arbitrary>], iteration_bounds = array<i64: 10>, scalar_prefetch = 0 : i64, scratch_operands = 0 : i64, tpu.core_type = #tpu.core_type<tc>, window_params = [{transform_indices = @transform_0, window_bounds = array<i64: 2, 1000, 16>}, {transform_indices = @transform_1, window_bounds = array<i64: 2, 1000, 128>}, {transform_indices = @transform_2, window_bounds = array<i64: 1000, 512>}, {pipeline_mode = #tpu.pipeline_mode<synchronous>, transform_indices = @transform_3, window_bounds = array<i64: 1, 64>}, {pipeline_mode = #tpu.pipeline_mode<synchronous>, transform_indices = @transform_4, window_bounds = array<i64: 512, 64>}, {pipeline_mode = #tpu.pipeline_mode<synchronous>, transform_indices = @transform_5, window_bounds = array<i64: 64, 64>}, {transform_indices = @transform_6, window_bounds = array<i64: 1000, 64>}, {transform_indices = @transform_7, window_bounds = array<i64: 1000, 64>}, {transform_indices = @transform_8, window_bounds = array<i64: 1000, 128>}]} {
    %get3A = arith.constant 0 : index
    %get3A_0 = arith.constant 0 : index
    %get3A_1 = arith.constant 0 : index
    %get3A_2 = vector.load %arg1[%get3A, %get3A_0, %get3A_1] : memref<2x1000x16xf32, #tpu.memory_space<vmem>>, vector<1x1000x1xf32>
    %get3A_3 = vector.shape_cast %get3A_2 : vector<1x1000x1xf32> to vector<1000x1xf32>
    %get3A_4 = arith.constant 1 : index
    %get3A_5 = arith.constant 0 : index
    %get3A_6 = arith.constant 0 : index
    %get3A_7 = vector.load %arg1[%get3A_4, %get3A_5, %get3A_6] : memref<2x1000x16xf32, #tpu.memory_space<vmem>>, vector<1x1000x1xf32>
    %get3A_8 = vector.shape_cast %get3A_7 : vector<1x1000x1xf32> to vector<1000x1xf32>
    %add3A = arith.addf %get3A_3, %get3A_8 : vector<1000x1xf32>
    %max3A = arith.constant 1.000000e+00 : f32
    %max3A_9 = vector.broadcast %max3A : f32 to vector<1000x1xf32>
    %max3A_10 = arith.maximumf %add3A, %max3A_9 : vector<1000x1xf32>
    %get3A_11 = arith.constant 0 : index
    %get3A_12 = arith.constant 0 : index
    %get3A_13 = arith.constant 0 : index
    %get3A_14 = vector.load %arg2[%get3A_11, %get3A_12, %get3A_13] : memref<2x1000x128xf32, #tpu.memory_space<vmem>>, vector<1x1000x128xf32>
    %get3A_15 = vector.shape_cast %get3A_14 : vector<1x1000x128xf32> to vector<1000x128xf32>
    %get3A_16 = arith.constant 1 : index
    %get3A_17 = arith.constant 0 : index
    %get3A_18 = arith.constant 0 : index
    %get3A_19 = vector.load %arg2[%get3A_16, %get3A_17, %get3A_18] : memref<2x1000x128xf32, #tpu.memory_space<vmem>>, vector<1x1000x128xf32>
    %get3A_20 = vector.shape_cast %get3A_19 : vector<1x1000x128xf32> to vector<1000x128xf32>
    %add3A_21 = arith.addf %get3A_15, %get3A_20 : vector<1000x128xf32>
    %slice3A = vector.extract_strided_slice %add3A_21 {offsets = [0, 0], sizes = [1000, 64], strides = [1, 1]} : vector<1000x128xf32> to vector<1000x64xf32>
    %div3A = vector.broadcast %max3A_10 : vector<1000x1xf32> to vector<1000x64xf32>
    %div3A_22 = arith.divf %slice3A, %div3A : vector<1000x64xf32>
    %get3A_23 = arith.constant 0 : index
    %get3A_24 = arith.constant 0 : index
    %get3A_25 = vector.load %arg4[%get3A_23, %get3A_24] : memref<1x64xf32, #tpu.memory_space<vmem>>, vector<1x64xf32>
    %add3A_26 = vector.broadcast %get3A_25 : vector<1x64xf32> to vector<1000x64xf32>
    %add3A_27 = arith.addf %div3A_22, %add3A_26 : vector<1000x64xf32>
    %get3A_28 = arith.constant 0 : index
    %get3A_29 = arith.constant 0 : index
    %get3A_30 = vector.load %arg3[%get3A_28, %get3A_29] : memref<1000x512xf32, #tpu.memory_space<vmem>>, vector<1000x512xf32>
    %get3A_31 = arith.constant 0 : index
    %get3A_32 = arith.constant 0 : index
    %get3A_33 = vector.load %arg5[%get3A_31, %get3A_32] : memref<512x64xf32, #tpu.memory_space<vmem>>, vector<512x64xf32>
    %dot_general3A = arith.constant dense<0.000000e+00> : vector<1000x64xf32>
    %dot_general3A_34 = tpu.matmul %get3A_30, %get3A_33, %dot_general3A {dimension_numbers = #tpu.dot_dimension_numbers<[1], [0], [0], [1], [0, 0, 1, 1], [], []>, transpose_lhs_hint = false} : vector<1000x512xf32>, vector<512x64xf32>, vector<1000x64xf32> -> vector<1000x64xf32>
    %add3A_35 = arith.addf %add3A_27, %dot_general3A_34 : vector<1000x64xf32>
    %reduce_max3A = arith.constant dense<0xFF800000> : vector<1000xf32>
    %reduce_max3A_36 = vector.multi_reduction <maximumf>, %add3A_35, %reduce_max3A [1] : vector<1000x64xf32> to vector<1000xf32>
    %broadcast_in_dim3A = vector.shape_cast %reduce_max3A_36 : vector<1000xf32> to vector<1000x1xf32>
    %sub3A = vector.broadcast %broadcast_in_dim3A : vector<1000x1xf32> to vector<1000x64xf32>
    %sub3A_37 = arith.subf %add3A_35, %sub3A : vector<1000x64xf32>
    %exp3A = math.exp %sub3A_37 : vector<1000x64xf32>
    %reduce_sum3A = arith.constant dense<0.000000e+00> : vector<1000xf32>
    %reduce_sum3A_38 = vector.multi_reduction <add>, %exp3A, %reduce_sum3A [1] : vector<1000x64xf32> to vector<1000xf32>
    %broadcast_in_dim3A_39 = vector.shape_cast %reduce_sum3A_38 : vector<1000xf32> to vector<1000x1xf32>
    %div3A_40 = vector.broadcast %broadcast_in_dim3A_39 : vector<1000x1xf32> to vector<1000x64xf32>
    %div3A_41 = arith.divf %exp3A, %div3A_40 : vector<1000x64xf32>
    %get3A_42 = arith.constant 0 : index
    %get3A_43 = arith.constant 0 : index
    %get3A_44 = vector.load %arg6[%get3A_42, %get3A_43] : memref<64x64xf32, #tpu.memory_space<vmem>>, vector<64x64xf32>
    %dot_general3A_45 = arith.constant dense<0.000000e+00> : vector<1000x64xf32>
    %dot_general3A_46 = tpu.matmul %div3A_41, %get3A_44, %dot_general3A_45 {dimension_numbers = #tpu.dot_dimension_numbers<[1], [0], [0], [1], [0, 0, 1, 1], [], []>, transpose_lhs_hint = false} : vector<1000x64xf32>, vector<64x64xf32>, vector<1000x64xf32> -> vector<1000x64xf32>
    %swap3A = arith.constant 0 : index
    %swap3A_47 = arith.constant 0 : index
    %swap3A_48 = vector.load %arg7[%swap3A, %swap3A_47] : memref<1000x64xf32, #tpu.memory_space<vmem>>, vector<1000x64xf32>
    tpu.vector_store %arg7[%swap3A, %swap3A_47], %div3A_41 {strides = array<i32>} : memref<1000x64xf32, #tpu.memory_space<vmem>>, vector<1000x64xf32>,
    %swap3A_49 = arith.constant 0 : index
    %swap3A_50 = arith.constant 0 : index
    %swap3A_51 = vector.load %arg8[%swap3A_49, %swap3A_50] : memref<1000x64xf32, #tpu.memory_space<vmem>>, vector<1000x64xf32>
    tpu.vector_store %arg8[%swap3A_49, %swap3A_50], %dot_general3A_46 {strides = array<i32>} : memref<1000x64xf32, #tpu.memory_space<vmem>>, vector<1000x64xf32>,
    %gt3A = arith.constant 0.000000e+00 : f32
    %gt3A_52 = vector.broadcast %gt3A : f32 to vector<1000x1xf32>
    %gt3A_53 = arith.cmpf ogt, %add3A, %gt3A_52 : vector<1000x1xf32>
    %max3A_54 = arith.constant 9.99999996E-13 : f32
    %max3A_55 = vector.broadcast %max3A_54 : f32 to vector<1000x1xf32>
    %max3A_56 = arith.maximumf %add3A, %max3A_55 : vector<1000x1xf32>
    %rsqrt3A = math.rsqrt %max3A_56 : vector<1000x1xf32>
    %jit3A = arith.constant 0.000000e+00 : f32
    %broadcast_in_dim3A_57 = vector.broadcast %jit3A : f32 to vector<1000x1xf32>
    %select_n3A = arith.select %gt3A_53, %rsqrt3A, %broadcast_in_dim3A_57 : vector<1000x1xi1>, vector<1000x1xf32>
    %mul3A = vector.broadcast %select_n3A : vector<1000x1xf32> to vector<1000x64xf32>
    %mul3A_58 = arith.mulf %dot_general3A_46, %mul3A : vector<1000x64xf32>
    %broadcast_in_dim3A_59 = arith.constant 0.000000e+00 : f32
    %broadcast_in_dim3A_60 = vector.broadcast %broadcast_in_dim3A_59 : f32 to vector<1000x64xf32>
    %concatenate3A = tpu.concatenate %mul3A_58, %broadcast_in_dim3A_60 in 1 : vector<1000x64xf32>, vector<1000x64xf32> -> vector<1000x128xf32>
    %swap3A_61 = arith.constant 0 : index
    %swap3A_62 = arith.constant 0 : index
    %swap3A_63 = vector.load %arg9[%swap3A_61, %swap3A_62] : memref<1000x128xf32, #tpu.memory_space<vmem>>, vector<1000x128xf32>
    tpu.vector_store %arg9[%swap3A_61, %swap3A_62], %concatenate3A {strides = array<i32>} : memref<1000x128xf32, #tpu.memory_space<vmem>>, vector<1000x128xf32>,
    return
  }
  func.func @transform_0(%arg0: i32) -> (i32, i32, i32) {
    %c0_i32 = arith.constant 0 : i32
    %c0_i32_0 = arith.constant 0 : i32
    %c0_i32_1 = arith.constant 0 : i32
    return %c0_i32, %arg0, %c0_i32_0 : i32, i32, i32
  }
  func.func @transform_1(%arg0: i32) -> (i32, i32, i32) {
    %c0_i32 = arith.constant 0 : i32
    %c0_i32_0 = arith.constant 0 : i32
    %c0_i32_1 = arith.constant 0 : i32
    return %c0_i32, %arg0, %c0_i32_0 : i32, i32, i32
  }
  func.func @transform_2(%arg0: i32) -> (i32, i32) {
    %c0_i32 = arith.constant 0 : i32
    %c0_i32_0 = arith.constant 0 : i32
    return %arg0, %c0_i32 : i32, i32
  }
  func.func @transform_3(%arg0: i32) -> (i32, i32) {
    %c0_i32 = arith.constant 0 : i32
    %c0_i32_0 = arith.constant 0 : i32
    %c0_i32_1 = arith.constant 0 : i32
    return %c0_i32, %c0_i32_0 : i32, i32
  }
  func.func @transform_4(%arg0: i32) -> (i32, i32) {
    %c0_i32 = arith.constant 0 : i32
    %c0_i32_0 = arith.constant 0 : i32
    %c0_i32_1 = arith.constant 0 : i32
    return %c0_i32, %c0_i32_0 : i32, i32
  }
  func.func @transform_5(%arg0: i32) -> (i32, i32) {
    %c0_i32 = arith.constant 0 : i32
    %c0_i32_0 = arith.constant 0 : i32
    %c0_i32_1 = arith.constant 0 : i32
    return %c0_i32, %c0_i32_0 : i32, i32
  }
  func.func @transform_6(%arg0: i32) -> (i32, i32) {
    %c0_i32 = arith.constant 0 : i32
    %c0_i32_0 = arith.constant 0 : i32
    return %arg0, %c0_i32 : i32, i32
  }
  func.func @transform_7(%arg0: i32) -> (i32, i32) {
    %c0_i32 = arith.constant 0 : i32
    %c0_i32_0 = arith.constant 0 : i32
    return %arg0, %c0_i32 : i32, i32
  }
  func.func @transform_8(%arg0: i32) -> (i32, i32) {
    %c0_i32 = arith.constant 0 : i32
    %c0_i32_0 = arith.constant 0 : i32
    return %arg0, %c0_i32 : i32, i32
  }
}

module attributes {stable_mosaic.version = 14 : i64} {
  func.func @_scale4_body(%arg0: i32, %arg1: memref<2x1000x16xf32, #tpu.memory_space<vmem>>, %arg2: memref<2x1000x128xf32, #tpu.memory_space<vmem>>, %arg3: memref<1000x128xf32, #tpu.memory_space<vmem>>) attributes {dimension_semantics = [#tpu.dimension_semantics<arbitrary>], iteration_bounds = array<i64: 10>, scalar_prefetch = 0 : i64, scratch_operands = 0 : i64, tpu.core_type = #tpu.core_type<tc>, window_params = [{transform_indices = @transform_0, window_bounds = array<i64: 2, 1000, 16>}, {transform_indices = @transform_1, window_bounds = array<i64: 2, 1000, 128>}, {transform_indices = @transform_2, window_bounds = array<i64: 1000, 128>}]} {
    %get3A = arith.constant 0 : index
    %get3A_0 = arith.constant 0 : index
    %get3A_1 = arith.constant 0 : index
    %get3A_2 = vector.load %arg1[%get3A, %get3A_0, %get3A_1] : memref<2x1000x16xf32, #tpu.memory_space<vmem>>, vector<1x1000x1xf32>
    %get3A_3 = vector.shape_cast %get3A_2 : vector<1x1000x1xf32> to vector<1000x1xf32>
    %get3A_4 = arith.constant 1 : index
    %get3A_5 = arith.constant 0 : index
    %get3A_6 = arith.constant 0 : index
    %get3A_7 = vector.load %arg1[%get3A_4, %get3A_5, %get3A_6] : memref<2x1000x16xf32, #tpu.memory_space<vmem>>, vector<1x1000x1xf32>
    %get3A_8 = vector.shape_cast %get3A_7 : vector<1x1000x1xf32> to vector<1000x1xf32>
    %add3A = arith.addf %get3A_3, %get3A_8 : vector<1000x1xf32>
    %gt3A = arith.constant 0.000000e+00 : f32
    %gt3A_9 = vector.broadcast %gt3A : f32 to vector<1000x1xf32>
    %gt3A_10 = arith.cmpf ogt, %add3A, %gt3A_9 : vector<1000x1xf32>
    %max3A = arith.constant 9.99999996E-13 : f32
    %max3A_11 = vector.broadcast %max3A : f32 to vector<1000x1xf32>
    %max3A_12 = arith.maximumf %add3A, %max3A_11 : vector<1000x1xf32>
    %div3A = arith.constant 1.000000e+00 : f32
    %div3A_13 = vector.broadcast %div3A : f32 to vector<1000x1xf32>
    %div3A_14 = arith.divf %div3A_13, %max3A_12 : vector<1000x1xf32>
    %jit3A = arith.constant 0.000000e+00 : f32
    %broadcast_in_dim3A = vector.broadcast %jit3A : f32 to vector<1000x1xf32>
    %select_n3A = arith.select %gt3A_10, %div3A_14, %broadcast_in_dim3A : vector<1000x1xi1>, vector<1000x1xf32>
    %get3A_15 = arith.constant 0 : index
    %get3A_16 = arith.constant 0 : index
    %get3A_17 = arith.constant 0 : index
    %get3A_18 = vector.load %arg2[%get3A_15, %get3A_16, %get3A_17] : memref<2x1000x128xf32, #tpu.memory_space<vmem>>, vector<1x1000x128xf32>
    %get3A_19 = vector.shape_cast %get3A_18 : vector<1x1000x128xf32> to vector<1000x128xf32>
    %get3A_20 = arith.constant 1 : index
    %get3A_21 = arith.constant 0 : index
    %get3A_22 = arith.constant 0 : index
    %get3A_23 = vector.load %arg2[%get3A_20, %get3A_21, %get3A_22] : memref<2x1000x128xf32, #tpu.memory_space<vmem>>, vector<1x1000x128xf32>
    %get3A_24 = vector.shape_cast %get3A_23 : vector<1x1000x128xf32> to vector<1000x128xf32>
    %add3A_25 = arith.addf %get3A_19, %get3A_24 : vector<1000x128xf32>
    %mul3A = vector.broadcast %select_n3A : vector<1000x1xf32> to vector<1000x128xf32>
    %mul3A_26 = arith.mulf %add3A_25, %mul3A : vector<1000x128xf32>
    %swap3A = arith.constant 0 : index
    %swap3A_27 = arith.constant 0 : index
    %swap3A_28 = vector.load %arg3[%swap3A, %swap3A_27] : memref<1000x128xf32, #tpu.memory_space<vmem>>, vector<1000x128xf32>
    tpu.vector_store %arg3[%swap3A, %swap3A_27], %mul3A_26 {strides = array<i32>} : memref<1000x128xf32, #tpu.memory_space<vmem>>, vector<1000x128xf32>,
    return
  }
  func.func @transform_0(%arg0: i32) -> (i32, i32, i32) {
    %c0_i32 = arith.constant 0 : i32
    %c0_i32_0 = arith.constant 0 : i32
    %c0_i32_1 = arith.constant 0 : i32
    return %c0_i32, %arg0, %c0_i32_0 : i32, i32, i32
  }
  func.func @transform_1(%arg0: i32) -> (i32, i32, i32) {
    %c0_i32 = arith.constant 0 : i32
    %c0_i32_0 = arith.constant 0 : i32
    %c0_i32_1 = arith.constant 0 : i32
    return %c0_i32, %arg0, %c0_i32_0 : i32, i32, i32
  }
  func.func @transform_2(%arg0: i32) -> (i32, i32) {
    %c0_i32 = arith.constant 0 : i32
    %c0_i32_0 = arith.constant 0 : i32
    return %arg0, %c0_i32 : i32, i32
  }
}

module attributes {stable_mosaic.version = 14 : i64} {
  func.func @_final_body(%arg0: i32, %arg1: memref<2x1000x16xf32, #tpu.memory_space<vmem>>, %arg2: memref<2x1000x128xf32, #tpu.memory_space<vmem>>, %arg3: memref<1000x64xf32, #tpu.memory_space<vmem>>) attributes {dimension_semantics = [#tpu.dimension_semantics<arbitrary>], iteration_bounds = array<i64: 10>, scalar_prefetch = 0 : i64, scratch_operands = 0 : i64, tpu.core_type = #tpu.core_type<tc>, window_params = [{transform_indices = @transform_0, window_bounds = array<i64: 2, 1000, 16>}, {transform_indices = @transform_1, window_bounds = array<i64: 2, 1000, 128>}, {transform_indices = @transform_2, window_bounds = array<i64: 1000, 64>}]} {
    %get3A = arith.constant 0 : index
    %get3A_0 = arith.constant 0 : index
    %get3A_1 = arith.constant 0 : index
    %get3A_2 = vector.load %arg1[%get3A, %get3A_0, %get3A_1] : memref<2x1000x16xf32, #tpu.memory_space<vmem>>, vector<1x1000x1xf32>
    %get3A_3 = vector.shape_cast %get3A_2 : vector<1x1000x1xf32> to vector<1000x1xf32>
    %get3A_4 = arith.constant 1 : index
    %get3A_5 = arith.constant 0 : index
    %get3A_6 = arith.constant 0 : index
    %get3A_7 = vector.load %arg1[%get3A_4, %get3A_5, %get3A_6] : memref<2x1000x16xf32, #tpu.memory_space<vmem>>, vector<1x1000x1xf32>
    %get3A_8 = vector.shape_cast %get3A_7 : vector<1x1000x1xf32> to vector<1000x1xf32>
    %add3A = arith.addf %get3A_3, %get3A_8 : vector<1000x1xf32>
    %get3A_9 = arith.constant 0 : index
    %get3A_10 = arith.constant 0 : index
    %get3A_11 = arith.constant 0 : index
    %get3A_12 = vector.load %arg2[%get3A_9, %get3A_10, %get3A_11] : memref<2x1000x128xf32, #tpu.memory_space<vmem>>, vector<1x1000x128xf32>
    %get3A_13 = vector.shape_cast %get3A_12 : vector<1x1000x128xf32> to vector<1000x128xf32>
    %get3A_14 = arith.constant 1 : index
    %get3A_15 = arith.constant 0 : index
    %get3A_16 = arith.constant 0 : index
    %get3A_17 = vector.load %arg2[%get3A_14, %get3A_15, %get3A_16] : memref<2x1000x128xf32, #tpu.memory_space<vmem>>, vector<1x1000x128xf32>
    %get3A_18 = vector.shape_cast %get3A_17 : vector<1x1000x128xf32> to vector<1000x128xf32>
    %add3A_19 = arith.addf %get3A_13, %get3A_18 : vector<1000x128xf32>
    %slice3A = vector.extract_strided_slice %add3A_19 {offsets = [0, 0], sizes = [1000, 64], strides = [1, 1]} : vector<1000x128xf32> to vector<1000x64xf32>
    %gt3A = arith.constant 0.000000e+00 : f32
    %gt3A_20 = vector.broadcast %gt3A : f32 to vector<1000x1xf32>
    %gt3A_21 = arith.cmpf ogt, %add3A, %gt3A_20 : vector<1000x1xf32>
    %max3A = arith.constant 9.99999996E-13 : f32
    %max3A_22 = vector.broadcast %max3A : f32 to vector<1000x1xf32>
    %max3A_23 = arith.maximumf %add3A, %max3A_22 : vector<1000x1xf32>
    %rsqrt3A = math.rsqrt %max3A_23 : vector<1000x1xf32>
    %jit3A = arith.constant 0.000000e+00 : f32
    %broadcast_in_dim3A = vector.broadcast %jit3A : f32 to vector<1000x1xf32>
    %select_n3A = arith.select %gt3A_21, %rsqrt3A, %broadcast_in_dim3A : vector<1000x1xi1>, vector<1000x1xf32>
    %mul3A = vector.broadcast %select_n3A : vector<1000x1xf32> to vector<1000x64xf32>
    %mul3A_24 = arith.mulf %slice3A, %mul3A : vector<1000x64xf32>
    %reduce_max3A = arith.constant dense<0xFF800000> : vector<1000xf32>
    %reduce_max3A_25 = vector.multi_reduction <maximumf>, %mul3A_24, %reduce_max3A [1] : vector<1000x64xf32> to vector<1000xf32>
    %broadcast_in_dim3A_26 = vector.shape_cast %reduce_max3A_25 : vector<1000xf32> to vector<1000x1xf32>
    %sub3A = vector.broadcast %broadcast_in_dim3A_26 : vector<1000x1xf32> to vector<1000x64xf32>
    %sub3A_27 = arith.subf %mul3A_24, %sub3A : vector<1000x64xf32>
    %exp3A = math.exp %sub3A_27 : vector<1000x64xf32>
    %reduce_sum3A = arith.constant dense<0.000000e+00> : vector<1000xf32>
    %reduce_sum3A_28 = vector.multi_reduction <add>, %exp3A, %reduce_sum3A [1] : vector<1000x64xf32> to vector<1000xf32>
    %broadcast_in_dim3A_29 = vector.shape_cast %reduce_sum3A_28 : vector<1000xf32> to vector<1000x1xf32>
    %div3A = vector.broadcast %broadcast_in_dim3A_29 : vector<1000x1xf32> to vector<1000x64xf32>
    %div3A_30 = arith.divf %exp3A, %div3A : vector<1000x64xf32>
    %swap3A = arith.constant 0 : index
    %swap3A_31 = arith.constant 0 : index
    %swap3A_32 = vector.load %arg3[%swap3A, %swap3A_31] : memref<1000x64xf32, #tpu.memory_space<vmem>>, vector<1000x64xf32>
    tpu.vector_store %arg3[%swap3A, %swap3A_31], %div3A_30 {strides = array<i32>} : memref<1000x64xf32, #tpu.memory_space<vmem>>, vector<1000x64xf32>,
    return
  }
  func.func @transform_0(%arg0: i32) -> (i32, i32, i32) {
    %c0_i32 = arith.constant 0 : i32
    %c0_i32_0 = arith.constant 0 : i32
    %c0_i32_1 = arith.constant 0 : i32
    return %c0_i32, %arg0, %c0_i32_0 : i32, i32, i32
  }
  func.func @transform_1(%arg0: i32) -> (i32, i32, i32) {
    %c0_i32 = arith.constant 0 : i32
    %c0_i32_0 = arith.constant 0 : i32
    %c0_i32_1 = arith.constant 0 : i32
    return %c0_i32, %arg0, %c0_i32_0 : i32, i32, i32
  }
  func.func @transform_2(%arg0: i32) -> (i32, i32) {
    %c0_i32 = arith.constant 0 : i32
    %c0_i32_0 = arith.constant 0 : i32
    return %arg0, %c0_i32 : i32, i32
  }
}

</mosaic_0001>

<sc_bundles>
// kernel: kernel.16.cloned.1.call-start
scs
__scs_entry_jumppad:
0x0: {  	(pc) =	sbr.rel $0x88, $3  }
0x1: {  	(tag) =	ssettag $0x0;
	lr =	simm.s32 $0x1  }
0x2: {  	[smem:$0x3F98] =	sst lr;
	_ =	strace $0xD0000000  }
0x3: {  	_ = 	snop  }
0x4: {  	_ = 	snop  }
0x5: {  	_ = 	snop  }
0x6: {  	_ = 	snop  }
0x7: {  	_ = 	snop  }
__scs_overlays_trampoline_lowered:
0x8: {  	[smem:$0x3FA7] =	sst s0  }
0x9: {  	[smem:$0x3FA8] =	sst s1  }
0xa: {  	[smem:$0x3FA9] =	sst s2  }
0xb: {  	[smem:$0x3FAA] =	sst s3  }
0xc: {  	[smem:$0x3FAB] =	sst s4  }
0xd: {  	[smem:$0x3FAC] =	sst s5  }
0xe: {  	[smem:$0x3FAD] =	sst s6  }
0xf: {  	[smem:$0x3FAE] =	sst s7  }
0x10: {  	[smem:$0x3FAF] =	sst s8  }
0x11: {  	[smem:$0x3FB0] =	sst s9;
	s0 =	simm.s32 @!p0 $0x0  }
0x12: {  	s1 =	sld [smem:$0x3F96];
	s0 =	simm.s32 @p0 $0x1  }
0x13: {  	[smem:$0x3FB1] =	sst s0;
	s0 =	simm.s32 @!p1 $0x0  }
0x14: {  	s2 =	sld [smem:$0x3F95];
	s0 =	simm.s32 @p1 $0x1  }
0x15: {  	[smem:$0x3FB2] =	sst s0;
	s0 =	simm.s32 @!p2 $0x0  }
0x16: {  	s3 =	sld [smem:$0x3FDB];
	s0 =	simm.s32 @p2 $0x1  }
0x17: {  	s4 =	simm.s32 $0x1BF5;
	[smem:$0x3FB4] =	sst s0  }
0x18: {  	s0 =	sld [smem:$0x3F97];
	_ =	swait.ge [sflag:s4], $0x0  }
0x19: {  	s7 =	sld [smem:$0x3F98]  }
0x1a: {  	s8 =	sadd.s32 $0xFFFFE003, lr  }
0x1b: {  	s9 =	sadd.s32 $0xFFFFFEF7, lr;
	s5 =	simm.s32 $0xFFFFFFFF;
	p2 =	slt.u32 s8, $0xFFFFF086  }
0x1c: {  	p1 =	slt.u32 s9, $0xF7A;
	s5 =	simm.s32 @!p2 $0x0  }
0x1d: {  	s5 =	simm.s32 @p1 $0x1;
	p0 =	seq.s32 s7, s2  }
0x1e: {  	s7 =	smul.u32 @!p0 $0xF7A, s2;
	p2 =	seq.s32 @!p0 s5, $0x0  }
0x1f: {  	s9 =	smul.u32 $0xF7A, s1;
	s8 =	simm.s32 @!p0 $0x1BF5;
	p2 =	por !p2, p0  }
0x20: {  	[sflag:s8] =	ssyncset.s32 @!p0 $0xFFFFF086;
	s6 =	sadd.s32 @!p0 s3, s7;
	s7 =	simm.s32 @!p0 $0x108  }
0x21: {  	s3 =	sadd.s32 s3, s9;
	s6 =	sadd.s32 @!p0 $0x88, s6;
	s7 =	simm.s32 @p2 $0x1082  }
0x22: {  	[simem:s7], [sflag:s8] =	dma.local @!p0 [hbm:s6], $0xF7A  }
0x23: {  	s9 =	sor.u32 $0xD0000000, s2;
	s6 =	simm.s32 $0x108;
	_ =	swait.ge @!p0 [sflag:s8], $0x0  }
0x24: {  	s3 =	sadd.s32 $0x88, s3;
	s6 =	simm.s32 @!p1 $0x1082;
	[sflag:s4] =	ssyncset.s32 $0xFFFFF086  }
0x25: {  	[simem:s6], [sflag:s4] =	dma.local [hbm:s3], $0xF7A  }
0x26: {  	[smem:$0x3F98] =	sst s1;
	(tag) =	ssettag s2;
	_ =	strace s9  }
0x27: {  	s1 =	sld [smem:$0x3FA8]  }
0x28: {  	s2 =	sld [smem:$0x3FA9]  }
0x29: {  	s4 =	sld [smem:$0x3FAB]  }
0x2a: {  	p0 =	seq.s32 s5, $0x0;
	s5 =	sld [smem:$0x3FAC]  }
0x2b: {  	s6 =	sld [smem:$0x3FAD]  }
0x2c: {  	s7 =	sld [smem:$0x3FAE]  }
0x2d: {  	s3 =	simm.s32 $0x108;
	s8 =	sld [smem:$0x3FAF]  }
0x2e: {  	s3 =	simm.s32 @!p0 $0x1082;
	s9 =	sld [smem:$0x3FB0]  }
0x2f: {  	lr =	sadd.s32 s0, s3;
	s0 =	sld [smem:$0x3FA7]  }
0x30: {  	s3 =	sld [smem:$0x3FAA]  }
0x31: {  	[smem:$0x3FB3] =	sst s10  }
0x32: {  	s10 =	sld [smem:$0x3FB1];
	_ =	sdelay $0x3  }
0x33: {  	p0 =	seq.s32 s10, $0x1;
	s10 =	sld [smem:$0x3FB3];
	_ =	sdelay $0x3  }
0x34: {  	[smem:$0x3FB3] =	sst s10  }
0x35: {  	s10 =	sld [smem:$0x3FB2];
	_ =	sdelay $0x3  }
0x36: {  	p1 =	seq.s32 s10, $0x1;
	s10 =	sld [smem:$0x3FB3];
	_ =	sdelay $0x3  }
0x37: {  	[smem:$0x3FB3] =	sst s10  }
0x38: {  	s10 =	sld [smem:$0x3FB4]  }
0x39: {  	_ = 	snop;
	(pc) =	sbr.ind lr, $3  }
0x3a: {  	_ = 	snop  }
0x3b: {  	_ = 	snop  }
0x3c: {  	p2 =	seq.s32 s10, $0x1;
	s10 =	sld [smem:$0x3FB3]  }
0x3d: {  	_ =	shalt  }
0x3e: {  	_ =	shalt  }
0x3f: {  	_ =	shalt  }
0x40: {  	_ =	shalt  }
0x41: {  	_ =	shalt  }
0x42: {  	_ =	shalt  }
0x43: {  	_ =	shalt  }
0x44: {  	_ =	shalt  }
0x45: {  	_ =	shalt  }
0x46: {  	_ =	shalt  }
0x47: {  	_ =	shalt  }
0x48: {  	_ =	shalt  }
0x49: {  	_ =	shalt  }
0x4a: {  	_ =	shalt  }
0x4b: {  	_ =	shalt  }
0x4c: {  	_ =	shalt  }
0x4d: {  	_ =	shalt  }
0x4e: {  	_ =	shalt  }
0x4f: {  	_ =	shalt  }
0x50: {  	_ =	shalt  }
0x51: {  	_ =	shalt  }
0x52: {  	_ =	shalt  }
0x53: {  	_ =	shalt  }
0x54: {  	_ =	shalt  }
0x55: {  	_ =	shalt  }
0x56: {  	_ =	shalt  }
0x57: {  	_ =	shalt  }
0x58: {  	_ =	shalt  }
0x59: {  	_ =	shalt  }
0x5a: {  	_ =	shalt  }
0x5b: {  	_ =	shalt  }
0x5c: {  	_ =	shalt  }
0x5d: {  	_ =	shalt  }
0x5e: {  	_ =	shalt  }
0x5f: {  	_ =	shalt  }
0x60: {  	_ =	shalt  }
0x61: {  	_ =	shalt  }
0x62: {  	_ =	shalt  }
0x63: {  	_ =	shalt  }
0x64: {  	_ =	shalt  }
0x65: {  	_ =	shalt  }
0x66: {  	_ =	shalt  }
0x67: {  	_ =	shalt  }
0x68: {  	_ =	shalt  }
0x69: {  	_ =	shalt  }
0x6a: {  	_ =	shalt  }
0x6b: {  	_ =	shalt  }
0x6c: {  	_ =	shalt  }
0x6d: {  	_ =	shalt  }
0x6e: {  	_ =	shalt  }
0x6f: {  	_ =	shalt  }
0x70: {  	_ =	shalt  }
0x71: {  	_ =	shalt  }
0x72: {  	_ =	shalt  }
0x73: {  	_ =	shalt  }
0x74: {  	_ =	shalt  }
0x75: {  	_ =	shalt  }
0x76: {  	_ =	shalt  }
0x77: {  	_ =	shalt  }
0x78: {  	_ =	shalt  }
0x79: {  	_ =	shalt  }
0x7a: {  	_ =	shalt  }
0x7b: {  	_ =	shalt  }
0x7c: {  	_ =	shalt  }
0x7d: {  	_ =	shalt  }
0x7e: {  	_ =	shalt  }
0x7f: {  	_ =	shalt  }
0x80: {  	_ =	shalt  }
0x81: {  	_ =	shalt  }
0x82: {  	_ =	shalt  }
0x83: {  	_ =	shalt  }
0x84: {  	_ =	shalt  }
0x85: {  	_ =	shalt  }
0x86: {  	_ =	shalt  }
0x87: {  	_ =	shalt  }
.Lfunc_end0:
.L_simem_size_0:
called_computation_lowered:
.L_overlay_start_0:
0x88: {  	s2 =	sld [smem:$0x3FD9]  }
0x89: {  	s3 =	sld [smem:$0x3FFE];
	_ =	sdelay $0x1  }
0x8a: {  	s1 =	srdreg.scid  }
0x8b: {  	s0 =	sand.u32 $0x1, s1  }
0x8c: {  	s14 =	sshll.u32 s0, $0xA;
	s2 =	sadd.s32 s3, s2  }
0x8d: {  	s2 =	sadd.s32 s2, s14  }
0x8e: {  	[smem:$0x3FBF] =	sst s2  }
0x8f: {  	_ = 	snop  }
0x90: {  	s2 =	sld [smem:$0x3FD0];
	_ =	sdelay $0x2  }
0x91: {  	s15 =	simm.s32 $0xA;
	s4 =	simm.s32 $0x10  }
0x92: {  	[smem:s4], [sflag:s15] =	dma.local [hbm:s2], $0x1  }
0x93: {  	_ =	swait.eq [sflag:s15], $0x1  }
0x94: {  	[sflag:s15] =	ssyncset.done $0x0  }
0x95: {  	s16 =	sld [smem:$0x10];
	[sflag:s15] =	ssyncadd.s32 $0xFFFFFFFF  }
0x96: {  	s17 =	sld [smem:$0x12];
	(tm) =	ssettm $0x1  }
0x97: {  	s18 =	sld [smem:$0x3FFB];
	_ =	sdelay $0x3  }
0x98: {  	_ =	strace s18  }
0x99: {  	s4 =	sld [smem:$0x3FFC];
	_ =	sdelay $0x3  }
0x9a: {  	_ =	strace s4  }
0x9b: {  	s4 =	sld [smem:$0x3FFD];
	_ =	sdelay $0x3  }
0x9c: {  	_ =	strace s4  }
0x9d: {  	_ =	strace $0x8FFFFFFF  }
0x9e: {  	s19 =	sld [smem:$0x3FDB];
	_ =	sdelay $0x1  }
0x9f: {  	s5 =	simm.s32 $_scs_section_size  }
0xa0: {  	s6 =	simm.s32 $_size__tile_overlayer_lowered;
	s7 =	simm.s32 $_tile_overlayer_lowered  }
0xa1: {  	s22 =	simm.s32 $0x1BFF;
	s21 =	sshll.u32 s7, $0x1;
	s4 =	sadd.s32 s5, s19  }
0xa2: {  	s8 =	simm.s32 $0x0;
	s20 =	sshll.u32 s6, $0x1;
	s6 =	sadd.s32 s21, s4  }
0xa3: {  	[timem:s8], [sflag:s22] =	dma.local [hbm:s6], s20  }
0xa4: {  	_ =	swait.ge [sflag:s22], s20  }
0xa5: {  	s5 =	ssub.s32 $0x0, s20;
	[sflag:s22] =	ssyncset.done $0x0  }
0xa6: {  	[sflag:s22] =	ssyncadd.s32 s5;
	_ =	sdelay $0x1  }
0xa7: {  	s23 =	simm.s32 $0x1B8B  }
0xa8: {  	_ =	swait.ge [sflag:s23], $0x1  }
0xa9: {  	[sflag:s23] =	ssyncset.done $0x0  }
0xaa: {  	s25 =	simm.s32 $0x1B8E;
	s24 =	sld [smem:$0x3FFE];
	[sflag:s23] =	ssyncadd.s32 $0xFFFFFFFF  }
0xab: {  	s26 =	simm.s32 $execute0_lowered;
	[smem:$0x3FD2] =	sst s25  }
0xac: {  	s6 =	sshll.u32 s26, $0x1;
	_ =	strace $0x80000046;
	[dreg:$0x1] =	wrdreg $0xFFFFFFFF  }
0xad: {  	s28 =	simm.s32 $_size_execute0_lowered;
	s4 =	sadd.s32 s4, s6;
	[dreg:$0x0] =	wrdreg $0x0  }
0xae: {  	s6 =	sshll.u32 s28, $0x1;
	[dreg:$0x2] =	wrdreg s4  }
0xaf: {  	[dreg:$0x3] =	wrdreg s6  }
0xb0: {  	[dreg:$0x4] =	wrdreg $0xC0  }
0xb1: {  	_ =	task [dreg:s8], $0x5FFFF  }
0xb2: {  	[dreg:$0x1] =	wrdreg $0xFFFFFFFF  }
0xb3: {  	[dreg:$0x0] =	wrdreg $0x60  }
0xb4: {  	[dreg:$0x2] =	wrdreg s17  }
0xb5: {  	[dreg:$0x3] =	wrdreg s24  }
0xb6: {  	[dreg:$0x4] =	wrdreg s16  }
0xb7: {  	[dreg:$0x5] =	wrdreg $0x52800  }
0xb8: {  	[dreg:$0x6] =	wrdreg $0x9  }
0xb9: {  	_ =	task.clear_ibuf [dreg:s8], $0x7FFFF;
	_ =	strace $0x90000046  }
0xba: {  	s29 =	simm.s32 $0x9;
	_ =	strace $0x80000048  }
0xbb: {  	_ =	swait.ge [sflag:s29], $0x1  }
0xbc: {  	[sflag:s29] =	ssyncadd.s32 $0xFFFFFFFF  }
0xbd: {  	_ =	strace $0x90000048  }
0xbe: {  	_ =	sfence  }
0xbf: {  	s30 =	sld [smem:$0x0];
	_ =	sdelay $0x2  }
0xc0: {  	s31 =	sshll.u32 s1, $0xD;
	s1 =	sshrl.u32 s1, $0x2  }
0xc1: {  	s3 =	sand.u32 $0x4000, s31;
	s1 =	sadd.s32 s1, s30  }
0xc2: {  	s0 =	sor.u32 s3, s0;
	s1 =	sshll.u32 s1, $0x11  }
0xc3: {  	s0 =	sor.u32 s1, s0  }
0xc4: {  	s0 =	sadd.s32 $0x8F2B, s0  }
0xc5: {  	[sflag:s0] =	ssyncadd.remote.s32 $0x1  }
0xc6: {  	_ =	sfence.sel $0xFFFF  }
0xc7: {  	[dreg:$0x0] =	wrdreg $0xFFFFFFFF;
	(pc) =	sbr.abs _section_cstart, $3  }
0xc8: {  	[dreg:$0x1] =	wrdreg $0xFFFFFFFF  }
0xc9: {  	_ =	task.clear_ibuf [dreg:s8], $0x2FFFF;
	_ =	strace $0x9FFFFFFF  }
0xca: {  	(tm) =	ssettm $0x7FFFFFFF  }
0xcb: {  	_ =	shalt  }
tec
execute0_lowered:
.L_overlay_start_1:
0x0: {  	(tag) =	ssettag $0x1  }
0x1: {  	s6 =	rddreg [dreg:$0x0]  }
0x2: {  	s7 =	rddreg [dreg:$0x1]  }
0x3: {  	s1 =	rddreg [dreg:$0x2]  }
0x4: {  	s3 =	rddreg [dreg:$0x3]  }
0x5: {  	s0 =	rddreg [dreg:$0x4]  }
0x6: {  	s4 =	simm.s32 $0x0;
	s5 =	srdreg.scid;
	s2 =	stileid.u32  }
0x7: {  	s13 =	simm.s32 $0x28;
	s14 =	simm.s32 $0x80;
	s15 =	simm.s32 $0x100  }
0x8: {  	s16 =	simm.s32 $0x180;
	s17 =	simm.s32 $0x200;
	s18 =	simm.s32 $0x1  }
0x9: {  	s19 =	simm.s32 $0x2;
	s20 =	simm.s32 $0x3;
	s21 =	simm.s32 $0x4  }
0xa: {  	s22 =	simm.s32 $0x5;
	s23 =	simm.s32 $0x0;
	[smem:$0x7FF] =	sst s4  }
0xb: {  	s8 =	sand.u32 $0x1, s5;
	s9 =	smul.u32 $0x2800, s2;
	s11 =	sshll.u32 s2, $0x1  }
0xc: {  	s5 =	sadd.s32 $0xAA00, s7;
	s12 =	smul.u32 $0x50000, s2;
	s31 =	sshll.u32 s2, $0x6  }
0xd: {  	s10 =	smul.u32 $0x28000, s8;
	s11 =	sor.u32 s8, s11;
	s8 =	ssub.s32 $0x2, s8  }
0xe: {  	_ =	strace $0x80000047;
	s28 =	smul.u32 $0x7D0, s11;
	s29 =	sshrl.u32 s8, $0x1  }
0xf: {  	s30 =	sshrl.u32 s12, $0x2;
	s11 =	sor.u32 $0x1C06, s31;
	s9 =	sadd.s32 s9, s10  }
0x10: {  	s8 =	ssub.s32 s8, s29;
	s12 =	sadd.s32 s30, s3;
	s10 =	simm.s32 $0x6  }
0x11: {  	s7 =	sadd.s32 s9, s7;
	s6 =	sadd.s32 s6, s28;
	s8 =	smax.u32 s8, $0x1  }
0x12: {  	s9 =	simm.s32 $0x3E80;
	s12 =	sshrl.u32 s12, $0x3;
	s7 =	sadd.s32 $0xD400, s7  }
.LBB2_1:
0x13: {  	[tilespmem:s9], [sflag:$0x6] =	stream.linear.gather [hbm4b:s1+s4], $0x1400, $0x38;
	[tilespmem:$0x19280] =	vst v63  }
0x14: {  	_ =	swait.ge [sflag:s10], $0x1400  }
0x15: {  	[sflag:s10] =	ssyncset.done $0x0  }
0x16: {  	[sflag:s10] =	ssyncadd.s32 $0xFFFFEC00  }
0x17: {  	[spmem:s12], [sflag:s11] =	dma.local [hbm:s5], $0x2800  }
0x18: {  	_ =	swait.ge [sflag:s10], $0x2800  }
0x19: {  	[sflag:s10] =	ssyncset.done $0x0  }
0x1a: {  	[sflag:s10] =	ssyncadd.s32 $0xFFFFD800  }
0x1b: {  	[bflag:$0x0] =	sbarrier.arrive $0xFFFF  }
0x1c: {  	[tilespmem:s4], [sflag:$0x6] =	stream.linear.gather [hbm4b:s6+s4], $0x3E80, $0x38;
	[tilespmem:$0x19280] =	vst v63  }
0x1d: {  	_ =	swait.ge [sflag:s10], $0x3E80  }
0x1e: {  	[sflag:s10] =	ssyncset.done $0x0  }
0x1f: {  	[sflag:s10] =	ssyncadd.s32 $0xFFFFC180  }
0x20: {  	[spmem:s3] =	stream.indirect.scatter.add.f32 [tilespmem:s9], [sflag:$0x1], $0x80, s4, s13, $0xb8;
	[tilespmem:$0x19280] =	vst v63  }
0x21: {  	_ = 	snop  }
0x22: {  	[spmem:s3] =	stream.indirect.scatter.add.f32 [tilespmem:s9], [sflag:$0x2], $0x80, s14, s13, $0xb8;
	[tilespmem:$0x19280] =	vst v63  }
0x23: {  	_ = 	snop  }
0x24: {  	[spmem:s3] =	stream.indirect.scatter.add.f32 [tilespmem:s9], [sflag:$0x3], $0x80, s15, s13, $0xb8;
	[tilespmem:$0x19280] =	vst v63  }
0x25: {  	_ = 	snop  }
0x26: {  	[spmem:s3] =	stream.indirect.scatter.add.f32 [tilespmem:s9], [sflag:$0x4], $0x80, s16, s13, $0xb8;
	[tilespmem:$0x19280] =	vst v63  }
0x27: {  	_ = 	snop  }
0x28: {  	[spmem:s3] =	stream.indirect.scatter.add.f32 [tilespmem:s9], [sflag:$0x5], $0x80, s17, s13, $0xb8;
	[tilespmem:$0x19280] =	vst v63  }
0x29: {  	_ =	swait.ge [sflag:s18], $0x1400  }
0x2a: {  	[sflag:s18] =	ssyncset.done $0x0  }
0x2b: {  	s24 =	simm.s32 $0x280;
	[sflag:s18] =	ssyncadd.s32 $0xFFFFEC00  }
0x2c: {  	[spmem:s3] =	stream.indirect.scatter.add.f32 [tilespmem:s9], [sflag:$0x1], $0x80, s24, s13, $0xb8;
	[tilespmem:$0x19280] =	vst v63  }
0x2d: {  	_ =	swait.ge [sflag:s19], $0x1400  }
0x2e: {  	[sflag:s19] =	ssyncset.done $0x0  }
0x2f: {  	s29 =	simm.s32 $0x300;
	[sflag:s19] =	ssyncadd.s32 $0xFFFFEC00  }
0x30: {  	[spmem:s3] =	stream.indirect.scatter.add.f32 [tilespmem:s9], [sflag:$0x2], $0x80, s29, s13, $0xb8;
	[tilespmem:$0x19280] =	vst v63  }
0x31: {  	_ =	swait.ge [sflag:s20], $0x1400  }
0x32: {  	[sflag:s20] =	ssyncset.done $0x0  }
0x33: {  	s30 =	simm.s32 $0x380;
	[sflag:s20] =	ssyncadd.s32 $0xFFFFEC00  }
0x34: {  	[spmem:s3] =	stream.indirect.scatter.add.f32 [tilespmem:s9], [sflag:$0x3], $0x80, s30, s13, $0xb8;
	[tilespmem:$0x19280] =	vst v63  }
0x35: {  	_ =	swait.ge [sflag:s21], $0x1400  }
0x36: {  	[sflag:s21] =	ssyncset.done $0x0  }
0x37: {  	s31 =	simm.s32 $0x400;
	[sflag:s21] =	ssyncadd.s32 $0xFFFFEC00  }
0x38: {  	[spmem:s3] =	stream.indirect.scatter.add.f32 [tilespmem:s9], [sflag:$0x4], $0x80, s31, s13, $0xb8;
	[tilespmem:$0x19280] =	vst v63  }
0x39: {  	_ =	swait.ge [sflag:s22], $0x1400  }
0x3a: {  	[sflag:s22] =	ssyncset.done $0x0  }
0x3b: {  	s25 =	simm.s32 $0x480;
	s24 =	simm.s32 $0xFFFF1A00;
	[sflag:s22] =	ssyncadd.s32 $0xFFFFEC00  }
.LBB2_2:
0x3c: {  	[spmem:s3] =	stream.indirect.scatter.add.f32 [tilespmem:s9], [sflag:$0x5], $0x80, s25, s13, $0xb8;
	[tilespmem:$0x19280] =	vst v63  }
0x3d: {  	s25 =	smov.u32 s24  }
0x3e: {  	p0 =	sne.s32 s24, $0xFFFFF600;
	s24 =	sadd.s32 $0xA00, s24;
	_ =	swait.ge [sflag:s18], $0x1400  }
0x3f: {  	s25 =	sshra.s32 s25, $0x2;
	[sflag:s18] =	ssyncset.done $0x0  }
0x40: {  	s26 =	sadd.s32 $0x3E80, s25;
	[sflag:s18] =	ssyncadd.s32 $0xFFFFEC00  }
0x41: {  	[spmem:s3] =	stream.indirect.scatter.add.f32 [tilespmem:s9], [sflag:$0x1], $0x80, s26, s13, $0xb8;
	[tilespmem:$0x19280] =	vst v63  }
0x42: {  	_ =	swait.ge [sflag:s19], $0x1400  }
0x43: {  	[sflag:s19] =	ssyncset.done $0x0  }
0x44: {  	s26 =	sadd.s32 $0x3F00, s25;
	[sflag:s19] =	ssyncadd.s32 $0xFFFFEC00  }
0x45: {  	[spmem:s3] =	stream.indirect.scatter.add.f32 [tilespmem:s9], [sflag:$0x2], $0x80, s26, s13, $0xb8;
	[tilespmem:$0x19280] =	vst v63  }
0x46: {  	_ =	swait.ge [sflag:s20], $0x1400  }
0x47: {  	[sflag:s20] =	ssyncset.done $0x0  }
0x48: {  	s26 =	sadd.s32 $0x3F80, s25;
	[sflag:s20] =	ssyncadd.s32 $0xFFFFEC00  }
0x49: {  	[spmem:s3] =	stream.indirect.scatter.add.f32 [tilespmem:s9], [sflag:$0x3], $0x80, s26, s13, $0xb8;
	[tilespmem:$0x19280] =	vst v63  }
0x4a: {  	_ =	swait.ge [sflag:s21], $0x1400  }
0x4b: {  	[sflag:s21] =	ssyncset.done $0x0  }
.Ltmp0:
0x4c: {  	s26 =	sadd.s32 $0x4000, s25;
	[sflag:s21] =	ssyncadd.s32 $0xFFFFEC00;
	(pc) =	sbr.rel @p0 .LBB2_2-.Ltmp0, $4  }
0x4d: {  	[spmem:s3] =	stream.indirect.scatter.add.f32 [tilespmem:s9], [sflag:$0x4], $0x80, s26, s13, $0xb8;
	[tilespmem:$0x19280] =	vst v63  }
0x4e: {  	_ =	swait.ge [sflag:s22], $0x1400  }
0x4f: {  	[sflag:s22] =	ssyncset.done $0x0  }
0x50: {  	s25 =	sadd.s32 $0x4080, s25;
	[sflag:s22] =	ssyncadd.s32 $0xFFFFEC00  }
0x51: {  	[spmem:s3] =	stream.indirect.scatter.add.f32 [tilespmem:s9], [sflag:$0x5], $0x80, s25, s13, $0xb8;
	[tilespmem:$0x19280] =	vst v63  }
0x52: {  	_ =	swait.ge [sflag:s18], $0x1400  }
0x53: {  	[sflag:s18] =	ssyncset.done $0x0  }
0x54: {  	[sflag:s18] =	ssyncadd.s32 $0xFFFFEC00  }
0x55: {  	_ =	swait.ge [sflag:s19], $0x1400  }
0x56: {  	[sflag:s19] =	ssyncset.done $0x0  }
0x57: {  	[sflag:s19] =	ssyncadd.s32 $0xFFFFEC00  }
0x58: {  	_ =	swait.ge [sflag:s20], $0x1400  }
0x59: {  	[sflag:s20] =	ssyncset.done $0x0  }
0x5a: {  	[sflag:s20] =	ssyncadd.s32 $0xFFFFEC00  }
0x5b: {  	_ =	swait.ge [sflag:s21], $0x1400  }
0x5c: {  	[sflag:s21] =	ssyncset.done $0x0  }
0x5d: {  	[sflag:s21] =	ssyncadd.s32 $0xFFFFEC00  }
0x5e: {  	_ =	swait.ge [sflag:s22], $0x1400  }
0x5f: {  	s23 =	sadd.s32 $0x1, s23;
	[sflag:s22] =	ssyncset.done $0x0  }
0x60: {  	p0 =	sne.s32 s23, s8;
	[sflag:s22] =	ssyncadd.s32 $0xFFFFEC00  }
.Ltmp1:
0x61: {  	[bflag:$0x0] =	sbarrier.arrive $0xFFFF;
	(pc) =	sbr.rel @p0 .LBB2_1-.Ltmp1, $4  }
0x62: {  	[hbm:s7], [sflag:s11] =	dma.local [spmem:s12], $0x2800  }
0x63: {  	_ =	swait.ge [sflag:s10], $0x2800  }
0x64: {  	[sflag:s10] =	ssyncset.done $0x0  }
0x65: {  	[sflag:s10] =	ssyncadd.s32 $0xFFFFD800  }
0x66: {  	_ =	sfence.sel $0x180000  }
0x67: {  	[bflag:$0x0] =	sbarrier.arrive $0xFFFF  }
0x68: {  	p0 =	sne.s32 s2, $0x0;
	_ =	strace $0x90000047  }
0x69: {  	s0 =	sadd.s32 @!p0 $0x100000, s0;
	[bflag:$0x2] =	sbarrier.arrive $0xFFFF  }
0x6a: {  	[sflag:s0] =	ssyncadd.tile.s32 @!p0 $0x1;
	_ =	shalt  }
.Lfunc_end2:
_tile_overlayer_lowered:
.L_overlay_start_2:
0x6b: {  	(tag) =	ssettag $0x2  }
0x6c: {  	s0 =	rddreg [dreg:$0x0];
	s2 =	stileid.u32  }
0x6d: {  	s1 =	rddreg [dreg:$0x1];
	p0 =	sne.s32 s2, $0x0  }
0x6e: {  	s3 =	rddreg [dreg:$0x2];
	[bflag:$0x3] =	sbarrier.arrive $0xFFFF;
	s2 =	simm.s32 @!p0 $0x1C06  }
0x6f: {  	[timem:s3], [sflag:s2] =	dma.local @!p0 [hbm:s0], s1  }
0x70: {  	s0 =	simm.s32 @!p0 $0x6  }
0x71: {  	_ =	swait.ge @!p0 [sflag:s0], s1  }
0x72: {  	s1 =	ssub.s32 @!p0 $0x0, s1;
	[sflag:s0] =	ssyncset.done @!p0 $0x0  }
0x73: {  	[sflag:s0] =	ssyncadd.s32 @!p0 s1  }
0x74: {  	[bflag:$0x3] =	sbarrier.arrive $0xFFFF  }
0x75: {  	_ =	shalt  }

// kernel: kernel.19.cloned.1.call-start
scs
__scs_entry_jumppad:
0x0: {  	(pc) =	sbr.rel $0x88, $3  }
0x1: {  	(tag) =	ssettag $0x0;
	lr =	simm.s32 $0x1  }
0x2: {  	[smem:$0x3F98] =	sst lr;
	_ =	strace $0xD0000000  }
0x3: {  	_ = 	snop  }
0x4: {  	_ = 	snop  }
0x5: {  	_ = 	snop  }
0x6: {  	_ = 	snop  }
0x7: {  	_ = 	snop  }
__scs_overlays_trampoline_lowered:
0x8: {  	[smem:$0x3FA7] =	sst s0  }
0x9: {  	[smem:$0x3FA8] =	sst s1  }
0xa: {  	[smem:$0x3FA9] =	sst s2  }
0xb: {  	[smem:$0x3FAA] =	sst s3  }
0xc: {  	[smem:$0x3FAB] =	sst s4  }
0xd: {  	[smem:$0x3FAC] =	sst s5  }
0xe: {  	[smem:$0x3FAD] =	sst s6  }
0xf: {  	[smem:$0x3FAE] =	sst s7  }
0x10: {  	[smem:$0x3FAF] =	sst s8  }
0x11: {  	[smem:$0x3FB0] =	sst s9;
	s0 =	simm.s32 @!p0 $0x0  }
0x12: {  	s1 =	sld [smem:$0x3F96];
	s0 =	simm.s32 @p0 $0x1  }
0x13: {  	[smem:$0x3FB1] =	sst s0;
	s0 =	simm.s32 @!p1 $0x0  }
0x14: {  	s2 =	sld [smem:$0x3F95];
	s0 =	simm.s32 @p1 $0x1  }
0x15: {  	[smem:$0x3FB2] =	sst s0;
	s0 =	simm.s32 @!p2 $0x0  }
0x16: {  	s3 =	sld [smem:$0x3FDB];
	s0 =	simm.s32 @p2 $0x1  }
0x17: {  	s4 =	simm.s32 $0x1BF5;
	[smem:$0x3FB4] =	sst s0  }
0x18: {  	s0 =	sld [smem:$0x3F97];
	_ =	swait.ge [sflag:s4], $0x0  }
0x19: {  	s7 =	sld [smem:$0x3F98]  }
0x1a: {  	s8 =	sadd.s32 $0xFFFFE003, lr  }
0x1b: {  	s9 =	sadd.s32 $0xFFFFFEF7, lr;
	s5 =	simm.s32 $0xFFFFFFFF;
	p2 =	slt.u32 s8, $0xFFFFF086  }
0x1c: {  	p1 =	slt.u32 s9, $0xF7A;
	s5 =	simm.s32 @!p2 $0x0  }
0x1d: {  	s5 =	simm.s32 @p1 $0x1;
	p0 =	seq.s32 s7, s2  }
0x1e: {  	s7 =	smul.u32 @!p0 $0xF7A, s2;
	p2 =	seq.s32 @!p0 s5, $0x0  }
0x1f: {  	s9 =	smul.u32 $0xF7A, s1;
	s8 =	simm.s32 @!p0 $0x1BF5;
	p2 =	por !p2, p0  }
0x20: {  	[sflag:s8] =	ssyncset.s32 @!p0 $0xFFFFF086;
	s6 =	sadd.s32 @!p0 s3, s7;
	s7 =	simm.s32 @!p0 $0x108  }
0x21: {  	s3 =	sadd.s32 s3, s9;
	s6 =	sadd.s32 @!p0 $0x88, s6;
	s7 =	simm.s32 @p2 $0x1082  }
0x22: {  	[simem:s7], [sflag:s8] =	dma.local @!p0 [hbm:s6], $0xF7A  }
0x23: {  	s9 =	sor.u32 $0xD0000000, s2;
	s6 =	simm.s32 $0x108;
	_ =	swait.ge @!p0 [sflag:s8], $0x0  }
0x24: {  	s3 =	sadd.s32 $0x88, s3;
	s6 =	simm.s32 @!p1 $0x1082;
	[sflag:s4] =	ssyncset.s32 $0xFFFFF086  }
0x25: {  	[simem:s6], [sflag:s4] =	dma.local [hbm:s3], $0xF7A  }
0x26: {  	[smem:$0x3F98] =	sst s1;
	(tag) =	ssettag s2;
	_ =	strace s9  }
0x27: {  	s1 =	sld [smem:$0x3FA8]  }
0x28: {  	s2 =	sld [smem:$0x3FA9]  }
0x29: {  	s4 =	sld [smem:$0x3FAB]  }
0x2a: {  	p0 =	seq.s32 s5, $0x0;
	s5 =	sld [smem:$0x3FAC]  }
0x2b: {  	s6 =	sld [smem:$0x3FAD]  }
0x2c: {  	s7 =	sld [smem:$0x3FAE]  }
0x2d: {  	s3 =	simm.s32 $0x108;
	s8 =	sld [smem:$0x3FAF]  }
0x2e: {  	s3 =	simm.s32 @!p0 $0x1082;
	s9 =	sld [smem:$0x3FB0]  }
0x2f: {  	lr =	sadd.s32 s0, s3;
	s0 =	sld [smem:$0x3FA7]  }
0x30: {  	s3 =	sld [smem:$0x3FAA]  }
0x31: {  	[smem:$0x3FB3] =	sst s10  }
0x32: {  	s10 =	sld [smem:$0x3FB1];
	_ =	sdelay $0x3  }
0x33: {  	p0 =	seq.s32 s10, $0x1;
	s10 =	sld [smem:$0x3FB3];
	_ =	sdelay $0x3  }
0x34: {  	[smem:$0x3FB3] =	sst s10  }
0x35: {  	s10 =	sld [smem:$0x3FB2];
	_ =	sdelay $0x3  }
0x36: {  	p1 =	seq.s32 s10, $0x1;
	s10 =	sld [smem:$0x3FB3];
	_ =	sdelay $0x3  }
0x37: {  	[smem:$0x3FB3] =	sst s10  }
0x38: {  	s10 =	sld [smem:$0x3FB4]  }
0x39: {  	_ = 	snop;
	(pc) =	sbr.ind lr, $3  }
0x3a: {  	_ = 	snop  }
0x3b: {  	_ = 	snop  }
0x3c: {  	p2 =	seq.s32 s10, $0x1;
	s10 =	sld [smem:$0x3FB3]  }
0x3d: {  	_ =	shalt  }
0x3e: {  	_ =	shalt  }
0x3f: {  	_ =	shalt  }
0x40: {  	_ =	shalt  }
0x41: {  	_ =	shalt  }
0x42: {  	_ =	shalt  }
0x43: {  	_ =	shalt  }
0x44: {  	_ =	shalt  }
0x45: {  	_ =	shalt  }
0x46: {  	_ =	shalt  }
0x47: {  	_ =	shalt  }
0x48: {  	_ =	shalt  }
0x49: {  	_ =	shalt  }
0x4a: {  	_ =	shalt  }
0x4b: {  	_ =	shalt  }
0x4c: {  	_ =	shalt  }
0x4d: {  	_ =	shalt  }
0x4e: {  	_ =	shalt  }
0x4f: {  	_ =	shalt  }
0x50: {  	_ =	shalt  }
0x51: {  	_ =	shalt  }
0x52: {  	_ =	shalt  }
0x53: {  	_ =	shalt  }
0x54: {  	_ =	shalt  }
0x55: {  	_ =	shalt  }
0x56: {  	_ =	shalt  }
0x57: {  	_ =	shalt  }
0x58: {  	_ =	shalt  }
0x59: {  	_ =	shalt  }
0x5a: {  	_ =	shalt  }
0x5b: {  	_ =	shalt  }
0x5c: {  	_ =	shalt  }
0x5d: {  	_ =	shalt  }
0x5e: {  	_ =	shalt  }
0x5f: {  	_ =	shalt  }
0x60: {  	_ =	shalt  }
0x61: {  	_ =	shalt  }
0x62: {  	_ =	shalt  }
0x63: {  	_ =	shalt  }
0x64: {  	_ =	shalt  }
0x65: {  	_ =	shalt  }
0x66: {  	_ =	shalt  }
0x67: {  	_ =	shalt  }
0x68: {  	_ =	shalt  }
0x69: {  	_ =	shalt  }
0x6a: {  	_ =	shalt  }
0x6b: {  	_ =	shalt  }
0x6c: {  	_ =	shalt  }
0x6d: {  	_ =	shalt  }
0x6e: {  	_ =	shalt  }
0x6f: {  	_ =	shalt  }
0x70: {  	_ =	shalt  }
0x71: {  	_ =	shalt  }
0x72: {  	_ =	shalt  }
0x73: {  	_ =	shalt  }
0x74: {  	_ =	shalt  }
0x75: {  	_ =	shalt  }
0x76: {  	_ =	shalt  }
0x77: {  	_ =	shalt  }
0x78: {  	_ =	shalt  }
0x79: {  	_ =	shalt  }
0x7a: {  	_ =	shalt  }
0x7b: {  	_ =	shalt  }
0x7c: {  	_ =	shalt  }
0x7d: {  	_ =	shalt  }
0x7e: {  	_ =	shalt  }
0x7f: {  	_ =	shalt  }
0x80: {  	_ =	shalt  }
0x81: {  	_ =	shalt  }
0x82: {  	_ =	shalt  }
0x83: {  	_ =	shalt  }
0x84: {  	_ =	shalt  }
0x85: {  	_ =	shalt  }
0x86: {  	_ =	shalt  }
0x87: {  	_ =	shalt  }
.Lfunc_end0:
.L_simem_size_0:
called_computation.1_lowered:
.L_overlay_start_0:
0x88: {  	s2 =	sld [smem:$0x3FD9]  }
0x89: {  	s3 =	sld [smem:$0x3FFE];
	_ =	sdelay $0x1  }
0x8a: {  	s1 =	srdreg.scid  }
0x8b: {  	s0 =	sand.u32 $0x1, s1  }
0x8c: {  	s14 =	sshll.u32 s0, $0xA;
	s2 =	sadd.s32 s3, s2  }
0x8d: {  	s2 =	sadd.s32 s2, s14  }
0x8e: {  	[smem:$0x3FBF] =	sst s2  }
0x8f: {  	_ = 	snop  }
0x90: {  	s2 =	sld [smem:$0x3FD0];
	_ =	sdelay $0x2  }
0x91: {  	s15 =	simm.s32 $0xA;
	s4 =	simm.s32 $0x10  }
0x92: {  	[smem:s4], [sflag:s15] =	dma.local [hbm:s2], $0x1  }
0x93: {  	_ =	swait.eq [sflag:s15], $0x1  }
0x94: {  	[sflag:s15] =	ssyncset.done $0x0  }
0x95: {  	s16 =	sld [smem:$0x11];
	[sflag:s15] =	ssyncadd.s32 $0xFFFFFFFF  }
0x96: {  	s17 =	sld [smem:$0x12];
	(tm) =	ssettm $0x1  }
0x97: {  	s18 =	sld [smem:$0x3FFB];
	_ =	sdelay $0x3  }
0x98: {  	_ =	strace s18  }
0x99: {  	s4 =	sld [smem:$0x3FFC];
	_ =	sdelay $0x3  }
0x9a: {  	_ =	strace s4  }
0x9b: {  	s4 =	sld [smem:$0x3FFD];
	_ =	sdelay $0x3  }
0x9c: {  	_ =	strace s4  }
0x9d: {  	_ =	strace $0x8FFFFFFF  }
0x9e: {  	s19 =	sld [smem:$0x3FDB];
	_ =	sdelay $0x1  }
0x9f: {  	s5 =	simm.s32 $_scs_section_size  }
0xa0: {  	s6 =	simm.s32 $_size__tile_overlayer_lowered;
	s7 =	simm.s32 $_tile_overlayer_lowered  }
0xa1: {  	s22 =	simm.s32 $0x1BFF;
	s21 =	sshll.u32 s7, $0x1;
	s4 =	sadd.s32 s5, s19  }
0xa2: {  	s8 =	simm.s32 $0x0;
	s20 =	sshll.u32 s6, $0x1;
	s6 =	sadd.s32 s21, s4  }
0xa3: {  	[timem:s8], [sflag:s22] =	dma.local [hbm:s6], s20  }
0xa4: {  	_ =	swait.ge [sflag:s22], s20  }
0xa5: {  	s5 =	ssub.s32 $0x0, s20;
	[sflag:s22] =	ssyncset.done $0x0  }
0xa6: {  	[sflag:s22] =	ssyncadd.s32 s5;
	_ =	sdelay $0x1  }
0xa7: {  	s23 =	simm.s32 $0x1B8B  }
0xa8: {  	_ =	swait.ge [sflag:s23], $0x1  }
0xa9: {  	[sflag:s23] =	ssyncset.done $0x0  }
0xaa: {  	s25 =	simm.s32 $0x1B8E;
	s24 =	sld [smem:$0x3FFE];
	[sflag:s23] =	ssyncadd.s32 $0xFFFFFFFF  }
0xab: {  	s26 =	simm.s32 $execute0_lowered;
	[smem:$0x3FD2] =	sst s25  }
0xac: {  	s6 =	sshll.u32 s26, $0x1;
	_ =	strace $0x80000049;
	[dreg:$0x1] =	wrdreg $0xFFFFFFFF  }
0xad: {  	s28 =	simm.s32 $_size_execute0_lowered;
	s4 =	sadd.s32 s4, s6;
	[dreg:$0x0] =	wrdreg $0x0  }
0xae: {  	s6 =	sshll.u32 s28, $0x1;
	[dreg:$0x2] =	wrdreg s4  }
0xaf: {  	[dreg:$0x3] =	wrdreg s6  }
0xb0: {  	[dreg:$0x4] =	wrdreg $0xC0  }
0xb1: {  	_ =	task [dreg:s8], $0x5FFFF  }
0xb2: {  	[dreg:$0x1] =	wrdreg $0xFFFFFFFF  }
0xb3: {  	[dreg:$0x0] =	wrdreg $0x60  }
0xb4: {  	[dreg:$0x2] =	wrdreg s24  }
0xb5: {  	[dreg:$0x3] =	wrdreg s16  }
0xb6: {  	[dreg:$0x4] =	wrdreg s17  }
0xb7: {  	[dreg:$0x5] =	wrdreg $0xB6800  }
0xb8: {  	[dreg:$0x6] =	wrdreg $0x9  }
0xb9: {  	_ =	task.clear_ibuf [dreg:s8], $0x7FFFF;
	_ =	strace $0x90000049  }
0xba: {  	s29 =	simm.s32 $0x9;
	_ =	strace $0x8000004B  }
0xbb: {  	_ =	swait.ge [sflag:s29], $0x1  }
0xbc: {  	[sflag:s29] =	ssyncadd.s32 $0xFFFFFFFF  }
0xbd: {  	_ =	strace $0x9000004B  }
0xbe: {  	_ =	sfence  }
0xbf: {  	s30 =	sld [smem:$0x0];
	_ =	sdelay $0x2  }
0xc0: {  	s31 =	sshll.u32 s1, $0xD;
	s1 =	sshrl.u32 s1, $0x2  }
0xc1: {  	s3 =	sand.u32 $0x4000, s31;
	s1 =	sadd.s32 s1, s30  }
0xc2: {  	s0 =	sor.u32 s3, s0;
	s1 =	sshll.u32 s1, $0x11  }
0xc3: {  	s0 =	sor.u32 s1, s0  }
0xc4: {  	s0 =	sadd.s32 $0x8F2B, s0  }
0xc5: {  	[sflag:s0] =	ssyncadd.remote.s32 $0x1  }
0xc6: {  	_ =	sfence.sel $0xFFFF  }
0xc7: {  	[dreg:$0x0] =	wrdreg $0xFFFFFFFF;
	(pc) =	sbr.abs _section_cstart, $3  }
0xc8: {  	[dreg:$0x1] =	wrdreg $0xFFFFFFFF  }
0xc9: {  	_ =	task.clear_ibuf [dreg:s8], $0x2FFFF;
	_ =	strace $0x9FFFFFFF  }
0xca: {  	(tm) =	ssettm $0x7FFFFFFF  }
0xcb: {  	_ =	shalt  }
tec
execute0_lowered:
.L_overlay_start_1:
0x0: {  	(tag) =	ssettag $0x1  }
0x1: {  	s0 =	rddreg [dreg:$0x0]  }
0x2: {  	s4 =	rddreg [dreg:$0x3];
	s12 =	simm.s32 $0x0;
	s1 =	srdreg.scid  }
0x3: {  	s10 =	stileid.u32;
	s14 =	simm.s32 $0xB;
	s15 =	simm.s32 $0x1400  }
0x4: {  	s16 =	simm.s32 $0x28;
	s17 =	simm.s32 $0x5280;
	s18 =	simm.s32 $0x6680  }
0x5: {  	s20 =	simm.s32 $0x7A80;
	s22 =	simm.s32 $0x8E80;
	s29 =	simm.s32 $0x6  }
0x6: {  	s31 =	simm.s32 $0x3;
	s11 =	simm.s32 $0x4;
	s2 =	smul.u32 $0x2800, s10  }
0x7: {  	s19 =	simm.s32 $0x140;
	s21 =	simm.s32 $0xA;
	s7 =	smul.u32 $0x2710, s10  }
0x8: {  	[smem:$0x7FF] =	sst s12;
	s1 =	sand.u32 $0x1, s1;
	s9 =	smul.u32 $0x50000, s10  }
0x9: {  	s6 =	sadd.s32 $0x5D400, s0;
	s5 =	sadd.s32 $0xAA00, s0;
	s8 =	smul.u32 $0xFA, s10  }
0xa: {  	s28 =	sshll.u32 s10, $0x6;
	_ =	strace $0x8000004A;
	s3 =	smul.u32 $0x28000, s1  }
0xb: {  	[dreg:$0x6] =	wrdreg s5;
	s23 =	ssub.s32 $0x2, s1;
	s1 =	smul.u32 $0x27100, s1  }
0xc: {  	s13 =	sor.u32 $0x1C0B, s28;
	s5 =	simm.s32 $0x5;
	s24 =	sshrl.u32 s23, $0x1  }
0xd: {  	s26 =	sshrl.u32 s9, $0x2;
	s9 =	simm.s32 $0x8;
	[dreg:$0x7] =	wrdreg s13  }
0xe: {  	s2 =	sadd.s32 s2, s3;
	s25 =	ssub.s32 s23, s24;
	s3 =	sadd.s32 s26, s4  }
.Ltmp0:
0xf: {  	s10 =	sadd.s32 s7, s1;
	s23 =	simm.s32 $0x1;
	(pc) =	sbr.rel .LBB2_1-.Ltmp0, $4  }
0x10: {  	s26 =	simm.s32 $0x2;
	s24 =	simm.s32 $0x5200;
	s30 =	smax.u32 s25, $0x1  }
0x11: {  	s0 =	sadd.s32 s2, s0;
	s1 =	sshrl.u32 s3, $0x3;
	[dreg:$0x9] =	wrdreg s30  }
0x12: {  	s25 =	simm.s32 $0xA280;
	s0 =	sadd.s32 $0xAD800, s0;
	[dreg:$0xa] =	wrdreg s1  }
0x13: {  	s3 =	simm.s32 $0x7;
	s2 =	simm.s32 $0x9;
	[dreg:$0x8] =	wrdreg s0  }
.LBB2_6:
0x14: {  	[bflag:$0x0] =	sbarrier.arrive $0xFFFF  }
0x15: {  	s13 =	rddreg [dreg:$0x7]  }
0x16: {  	s0 =	rddreg [dreg:$0x8]  }
0x17: {  	s1 =	rddreg [dreg:$0xa]  }
0x18: {  	[hbm:s0], [sflag:s13] =	dma.local [spmem:s1], $0x2800  }
0x19: {  	_ =	swait.ge [sflag:s14], $0x2800  }
0x1a: {  	s12 =	rddreg [dreg:$0x5]  }
0x1b: {  	s30 =	rddreg [dreg:$0x9];
	s12 =	sadd.s32 $0x1, s12  }
0x1c: {  	p0 =	sne.s32 s12, s30  }
.Ltmp1:
0x1d: {  	_ = 	snop;
	(pc) =	sbr.rel @!p0 .LBB2_7-.Ltmp1, $3  }
0x1e: {  	_ =	sdelay $0x1  }
0x1f: {  	[sflag:s14] =	ssyncset.done $0x0  }
0x20: {  	[sflag:s14] =	ssyncadd.s32 $0xFFFFD800  }
.LBB2_1:
0x21: {  	[dreg:$0x5] =	wrdreg s12  }
0x22: {  	s0 =	rddreg [dreg:$0x6]  }
0x23: {  	[spmem:s1], [sflag:s13] =	dma.local [hbm:s0], $0x2800  }
.Ltmp2:
0x24: {  	_ =	swait.ge [sflag:s14], $0x2800;
	(pc) =	sbr.rel .LBB2_2-.Ltmp2, $4  }
0x25: {  	[sflag:s14] =	ssyncset.done $0x0  }
0x26: {  	[sflag:s14] =	ssyncadd.s32 $0xFFFFD800  }
0x27: {  	[bflag:$0x0] =	sbarrier.arrive $0xFFFF  }
0x28: {  	p1 =	por $0x1, $0x1;
	s0 =	simm.s32 $0x0  }
.LBB2_5:
0x29: {  	_ =	swait.ge [sflag:s5], $0x1400  }
0x2a: {  	[sflag:s5] =	ssyncset.done $0x0  }
0x2b: {  	[sflag:s5] =	ssyncadd.s32 $0xFFFFEC00  }
0x2c: {  	[spmem:s4] =	stream.indirect.scatter.add.f32 [tilespmem:s25], [sflag:$0xA], $0x80, s24, s16, $0xb8;
	[tilespmem:$0x1F680] =	vst v63  }
0x2d: {  	_ =	swait.ge [sflag:s29], $0x1400  }
0x2e: {  	[sflag:s29] =	ssyncset.done $0x0  }
0x2f: {  	[sflag:s29] =	ssyncadd.s32 $0xFFFFEC00  }
0x30: {  	_ =	swait.ge [sflag:s3], $0x1400  }
0x31: {  	[sflag:s3] =	ssyncset.done $0x0  }
0x32: {  	[sflag:s3] =	ssyncadd.s32 $0xFFFFEC00  }
0x33: {  	_ =	swait.ge [sflag:s9], $0x1400  }
0x34: {  	[sflag:s9] =	ssyncset.done $0x0  }
0x35: {  	[sflag:s9] =	ssyncadd.s32 $0xFFFFEC00  }
0x36: {  	_ =	swait.ge [sflag:s2], $0x1400  }
.Ltmp3:
0x37: {  	[sflag:s2] =	ssyncset.done $0x0;
	(pc) =	sbr.rel @!p0 .LBB2_6-.Ltmp3, $4  }
0x38: {  	[sflag:s2] =	ssyncadd.s32 $0xFFFFEC00  }
0x39: {  	_ =	swait.ge [sflag:s21], $0x1400  }
0x3a: {  	[sflag:s21] =	ssyncset.done $0x0  }
0x3b: {  	s0 =	simm.s32 $0x1;
	p1 =	por $0x0, $0x0;
	[sflag:s21] =	ssyncadd.s32 $0xFFFFEC00  }
.LBB2_2:
0x3c: {  	s28 =	smul.u32 $0x7D, s0;
	_ =	sdelay $0x1  }
0x3d: {  	s28 =	sadd.s32 s8, s28  }
0x3e: {  	s1 =	rddreg [dreg:$0x2];
	s28 =	sshll.u32 s28, $0x4  }
0x3f: {  	s30 =	sadd.s32 s1, s28;
	s28 =	simm.s32 $0x0  }
0x40: {  	[tilespmem:s15], [sflag:$0xB] =	stream.linear.gather [hbm4b:s30+s28], $0x3E80, $0x38;
	[tilespmem:$0x1F680] =	vst v63  }
0x41: {  	s1 =	smul.u32 $0x1388, s0;
	_ =	swait.ge [sflag:s14], $0x3E80  }
0x42: {  	[sflag:s14] =	ssyncset.done $0x0  }
0x43: {  	s0 =	sadd.s32 s1, s10;
	[sflag:s14] =	ssyncadd.s32 $0xFFFFC180  }
0x44: {  	s0 =	sshrl.u32 s0, $0x3;
	s7 =	rddreg [dreg:$0x1]  }
0x45: {  	s0 =	sadd.s32 s7, s0  }
0x46: {  	[tilespmem:s28], [sflag:$0xB] =	stream.linear.gather [hbm4b:s0+s28], $0x1388, $0x38;
	[tilespmem:$0x1F680] =	vst v63  }
0x47: {  	_ =	swait.ge [sflag:s14], $0x1388  }
0x48: {  	[sflag:s14] =	ssyncset.done $0x0  }
0x49: {  	[sflag:s14] =	ssyncadd.s32 $0xFFFFEC78  }
0x4a: {  	[tilespmem:s17], [sflag:$0x1] =	stream.indirect.gather [hbm4b:s6+s16], $0x80, s28, s16, $0xb8;
	[tilespmem:$0x1F680] =	vst v63  }
0x4b: {  	_ = 	snop  }
0x4c: {  	[tilespmem:s18], [sflag:$0x2] =	stream.indirect.gather [hbm4b:s6+s16], $0x80, s16, s16, $0xb8;
	[tilespmem:$0x1F680] =	vst v63  }
0x4d: {  	s12 =	simm.s32 $0x50  }
0x4e: {  	[tilespmem:s20], [sflag:$0x3] =	stream.indirect.gather [hbm4b:s6+s16], $0x80, s12, s16, $0xb8;
	[tilespmem:$0x1F680] =	vst v63  }
0x4f: {  	s13 =	simm.s32 $0x78  }
0x50: {  	[tilespmem:s22], [sflag:$0x4] =	stream.indirect.gather [hbm4b:s6+s16], $0x80, s13, s16, $0xb8;
	[tilespmem:$0x1F680] =	vst v63  }
0x51: {  	_ =	swait.ge [sflag:s23], $0x1400  }
0x52: {  	[sflag:s23] =	ssyncset.done $0x0  }
0x53: {  	[sflag:s23] =	ssyncadd.s32 $0xFFFFEC00  }
0x54: {  	[spmem:s4] =	stream.indirect.scatter.add.f32 [tilespmem:s17], [sflag:$0x6], $0x80, s15, s16, $0xb8;
	[tilespmem:$0x1F680] =	vst v63  }
0x55: {  	s1 =	simm.s32 $0xA0  }
0x56: {  	[tilespmem:s25], [sflag:$0x5] =	stream.indirect.gather [hbm4b:s6+s16], $0x80, s1, s16, $0xb8;
	[tilespmem:$0x1F680] =	vst v63  }
0x57: {  	_ =	swait.ge [sflag:s26], $0x1400  }
0x58: {  	[sflag:s26] =	ssyncset.done $0x0  }
0x59: {  	s7 =	simm.s32 $0x1480;
	[sflag:s26] =	ssyncadd.s32 $0xFFFFEC00  }
0x5a: {  	[spmem:s4] =	stream.indirect.scatter.add.f32 [tilespmem:s18], [sflag:$0x7], $0x80, s7, s16, $0xb8;
	[tilespmem:$0x1F680] =	vst v63  }
0x5b: {  	_ =	swait.ge [sflag:s29], $0x1400  }
0x5c: {  	[sflag:s29] =	ssyncset.done $0x0  }
0x5d: {  	s12 =	simm.s32 $0xC8;
	[sflag:s29] =	ssyncadd.s32 $0xFFFFEC00  }
0x5e: {  	[tilespmem:s17], [sflag:$0x1] =	stream.indirect.gather [hbm4b:s6+s16], $0x80, s12, s16, $0xb8;
	[tilespmem:$0x1F680] =	vst v63  }
0x5f: {  	_ =	swait.ge [sflag:s31], $0x1400  }
0x60: {  	[sflag:s31] =	ssyncset.done $0x0  }
0x61: {  	s13 =	simm.s32 $0x1500;
	[sflag:s31] =	ssyncadd.s32 $0xFFFFEC00  }
0x62: {  	[spmem:s4] =	stream.indirect.scatter.add.f32 [tilespmem:s20], [sflag:$0x8], $0x80, s13, s16, $0xb8;
	[tilespmem:$0x1F680] =	vst v63  }
0x63: {  	_ =	swait.ge [sflag:s3], $0x1400  }
0x64: {  	[sflag:s3] =	ssyncset.done $0x0  }
0x65: {  	s1 =	simm.s32 $0xF0;
	[sflag:s3] =	ssyncadd.s32 $0xFFFFEC00  }
0x66: {  	[tilespmem:s18], [sflag:$0x2] =	stream.indirect.gather [hbm4b:s6+s16], $0x80, s1, s16, $0xb8;
	[tilespmem:$0x1F680] =	vst v63  }
0x67: {  	_ =	swait.ge [sflag:s11], $0x1400  }
0x68: {  	[sflag:s11] =	ssyncset.done $0x0  }
0x69: {  	s7 =	simm.s32 $0x1580;
	[sflag:s11] =	ssyncadd.s32 $0xFFFFEC00  }
0x6a: {  	[spmem:s4] =	stream.indirect.scatter.add.f32 [tilespmem:s22], [sflag:$0x9], $0x80, s7, s16, $0xb8;
	[tilespmem:$0x1F680] =	vst v63  }
0x6b: {  	_ =	swait.ge [sflag:s9], $0x1400  }
0x6c: {  	[sflag:s9] =	ssyncset.done $0x0  }
0x6d: {  	s12 =	simm.s32 $0x118;
	[sflag:s9] =	ssyncadd.s32 $0xFFFFEC00  }
0x6e: {  	[tilespmem:s20], [sflag:$0x3] =	stream.indirect.gather [hbm4b:s6+s16], $0x80, s12, s16, $0xb8;
	[tilespmem:$0x1F680] =	vst v63  }
0x6f: {  	_ =	swait.ge [sflag:s5], $0x1400  }
0x70: {  	[sflag:s5] =	ssyncset.done $0x0  }
0x71: {  	s13 =	simm.s32 $0x1600;
	[sflag:s5] =	ssyncadd.s32 $0xFFFFEC00  }
0x72: {  	[spmem:s4] =	stream.indirect.scatter.add.f32 [tilespmem:s25], [sflag:$0xA], $0x80, s13, s16, $0xb8;
	[tilespmem:$0x1F680] =	vst v63  }
0x73: {  	_ =	swait.ge [sflag:s2], $0x1400  }
0x74: {  	[sflag:s2] =	ssyncset.done $0x0  }
0x75: {  	p0 =	por p1, p1;
	s30 =	simm.s32 $0x1880;
	[sflag:s2] =	ssyncadd.s32 $0xFFFFEC00  }
0x76: {  	[tilespmem:s22], [sflag:$0x4] =	stream.indirect.gather [hbm4b:s6+s16], $0x80, s19, s16, $0xb8;
	[tilespmem:$0x1F680] =	vst v63  }
.LBB2_3:
0x77: {  	_ =	swait.ge [sflag:s23], $0x1400  }
0x78: {  	[sflag:s23] =	ssyncset.done $0x0  }
0x79: {  	s0 =	sadd.s32 $0xFFFFFE00, s30;
	[sflag:s23] =	ssyncadd.s32 $0xFFFFEC00  }
0x7a: {  	[spmem:s4] =	stream.indirect.scatter.add.f32 [tilespmem:s17], [sflag:$0x6], $0x80, s0, s16, $0xb8;
	[tilespmem:$0x1F680] =	vst v63  }
0x7b: {  	_ =	swait.ge [sflag:s21], $0x1400  }
0x7c: {  	s0 =	sshra.s32 s28, $0x2;
	[sflag:s21] =	ssyncset.done $0x0  }
0x7d: {  	s7 =	sadd.s32 $0x168, s0;
	[sflag:s21] =	ssyncadd.s32 $0xFFFFEC00  }
0x7e: {  	[tilespmem:s25], [sflag:$0x5] =	stream.indirect.gather [hbm4b:s6+s16], $0x80, s7, s16, $0xb8;
	[tilespmem:$0x1F680] =	vst v63  }
0x7f: {  	_ =	swait.ge [sflag:s26], $0x1400  }
0x80: {  	p1 =	seq.s32 s28, $0x47E0;
	[sflag:s26] =	ssyncset.done $0x0  }
0x81: {  	s12 =	sadd.s32 $0xFFFFFE80, s30;
	s7 =	simm.s32 @p1 $0x3;
	[sflag:s26] =	ssyncadd.s32 $0xFFFFEC00  }
0x82: {  	[spmem:s4] =	stream.indirect.scatter.add.f32 [tilespmem:s18], [sflag:$0x7], $0x80, s12, s16, $0xb8;
	[tilespmem:$0x1F680] =	vst v63  }
0x83: {  	_ =	swait.ge @p1 [sflag:s7], $0x1400  }
0x84: {  	s13 =	simm.s32 @p1 $0x7A80;
	[sflag:s7] =	ssyncset.done @p1 $0x0  }
0x85: {  	s12 =	simm.s32 @p1 $0x28;
	[sflag:s7] =	ssyncadd.s32 @p1 $0xFFFFEC00;
	s7 =	sadd.s32 @p1 $0xFFFFFF00, s30  }
0x86: {  	[spmem:s4] =	stream.indirect.scatter.add.f32 @p1 [tilespmem:s13], [sflag:$0x8], $0x80, s7, s12, $0xb8;
	[tilespmem:$0x1F680] =	vst v63  }
0x87: {  	s7 =	simm.s32 @!p1 $0x6  }
0x88: {  	_ =	swait.ge @!p1 [sflag:s7], $0x1400  }
0x89: {  	[sflag:s7] =	ssyncset.done @!p1 $0x0  }
0x8a: {  	[sflag:s7] =	ssyncadd.s32 @!p1 $0xFFFFEC00;
	s7 =	sshra.s32 @!p1 s28, $0x2  }
0x8b: {  	s1 =	simm.s32 @!p1 $0x5280;
	s13 =	simm.s32 @!p1 $0x28;
	s12 =	sadd.s32 @!p1 $0x190, s7  }
0x8c: {  	[tilespmem:s1], [sflag:$0x1] =	stream.indirect.gather @!p1 [hbm4b:s6+s13], $0x80, s12, s13, $0xb8;
	[tilespmem:$0x1F680] =	vst v63  }
0x8d: {  	s1 =	simm.s32 @!p1 $0x3  }
0x8e: {  	_ =	swait.ge @!p1 [sflag:s1], $0x1400  }
0x8f: {  	[sflag:s1] =	ssyncset.done @!p1 $0x0  }
0x90: {  	s12 =	simm.s32 @!p1 $0x7A80;
	[sflag:s1] =	ssyncadd.s32 @!p1 $0xFFFFEC00;
	s1 =	sadd.s32 @!p1 $0xFFFFFF00, s30  }
0x91: {  	[spmem:s4] =	stream.indirect.scatter.add.f32 @!p1 [tilespmem:s12], [sflag:$0x8], $0x80, s1, s13, $0xb8;
	[tilespmem:$0x1F680] =	vst v63  }
0x92: {  	s1 =	simm.s32 @!p1 $0x7  }
0x93: {  	_ =	swait.ge @!p1 [sflag:s1], $0x1400  }
0x94: {  	[sflag:s1] =	ssyncset.done @!p1 $0x0  }
0x95: {  	[sflag:s1] =	ssyncadd.s32 @!p1 $0xFFFFEC00;
	s1 =	sadd.s32 @!p1 $0x1B8, s7;
	s7 =	simm.s32 @!p1 $0x6680  }
0x96: {  	[tilespmem:s7], [sflag:$0x2] =	stream.indirect.gather @!p1 [hbm4b:s6+s13], $0x80, s1, s13, $0xb8;
	[tilespmem:$0x1F680] =	vst v63  }
.Ltmp4:
0x97: {  	_ = 	snop;
	(pc) =	sbr.rel @p1 .LBB2_5-.Ltmp4, $4  }
0x98: {  	_ =	swait.ge [sflag:s11], $0x1400  }
0x99: {  	[sflag:s11] =	ssyncset.done $0x0  }
0x9a: {  	s13 =	sadd.s32 $0xFFFFFF80, s30;
	[sflag:s11] =	ssyncadd.s32 $0xFFFFEC00  }
0x9b: {  	[spmem:s4] =	stream.indirect.scatter.add.f32 [tilespmem:s22], [sflag:$0x9], $0x80, s13, s16, $0xb8;
	[tilespmem:$0x1F680] =	vst v63  }
0x9c: {  	_ =	swait.ge [sflag:s9], $0x1400  }
0x9d: {  	[sflag:s9] =	ssyncset.done $0x0  }
0x9e: {  	s1 =	sadd.s32 $0x1E0, s0;
	[sflag:s9] =	ssyncadd.s32 $0xFFFFEC00  }
0x9f: {  	[tilespmem:s20], [sflag:$0x3] =	stream.indirect.gather [hbm4b:s6+s16], $0x80, s1, s16, $0xb8;
	[tilespmem:$0x1F680] =	vst v63  }
0xa0: {  	_ =	swait.ge [sflag:s5], $0x1400  }
0xa1: {  	[sflag:s5] =	ssyncset.done $0x0  }
0xa2: {  	[sflag:s5] =	ssyncadd.s32 $0xFFFFEC00  }
0xa3: {  	[spmem:s4] =	stream.indirect.scatter.add.f32 [tilespmem:s25], [sflag:$0xA], $0x80, s30, s16, $0xb8;
	[tilespmem:$0x1F680] =	vst v63  }
.Ltmp5:
0xa4: {  	_ = 	snop;
	(pc) =	sbr.rel .LBB2_3-.Ltmp5, $4  }
0xa5: {  	_ =	swait.ge [sflag:s2], $0x1400  }
0xa6: {  	s13 =	sadd.s32 $0x208, s0;
	[sflag:s2] =	ssyncset.done $0x0  }
0xa7: {  	s28 =	sadd.s32 $0x320, s28;
	s30 =	sadd.s32 $0x280, s30;
	[sflag:s2] =	ssyncadd.s32 $0xFFFFEC00  }
0xa8: {  	[tilespmem:s22], [sflag:$0x4] =	stream.indirect.gather [hbm4b:s6+s16], $0x80, s13, s16, $0xb8;
	[tilespmem:$0x1F680] =	vst v63  }
.LBB2_7:
0xa9: {  	_ =	sfence.sel $0x180000  }
0xaa: {  	[bflag:$0x0] =	sbarrier.arrive $0xFFFF  }
0xab: {  	_ =	strace $0x9000004A  }
0xac: {  	s0 =	stileid.u32;
	[bflag:$0x2] =	sbarrier.arrive $0xFFFF  }
0xad: {  	p0 =	sne.s32 s0, $0x0;
	s0 =	rddreg [dreg:$0x4]  }
0xae: {  	s0 =	sadd.s32 @!p0 $0x100000, s0  }
0xaf: {  	[sflag:s0] =	ssyncadd.tile.s32 @!p0 $0x1;
	_ =	shalt  }
.Lfunc_end2:
_tile_overlayer_lowered:
.L_overlay_start_2:
0xb0: {  	(tag) =	ssettag $0x2  }
0xb1: {  	s0 =	rddreg [dreg:$0x0];
	s2 =	stileid.u32  }
0xb2: {  	s1 =	rddreg [dreg:$0x1];
	p0 =	sne.s32 s2, $0x0  }
0xb3: {  	s3 =	rddreg [dreg:$0x2];
	[bflag:$0x3] =	sbarrier.arrive $0xFFFF;
	s2 =	simm.s32 @!p0 $0x1C0B  }
0xb4: {  	[timem:s3], [sflag:s2] =	dma.local @!p0 [hbm:s0], s1  }
0xb5: {  	s0 =	simm.s32 @!p0 $0xB  }
0xb6: {  	_ =	swait.ge @!p0 [sflag:s0], s1  }
0xb7: {  	s1 =	ssub.s32 @!p0 $0x0, s1;
	[sflag:s0] =	ssyncset.done @!p0 $0x0  }
0xb8: {  	[sflag:s0] =	ssyncadd.s32 @!p0 s1  }
0xb9: {  	[bflag:$0x3] =	sbarrier.arrive $0xFFFF  }
0xba: {  	_ =	shalt  }

// kernel: kernel.22.cloned.1.call-start
scs
__scs_entry_jumppad:
0x0: {  	(pc) =	sbr.rel $0x88, $3  }
0x1: {  	(tag) =	ssettag $0x0;
	lr =	simm.s32 $0x1  }
0x2: {  	[smem:$0x3F98] =	sst lr;
	_ =	strace $0xD0000000  }
0x3: {  	_ = 	snop  }
0x4: {  	_ = 	snop  }
0x5: {  	_ = 	snop  }
0x6: {  	_ = 	snop  }
0x7: {  	_ = 	snop  }
__scs_overlays_trampoline_lowered:
0x8: {  	[smem:$0x3FA7] =	sst s0  }
0x9: {  	[smem:$0x3FA8] =	sst s1  }
0xa: {  	[smem:$0x3FA9] =	sst s2  }
0xb: {  	[smem:$0x3FAA] =	sst s3  }
0xc: {  	[smem:$0x3FAB] =	sst s4  }
0xd: {  	[smem:$0x3FAC] =	sst s5  }
0xe: {  	[smem:$0x3FAD] =	sst s6  }
0xf: {  	[smem:$0x3FAE] =	sst s7  }
0x10: {  	[smem:$0x3FAF] =	sst s8  }
0x11: {  	[smem:$0x3FB0] =	sst s9;
	s0 =	simm.s32 @!p0 $0x0  }
0x12: {  	s1 =	sld [smem:$0x3F96];
	s0 =	simm.s32 @p0 $0x1  }
0x13: {  	[smem:$0x3FB1] =	sst s0;
	s0 =	simm.s32 @!p1 $0x0  }
0x14: {  	s2 =	sld [smem:$0x3F95];
	s0 =	simm.s32 @p1 $0x1  }
0x15: {  	[smem:$0x3FB2] =	sst s0;
	s0 =	simm.s32 @!p2 $0x0  }
0x16: {  	s3 =	sld [smem:$0x3FDB];
	s0 =	simm.s32 @p2 $0x1  }
0x17: {  	s4 =	simm.s32 $0x1BF5;
	[smem:$0x3FB4] =	sst s0  }
0x18: {  	s0 =	sld [smem:$0x3F97];
	_ =	swait.ge [sflag:s4], $0x0  }
0x19: {  	s7 =	sld [smem:$0x3F98]  }
0x1a: {  	s8 =	sadd.s32 $0xFFFFE003, lr  }
0x1b: {  	s9 =	sadd.s32 $0xFFFFFEF7, lr;
	s5 =	simm.s32 $0xFFFFFFFF;
	p2 =	slt.u32 s8, $0xFFFFF086  }
0x1c: {  	p1 =	slt.u32 s9, $0xF7A;
	s5 =	simm.s32 @!p2 $0x0  }
0x1d: {  	s5 =	simm.s32 @p1 $0x1;
	p0 =	seq.s32 s7, s2  }
0x1e: {  	s7 =	smul.u32 @!p0 $0xF7A, s2;
	p2 =	seq.s32 @!p0 s5, $0x0  }
0x1f: {  	s9 =	smul.u32 $0xF7A, s1;
	s8 =	simm.s32 @!p0 $0x1BF5;
	p2 =	por !p2, p0  }
0x20: {  	[sflag:s8] =	ssyncset.s32 @!p0 $0xFFFFF086;
	s6 =	sadd.s32 @!p0 s3, s7;
	s7 =	simm.s32 @!p0 $0x108  }
0x21: {  	s3 =	sadd.s32 s3, s9;
	s6 =	sadd.s32 @!p0 $0x88, s6;
	s7 =	simm.s32 @p2 $0x1082  }
0x22: {  	[simem:s7], [sflag:s8] =	dma.local @!p0 [hbm:s6], $0xF7A  }
0x23: {  	s9 =	sor.u32 $0xD0000000, s2;
	s6 =	simm.s32 $0x108;
	_ =	swait.ge @!p0 [sflag:s8], $0x0  }
0x24: {  	s3 =	sadd.s32 $0x88, s3;
	s6 =	simm.s32 @!p1 $0x1082;
	[sflag:s4] =	ssyncset.s32 $0xFFFFF086  }
0x25: {  	[simem:s6], [sflag:s4] =	dma.local [hbm:s3], $0xF7A  }
0x26: {  	[smem:$0x3F98] =	sst s1;
	(tag) =	ssettag s2;
	_ =	strace s9  }
0x27: {  	s1 =	sld [smem:$0x3FA8]  }
0x28: {  	s2 =	sld [smem:$0x3FA9]  }
0x29: {  	s4 =	sld [smem:$0x3FAB]  }
0x2a: {  	p0 =	seq.s32 s5, $0x0;
	s5 =	sld [smem:$0x3FAC]  }
0x2b: {  	s6 =	sld [smem:$0x3FAD]  }
0x2c: {  	s7 =	sld [smem:$0x3FAE]  }
0x2d: {  	s3 =	simm.s32 $0x108;
	s8 =	sld [smem:$0x3FAF]  }
0x2e: {  	s3 =	simm.s32 @!p0 $0x1082;
	s9 =	sld [smem:$0x3FB0]  }
0x2f: {  	lr =	sadd.s32 s0, s3;
	s0 =	sld [smem:$0x3FA7]  }
0x30: {  	s3 =	sld [smem:$0x3FAA]  }
0x31: {  	[smem:$0x3FB3] =	sst s10  }
0x32: {  	s10 =	sld [smem:$0x3FB1];
	_ =	sdelay $0x3  }
0x33: {  	p0 =	seq.s32 s10, $0x1;
	s10 =	sld [smem:$0x3FB3];
	_ =	sdelay $0x3  }
0x34: {  	[smem:$0x3FB3] =	sst s10  }
0x35: {  	s10 =	sld [smem:$0x3FB2];
	_ =	sdelay $0x3  }
0x36: {  	p1 =	seq.s32 s10, $0x1;
	s10 =	sld [smem:$0x3FB3];
	_ =	sdelay $0x3  }
0x37: {  	[smem:$0x3FB3] =	sst s10  }
0x38: {  	s10 =	sld [smem:$0x3FB4]  }
0x39: {  	_ = 	snop;
	(pc) =	sbr.ind lr, $3  }
0x3a: {  	_ = 	snop  }
0x3b: {  	_ = 	snop  }
0x3c: {  	p2 =	seq.s32 s10, $0x1;
	s10 =	sld [smem:$0x3FB3]  }
0x3d: {  	_ =	shalt  }
0x3e: {  	_ =	shalt  }
0x3f: {  	_ =	shalt  }
0x40: {  	_ =	shalt  }
0x41: {  	_ =	shalt  }
0x42: {  	_ =	shalt  }
0x43: {  	_ =	shalt  }
0x44: {  	_ =	shalt  }
0x45: {  	_ =	shalt  }
0x46: {  	_ =	shalt  }
0x47: {  	_ =	shalt  }
0x48: {  	_ =	shalt  }
0x49: {  	_ =	shalt  }
0x4a: {  	_ =	shalt  }
0x4b: {  	_ =	shalt  }
0x4c: {  	_ =	shalt  }
0x4d: {  	_ =	shalt  }
0x4e: {  	_ =	shalt  }
0x4f: {  	_ =	shalt  }
0x50: {  	_ =	shalt  }
0x51: {  	_ =	shalt  }
0x52: {  	_ =	shalt  }
0x53: {  	_ =	shalt  }
0x54: {  	_ =	shalt  }
0x55: {  	_ =	shalt  }
0x56: {  	_ =	shalt  }
0x57: {  	_ =	shalt  }
0x58: {  	_ =	shalt  }
0x59: {  	_ =	shalt  }
0x5a: {  	_ =	shalt  }
0x5b: {  	_ =	shalt  }
0x5c: {  	_ =	shalt  }
0x5d: {  	_ =	shalt  }
0x5e: {  	_ =	shalt  }
0x5f: {  	_ =	shalt  }
0x60: {  	_ =	shalt  }
0x61: {  	_ =	shalt  }
0x62: {  	_ =	shalt  }
0x63: {  	_ =	shalt  }
0x64: {  	_ =	shalt  }
0x65: {  	_ =	shalt  }
0x66: {  	_ =	shalt  }
0x67: {  	_ =	shalt  }
0x68: {  	_ =	shalt  }
0x69: {  	_ =	shalt  }
0x6a: {  	_ =	shalt  }
0x6b: {  	_ =	shalt  }
0x6c: {  	_ =	shalt  }
0x6d: {  	_ =	shalt  }
0x6e: {  	_ =	shalt  }
0x6f: {  	_ =	shalt  }
0x70: {  	_ =	shalt  }
0x71: {  	_ =	shalt  }
0x72: {  	_ =	shalt  }
0x73: {  	_ =	shalt  }
0x74: {  	_ =	shalt  }
0x75: {  	_ =	shalt  }
0x76: {  	_ =	shalt  }
0x77: {  	_ =	shalt  }
0x78: {  	_ =	shalt  }
0x79: {  	_ =	shalt  }
0x7a: {  	_ =	shalt  }
0x7b: {  	_ =	shalt  }
0x7c: {  	_ =	shalt  }
0x7d: {  	_ =	shalt  }
0x7e: {  	_ =	shalt  }
0x7f: {  	_ =	shalt  }
0x80: {  	_ =	shalt  }
0x81: {  	_ =	shalt  }
0x82: {  	_ =	shalt  }
0x83: {  	_ =	shalt  }
0x84: {  	_ =	shalt  }
0x85: {  	_ =	shalt  }
0x86: {  	_ =	shalt  }
0x87: {  	_ =	shalt  }
.Lfunc_end0:
.L_simem_size_0:
called_computation.2_lowered:
.L_overlay_start_0:
0x88: {  	s2 =	sld [smem:$0x3FD9]  }
0x89: {  	s3 =	sld [smem:$0x3FFE];
	_ =	sdelay $0x1  }
0x8a: {  	s1 =	srdreg.scid  }
0x8b: {  	s0 =	sand.u32 $0x1, s1  }
0x8c: {  	s14 =	sshll.u32 s0, $0xA;
	s2 =	sadd.s32 s3, s2  }
0x8d: {  	s2 =	sadd.s32 s2, s14  }
0x8e: {  	[smem:$0x3FBF] =	sst s2  }
0x8f: {  	_ = 	snop  }
0x90: {  	s2 =	sld [smem:$0x3FD0];
	_ =	sdelay $0x2  }
0x91: {  	s15 =	simm.s32 $0xA;
	s4 =	simm.s32 $0x10  }
0x92: {  	[smem:s4], [sflag:s15] =	dma.local [hbm:s2], $0x1  }
0x93: {  	_ =	swait.eq [sflag:s15], $0x1  }
0x94: {  	[sflag:s15] =	ssyncset.done $0x0  }
0x95: {  	s16 =	sld [smem:$0x11];
	[sflag:s15] =	ssyncadd.s32 $0xFFFFFFFF  }
0x96: {  	s17 =	sld [smem:$0x12];
	(tm) =	ssettm $0x1  }
0x97: {  	s18 =	sld [smem:$0x3FFB];
	_ =	sdelay $0x3  }
0x98: {  	_ =	strace s18  }
0x99: {  	s4 =	sld [smem:$0x3FFC];
	_ =	sdelay $0x3  }
0x9a: {  	_ =	strace s4  }
0x9b: {  	s4 =	sld [smem:$0x3FFD];
	_ =	sdelay $0x3  }
0x9c: {  	_ =	strace s4  }
0x9d: {  	_ =	strace $0x8FFFFFFF  }
0x9e: {  	s19 =	sld [smem:$0x3FDB];
	_ =	sdelay $0x1  }
0x9f: {  	s5 =	simm.s32 $_scs_section_size  }
0xa0: {  	s6 =	simm.s32 $_size__tile_overlayer_lowered;
	s7 =	simm.s32 $_tile_overlayer_lowered  }
0xa1: {  	s22 =	simm.s32 $0x1BFF;
	s21 =	sshll.u32 s7, $0x1;
	s4 =	sadd.s32 s5, s19  }
0xa2: {  	s8 =	simm.s32 $0x0;
	s20 =	sshll.u32 s6, $0x1;
	s6 =	sadd.s32 s21, s4  }
0xa3: {  	[timem:s8], [sflag:s22] =	dma.local [hbm:s6], s20  }
0xa4: {  	_ =	swait.ge [sflag:s22], s20  }
0xa5: {  	s5 =	ssub.s32 $0x0, s20;
	[sflag:s22] =	ssyncset.done $0x0  }
0xa6: {  	[sflag:s22] =	ssyncadd.s32 s5;
	_ =	sdelay $0x1  }
0xa7: {  	s23 =	simm.s32 $0x1B8B  }
0xa8: {  	_ =	swait.ge [sflag:s23], $0x1  }
0xa9: {  	[sflag:s23] =	ssyncset.done $0x0  }
0xaa: {  	s25 =	simm.s32 $0x1B8E;
	s24 =	sld [smem:$0x3FFE];
	[sflag:s23] =	ssyncadd.s32 $0xFFFFFFFF  }
0xab: {  	s26 =	simm.s32 $execute0_lowered;
	[smem:$0x3FD2] =	sst s25  }
0xac: {  	s6 =	sshll.u32 s26, $0x1;
	_ =	strace $0x8000004C;
	[dreg:$0x1] =	wrdreg $0xFFFFFFFF  }
0xad: {  	s28 =	simm.s32 $_size_execute0_lowered;
	s4 =	sadd.s32 s4, s6;
	[dreg:$0x0] =	wrdreg $0x0  }
0xae: {  	s6 =	sshll.u32 s28, $0x1;
	[dreg:$0x2] =	wrdreg s4  }
0xaf: {  	[dreg:$0x3] =	wrdreg s6  }
0xb0: {  	[dreg:$0x4] =	wrdreg $0xC0  }
0xb1: {  	_ =	task [dreg:s8], $0x5FFFF  }
0xb2: {  	[dreg:$0x1] =	wrdreg $0xFFFFFFFF  }
0xb3: {  	[dreg:$0x0] =	wrdreg $0x60  }
0xb4: {  	[dreg:$0x2] =	wrdreg s24  }
0xb5: {  	[dreg:$0x3] =	wrdreg s16  }
0xb6: {  	[dreg:$0x4] =	wrdreg s17  }
0xb7: {  	[dreg:$0x5] =	wrdreg $0xB6800  }
0xb8: {  	[dreg:$0x6] =	wrdreg $0x9  }
0xb9: {  	_ =	task.clear_ibuf [dreg:s8], $0x7FFFF;
	_ =	strace $0x9000004C  }
0xba: {  	s29 =	simm.s32 $0x9;
	_ =	strace $0x8000004E  }
0xbb: {  	_ =	swait.ge [sflag:s29], $0x1  }
0xbc: {  	[sflag:s29] =	ssyncadd.s32 $0xFFFFFFFF  }
0xbd: {  	_ =	strace $0x9000004E  }
0xbe: {  	_ =	sfence  }
0xbf: {  	s30 =	sld [smem:$0x0];
	_ =	sdelay $0x2  }
0xc0: {  	s31 =	sshll.u32 s1, $0xD;
	s1 =	sshrl.u32 s1, $0x2  }
0xc1: {  	s3 =	sand.u32 $0x4000, s31;
	s1 =	sadd.s32 s1, s30  }
0xc2: {  	s0 =	sor.u32 s3, s0;
	s1 =	sshll.u32 s1, $0x11  }
0xc3: {  	s0 =	sor.u32 s1, s0  }
0xc4: {  	s0 =	sadd.s32 $0x8F2B, s0  }
0xc5: {  	[sflag:s0] =	ssyncadd.remote.s32 $0x1  }
0xc6: {  	_ =	sfence.sel $0xFFFF  }
0xc7: {  	[dreg:$0x0] =	wrdreg $0xFFFFFFFF;
	(pc) =	sbr.abs _section_cstart, $3  }
0xc8: {  	[dreg:$0x1] =	wrdreg $0xFFFFFFFF  }
0xc9: {  	_ =	task.clear_ibuf [dreg:s8], $0x2FFFF;
	_ =	strace $0x9FFFFFFF  }
0xca: {  	(tm) =	ssettm $0x7FFFFFFF  }
0xcb: {  	_ =	shalt  }
tec
execute0_lowered:
.L_overlay_start_1:
0x0: {  	(tag) =	ssettag $0x1  }
0x1: {  	s0 =	rddreg [dreg:$0x0]  }
0x2: {  	s4 =	rddreg [dreg:$0x3];
	s12 =	simm.s32 $0x0;
	s1 =	srdreg.scid  }
0x3: {  	s10 =	stileid.u32;
	s14 =	simm.s32 $0xB;
	s15 =	simm.s32 $0x1400  }
0x4: {  	s16 =	simm.s32 $0x28;
	s17 =	simm.s32 $0x5280;
	s18 =	simm.s32 $0x6680  }
0x5: {  	s20 =	simm.s32 $0x7A80;
	s22 =	simm.s32 $0x8E80;
	s29 =	simm.s32 $0x6  }
0x6: {  	s31 =	simm.s32 $0x3;
	s11 =	simm.s32 $0x4;
	s2 =	smul.u32 $0x2800, s10  }
0x7: {  	s19 =	simm.s32 $0x140;
	s21 =	simm.s32 $0xA;
	s7 =	smul.u32 $0x2710, s10  }
0x8: {  	[smem:$0x7FF] =	sst s12;
	s1 =	sand.u32 $0x1, s1;
	s9 =	smul.u32 $0x50000, s10  }
0x9: {  	s6 =	sadd.s32 $0x5D400, s0;
	s5 =	sadd.s32 $0xAA00, s0;
	s8 =	smul.u32 $0xFA, s10  }
0xa: {  	s28 =	sshll.u32 s10, $0x6;
	_ =	strace $0x8000004D;
	s3 =	smul.u32 $0x28000, s1  }
0xb: {  	[dreg:$0x6] =	wrdreg s5;
	s23 =	ssub.s32 $0x2, s1;
	s1 =	smul.u32 $0x27100, s1  }
0xc: {  	s13 =	sor.u32 $0x1C0B, s28;
	s5 =	simm.s32 $0x5;
	s24 =	sshrl.u32 s23, $0x1  }
0xd: {  	s26 =	sshrl.u32 s9, $0x2;
	s9 =	simm.s32 $0x8;
	[dreg:$0x7] =	wrdreg s13  }
0xe: {  	s2 =	sadd.s32 s2, s3;
	s25 =	ssub.s32 s23, s24;
	s3 =	sadd.s32 s26, s4  }
.Ltmp0:
0xf: {  	s10 =	sadd.s32 s7, s1;
	s23 =	simm.s32 $0x1;
	(pc) =	sbr.rel .LBB2_1-.Ltmp0, $4  }
0x10: {  	s26 =	simm.s32 $0x2;
	s24 =	simm.s32 $0x5200;
	s30 =	smax.u32 s25, $0x1  }
0x11: {  	s0 =	sadd.s32 s2, s0;
	s1 =	sshrl.u32 s3, $0x3;
	[dreg:$0x9] =	wrdreg s30  }
0x12: {  	s25 =	simm.s32 $0xA280;
	s0 =	sadd.s32 $0xAD800, s0;
	[dreg:$0xa] =	wrdreg s1  }
0x13: {  	s3 =	simm.s32 $0x7;
	s2 =	simm.s32 $0x9;
	[dreg:$0x8] =	wrdreg s0  }
.LBB2_6:
0x14: {  	[bflag:$0x0] =	sbarrier.arrive $0xFFFF  }
0x15: {  	s13 =	rddreg [dreg:$0x7]  }
0x16: {  	s0 =	rddreg [dreg:$0x8]  }
0x17: {  	s1 =	rddreg [dreg:$0xa]  }
0x18: {  	[hbm:s0], [sflag:s13] =	dma.local [spmem:s1], $0x2800  }
0x19: {  	_ =	swait.ge [sflag:s14], $0x2800  }
0x1a: {  	s12 =	rddreg [dreg:$0x5]  }
0x1b: {  	s30 =	rddreg [dreg:$0x9];
	s12 =	sadd.s32 $0x1, s12  }
0x1c: {  	p0 =	sne.s32 s12, s30  }
.Ltmp1:
0x1d: {  	_ = 	snop;
	(pc) =	sbr.rel @!p0 .LBB2_7-.Ltmp1, $3  }
0x1e: {  	_ =	sdelay $0x1  }
0x1f: {  	[sflag:s14] =	ssyncset.done $0x0  }
0x20: {  	[sflag:s14] =	ssyncadd.s32 $0xFFFFD800  }
.LBB2_1:
0x21: {  	[dreg:$0x5] =	wrdreg s12  }
0x22: {  	s0 =	rddreg [dreg:$0x6]  }
0x23: {  	[spmem:s1], [sflag:s13] =	dma.local [hbm:s0], $0x2800  }
.Ltmp2:
0x24: {  	_ =	swait.ge [sflag:s14], $0x2800;
	(pc) =	sbr.rel .LBB2_2-.Ltmp2, $4  }
0x25: {  	[sflag:s14] =	ssyncset.done $0x0  }
0x26: {  	[sflag:s14] =	ssyncadd.s32 $0xFFFFD800  }
0x27: {  	[bflag:$0x0] =	sbarrier.arrive $0xFFFF  }
0x28: {  	p1 =	por $0x1, $0x1;
	s0 =	simm.s32 $0x0  }
.LBB2_5:
0x29: {  	_ =	swait.ge [sflag:s5], $0x1400  }
0x2a: {  	[sflag:s5] =	ssyncset.done $0x0  }
0x2b: {  	[sflag:s5] =	ssyncadd.s32 $0xFFFFEC00  }
0x2c: {  	[spmem:s4] =	stream.indirect.scatter.add.f32 [tilespmem:s25], [sflag:$0xA], $0x80, s24, s16, $0xb8;
	[tilespmem:$0x1F680] =	vst v63  }
0x2d: {  	_ =	swait.ge [sflag:s29], $0x1400  }
0x2e: {  	[sflag:s29] =	ssyncset.done $0x0  }
0x2f: {  	[sflag:s29] =	ssyncadd.s32 $0xFFFFEC00  }
0x30: {  	_ =	swait.ge [sflag:s3], $0x1400  }
0x31: {  	[sflag:s3] =	ssyncset.done $0x0  }
0x32: {  	[sflag:s3] =	ssyncadd.s32 $0xFFFFEC00  }
0x33: {  	_ =	swait.ge [sflag:s9], $0x1400  }
0x34: {  	[sflag:s9] =	ssyncset.done $0x0  }
0x35: {  	[sflag:s9] =	ssyncadd.s32 $0xFFFFEC00  }
0x36: {  	_ =	swait.ge [sflag:s2], $0x1400  }
.Ltmp3:
0x37: {  	[sflag:s2] =	ssyncset.done $0x0;
	(pc) =	sbr.rel @!p0 .LBB2_6-.Ltmp3, $4  }
0x38: {  	[sflag:s2] =	ssyncadd.s32 $0xFFFFEC00  }
0x39: {  	_ =	swait.ge [sflag:s21], $0x1400  }
0x3a: {  	[sflag:s21] =	ssyncset.done $0x0  }
0x3b: {  	s0 =	simm.s32 $0x1;
	p1 =	por $0x0, $0x0;
	[sflag:s21] =	ssyncadd.s32 $0xFFFFEC00  }
.LBB2_2:
0x3c: {  	s28 =	smul.u32 $0x7D, s0;
	_ =	sdelay $0x1  }
0x3d: {  	s28 =	sadd.s32 s8, s28  }
0x3e: {  	s1 =	rddreg [dreg:$0x2];
	s28 =	sshll.u32 s28, $0x4  }
0x3f: {  	s30 =	sadd.s32 s1, s28;
	s28 =	simm.s32 $0x0  }
0x40: {  	[tilespmem:s15], [sflag:$0xB] =	stream.linear.gather [hbm4b:s30+s28], $0x3E80, $0x38;
	[tilespmem:$0x1F680] =	vst v63  }
0x41: {  	s1 =	smul.u32 $0x1388, s0;
	_ =	swait.ge [sflag:s14], $0x3E80  }
0x42: {  	[sflag:s14] =	ssyncset.done $0x0  }
0x43: {  	s0 =	sadd.s32 s1, s10;
	[sflag:s14] =	ssyncadd.s32 $0xFFFFC180  }
0x44: {  	s0 =	sshrl.u32 s0, $0x3;
	s7 =	rddreg [dreg:$0x1]  }
0x45: {  	s0 =	sadd.s32 s7, s0  }
0x46: {  	[tilespmem:s28], [sflag:$0xB] =	stream.linear.gather [hbm4b:s0+s28], $0x1388, $0x38;
	[tilespmem:$0x1F680] =	vst v63  }
0x47: {  	_ =	swait.ge [sflag:s14], $0x1388  }
0x48: {  	[sflag:s14] =	ssyncset.done $0x0  }
0x49: {  	[sflag:s14] =	ssyncadd.s32 $0xFFFFEC78  }
0x4a: {  	[tilespmem:s17], [sflag:$0x1] =	stream.indirect.gather [hbm4b:s6+s16], $0x80, s28, s16, $0xb8;
	[tilespmem:$0x1F680] =	vst v63  }
0x4b: {  	_ = 	snop  }
0x4c: {  	[tilespmem:s18], [sflag:$0x2] =	stream.indirect.gather [hbm4b:s6+s16], $0x80, s16, s16, $0xb8;
	[tilespmem:$0x1F680] =	vst v63  }
0x4d: {  	s12 =	simm.s32 $0x50  }
0x4e: {  	[tilespmem:s20], [sflag:$0x3] =	stream.indirect.gather [hbm4b:s6+s16], $0x80, s12, s16, $0xb8;
	[tilespmem:$0x1F680] =	vst v63  }
0x4f: {  	s13 =	simm.s32 $0x78  }
0x50: {  	[tilespmem:s22], [sflag:$0x4] =	stream.indirect.gather [hbm4b:s6+s16], $0x80, s13, s16, $0xb8;
	[tilespmem:$0x1F680] =	vst v63  }
0x51: {  	_ =	swait.ge [sflag:s23], $0x1400  }
0x52: {  	[sflag:s23] =	ssyncset.done $0x0  }
0x53: {  	[sflag:s23] =	ssyncadd.s32 $0xFFFFEC00  }
0x54: {  	[spmem:s4] =	stream.indirect.scatter.add.f32 [tilespmem:s17], [sflag:$0x6], $0x80, s15, s16, $0xb8;
	[tilespmem:$0x1F680] =	vst v63  }
0x55: {  	s1 =	simm.s32 $0xA0  }
0x56: {  	[tilespmem:s25], [sflag:$0x5] =	stream.indirect.gather [hbm4b:s6+s16], $0x80, s1, s16, $0xb8;
	[tilespmem:$0x1F680] =	vst v63  }
0x57: {  	_ =	swait.ge [sflag:s26], $0x1400  }
0x58: {  	[sflag:s26] =	ssyncset.done $0x0  }
0x59: {  	s7 =	simm.s32 $0x1480;
	[sflag:s26] =	ssyncadd.s32 $0xFFFFEC00  }
0x5a: {  	[spmem:s4] =	stream.indirect.scatter.add.f32 [tilespmem:s18], [sflag:$0x7], $0x80, s7, s16, $0xb8;
	[tilespmem:$0x1F680] =	vst v63  }
0x5b: {  	_ =	swait.ge [sflag:s29], $0x1400  }
0x5c: {  	[sflag:s29] =	ssyncset.done $0x0  }
0x5d: {  	s12 =	simm.s32 $0xC8;
	[sflag:s29] =	ssyncadd.s32 $0xFFFFEC00  }
0x5e: {  	[tilespmem:s17], [sflag:$0x1] =	stream.indirect.gather [hbm4b:s6+s16], $0x80, s12, s16, $0xb8;
	[tilespmem:$0x1F680] =	vst v63  }
0x5f: {  	_ =	swait.ge [sflag:s31], $0x1400  }
0x60: {  	[sflag:s31] =	ssyncset.done $0x0  }
0x61: {  	s13 =	simm.s32 $0x1500;
	[sflag:s31] =	ssyncadd.s32 $0xFFFFEC00  }
0x62: {  	[spmem:s4] =	stream.indirect.scatter.add.f32 [tilespmem:s20], [sflag:$0x8], $0x80, s13, s16, $0xb8;
	[tilespmem:$0x1F680] =	vst v63  }
0x63: {  	_ =	swait.ge [sflag:s3], $0x1400  }
0x64: {  	[sflag:s3] =	ssyncset.done $0x0  }
0x65: {  	s1 =	simm.s32 $0xF0;
	[sflag:s3] =	ssyncadd.s32 $0xFFFFEC00  }
0x66: {  	[tilespmem:s18], [sflag:$0x2] =	stream.indirect.gather [hbm4b:s6+s16], $0x80, s1, s16, $0xb8;
	[tilespmem:$0x1F680] =	vst v63  }
0x67: {  	_ =	swait.ge [sflag:s11], $0x1400  }
0x68: {  	[sflag:s11] =	ssyncset.done $0x0  }
0x69: {  	s7 =	simm.s32 $0x1580;
	[sflag:s11] =	ssyncadd.s32 $0xFFFFEC00  }
0x6a: {  	[spmem:s4] =	stream.indirect.scatter.add.f32 [tilespmem:s22], [sflag:$0x9], $0x80, s7, s16, $0xb8;
	[tilespmem:$0x1F680] =	vst v63  }
0x6b: {  	_ =	swait.ge [sflag:s9], $0x1400  }
0x6c: {  	[sflag:s9] =	ssyncset.done $0x0  }
0x6d: {  	s12 =	simm.s32 $0x118;
	[sflag:s9] =	ssyncadd.s32 $0xFFFFEC00  }
0x6e: {  	[tilespmem:s20], [sflag:$0x3] =	stream.indirect.gather [hbm4b:s6+s16], $0x80, s12, s16, $0xb8;
	[tilespmem:$0x1F680] =	vst v63  }
0x6f: {  	_ =	swait.ge [sflag:s5], $0x1400  }
0x70: {  	[sflag:s5] =	ssyncset.done $0x0  }
0x71: {  	s13 =	simm.s32 $0x1600;
	[sflag:s5] =	ssyncadd.s32 $0xFFFFEC00  }
0x72: {  	[spmem:s4] =	stream.indirect.scatter.add.f32 [tilespmem:s25], [sflag:$0xA], $0x80, s13, s16, $0xb8;
	[tilespmem:$0x1F680] =	vst v63  }
0x73: {  	_ =	swait.ge [sflag:s2], $0x1400  }
0x74: {  	[sflag:s2] =	ssyncset.done $0x0  }
0x75: {  	p0 =	por p1, p1;
	s30 =	simm.s32 $0x1880;
	[sflag:s2] =	ssyncadd.s32 $0xFFFFEC00  }
0x76: {  	[tilespmem:s22], [sflag:$0x4] =	stream.indirect.gather [hbm4b:s6+s16], $0x80, s19, s16, $0xb8;
	[tilespmem:$0x1F680] =	vst v63  }
.LBB2_3:
0x77: {  	_ =	swait.ge [sflag:s23], $0x1400  }
0x78: {  	[sflag:s23] =	ssyncset.done $0x0  }
0x79: {  	s0 =	sadd.s32 $0xFFFFFE00, s30;
	[sflag:s23] =	ssyncadd.s32 $0xFFFFEC00  }
0x7a: {  	[spmem:s4] =	stream.indirect.scatter.add.f32 [tilespmem:s17], [sflag:$0x6], $0x80, s0, s16, $0xb8;
	[tilespmem:$0x1F680] =	vst v63  }
0x7b: {  	_ =	swait.ge [sflag:s21], $0x1400  }
0x7c: {  	s0 =	sshra.s32 s28, $0x2;
	[sflag:s21] =	ssyncset.done $0x0  }
0x7d: {  	s7 =	sadd.s32 $0x168, s0;
	[sflag:s21] =	ssyncadd.s32 $0xFFFFEC00  }
0x7e: {  	[tilespmem:s25], [sflag:$0x5] =	stream.indirect.gather [hbm4b:s6+s16], $0x80, s7, s16, $0xb8;
	[tilespmem:$0x1F680] =	vst v63  }
0x7f: {  	_ =	swait.ge [sflag:s26], $0x1400  }
0x80: {  	p1 =	seq.s32 s28, $0x47E0;
	[sflag:s26] =	ssyncset.done $0x0  }
0x81: {  	s12 =	sadd.s32 $0xFFFFFE80, s30;
	s7 =	simm.s32 @p1 $0x3;
	[sflag:s26] =	ssyncadd.s32 $0xFFFFEC00  }
0x82: {  	[spmem:s4] =	stream.indirect.scatter.add.f32 [tilespmem:s18], [sflag:$0x7], $0x80, s12, s16, $0xb8;
	[tilespmem:$0x1F680] =	vst v63  }
0x83: {  	_ =	swait.ge @p1 [sflag:s7], $0x1400  }
0x84: {  	s13 =	simm.s32 @p1 $0x7A80;
	[sflag:s7] =	ssyncset.done @p1 $0x0  }
0x85: {  	s12 =	simm.s32 @p1 $0x28;
	[sflag:s7] =	ssyncadd.s32 @p1 $0xFFFFEC00;
	s7 =	sadd.s32 @p1 $0xFFFFFF00, s30  }
0x86: {  	[spmem:s4] =	stream.indirect.scatter.add.f32 @p1 [tilespmem:s13], [sflag:$0x8], $0x80, s7, s12, $0xb8;
	[tilespmem:$0x1F680] =	vst v63  }
0x87: {  	s7 =	simm.s32 @!p1 $0x6  }
0x88: {  	_ =	swait.ge @!p1 [sflag:s7], $0x1400  }
0x89: {  	[sflag:s7] =	ssyncset.done @!p1 $0x0  }
0x8a: {  	[sflag:s7] =	ssyncadd.s32 @!p1 $0xFFFFEC00;
	s7 =	sshra.s32 @!p1 s28, $0x2  }
0x8b: {  	s1 =	simm.s32 @!p1 $0x5280;
	s13 =	simm.s32 @!p1 $0x28;
	s12 =	sadd.s32 @!p1 $0x190, s7  }
0x8c: {  	[tilespmem:s1], [sflag:$0x1] =	stream.indirect.gather @!p1 [hbm4b:s6+s13], $0x80, s12, s13, $0xb8;
	[tilespmem:$0x1F680] =	vst v63  }
0x8d: {  	s1 =	simm.s32 @!p1 $0x3  }
0x8e: {  	_ =	swait.ge @!p1 [sflag:s1], $0x1400  }
0x8f: {  	[sflag:s1] =	ssyncset.done @!p1 $0x0  }
0x90: {  	s12 =	simm.s32 @!p1 $0x7A80;
	[sflag:s1] =	ssyncadd.s32 @!p1 $0xFFFFEC00;
	s1 =	sadd.s32 @!p1 $0xFFFFFF00, s30  }
0x91: {  	[spmem:s4] =	stream.indirect.scatter.add.f32 @!p1 [tilespmem:s12], [sflag:$0x8], $0x80, s1, s13, $0xb8;
	[tilespmem:$0x1F680] =	vst v63  }
0x92: {  	s1 =	simm.s32 @!p1 $0x7  }
0x93: {  	_ =	swait.ge @!p1 [sflag:s1], $0x1400  }
0x94: {  	[sflag:s1] =	ssyncset.done @!p1 $0x0  }
0x95: {  	[sflag:s1] =	ssyncadd.s32 @!p1 $0xFFFFEC00;
	s1 =	sadd.s32 @!p1 $0x1B8, s7;
	s7 =	simm.s32 @!p1 $0x6680  }
0x96: {  	[tilespmem:s7], [sflag:$0x2] =	stream.indirect.gather @!p1 [hbm4b:s6+s13], $0x80, s1, s13, $0xb8;
	[tilespmem:$0x1F680] =	vst v63  }
.Ltmp4:
0x97: {  	_ = 	snop;
	(pc) =	sbr.rel @p1 .LBB2_5-.Ltmp4, $4  }
0x98: {  	_ =	swait.ge [sflag:s11], $0x1400  }
0x99: {  	[sflag:s11] =	ssyncset.done $0x0  }
0x9a: {  	s13 =	sadd.s32 $0xFFFFFF80, s30;
	[sflag:s11] =	ssyncadd.s32 $0xFFFFEC00  }
0x9b: {  	[spmem:s4] =	stream.indirect.scatter.add.f32 [tilespmem:s22], [sflag:$0x9], $0x80, s13, s16, $0xb8;
	[tilespmem:$0x1F680] =	vst v63  }
0x9c: {  	_ =	swait.ge [sflag:s9], $0x1400  }
0x9d: {  	[sflag:s9] =	ssyncset.done $0x0  }
0x9e: {  	s1 =	sadd.s32 $0x1E0, s0;
	[sflag:s9] =	ssyncadd.s32 $0xFFFFEC00  }
0x9f: {  	[tilespmem:s20], [sflag:$0x3] =	stream.indirect.gather [hbm4b:s6+s16], $0x80, s1, s16, $0xb8;
	[tilespmem:$0x1F680] =	vst v63  }
0xa0: {  	_ =	swait.ge [sflag:s5], $0x1400  }
0xa1: {  	[sflag:s5] =	ssyncset.done $0x0  }
0xa2: {  	[sflag:s5] =	ssyncadd.s32 $0xFFFFEC00  }
0xa3: {  	[spmem:s4] =	stream.indirect.scatter.add.f32 [tilespmem:s25], [sflag:$0xA], $0x80, s30, s16, $0xb8;
	[tilespmem:$0x1F680] =	vst v63  }
.Ltmp5:
0xa4: {  	_ = 	snop;
	(pc) =	sbr.rel .LBB2_3-.Ltmp5, $4  }
0xa5: {  	_ =	swait.ge [sflag:s2], $0x1400  }
0xa6: {  	s13 =	sadd.s32 $0x208, s0;
	[sflag:s2] =	ssyncset.done $0x0  }
0xa7: {  	s28 =	sadd.s32 $0x320, s28;
	s30 =	sadd.s32 $0x280, s30;
	[sflag:s2] =	ssyncadd.s32 $0xFFFFEC00  }
0xa8: {  	[tilespmem:s22], [sflag:$0x4] =	stream.indirect.gather [hbm4b:s6+s16], $0x80, s13, s16, $0xb8;
	[tilespmem:$0x1F680] =	vst v63  }
.LBB2_7:
0xa9: {  	_ =	sfence.sel $0x180000  }
0xaa: {  	[bflag:$0x0] =	sbarrier.arrive $0xFFFF  }
0xab: {  	_ =	strace $0x9000004D  }
0xac: {  	s0 =	stileid.u32;
	[bflag:$0x2] =	sbarrier.arrive $0xFFFF  }
0xad: {  	p0 =	sne.s32 s0, $0x0;
	s0 =	rddreg [dreg:$0x4]  }
0xae: {  	s0 =	sadd.s32 @!p0 $0x100000, s0  }
0xaf: {  	[sflag:s0] =	ssyncadd.tile.s32 @!p0 $0x1;
	_ =	shalt  }
.Lfunc_end2:
_tile_overlayer_lowered:
.L_overlay_start_2:
0xb0: {  	(tag) =	ssettag $0x2  }
0xb1: {  	s0 =	rddreg [dreg:$0x0];
	s2 =	stileid.u32  }
0xb2: {  	s1 =	rddreg [dreg:$0x1];
	p0 =	sne.s32 s2, $0x0  }
0xb3: {  	s3 =	rddreg [dreg:$0x2];
	[bflag:$0x3] =	sbarrier.arrive $0xFFFF;
	s2 =	simm.s32 @!p0 $0x1C0B  }
0xb4: {  	[timem:s3], [sflag:s2] =	dma.local @!p0 [hbm:s0], s1  }
0xb5: {  	s0 =	simm.s32 @!p0 $0xB  }
0xb6: {  	_ =	swait.ge @!p0 [sflag:s0], s1  }
0xb7: {  	s1 =	ssub.s32 @!p0 $0x0, s1;
	[sflag:s0] =	ssyncset.done @!p0 $0x0  }
0xb8: {  	[sflag:s0] =	ssyncadd.s32 @!p0 s1  }
0xb9: {  	[bflag:$0x3] =	sbarrier.arrive $0xFFFF  }
0xba: {  	_ =	shalt  }

// kernel: kernel.25.cloned.1.call-start
scs
__scs_entry_jumppad:
0x0: {  	(pc) =	sbr.rel $0x88, $3  }
0x1: {  	(tag) =	ssettag $0x0;
	lr =	simm.s32 $0x1  }
0x2: {  	[smem:$0x3F98] =	sst lr;
	_ =	strace $0xD0000000  }
0x3: {  	_ = 	snop  }
0x4: {  	_ = 	snop  }
0x5: {  	_ = 	snop  }
0x6: {  	_ = 	snop  }
0x7: {  	_ = 	snop  }
__scs_overlays_trampoline_lowered:
0x8: {  	[smem:$0x3FA7] =	sst s0  }
0x9: {  	[smem:$0x3FA8] =	sst s1  }
0xa: {  	[smem:$0x3FA9] =	sst s2  }
0xb: {  	[smem:$0x3FAA] =	sst s3  }
0xc: {  	[smem:$0x3FAB] =	sst s4  }
0xd: {  	[smem:$0x3FAC] =	sst s5  }
0xe: {  	[smem:$0x3FAD] =	sst s6  }
0xf: {  	[smem:$0x3FAE] =	sst s7  }
0x10: {  	[smem:$0x3FAF] =	sst s8  }
0x11: {  	[smem:$0x3FB0] =	sst s9;
	s0 =	simm.s32 @!p0 $0x0  }
0x12: {  	s1 =	sld [smem:$0x3F96];
	s0 =	simm.s32 @p0 $0x1  }
0x13: {  	[smem:$0x3FB1] =	sst s0;
	s0 =	simm.s32 @!p1 $0x0  }
0x14: {  	s2 =	sld [smem:$0x3F95];
	s0 =	simm.s32 @p1 $0x1  }
0x15: {  	[smem:$0x3FB2] =	sst s0;
	s0 =	simm.s32 @!p2 $0x0  }
0x16: {  	s3 =	sld [smem:$0x3FDB];
	s0 =	simm.s32 @p2 $0x1  }
0x17: {  	s4 =	simm.s32 $0x1BF5;
	[smem:$0x3FB4] =	sst s0  }
0x18: {  	s0 =	sld [smem:$0x3F97];
	_ =	swait.ge [sflag:s4], $0x0  }
0x19: {  	s7 =	sld [smem:$0x3F98]  }
0x1a: {  	s8 =	sadd.s32 $0xFFFFE003, lr  }
0x1b: {  	s9 =	sadd.s32 $0xFFFFFEF7, lr;
	s5 =	simm.s32 $0xFFFFFFFF;
	p2 =	slt.u32 s8, $0xFFFFF086  }
0x1c: {  	p1 =	slt.u32 s9, $0xF7A;
	s5 =	simm.s32 @!p2 $0x0  }
0x1d: {  	s5 =	simm.s32 @p1 $0x1;
	p0 =	seq.s32 s7, s2  }
0x1e: {  	s7 =	smul.u32 @!p0 $0xF7A, s2;
	p2 =	seq.s32 @!p0 s5, $0x0  }
0x1f: {  	s9 =	smul.u32 $0xF7A, s1;
	s8 =	simm.s32 @!p0 $0x1BF5;
	p2 =	por !p2, p0  }
0x20: {  	[sflag:s8] =	ssyncset.s32 @!p0 $0xFFFFF086;
	s6 =	sadd.s32 @!p0 s3, s7;
	s7 =	simm.s32 @!p0 $0x108  }
0x21: {  	s3 =	sadd.s32 s3, s9;
	s6 =	sadd.s32 @!p0 $0x88, s6;
	s7 =	simm.s32 @p2 $0x1082  }
0x22: {  	[simem:s7], [sflag:s8] =	dma.local @!p0 [hbm:s6], $0xF7A  }
0x23: {  	s9 =	sor.u32 $0xD0000000, s2;
	s6 =	simm.s32 $0x108;
	_ =	swait.ge @!p0 [sflag:s8], $0x0  }
0x24: {  	s3 =	sadd.s32 $0x88, s3;
	s6 =	simm.s32 @!p1 $0x1082;
	[sflag:s4] =	ssyncset.s32 $0xFFFFF086  }
0x25: {  	[simem:s6], [sflag:s4] =	dma.local [hbm:s3], $0xF7A  }
0x26: {  	[smem:$0x3F98] =	sst s1;
	(tag) =	ssettag s2;
	_ =	strace s9  }
0x27: {  	s1 =	sld [smem:$0x3FA8]  }
0x28: {  	s2 =	sld [smem:$0x3FA9]  }
0x29: {  	s4 =	sld [smem:$0x3FAB]  }
0x2a: {  	p0 =	seq.s32 s5, $0x0;
	s5 =	sld [smem:$0x3FAC]  }
0x2b: {  	s6 =	sld [smem:$0x3FAD]  }
0x2c: {  	s7 =	sld [smem:$0x3FAE]  }
0x2d: {  	s3 =	simm.s32 $0x108;
	s8 =	sld [smem:$0x3FAF]  }
0x2e: {  	s3 =	simm.s32 @!p0 $0x1082;
	s9 =	sld [smem:$0x3FB0]  }
0x2f: {  	lr =	sadd.s32 s0, s3;
	s0 =	sld [smem:$0x3FA7]  }
0x30: {  	s3 =	sld [smem:$0x3FAA]  }
0x31: {  	[smem:$0x3FB3] =	sst s10  }
0x32: {  	s10 =	sld [smem:$0x3FB1];
	_ =	sdelay $0x3  }
0x33: {  	p0 =	seq.s32 s10, $0x1;
	s10 =	sld [smem:$0x3FB3];
	_ =	sdelay $0x3  }
0x34: {  	[smem:$0x3FB3] =	sst s10  }
0x35: {  	s10 =	sld [smem:$0x3FB2];
	_ =	sdelay $0x3  }
0x36: {  	p1 =	seq.s32 s10, $0x1;
	s10 =	sld [smem:$0x3FB3];
	_ =	sdelay $0x3  }
0x37: {  	[smem:$0x3FB3] =	sst s10  }
0x38: {  	s10 =	sld [smem:$0x3FB4]  }
0x39: {  	_ = 	snop;
	(pc) =	sbr.ind lr, $3  }
0x3a: {  	_ = 	snop  }
0x3b: {  	_ = 	snop  }
0x3c: {  	p2 =	seq.s32 s10, $0x1;
	s10 =	sld [smem:$0x3FB3]  }
0x3d: {  	_ =	shalt  }
0x3e: {  	_ =	shalt  }
0x3f: {  	_ =	shalt  }
0x40: {  	_ =	shalt  }
0x41: {  	_ =	shalt  }
0x42: {  	_ =	shalt  }
0x43: {  	_ =	shalt  }
0x44: {  	_ =	shalt  }
0x45: {  	_ =	shalt  }
0x46: {  	_ =	shalt  }
0x47: {  	_ =	shalt  }
0x48: {  	_ =	shalt  }
0x49: {  	_ =	shalt  }
0x4a: {  	_ =	shalt  }
0x4b: {  	_ =	shalt  }
0x4c: {  	_ =	shalt  }
0x4d: {  	_ =	shalt  }
0x4e: {  	_ =	shalt  }
0x4f: {  	_ =	shalt  }
0x50: {  	_ =	shalt  }
0x51: {  	_ =	shalt  }
0x52: {  	_ =	shalt  }
0x53: {  	_ =	shalt  }
0x54: {  	_ =	shalt  }
0x55: {  	_ =	shalt  }
0x56: {  	_ =	shalt  }
0x57: {  	_ =	shalt  }
0x58: {  	_ =	shalt  }
0x59: {  	_ =	shalt  }
0x5a: {  	_ =	shalt  }
0x5b: {  	_ =	shalt  }
0x5c: {  	_ =	shalt  }
0x5d: {  	_ =	shalt  }
0x5e: {  	_ =	shalt  }
0x5f: {  	_ =	shalt  }
0x60: {  	_ =	shalt  }
0x61: {  	_ =	shalt  }
0x62: {  	_ =	shalt  }
0x63: {  	_ =	shalt  }
0x64: {  	_ =	shalt  }
0x65: {  	_ =	shalt  }
0x66: {  	_ =	shalt  }
0x67: {  	_ =	shalt  }
0x68: {  	_ =	shalt  }
0x69: {  	_ =	shalt  }
0x6a: {  	_ =	shalt  }
0x6b: {  	_ =	shalt  }
0x6c: {  	_ =	shalt  }
0x6d: {  	_ =	shalt  }
0x6e: {  	_ =	shalt  }
0x6f: {  	_ =	shalt  }
0x70: {  	_ =	shalt  }
0x71: {  	_ =	shalt  }
0x72: {  	_ =	shalt  }
0x73: {  	_ =	shalt  }
0x74: {  	_ =	shalt  }
0x75: {  	_ =	shalt  }
0x76: {  	_ =	shalt  }
0x77: {  	_ =	shalt  }
0x78: {  	_ =	shalt  }
0x79: {  	_ =	shalt  }
0x7a: {  	_ =	shalt  }
0x7b: {  	_ =	shalt  }
0x7c: {  	_ =	shalt  }
0x7d: {  	_ =	shalt  }
0x7e: {  	_ =	shalt  }
0x7f: {  	_ =	shalt  }
0x80: {  	_ =	shalt  }
0x81: {  	_ =	shalt  }
0x82: {  	_ =	shalt  }
0x83: {  	_ =	shalt  }
0x84: {  	_ =	shalt  }
0x85: {  	_ =	shalt  }
0x86: {  	_ =	shalt  }
0x87: {  	_ =	shalt  }
.Lfunc_end0:
.L_simem_size_0:
called_computation.3_lowered:
.L_overlay_start_0:
0x88: {  	s2 =	sld [smem:$0x3FD9]  }
0x89: {  	s3 =	sld [smem:$0x3FFE];
	_ =	sdelay $0x1  }
0x8a: {  	s1 =	srdreg.scid  }
0x8b: {  	s0 =	sand.u32 $0x1, s1  }
0x8c: {  	s14 =	sshll.u32 s0, $0xA;
	s2 =	sadd.s32 s3, s2  }
0x8d: {  	s2 =	sadd.s32 s2, s14  }
0x8e: {  	[smem:$0x3FBF] =	sst s2  }
0x8f: {  	_ = 	snop  }
0x90: {  	s2 =	sld [smem:$0x3FD0];
	_ =	sdelay $0x2  }
0x91: {  	s15 =	simm.s32 $0xA;
	s4 =	simm.s32 $0x10  }
0x92: {  	[smem:s4], [sflag:s15] =	dma.local [hbm:s2], $0x1  }
0x93: {  	_ =	swait.eq [sflag:s15], $0x1  }
0x94: {  	[sflag:s15] =	ssyncset.done $0x0  }
0x95: {  	s16 =	sld [smem:$0x11];
	[sflag:s15] =	ssyncadd.s32 $0xFFFFFFFF  }
0x96: {  	s17 =	sld [smem:$0x12];
	(tm) =	ssettm $0x1  }
0x97: {  	s18 =	sld [smem:$0x3FFB];
	_ =	sdelay $0x3  }
0x98: {  	_ =	strace s18  }
0x99: {  	s4 =	sld [smem:$0x3FFC];
	_ =	sdelay $0x3  }
0x9a: {  	_ =	strace s4  }
0x9b: {  	s4 =	sld [smem:$0x3FFD];
	_ =	sdelay $0x3  }
0x9c: {  	_ =	strace s4  }
0x9d: {  	_ =	strace $0x8FFFFFFF  }
0x9e: {  	s19 =	sld [smem:$0x3FDB];
	_ =	sdelay $0x1  }
0x9f: {  	s5 =	simm.s32 $_scs_section_size  }
0xa0: {  	s6 =	simm.s32 $_size__tile_overlayer_lowered;
	s7 =	simm.s32 $_tile_overlayer_lowered  }
0xa1: {  	s22 =	simm.s32 $0x1BFF;
	s21 =	sshll.u32 s7, $0x1;
	s4 =	sadd.s32 s5, s19  }
0xa2: {  	s8 =	simm.s32 $0x0;
	s20 =	sshll.u32 s6, $0x1;
	s6 =	sadd.s32 s21, s4  }
0xa3: {  	[timem:s8], [sflag:s22] =	dma.local [hbm:s6], s20  }
0xa4: {  	_ =	swait.ge [sflag:s22], s20  }
0xa5: {  	s5 =	ssub.s32 $0x0, s20;
	[sflag:s22] =	ssyncset.done $0x0  }
0xa6: {  	[sflag:s22] =	ssyncadd.s32 s5;
	_ =	sdelay $0x1  }
0xa7: {  	s23 =	simm.s32 $0x1B8B  }
0xa8: {  	_ =	swait.ge [sflag:s23], $0x1  }
0xa9: {  	[sflag:s23] =	ssyncset.done $0x0  }
0xaa: {  	s25 =	simm.s32 $0x1B8E;
	s24 =	sld [smem:$0x3FFE];
	[sflag:s23] =	ssyncadd.s32 $0xFFFFFFFF  }
0xab: {  	s26 =	simm.s32 $execute0_lowered;
	[smem:$0x3FD2] =	sst s25  }
0xac: {  	s6 =	sshll.u32 s26, $0x1;
	_ =	strace $0x8000004F;
	[dreg:$0x1] =	wrdreg $0xFFFFFFFF  }
0xad: {  	s28 =	simm.s32 $_size_execute0_lowered;
	s4 =	sadd.s32 s4, s6;
	[dreg:$0x0] =	wrdreg $0x0  }
0xae: {  	s6 =	sshll.u32 s28, $0x1;
	[dreg:$0x2] =	wrdreg s4  }
0xaf: {  	[dreg:$0x3] =	wrdreg s6  }
0xb0: {  	[dreg:$0x4] =	wrdreg $0xC0  }
0xb1: {  	_ =	task [dreg:s8], $0x5FFFF  }
0xb2: {  	[dreg:$0x1] =	wrdreg $0xFFFFFFFF  }
0xb3: {  	[dreg:$0x0] =	wrdreg $0x60  }
0xb4: {  	[dreg:$0x2] =	wrdreg s24  }
0xb5: {  	[dreg:$0x3] =	wrdreg s16  }
0xb6: {  	[dreg:$0x4] =	wrdreg s17  }
0xb7: {  	[dreg:$0x5] =	wrdreg $0xB6800  }
0xb8: {  	[dreg:$0x6] =	wrdreg $0x9  }
0xb9: {  	_ =	task.clear_ibuf [dreg:s8], $0x7FFFF;
	_ =	strace $0x9000004F  }
0xba: {  	s29 =	simm.s32 $0x9;
	_ =	strace $0x80000051  }
0xbb: {  	_ =	swait.ge [sflag:s29], $0x1  }
0xbc: {  	[sflag:s29] =	ssyncadd.s32 $0xFFFFFFFF  }
0xbd: {  	_ =	strace $0x90000051  }
0xbe: {  	_ =	sfence  }
0xbf: {  	s30 =	sld [smem:$0x0];
	_ =	sdelay $0x2  }
0xc0: {  	s31 =	sshll.u32 s1, $0xD;
	s1 =	sshrl.u32 s1, $0x2  }
0xc1: {  	s3 =	sand.u32 $0x4000, s31;
	s1 =	sadd.s32 s1, s30  }
0xc2: {  	s0 =	sor.u32 s3, s0;
	s1 =	sshll.u32 s1, $0x11  }
0xc3: {  	s0 =	sor.u32 s1, s0  }
0xc4: {  	s0 =	sadd.s32 $0x8F2B, s0  }
0xc5: {  	[sflag:s0] =	ssyncadd.remote.s32 $0x1  }
0xc6: {  	_ =	sfence.sel $0xFFFF  }
0xc7: {  	[dreg:$0x0] =	wrdreg $0xFFFFFFFF;
	(pc) =	sbr.abs _section_cstart, $3  }
0xc8: {  	[dreg:$0x1] =	wrdreg $0xFFFFFFFF  }
0xc9: {  	_ =	task.clear_ibuf [dreg:s8], $0x2FFFF;
	_ =	strace $0x9FFFFFFF  }
0xca: {  	(tm) =	ssettm $0x7FFFFFFF  }
0xcb: {  	_ =	shalt  }
tec
execute0_lowered:
.L_overlay_start_1:
0x0: {  	(tag) =	ssettag $0x1  }
0x1: {  	s0 =	rddreg [dreg:$0x0]  }
0x2: {  	s4 =	rddreg [dreg:$0x3];
	s12 =	simm.s32 $0x0;
	s1 =	srdreg.scid  }
0x3: {  	s10 =	stileid.u32;
	s14 =	simm.s32 $0xB;
	s15 =	simm.s32 $0x1400  }
0x4: {  	s16 =	simm.s32 $0x28;
	s17 =	simm.s32 $0x5280;
	s18 =	simm.s32 $0x6680  }
0x5: {  	s20 =	simm.s32 $0x7A80;
	s22 =	simm.s32 $0x8E80;
	s29 =	simm.s32 $0x6  }
0x6: {  	s31 =	simm.s32 $0x3;
	s11 =	simm.s32 $0x4;
	s2 =	smul.u32 $0x2800, s10  }
0x7: {  	s19 =	simm.s32 $0x140;
	s21 =	simm.s32 $0xA;
	s7 =	smul.u32 $0x2710, s10  }
0x8: {  	[smem:$0x7FF] =	sst s12;
	s1 =	sand.u32 $0x1, s1;
	s9 =	smul.u32 $0x50000, s10  }
0x9: {  	s6 =	sadd.s32 $0x5D400, s0;
	s5 =	sadd.s32 $0xAA00, s0;
	s8 =	smul.u32 $0xFA, s10  }
0xa: {  	s28 =	sshll.u32 s10, $0x6;
	_ =	strace $0x80000050;
	s3 =	smul.u32 $0x28000, s1  }
0xb: {  	[dreg:$0x6] =	wrdreg s5;
	s23 =	ssub.s32 $0x2, s1;
	s1 =	smul.u32 $0x27100, s1  }
0xc: {  	s13 =	sor.u32 $0x1C0B, s28;
	s5 =	simm.s32 $0x5;
	s24 =	sshrl.u32 s23, $0x1  }
0xd: {  	s26 =	sshrl.u32 s9, $0x2;
	s9 =	simm.s32 $0x8;
	[dreg:$0x7] =	wrdreg s13  }
0xe: {  	s2 =	sadd.s32 s2, s3;
	s25 =	ssub.s32 s23, s24;
	s3 =	sadd.s32 s26, s4  }
.Ltmp0:
0xf: {  	s10 =	sadd.s32 s7, s1;
	s23 =	simm.s32 $0x1;
	(pc) =	sbr.rel .LBB2_1-.Ltmp0, $4  }
0x10: {  	s26 =	simm.s32 $0x2;
	s24 =	simm.s32 $0x5200;
	s30 =	smax.u32 s25, $0x1  }
0x11: {  	s0 =	sadd.s32 s2, s0;
	s1 =	sshrl.u32 s3, $0x3;
	[dreg:$0x9] =	wrdreg s30  }
0x12: {  	s25 =	simm.s32 $0xA280;
	s0 =	sadd.s32 $0xAD800, s0;
	[dreg:$0xa] =	wrdreg s1  }
0x13: {  	s3 =	simm.s32 $0x7;
	s2 =	simm.s32 $0x9;
	[dreg:$0x8] =	wrdreg s0  }
.LBB2_6:
0x14: {  	[bflag:$0x0] =	sbarrier.arrive $0xFFFF  }
0x15: {  	s13 =	rddreg [dreg:$0x7]  }
0x16: {  	s0 =	rddreg [dreg:$0x8]  }
0x17: {  	s1 =	rddreg [dreg:$0xa]  }
0x18: {  	[hbm:s0], [sflag:s13] =	dma.local [spmem:s1], $0x2800  }
0x19: {  	_ =	swait.ge [sflag:s14], $0x2800  }
0x1a: {  	s12 =	rddreg [dreg:$0x5]  }
0x1b: {  	s30 =	rddreg [dreg:$0x9];
	s12 =	sadd.s32 $0x1, s12  }
0x1c: {  	p0 =	sne.s32 s12, s30  }
.Ltmp1:
0x1d: {  	_ = 	snop;
	(pc) =	sbr.rel @!p0 .LBB2_7-.Ltmp1, $3  }
0x1e: {  	_ =	sdelay $0x1  }
0x1f: {  	[sflag:s14] =	ssyncset.done $0x0  }
0x20: {  	[sflag:s14] =	ssyncadd.s32 $0xFFFFD800  }
.LBB2_1:
0x21: {  	[dreg:$0x5] =	wrdreg s12  }
0x22: {  	s0 =	rddreg [dreg:$0x6]  }
0x23: {  	[spmem:s1], [sflag:s13] =	dma.local [hbm:s0], $0x2800  }
.Ltmp2:
0x24: {  	_ =	swait.ge [sflag:s14], $0x2800;
	(pc) =	sbr.rel .LBB2_2-.Ltmp2, $4  }
0x25: {  	[sflag:s14] =	ssyncset.done $0x0  }
0x26: {  	[sflag:s14] =	ssyncadd.s32 $0xFFFFD800  }
0x27: {  	[bflag:$0x0] =	sbarrier.arrive $0xFFFF  }
0x28: {  	p1 =	por $0x1, $0x1;
	s0 =	simm.s32 $0x0  }
.LBB2_5:
0x29: {  	_ =	swait.ge [sflag:s5], $0x1400  }
0x2a: {  	[sflag:s5] =	ssyncset.done $0x0  }
0x2b: {  	[sflag:s5] =	ssyncadd.s32 $0xFFFFEC00  }
0x2c: {  	[spmem:s4] =	stream.indirect.scatter.add.f32 [tilespmem:s25], [sflag:$0xA], $0x80, s24, s16, $0xb8;
	[tilespmem:$0x1F680] =	vst v63  }
0x2d: {  	_ =	swait.ge [sflag:s29], $0x1400  }
0x2e: {  	[sflag:s29] =	ssyncset.done $0x0  }
0x2f: {  	[sflag:s29] =	ssyncadd.s32 $0xFFFFEC00  }
0x30: {  	_ =	swait.ge [sflag:s3], $0x1400  }
0x31: {  	[sflag:s3] =	ssyncset.done $0x0  }
0x32: {  	[sflag:s3] =	ssyncadd.s32 $0xFFFFEC00  }
0x33: {  	_ =	swait.ge [sflag:s9], $0x1400  }
0x34: {  	[sflag:s9] =	ssyncset.done $0x0  }
0x35: {  	[sflag:s9] =	ssyncadd.s32 $0xFFFFEC00  }
0x36: {  	_ =	swait.ge [sflag:s2], $0x1400  }
.Ltmp3:
0x37: {  	[sflag:s2] =	ssyncset.done $0x0;
	(pc) =	sbr.rel @!p0 .LBB2_6-.Ltmp3, $4  }
0x38: {  	[sflag:s2] =	ssyncadd.s32 $0xFFFFEC00  }
0x39: {  	_ =	swait.ge [sflag:s21], $0x1400  }
0x3a: {  	[sflag:s21] =	ssyncset.done $0x0  }
0x3b: {  	s0 =	simm.s32 $0x1;
	p1 =	por $0x0, $0x0;
	[sflag:s21] =	ssyncadd.s32 $0xFFFFEC00  }
.LBB2_2:
0x3c: {  	s28 =	smul.u32 $0x7D, s0;
	_ =	sdelay $0x1  }
0x3d: {  	s28 =	sadd.s32 s8, s28  }
0x3e: {  	s1 =	rddreg [dreg:$0x2];
	s28 =	sshll.u32 s28, $0x4  }
0x3f: {  	s30 =	sadd.s32 s1, s28;
	s28 =	simm.s32 $0x0  }
0x40: {  	[tilespmem:s15], [sflag:$0xB] =	stream.linear.gather [hbm4b:s30+s28], $0x3E80, $0x38;
	[tilespmem:$0x1F680] =	vst v63  }
0x41: {  	s1 =	smul.u32 $0x1388, s0;
	_ =	swait.ge [sflag:s14], $0x3E80  }
0x42: {  	[sflag:s14] =	ssyncset.done $0x0  }
0x43: {  	s0 =	sadd.s32 s1, s10;
	[sflag:s14] =	ssyncadd.s32 $0xFFFFC180  }
0x44: {  	s0 =	sshrl.u32 s0, $0x3;
	s7 =	rddreg [dreg:$0x1]  }
0x45: {  	s0 =	sadd.s32 s7, s0  }
0x46: {  	[tilespmem:s28], [sflag:$0xB] =	stream.linear.gather [hbm4b:s0+s28], $0x1388, $0x38;
	[tilespmem:$0x1F680] =	vst v63  }
0x47: {  	_ =	swait.ge [sflag:s14], $0x1388  }
0x48: {  	[sflag:s14] =	ssyncset.done $0x0  }
0x49: {  	[sflag:s14] =	ssyncadd.s32 $0xFFFFEC78  }
0x4a: {  	[tilespmem:s17], [sflag:$0x1] =	stream.indirect.gather [hbm4b:s6+s16], $0x80, s28, s16, $0xb8;
	[tilespmem:$0x1F680] =	vst v63  }
0x4b: {  	_ = 	snop  }
0x4c: {  	[tilespmem:s18], [sflag:$0x2] =	stream.indirect.gather [hbm4b:s6+s16], $0x80, s16, s16, $0xb8;
	[tilespmem:$0x1F680] =	vst v63  }
0x4d: {  	s12 =	simm.s32 $0x50  }
0x4e: {  	[tilespmem:s20], [sflag:$0x3] =	stream.indirect.gather [hbm4b:s6+s16], $0x80, s12, s16, $0xb8;
	[tilespmem:$0x1F680] =	vst v63  }
0x4f: {  	s13 =	simm.s32 $0x78  }
0x50: {  	[tilespmem:s22], [sflag:$0x4] =	stream.indirect.gather [hbm4b:s6+s16], $0x80, s13, s16, $0xb8;
	[tilespmem:$0x1F680] =	vst v63  }
0x51: {  	_ =	swait.ge [sflag:s23], $0x1400  }
0x52: {  	[sflag:s23] =	ssyncset.done $0x0  }
0x53: {  	[sflag:s23] =	ssyncadd.s32 $0xFFFFEC00  }
0x54: {  	[spmem:s4] =	stream.indirect.scatter.add.f32 [tilespmem:s17], [sflag:$0x6], $0x80, s15, s16, $0xb8;
	[tilespmem:$0x1F680] =	vst v63  }
0x55: {  	s1 =	simm.s32 $0xA0  }
0x56: {  	[tilespmem:s25], [sflag:$0x5] =	stream.indirect.gather [hbm4b:s6+s16], $0x80, s1, s16, $0xb8;
	[tilespmem:$0x1F680] =	vst v63  }
0x57: {  	_ =	swait.ge [sflag:s26], $0x1400  }
0x58: {  	[sflag:s26] =	ssyncset.done $0x0  }
0x59: {  	s7 =	simm.s32 $0x1480;
	[sflag:s26] =	ssyncadd.s32 $0xFFFFEC00  }
0x5a: {  	[spmem:s4] =	stream.indirect.scatter.add.f32 [tilespmem:s18], [sflag:$0x7], $0x80, s7, s16, $0xb8;
	[tilespmem:$0x1F680] =	vst v63  }
0x5b: {  	_ =	swait.ge [sflag:s29], $0x1400  }
0x5c: {  	[sflag:s29] =	ssyncset.done $0x0  }
0x5d: {  	s12 =	simm.s32 $0xC8;
	[sflag:s29] =	ssyncadd.s32 $0xFFFFEC00  }
0x5e: {  	[tilespmem:s17], [sflag:$0x1] =	stream.indirect.gather [hbm4b:s6+s16], $0x80, s12, s16, $0xb8;
	[tilespmem:$0x1F680] =	vst v63  }
0x5f: {  	_ =	swait.ge [sflag:s31], $0x1400  }
0x60: {  	[sflag:s31] =	ssyncset.done $0x0  }
0x61: {  	s13 =	simm.s32 $0x1500;
	[sflag:s31] =	ssyncadd.s32 $0xFFFFEC00  }
0x62: {  	[spmem:s4] =	stream.indirect.scatter.add.f32 [tilespmem:s20], [sflag:$0x8], $0x80, s13, s16, $0xb8;
	[tilespmem:$0x1F680] =	vst v63  }
0x63: {  	_ =	swait.ge [sflag:s3], $0x1400  }
0x64: {  	[sflag:s3] =	ssyncset.done $0x0  }
0x65: {  	s1 =	simm.s32 $0xF0;
	[sflag:s3] =	ssyncadd.s32 $0xFFFFEC00  }
0x66: {  	[tilespmem:s18], [sflag:$0x2] =	stream.indirect.gather [hbm4b:s6+s16], $0x80, s1, s16, $0xb8;
	[tilespmem:$0x1F680] =	vst v63  }
0x67: {  	_ =	swait.ge [sflag:s11], $0x1400  }
0x68: {  	[sflag:s11] =	ssyncset.done $0x0  }
0x69: {  	s7 =	simm.s32 $0x1580;
	[sflag:s11] =	ssyncadd.s32 $0xFFFFEC00  }
0x6a: {  	[spmem:s4] =	stream.indirect.scatter.add.f32 [tilespmem:s22], [sflag:$0x9], $0x80, s7, s16, $0xb8;
	[tilespmem:$0x1F680] =	vst v63  }
0x6b: {  	_ =	swait.ge [sflag:s9], $0x1400  }
0x6c: {  	[sflag:s9] =	ssyncset.done $0x0  }
0x6d: {  	s12 =	simm.s32 $0x118;
	[sflag:s9] =	ssyncadd.s32 $0xFFFFEC00  }
0x6e: {  	[tilespmem:s20], [sflag:$0x3] =	stream.indirect.gather [hbm4b:s6+s16], $0x80, s12, s16, $0xb8;
	[tilespmem:$0x1F680] =	vst v63  }
0x6f: {  	_ =	swait.ge [sflag:s5], $0x1400  }
0x70: {  	[sflag:s5] =	ssyncset.done $0x0  }
0x71: {  	s13 =	simm.s32 $0x1600;
	[sflag:s5] =	ssyncadd.s32 $0xFFFFEC00  }
0x72: {  	[spmem:s4] =	stream.indirect.scatter.add.f32 [tilespmem:s25], [sflag:$0xA], $0x80, s13, s16, $0xb8;
	[tilespmem:$0x1F680] =	vst v63  }
0x73: {  	_ =	swait.ge [sflag:s2], $0x1400  }
0x74: {  	[sflag:s2] =	ssyncset.done $0x0  }
0x75: {  	p0 =	por p1, p1;
	s30 =	simm.s32 $0x1880;
	[sflag:s2] =	ssyncadd.s32 $0xFFFFEC00  }
0x76: {  	[tilespmem:s22], [sflag:$0x4] =	stream.indirect.gather [hbm4b:s6+s16], $0x80, s19, s16, $0xb8;
	[tilespmem:$0x1F680] =	vst v63  }
.LBB2_3:
0x77: {  	_ =	swait.ge [sflag:s23], $0x1400  }
0x78: {  	[sflag:s23] =	ssyncset.done $0x0  }
0x79: {  	s0 =	sadd.s32 $0xFFFFFE00, s30;
	[sflag:s23] =	ssyncadd.s32 $0xFFFFEC00  }
0x7a: {  	[spmem:s4] =	stream.indirect.scatter.add.f32 [tilespmem:s17], [sflag:$0x6], $0x80, s0, s16, $0xb8;
	[tilespmem:$0x1F680] =	vst v63  }
0x7b: {  	_ =	swait.ge [sflag:s21], $0x1400  }
0x7c: {  	s0 =	sshra.s32 s28, $0x2;
	[sflag:s21] =	ssyncset.done $0x0  }
0x7d: {  	s7 =	sadd.s32 $0x168, s0;
	[sflag:s21] =	ssyncadd.s32 $0xFFFFEC00  }
0x7e: {  	[tilespmem:s25], [sflag:$0x5] =	stream.indirect.gather [hbm4b:s6+s16], $0x80, s7, s16, $0xb8;
	[tilespmem:$0x1F680] =	vst v63  }
0x7f: {  	_ =	swait.ge [sflag:s26], $0x1400  }
0x80: {  	p1 =	seq.s32 s28, $0x47E0;
	[sflag:s26] =	ssyncset.done $0x0  }
0x81: {  	s12 =	sadd.s32 $0xFFFFFE80, s30;
	s7 =	simm.s32 @p1 $0x3;
	[sflag:s26] =	ssyncadd.s32 $0xFFFFEC00  }
0x82: {  	[spmem:s4] =	stream.indirect.scatter.add.f32 [tilespmem:s18], [sflag:$0x7], $0x80, s12, s16, $0xb8;
	[tilespmem:$0x1F680] =	vst v63  }
0x83: {  	_ =	swait.ge @p1 [sflag:s7], $0x1400  }
0x84: {  	s13 =	simm.s32 @p1 $0x7A80;
	[sflag:s7] =	ssyncset.done @p1 $0x0  }
0x85: {  	s12 =	simm.s32 @p1 $0x28;
	[sflag:s7] =	ssyncadd.s32 @p1 $0xFFFFEC00;
	s7 =	sadd.s32 @p1 $0xFFFFFF00, s30  }
0x86: {  	[spmem:s4] =	stream.indirect.scatter.add.f32 @p1 [tilespmem:s13], [sflag:$0x8], $0x80, s7, s12, $0xb8;
	[tilespmem:$0x1F680] =	vst v63  }
0x87: {  	s7 =	simm.s32 @!p1 $0x6  }
0x88: {  	_ =	swait.ge @!p1 [sflag:s7], $0x1400  }
0x89: {  	[sflag:s7] =	ssyncset.done @!p1 $0x0  }
0x8a: {  	[sflag:s7] =	ssyncadd.s32 @!p1 $0xFFFFEC00;
	s7 =	sshra.s32 @!p1 s28, $0x2  }
0x8b: {  	s1 =	simm.s32 @!p1 $0x5280;
	s13 =	simm.s32 @!p1 $0x28;
	s12 =	sadd.s32 @!p1 $0x190, s7  }
0x8c: {  	[tilespmem:s1], [sflag:$0x1] =	stream.indirect.gather @!p1 [hbm4b:s6+s13], $0x80, s12, s13, $0xb8;
	[tilespmem:$0x1F680] =	vst v63  }
0x8d: {  	s1 =	simm.s32 @!p1 $0x3  }
0x8e: {  	_ =	swait.ge @!p1 [sflag:s1], $0x1400  }
0x8f: {  	[sflag:s1] =	ssyncset.done @!p1 $0x0  }
0x90: {  	s12 =	simm.s32 @!p1 $0x7A80;
	[sflag:s1] =	ssyncadd.s32 @!p1 $0xFFFFEC00;
	s1 =	sadd.s32 @!p1 $0xFFFFFF00, s30  }
0x91: {  	[spmem:s4] =	stream.indirect.scatter.add.f32 @!p1 [tilespmem:s12], [sflag:$0x8], $0x80, s1, s13, $0xb8;
	[tilespmem:$0x1F680] =	vst v63  }
0x92: {  	s1 =	simm.s32 @!p1 $0x7  }
0x93: {  	_ =	swait.ge @!p1 [sflag:s1], $0x1400  }
0x94: {  	[sflag:s1] =	ssyncset.done @!p1 $0x0  }
0x95: {  	[sflag:s1] =	ssyncadd.s32 @!p1 $0xFFFFEC00;
	s1 =	sadd.s32 @!p1 $0x1B8, s7;
	s7 =	simm.s32 @!p1 $0x6680  }
0x96: {  	[tilespmem:s7], [sflag:$0x2] =	stream.indirect.gather @!p1 [hbm4b:s6+s13], $0x80, s1, s13, $0xb8;
	[tilespmem:$0x1F680] =	vst v63  }
.Ltmp4:
0x97: {  	_ = 	snop;
	(pc) =	sbr.rel @p1 .LBB2_5-.Ltmp4, $4  }
0x98: {  	_ =	swait.ge [sflag:s11], $0x1400  }
0x99: {  	[sflag:s11] =	ssyncset.done $0x0  }
0x9a: {  	s13 =	sadd.s32 $0xFFFFFF80, s30;
	[sflag:s11] =	ssyncadd.s32 $0xFFFFEC00  }
0x9b: {  	[spmem:s4] =	stream.indirect.scatter.add.f32 [tilespmem:s22], [sflag:$0x9], $0x80, s13, s16, $0xb8;
	[tilespmem:$0x1F680] =	vst v63  }
0x9c: {  	_ =	swait.ge [sflag:s9], $0x1400  }
0x9d: {  	[sflag:s9] =	ssyncset.done $0x0  }
0x9e: {  	s1 =	sadd.s32 $0x1E0, s0;
	[sflag:s9] =	ssyncadd.s32 $0xFFFFEC00  }
0x9f: {  	[tilespmem:s20], [sflag:$0x3] =	stream.indirect.gather [hbm4b:s6+s16], $0x80, s1, s16, $0xb8;
	[tilespmem:$0x1F680] =	vst v63  }
0xa0: {  	_ =	swait.ge [sflag:s5], $0x1400  }
0xa1: {  	[sflag:s5] =	ssyncset.done $0x0  }
0xa2: {  	[sflag:s5] =	ssyncadd.s32 $0xFFFFEC00  }
0xa3: {  	[spmem:s4] =	stream.indirect.scatter.add.f32 [tilespmem:s25], [sflag:$0xA], $0x80, s30, s16, $0xb8;
	[tilespmem:$0x1F680] =	vst v63  }
.Ltmp5:
0xa4: {  	_ = 	snop;
	(pc) =	sbr.rel .LBB2_3-.Ltmp5, $4  }
0xa5: {  	_ =	swait.ge [sflag:s2], $0x1400  }
0xa6: {  	s13 =	sadd.s32 $0x208, s0;
	[sflag:s2] =	ssyncset.done $0x0  }
0xa7: {  	s28 =	sadd.s32 $0x320, s28;
	s30 =	sadd.s32 $0x280, s30;
	[sflag:s2] =	ssyncadd.s32 $0xFFFFEC00  }
0xa8: {  	[tilespmem:s22], [sflag:$0x4] =	stream.indirect.gather [hbm4b:s6+s16], $0x80, s13, s16, $0xb8;
	[tilespmem:$0x1F680] =	vst v63  }
.LBB2_7:
0xa9: {  	_ =	sfence.sel $0x180000  }
0xaa: {  	[bflag:$0x0] =	sbarrier.arrive $0xFFFF  }
0xab: {  	_ =	strace $0x90000050  }
0xac: {  	s0 =	stileid.u32;
	[bflag:$0x2] =	sbarrier.arrive $0xFFFF  }
0xad: {  	p0 =	sne.s32 s0, $0x0;
	s0 =	rddreg [dreg:$0x4]  }
0xae: {  	s0 =	sadd.s32 @!p0 $0x100000, s0  }
0xaf: {  	[sflag:s0] =	ssyncadd.tile.s32 @!p0 $0x1;
	_ =	shalt  }
.Lfunc_end2:
_tile_overlayer_lowered:
.L_overlay_start_2:
0xb0: {  	(tag) =	ssettag $0x2  }
0xb1: {  	s0 =	rddreg [dreg:$0x0];
	s2 =	stileid.u32  }
0xb2: {  	s1 =	rddreg [dreg:$0x1];
	p0 =	sne.s32 s2, $0x0  }
0xb3: {  	s3 =	rddreg [dreg:$0x2];
	[bflag:$0x3] =	sbarrier.arrive $0xFFFF;
	s2 =	simm.s32 @!p0 $0x1C0B  }
0xb4: {  	[timem:s3], [sflag:s2] =	dma.local @!p0 [hbm:s0], s1  }
0xb5: {  	s0 =	simm.s32 @!p0 $0xB  }
0xb6: {  	_ =	swait.ge @!p0 [sflag:s0], s1  }
0xb7: {  	s1 =	ssub.s32 @!p0 $0x0, s1;
	[sflag:s0] =	ssyncset.done @!p0 $0x0  }
0xb8: {  	[sflag:s0] =	ssyncadd.s32 @!p0 s1  }
0xb9: {  	[bflag:$0x3] =	sbarrier.arrive $0xFFFF  }
0xba: {  	_ =	shalt  }

// kernel: kernel.28.cloned.1.call-start
scs
__scs_entry_jumppad:
0x0: {  	(pc) =	sbr.rel $0x88, $3  }
0x1: {  	(tag) =	ssettag $0x0;
	lr =	simm.s32 $0x1  }
0x2: {  	[smem:$0x3F98] =	sst lr;
	_ =	strace $0xD0000000  }
0x3: {  	_ = 	snop  }
0x4: {  	_ = 	snop  }
0x5: {  	_ = 	snop  }
0x6: {  	_ = 	snop  }
0x7: {  	_ = 	snop  }
__scs_overlays_trampoline_lowered:
0x8: {  	[smem:$0x3FA7] =	sst s0  }
0x9: {  	[smem:$0x3FA8] =	sst s1  }
0xa: {  	[smem:$0x3FA9] =	sst s2  }
0xb: {  	[smem:$0x3FAA] =	sst s3  }
0xc: {  	[smem:$0x3FAB] =	sst s4  }
0xd: {  	[smem:$0x3FAC] =	sst s5  }
0xe: {  	[smem:$0x3FAD] =	sst s6  }
0xf: {  	[smem:$0x3FAE] =	sst s7  }
0x10: {  	[smem:$0x3FAF] =	sst s8  }
0x11: {  	[smem:$0x3FB0] =	sst s9;
	s0 =	simm.s32 @!p0 $0x0  }
0x12: {  	s1 =	sld [smem:$0x3F96];
	s0 =	simm.s32 @p0 $0x1  }
0x13: {  	[smem:$0x3FB1] =	sst s0;
	s0 =	simm.s32 @!p1 $0x0  }
0x14: {  	s2 =	sld [smem:$0x3F95];
	s0 =	simm.s32 @p1 $0x1  }
0x15: {  	[smem:$0x3FB2] =	sst s0;
	s0 =	simm.s32 @!p2 $0x0  }
0x16: {  	s3 =	sld [smem:$0x3FDB];
	s0 =	simm.s32 @p2 $0x1  }
0x17: {  	s4 =	simm.s32 $0x1BF5;
	[smem:$0x3FB4] =	sst s0  }
0x18: {  	s0 =	sld [smem:$0x3F97];
	_ =	swait.ge [sflag:s4], $0x0  }
0x19: {  	s7 =	sld [smem:$0x3F98]  }
0x1a: {  	s8 =	sadd.s32 $0xFFFFE003, lr  }
0x1b: {  	s9 =	sadd.s32 $0xFFFFFEF7, lr;
	s5 =	simm.s32 $0xFFFFFFFF;
	p2 =	slt.u32 s8, $0xFFFFF086  }
0x1c: {  	p1 =	slt.u32 s9, $0xF7A;
	s5 =	simm.s32 @!p2 $0x0  }
0x1d: {  	s5 =	simm.s32 @p1 $0x1;
	p0 =	seq.s32 s7, s2  }
0x1e: {  	s7 =	smul.u32 @!p0 $0xF7A, s2;
	p2 =	seq.s32 @!p0 s5, $0x0  }
0x1f: {  	s9 =	smul.u32 $0xF7A, s1;
	s8 =	simm.s32 @!p0 $0x1BF5;
	p2 =	por !p2, p0  }
0x20: {  	[sflag:s8] =	ssyncset.s32 @!p0 $0xFFFFF086;
	s6 =	sadd.s32 @!p0 s3, s7;
	s7 =	simm.s32 @!p0 $0x108  }
0x21: {  	s3 =	sadd.s32 s3, s9;
	s6 =	sadd.s32 @!p0 $0x88, s6;
	s7 =	simm.s32 @p2 $0x1082  }
0x22: {  	[simem:s7], [sflag:s8] =	dma.local @!p0 [hbm:s6], $0xF7A  }
0x23: {  	s9 =	sor.u32 $0xD0000000, s2;
	s6 =	simm.s32 $0x108;
	_ =	swait.ge @!p0 [sflag:s8], $0x0  }
0x24: {  	s3 =	sadd.s32 $0x88, s3;
	s6 =	simm.s32 @!p1 $0x1082;
	[sflag:s4] =	ssyncset.s32 $0xFFFFF086  }
0x25: {  	[simem:s6], [sflag:s4] =	dma.local [hbm:s3], $0xF7A  }
0x26: {  	[smem:$0x3F98] =	sst s1;
	(tag) =	ssettag s2;
	_ =	strace s9  }
0x27: {  	s1 =	sld [smem:$0x3FA8]  }
0x28: {  	s2 =	sld [smem:$0x3FA9]  }
0x29: {  	s4 =	sld [smem:$0x3FAB]  }
0x2a: {  	p0 =	seq.s32 s5, $0x0;
	s5 =	sld [smem:$0x3FAC]  }
0x2b: {  	s6 =	sld [smem:$0x3FAD]  }
0x2c: {  	s7 =	sld [smem:$0x3FAE]  }
0x2d: {  	s3 =	simm.s32 $0x108;
	s8 =	sld [smem:$0x3FAF]  }
0x2e: {  	s3 =	simm.s32 @!p0 $0x1082;
	s9 =	sld [smem:$0x3FB0]  }
0x2f: {  	lr =	sadd.s32 s0, s3;
	s0 =	sld [smem:$0x3FA7]  }
0x30: {  	s3 =	sld [smem:$0x3FAA]  }
0x31: {  	[smem:$0x3FB3] =	sst s10  }
0x32: {  	s10 =	sld [smem:$0x3FB1];
	_ =	sdelay $0x3  }
0x33: {  	p0 =	seq.s32 s10, $0x1;
	s10 =	sld [smem:$0x3FB3];
	_ =	sdelay $0x3  }
0x34: {  	[smem:$0x3FB3] =	sst s10  }
0x35: {  	s10 =	sld [smem:$0x3FB2];
	_ =	sdelay $0x3  }
0x36: {  	p1 =	seq.s32 s10, $0x1;
	s10 =	sld [smem:$0x3FB3];
	_ =	sdelay $0x3  }
0x37: {  	[smem:$0x3FB3] =	sst s10  }
0x38: {  	s10 =	sld [smem:$0x3FB4]  }
0x39: {  	_ = 	snop;
	(pc) =	sbr.ind lr, $3  }
0x3a: {  	_ = 	snop  }
0x3b: {  	_ = 	snop  }
0x3c: {  	p2 =	seq.s32 s10, $0x1;
	s10 =	sld [smem:$0x3FB3]  }
0x3d: {  	_ =	shalt  }
0x3e: {  	_ =	shalt  }
0x3f: {  	_ =	shalt  }
0x40: {  	_ =	shalt  }
0x41: {  	_ =	shalt  }
0x42: {  	_ =	shalt  }
0x43: {  	_ =	shalt  }
0x44: {  	_ =	shalt  }
0x45: {  	_ =	shalt  }
0x46: {  	_ =	shalt  }
0x47: {  	_ =	shalt  }
0x48: {  	_ =	shalt  }
0x49: {  	_ =	shalt  }
0x4a: {  	_ =	shalt  }
0x4b: {  	_ =	shalt  }
0x4c: {  	_ =	shalt  }
0x4d: {  	_ =	shalt  }
0x4e: {  	_ =	shalt  }
0x4f: {  	_ =	shalt  }
0x50: {  	_ =	shalt  }
0x51: {  	_ =	shalt  }
0x52: {  	_ =	shalt  }
0x53: {  	_ =	shalt  }
0x54: {  	_ =	shalt  }
0x55: {  	_ =	shalt  }
0x56: {  	_ =	shalt  }
0x57: {  	_ =	shalt  }
0x58: {  	_ =	shalt  }
0x59: {  	_ =	shalt  }
0x5a: {  	_ =	shalt  }
0x5b: {  	_ =	shalt  }
0x5c: {  	_ =	shalt  }
0x5d: {  	_ =	shalt  }
0x5e: {  	_ =	shalt  }
0x5f: {  	_ =	shalt  }
0x60: {  	_ =	shalt  }
0x61: {  	_ =	shalt  }
0x62: {  	_ =	shalt  }
0x63: {  	_ =	shalt  }
0x64: {  	_ =	shalt  }
0x65: {  	_ =	shalt  }
0x66: {  	_ =	shalt  }
0x67: {  	_ =	shalt  }
0x68: {  	_ =	shalt  }
0x69: {  	_ =	shalt  }
0x6a: {  	_ =	shalt  }
0x6b: {  	_ =	shalt  }
0x6c: {  	_ =	shalt  }
0x6d: {  	_ =	shalt  }
0x6e: {  	_ =	shalt  }
0x6f: {  	_ =	shalt  }
0x70: {  	_ =	shalt  }
0x71: {  	_ =	shalt  }
0x72: {  	_ =	shalt  }
0x73: {  	_ =	shalt  }
0x74: {  	_ =	shalt  }
0x75: {  	_ =	shalt  }
0x76: {  	_ =	shalt  }
0x77: {  	_ =	shalt  }
0x78: {  	_ =	shalt  }
0x79: {  	_ =	shalt  }
0x7a: {  	_ =	shalt  }
0x7b: {  	_ =	shalt  }
0x7c: {  	_ =	shalt  }
0x7d: {  	_ =	shalt  }
0x7e: {  	_ =	shalt  }
0x7f: {  	_ =	shalt  }
0x80: {  	_ =	shalt  }
0x81: {  	_ =	shalt  }
0x82: {  	_ =	shalt  }
0x83: {  	_ =	shalt  }
0x84: {  	_ =	shalt  }
0x85: {  	_ =	shalt  }
0x86: {  	_ =	shalt  }
0x87: {  	_ =	shalt  }
.Lfunc_end0:
.L_simem_size_0:
called_computation.4_lowered:
.L_overlay_start_0:
0x88: {  	s2 =	sld [smem:$0x3FD9]  }
0x89: {  	s3 =	sld [smem:$0x3FFE];
	_ =	sdelay $0x1  }
0x8a: {  	s1 =	srdreg.scid  }
0x8b: {  	s0 =	sand.u32 $0x1, s1  }
0x8c: {  	s14 =	sshll.u32 s0, $0xA;
	s2 =	sadd.s32 s3, s2  }
0x8d: {  	s2 =	sadd.s32 s2, s14  }
0x8e: {  	[smem:$0x3FBF] =	sst s2  }
0x8f: {  	_ = 	snop  }
0x90: {  	s2 =	sld [smem:$0x3FD0];
	_ =	sdelay $0x2  }
0x91: {  	s15 =	simm.s32 $0xA;
	s4 =	simm.s32 $0x10  }
0x92: {  	[smem:s4], [sflag:s15] =	dma.local [hbm:s2], $0x1  }
0x93: {  	_ =	swait.eq [sflag:s15], $0x1  }
0x94: {  	[sflag:s15] =	ssyncset.done $0x0  }
0x95: {  	[sflag:s15] =	ssyncadd.s32 $0xFFFFFFFF  }
0x96: {  	s16 =	sld [smem:$0x12];
	(tm) =	ssettm $0x1  }
0x97: {  	s17 =	sld [smem:$0x3FFB];
	_ =	sdelay $0x3  }
0x98: {  	_ =	strace s17  }
0x99: {  	s3 =	sld [smem:$0x3FFC];
	_ =	sdelay $0x3  }
0x9a: {  	_ =	strace s3  }
0x9b: {  	s3 =	sld [smem:$0x3FFD];
	_ =	sdelay $0x3  }
0x9c: {  	_ =	strace s3  }
0x9d: {  	_ =	strace $0x8FFFFFFF  }
0x9e: {  	s18 =	sld [smem:$0x3FDB];
	_ =	sdelay $0x1  }
0x9f: {  	s19 =	simm.s32 $_scs_section_size  }
0xa0: {  	s5 =	simm.s32 $_size__tile_overlayer_lowered;
	s6 =	simm.s32 $_tile_overlayer_lowered  }
0xa1: {  	s22 =	simm.s32 $0x1BFF;
	s21 =	sshll.u32 s6, $0x1;
	s3 =	sadd.s32 s19, s18  }
0xa2: {  	s7 =	simm.s32 $0x0;
	s20 =	sshll.u32 s5, $0x1;
	s5 =	sadd.s32 s21, s3  }
0xa3: {  	[timem:s7], [sflag:s22] =	dma.local [hbm:s5], s20  }
0xa4: {  	_ =	swait.ge [sflag:s22], s20  }
0xa5: {  	s4 =	ssub.s32 $0x0, s20;
	[sflag:s22] =	ssyncset.done $0x0  }
0xa6: {  	[sflag:s22] =	ssyncadd.s32 s4;
	_ =	sdelay $0x1  }
0xa7: {  	s23 =	simm.s32 $0x1B8B  }
0xa8: {  	_ =	swait.ge [sflag:s23], $0x1  }
0xa9: {  	[sflag:s23] =	ssyncset.done $0x0  }
0xaa: {  	s25 =	simm.s32 $0x1B8E;
	s24 =	sld [smem:$0x3FFE];
	[sflag:s23] =	ssyncadd.s32 $0xFFFFFFFF  }
0xab: {  	s26 =	simm.s32 $execute0_lowered;
	[smem:$0x3FD2] =	sst s25  }
0xac: {  	s5 =	sshll.u32 s26, $0x1;
	_ =	strace $0x80000052;
	[dreg:$0x1] =	wrdreg $0xFFFFFFFF  }
0xad: {  	s28 =	simm.s32 $_size_execute0_lowered;
	s3 =	sadd.s32 s3, s5;
	[dreg:$0x0] =	wrdreg $0x0  }
0xae: {  	s5 =	sshll.u32 s28, $0x1;
	[dreg:$0x2] =	wrdreg s3  }
0xaf: {  	[dreg:$0x3] =	wrdreg s5  }
0xb0: {  	[dreg:$0x4] =	wrdreg $0xC0  }
0xb1: {  	_ =	task [dreg:s7], $0x5FFFF  }
0xb2: {  	[dreg:$0x1] =	wrdreg $0xFFFFFFFF  }
0xb3: {  	[dreg:$0x0] =	wrdreg $0x60  }
0xb4: {  	[dreg:$0x2] =	wrdreg s24  }
0xb5: {  	[dreg:$0x3] =	wrdreg s16  }
0xb6: {  	[dreg:$0x4] =	wrdreg $0xB6800  }
0xb7: {  	[dreg:$0x5] =	wrdreg $0x9  }
0xb8: {  	_ =	task.clear_ibuf [dreg:s7], $0x6FFFF;
	_ =	strace $0x90000052  }
0xb9: {  	s29 =	simm.s32 $0x9;
	_ =	strace $0x80000054  }
0xba: {  	_ =	swait.ge [sflag:s29], $0x1  }
0xbb: {  	[sflag:s29] =	ssyncadd.s32 $0xFFFFFFFF  }
0xbc: {  	_ =	strace $0x90000054  }
0xbd: {  	_ =	sfence  }
0xbe: {  	s30 =	sld [smem:$0x0];
	_ =	sdelay $0x2  }
0xbf: {  	s31 =	sshll.u32 s1, $0xD;
	s1 =	sshrl.u32 s1, $0x2  }
0xc0: {  	s3 =	sand.u32 $0x4000, s31;
	s1 =	sadd.s32 s1, s30  }
0xc1: {  	s0 =	sor.u32 s3, s0;
	s1 =	sshll.u32 s1, $0x11  }
0xc2: {  	s0 =	sor.u32 s1, s0  }
0xc3: {  	s0 =	sadd.s32 $0x8F2B, s0  }
0xc4: {  	[sflag:s0] =	ssyncadd.remote.s32 $0x1  }
0xc5: {  	_ =	sfence.sel $0xFFFF  }
0xc6: {  	[dreg:$0x0] =	wrdreg $0xFFFFFFFF;
	(pc) =	sbr.abs _section_cstart, $3  }
0xc7: {  	[dreg:$0x1] =	wrdreg $0xFFFFFFFF  }
0xc8: {  	_ =	task.clear_ibuf [dreg:s7], $0x2FFFF;
	_ =	strace $0x9FFFFFFF  }
0xc9: {  	(tm) =	ssettm $0x7FFFFFFF  }
tec
execute0_lowered:
.L_overlay_start_1:
0x0: {  	(tag) =	ssettag $0x1  }
0x1: {  	s0 =	srdreg.scid;
	s1 =	rddreg [dreg:$0x0]  }
0x2: {  	s11 =	stileid.u32;
	s5 =	rddreg [dreg:$0x1];
	s3 =	simm.s32 $0x0  }
0x3: {  	s14 =	simm.s32 $0x28;
	s15 =	simm.s32 $0x5280;
	s16 =	simm.s32 $0x6680  }
0x4: {  	s18 =	simm.s32 $0x7A80;
	s29 =	simm.s32 $0x3;
	s31 =	simm.s32 $0x7  }
0x5: {  	s19 =	simm.s32 $0x8;
	s30 =	simm.s32 $0x9;
	s17 =	simm.s32 $0xA  }
0x6: {  	s28 =	simm.s32 $0x0;
	s0 =	sand.u32 $0x1, s0;
	s2 =	sshll.u32 s11, $0x1  }
0x7: {  	s8 =	smul.u32 $0x2800, s11;
	[smem:$0x7FF] =	sst s3;
	s4 =	sadd.s32 $0x5D400, s1  }
0x8: {  	s21 =	smul.u32 $0x50000, s11;
	s22 =	sadd.s32 $0xAA00, s1;
	s24 =	sshll.u32 s11, $0x6  }
0x9: {  	s6 =	sor.u32 s0, s2;
	s2 =	rddreg [dreg:$0x2];
	s9 =	smul.u32 $0x28000, s0  }
0xa: {  	_ =	strace $0x80000053;
	s0 =	ssub.s32 $0x2, s0;
	s7 =	smul.u32 $0x271, s6  }
0xb: {  	[dreg:$0x4] =	wrdreg s22;
	s23 =	sshrl.u32 s0, $0x1;
	s25 =	smul.u32 $0x7D0, s6  }
0xc: {  	s6 =	sor.u32 $0x1C0B, s24;
	s24 =	simm.s32 $0x2;
	s20 =	sadd.s32 s8, s9  }
0xd: {  	s8 =	sshrl.u32 s21, $0x2;
	s0 =	ssub.s32 s0, s23;
	s21 =	simm.s32 $0x1  }
0xe: {  	s23 =	simm.s32 $0xA280;
	s10 =	sadd.s32 s7, s1;
	s1 =	sadd.s32 s20, s1  }
.Ltmp0:
0xf: {  	s12 =	sadd.s32 s8, s2;
	s5 =	sadd.s32 s5, s25;
	(pc) =	sbr.rel .LBB2_1-.Ltmp0, $4  }
0x10: {  	s20 =	simm.s32 $0x8E80;
	s25 =	simm.s32 $0x5;
	[dreg:$0x5] =	wrdreg s5  }
0x11: {  	s26 =	sadd.s32 $0x5A00, s10;
	s1 =	sadd.s32 $0xAD800, s1;
	s10 =	smax.u32 s0, $0x1  }
0x12: {  	s11 =	sshrl.u32 s12, $0x3;
	s12 =	simm.s32 $0xB;
	[dreg:$0x6] =	wrdreg s26  }
0x13: {  	s0 =	simm.s32 $0x4;
	[dreg:$0x7] =	wrdreg s1;
	s26 =	simm.s32 $0x6  }
.LBB2_4:
0x14: {  	_ =	swait.ge [sflag:s25], $0x1400  }
0x15: {  	[sflag:s25] =	ssyncset.done $0x0  }
0x16: {  	s1 =	simm.s32 $0x5200;
	[sflag:s25] =	ssyncadd.s32 $0xFFFFEC00  }
0x17: {  	[spmem:s2] =	stream.indirect.scatter.add.f32 [tilespmem:s23], [sflag:$0xA], $0x80, s1, s14, $0xb8;
	[tilespmem:$0x1F680] =	vst v63  }
0x18: {  	_ =	swait.ge [sflag:s26], $0x1400  }
0x19: {  	[sflag:s26] =	ssyncset.done $0x0  }
0x1a: {  	[sflag:s26] =	ssyncadd.s32 $0xFFFFEC00  }
0x1b: {  	_ =	swait.ge [sflag:s31], $0x1400  }
0x1c: {  	[sflag:s31] =	ssyncset.done $0x0  }
0x1d: {  	[sflag:s31] =	ssyncadd.s32 $0xFFFFEC00  }
0x1e: {  	_ =	swait.ge [sflag:s19], $0x1400  }
0x1f: {  	[sflag:s19] =	ssyncset.done $0x0  }
0x20: {  	[sflag:s19] =	ssyncadd.s32 $0xFFFFEC00  }
0x21: {  	_ =	swait.ge [sflag:s30], $0x1400  }
0x22: {  	[sflag:s30] =	ssyncset.done $0x0  }
0x23: {  	[sflag:s30] =	ssyncadd.s32 $0xFFFFEC00  }
0x24: {  	_ =	swait.ge [sflag:s17], $0x1400  }
0x25: {  	[sflag:s17] =	ssyncset.done $0x0  }
0x26: {  	s28 =	sadd.s32 $0x1, s28;
	[sflag:s17] =	ssyncadd.s32 $0xFFFFEC00  }
0x27: {  	p0 =	sne.s32 s28, s10;
	[bflag:$0x0] =	sbarrier.arrive $0xFFFF  }
.Ltmp1:
0x28: {  	s22 =	rddreg [dreg:$0x7];
	(pc) =	sbr.rel @!p0 .LBB2_5-.Ltmp1, $4  }
0x29: {  	[hbm:s22], [sflag:s6] =	dma.local [spmem:s11], $0x2800  }
0x2a: {  	_ =	swait.ge [sflag:s12], $0x2800  }
0x2b: {  	[sflag:s12] =	ssyncset.done $0x0  }
0x2c: {  	[sflag:s12] =	ssyncadd.s32 $0xFFFFD800  }
.LBB2_1:
0x2d: {  	s1 =	rddreg [dreg:$0x4]  }
0x2e: {  	[spmem:s11], [sflag:s6] =	dma.local [hbm:s1], $0x2800  }
0x2f: {  	_ =	swait.ge [sflag:s12], $0x2800  }
0x30: {  	[sflag:s12] =	ssyncset.done $0x0  }
0x31: {  	[sflag:s12] =	ssyncadd.s32 $0xFFFFD800  }
0x32: {  	[bflag:$0x0] =	sbarrier.arrive $0xFFFF  }
0x33: {  	s5 =	simm.s32 $0x1400;
	s13 =	rddreg [dreg:$0x5]  }
0x34: {  	[tilespmem:s5], [sflag:$0xB] =	stream.linear.gather [hbm4b:s13+s3], $0x3E80, $0x38;
	[tilespmem:$0x1F680] =	vst v63  }
0x35: {  	_ =	swait.ge [sflag:s12], $0x3E80  }
0x36: {  	[sflag:s12] =	ssyncset.done $0x0  }
0x37: {  	s22 =	rddreg [dreg:$0x6];
	[sflag:s12] =	ssyncadd.s32 $0xFFFFC180  }
0x38: {  	[tilespmem:s3], [sflag:$0xB] =	stream.linear.gather [hbm4b:s22+s3], $0x1388, $0x38;
	[tilespmem:$0x1F680] =	vst v63  }
0x39: {  	_ =	swait.ge [sflag:s12], $0x1388  }
0x3a: {  	[sflag:s12] =	ssyncset.done $0x0  }
0x3b: {  	[sflag:s12] =	ssyncadd.s32 $0xFFFFEC78  }
0x3c: {  	[tilespmem:s15], [sflag:$0x1] =	stream.indirect.gather [hbm4b:s4+s14], $0x80, s3, s14, $0xb8;
	[tilespmem:$0x1F680] =	vst v63  }
0x3d: {  	_ = 	snop  }
0x3e: {  	[tilespmem:s16], [sflag:$0x2] =	stream.indirect.gather [hbm4b:s4+s14], $0x80, s14, s14, $0xb8;
	[tilespmem:$0x1F680] =	vst v63  }
0x3f: {  	s7 =	simm.s32 $0x50  }
0x40: {  	[tilespmem:s18], [sflag:$0x3] =	stream.indirect.gather [hbm4b:s4+s14], $0x80, s7, s14, $0xb8;
	[tilespmem:$0x1F680] =	vst v63  }
0x41: {  	s8 =	simm.s32 $0x78  }
0x42: {  	[tilespmem:s20], [sflag:$0x4] =	stream.indirect.gather [hbm4b:s4+s14], $0x80, s8, s14, $0xb8;
	[tilespmem:$0x1F680] =	vst v63  }
0x43: {  	_ =	swait.ge [sflag:s21], $0x1400  }
0x44: {  	[sflag:s21] =	ssyncset.done $0x0  }
0x45: {  	[sflag:s21] =	ssyncadd.s32 $0xFFFFEC00  }
0x46: {  	[spmem:s2] =	stream.indirect.scatter.add.f32 [tilespmem:s15], [sflag:$0x6], $0x80, s5, s14, $0xb8;
	[tilespmem:$0x1F680] =	vst v63  }
0x47: {  	s9 =	simm.s32 $0xA0  }
0x48: {  	[tilespmem:s23], [sflag:$0x5] =	stream.indirect.gather [hbm4b:s4+s14], $0x80, s9, s14, $0xb8;
	[tilespmem:$0x1F680] =	vst v63  }
0x49: {  	_ =	swait.ge [sflag:s24], $0x1400  }
0x4a: {  	[sflag:s24] =	ssyncset.done $0x0  }
0x4b: {  	s13 =	simm.s32 $0x1480;
	[sflag:s24] =	ssyncadd.s32 $0xFFFFEC00  }
0x4c: {  	[spmem:s2] =	stream.indirect.scatter.add.f32 [tilespmem:s16], [sflag:$0x7], $0x80, s13, s14, $0xb8;
	[tilespmem:$0x1F680] =	vst v63  }
0x4d: {  	_ =	swait.ge [sflag:s26], $0x1400  }
0x4e: {  	[sflag:s26] =	ssyncset.done $0x0  }
0x4f: {  	s22 =	simm.s32 $0xC8;
	[sflag:s26] =	ssyncadd.s32 $0xFFFFEC00  }
0x50: {  	[tilespmem:s15], [sflag:$0x1] =	stream.indirect.gather [hbm4b:s4+s14], $0x80, s22, s14, $0xb8;
	[tilespmem:$0x1F680] =	vst v63  }
0x51: {  	_ =	swait.ge [sflag:s29], $0x1400  }
0x52: {  	[sflag:s29] =	ssyncset.done $0x0  }
0x53: {  	s5 =	simm.s32 $0x1500;
	[sflag:s29] =	ssyncadd.s32 $0xFFFFEC00  }
0x54: {  	[spmem:s2] =	stream.indirect.scatter.add.f32 [tilespmem:s18], [sflag:$0x8], $0x80, s5, s14, $0xb8;
	[tilespmem:$0x1F680] =	vst v63  }
0x55: {  	_ =	swait.ge [sflag:s31], $0x1400  }
0x56: {  	[sflag:s31] =	ssyncset.done $0x0  }
0x57: {  	s7 =	simm.s32 $0xF0;
	[sflag:s31] =	ssyncadd.s32 $0xFFFFEC00  }
0x58: {  	[tilespmem:s16], [sflag:$0x2] =	stream.indirect.gather [hbm4b:s4+s14], $0x80, s7, s14, $0xb8;
	[tilespmem:$0x1F680] =	vst v63  }
0x59: {  	_ =	swait.ge [sflag:s0], $0x1400  }
0x5a: {  	[sflag:s0] =	ssyncset.done $0x0  }
0x5b: {  	s8 =	simm.s32 $0x1580;
	[sflag:s0] =	ssyncadd.s32 $0xFFFFEC00  }
0x5c: {  	[spmem:s2] =	stream.indirect.scatter.add.f32 [tilespmem:s20], [sflag:$0x9], $0x80, s8, s14, $0xb8;
	[tilespmem:$0x1F680] =	vst v63  }
0x5d: {  	_ =	swait.ge [sflag:s19], $0x1400  }
0x5e: {  	[sflag:s19] =	ssyncset.done $0x0  }
0x5f: {  	s9 =	simm.s32 $0x118;
	[sflag:s19] =	ssyncadd.s32 $0xFFFFEC00  }
0x60: {  	[tilespmem:s18], [sflag:$0x3] =	stream.indirect.gather [hbm4b:s4+s14], $0x80, s9, s14, $0xb8;
	[tilespmem:$0x1F680] =	vst v63  }
0x61: {  	_ =	swait.ge [sflag:s25], $0x1400  }
0x62: {  	[sflag:s25] =	ssyncset.done $0x0  }
0x63: {  	s13 =	simm.s32 $0x1600;
	[sflag:s25] =	ssyncadd.s32 $0xFFFFEC00  }
0x64: {  	[spmem:s2] =	stream.indirect.scatter.add.f32 [tilespmem:s23], [sflag:$0xA], $0x80, s13, s14, $0xb8;
	[tilespmem:$0x1F680] =	vst v63  }
0x65: {  	_ =	swait.ge [sflag:s30], $0x1400  }
0x66: {  	[sflag:s30] =	ssyncset.done $0x0  }
0x67: {  	s22 =	simm.s32 $0x140;
	[sflag:s30] =	ssyncadd.s32 $0xFFFFEC00  }
0x68: {  	[tilespmem:s20], [sflag:$0x4] =	stream.indirect.gather [hbm4b:s4+s14], $0x80, s22, s14, $0xb8;
	[tilespmem:$0x1F680] =	vst v63  }
0x69: {  	s1 =	simm.s32 $0x1880;
	s22 =	simm.s32 $0x0  }
.LBB2_2:
0x6a: {  	_ =	swait.ge [sflag:s21], $0x1400  }
0x6b: {  	[sflag:s21] =	ssyncset.done $0x0  }
0x6c: {  	s5 =	sadd.s32 $0xFFFFFE00, s1;
	[sflag:s21] =	ssyncadd.s32 $0xFFFFEC00  }
0x6d: {  	[spmem:s2] =	stream.indirect.scatter.add.f32 [tilespmem:s15], [sflag:$0x6], $0x80, s5, s14, $0xb8;
	[tilespmem:$0x1F680] =	vst v63  }
0x6e: {  	_ =	swait.ge [sflag:s17], $0x1400  }
0x6f: {  	s5 =	sshra.s32 s22, $0x2;
	[sflag:s17] =	ssyncset.done $0x0  }
0x70: {  	s7 =	sadd.s32 $0x168, s5;
	[sflag:s17] =	ssyncadd.s32 $0xFFFFEC00  }
0x71: {  	[tilespmem:s23], [sflag:$0x5] =	stream.indirect.gather [hbm4b:s4+s14], $0x80, s7, s14, $0xb8;
	[tilespmem:$0x1F680] =	vst v63  }
0x72: {  	_ =	swait.ge [sflag:s24], $0x1400  }
0x73: {  	p0 =	seq.s32 s22, $0x47E0;
	[sflag:s24] =	ssyncset.done $0x0  }
0x74: {  	s9 =	sadd.s32 $0xFFFFFE80, s1;
	s7 =	simm.s32 @p0 $0x3;
	[sflag:s24] =	ssyncadd.s32 $0xFFFFEC00  }
0x75: {  	[spmem:s2] =	stream.indirect.scatter.add.f32 [tilespmem:s16], [sflag:$0x7], $0x80, s9, s14, $0xb8;
	[tilespmem:$0x1F680] =	vst v63  }
0x76: {  	_ =	swait.ge @p0 [sflag:s7], $0x1400  }
0x77: {  	s8 =	simm.s32 @p0 $0x28;
	[sflag:s7] =	ssyncset.done @p0 $0x0  }
0x78: {  	s9 =	simm.s32 @p0 $0x7A80;
	[sflag:s7] =	ssyncadd.s32 @p0 $0xFFFFEC00;
	s7 =	sadd.s32 @p0 $0xFFFFFF00, s1  }
0x79: {  	[spmem:s2] =	stream.indirect.scatter.add.f32 @p0 [tilespmem:s9], [sflag:$0x8], $0x80, s7, s8, $0xb8;
	[tilespmem:$0x1F680] =	vst v63  }
0x7a: {  	s7 =	simm.s32 @!p0 $0x6  }
0x7b: {  	_ =	swait.ge @!p0 [sflag:s7], $0x1400  }
0x7c: {  	[sflag:s7] =	ssyncset.done @!p0 $0x0  }
0x7d: {  	[sflag:s7] =	ssyncadd.s32 @!p0 $0xFFFFEC00;
	s7 =	sshra.s32 @!p0 s22, $0x2  }
0x7e: {  	s13 =	simm.s32 @!p0 $0x5280;
	s9 =	simm.s32 @!p0 $0x28;
	s8 =	sadd.s32 @!p0 $0x190, s7  }
0x7f: {  	[tilespmem:s13], [sflag:$0x1] =	stream.indirect.gather @!p0 [hbm4b:s4+s9], $0x80, s8, s9, $0xb8;
	[tilespmem:$0x1F680] =	vst v63  }
0x80: {  	s8 =	simm.s32 @!p0 $0x3  }
0x81: {  	_ =	swait.ge @!p0 [sflag:s8], $0x1400  }
0x82: {  	[sflag:s8] =	ssyncset.done @!p0 $0x0  }
0x83: {  	s13 =	simm.s32 @!p0 $0x7A80;
	[sflag:s8] =	ssyncadd.s32 @!p0 $0xFFFFEC00;
	s8 =	sadd.s32 @!p0 $0xFFFFFF00, s1  }
0x84: {  	[spmem:s2] =	stream.indirect.scatter.add.f32 @!p0 [tilespmem:s13], [sflag:$0x8], $0x80, s8, s9, $0xb8;
	[tilespmem:$0x1F680] =	vst v63  }
0x85: {  	s8 =	simm.s32 @!p0 $0x7  }
0x86: {  	_ =	swait.ge @!p0 [sflag:s8], $0x1400  }
0x87: {  	[sflag:s8] =	ssyncset.done @!p0 $0x0  }
0x88: {  	s7 =	sadd.s32 @!p0 $0x1B8, s7;
	[sflag:s8] =	ssyncadd.s32 @!p0 $0xFFFFEC00;
	s8 =	simm.s32 @!p0 $0x6680  }
0x89: {  	[tilespmem:s8], [sflag:$0x2] =	stream.indirect.gather @!p0 [hbm4b:s4+s9], $0x80, s7, s9, $0xb8;
	[tilespmem:$0x1F680] =	vst v63  }
.Ltmp2:
0x8a: {  	_ = 	snop;
	(pc) =	sbr.rel @p0 .LBB2_4-.Ltmp2, $4  }
0x8b: {  	_ =	swait.ge [sflag:s0], $0x1400  }
0x8c: {  	[sflag:s0] =	ssyncset.done $0x0  }
0x8d: {  	s13 =	sadd.s32 $0xFFFFFF80, s1;
	[sflag:s0] =	ssyncadd.s32 $0xFFFFEC00  }
0x8e: {  	[spmem:s2] =	stream.indirect.scatter.add.f32 [tilespmem:s20], [sflag:$0x9], $0x80, s13, s14, $0xb8;
	[tilespmem:$0x1F680] =	vst v63  }
0x8f: {  	_ =	swait.ge [sflag:s19], $0x1400  }
0x90: {  	[sflag:s19] =	ssyncset.done $0x0  }
0x91: {  	s7 =	sadd.s32 $0x1E0, s5;
	[sflag:s19] =	ssyncadd.s32 $0xFFFFEC00  }
0x92: {  	[tilespmem:s18], [sflag:$0x3] =	stream.indirect.gather [hbm4b:s4+s14], $0x80, s7, s14, $0xb8;
	[tilespmem:$0x1F680] =	vst v63  }
0x93: {  	_ =	swait.ge [sflag:s25], $0x1400  }
0x94: {  	[sflag:s25] =	ssyncset.done $0x0  }
0x95: {  	[sflag:s25] =	ssyncadd.s32 $0xFFFFEC00  }
0x96: {  	[spmem:s2] =	stream.indirect.scatter.add.f32 [tilespmem:s23], [sflag:$0xA], $0x80, s1, s14, $0xb8;
	[tilespmem:$0x1F680] =	vst v63  }
.Ltmp3:
0x97: {  	_ = 	snop;
	(pc) =	sbr.rel .LBB2_2-.Ltmp3, $4  }
0x98: {  	_ =	swait.ge [sflag:s30], $0x1400  }
0x99: {  	s13 =	sadd.s32 $0x208, s5;
	[sflag:s30] =	ssyncset.done $0x0  }
0x9a: {  	s22 =	sadd.s32 $0x320, s22;
	s1 =	sadd.s32 $0x280, s1;
	[sflag:s30] =	ssyncadd.s32 $0xFFFFEC00  }
0x9b: {  	[tilespmem:s20], [sflag:$0x4] =	stream.indirect.gather [hbm4b:s4+s14], $0x80, s13, s14, $0xb8;
	[tilespmem:$0x1F680] =	vst v63  }
.LBB2_5:
0x9c: {  	_ =	sfence.sel $0x180000  }
0x9d: {  	[bflag:$0x0] =	sbarrier.arrive $0xFFFF  }
0x9e: {  	_ =	strace $0x90000053  }
0x9f: {  	s0 =	stileid.u32;
	[bflag:$0x2] =	sbarrier.arrive $0xFFFF  }
0xa0: {  	p0 =	sne.s32 s0, $0x0;
	s0 =	rddreg [dreg:$0x3]  }
0xa1: {  	s0 =	sadd.s32 @!p0 $0x100000, s0  }
0xa2: {  	[sflag:s0] =	ssyncadd.tile.s32 @!p0 $0x1;
	_ =	shalt  }
.Lfunc_end2:
_tile_overlayer_lowered:
.L_overlay_start_2:
0xa3: {  	(tag) =	ssettag $0x2  }
0xa4: {  	s0 =	rddreg [dreg:$0x0];
	s2 =	stileid.u32  }
0xa5: {  	s1 =	rddreg [dreg:$0x1];
	p0 =	sne.s32 s2, $0x0  }
0xa6: {  	s3 =	rddreg [dreg:$0x2];
	[bflag:$0x3] =	sbarrier.arrive $0xFFFF;
	s2 =	simm.s32 @!p0 $0x1C0B  }
0xa7: {  	[timem:s3], [sflag:s2] =	dma.local @!p0 [hbm:s0], s1  }
0xa8: {  	s0 =	simm.s32 @!p0 $0xB  }
0xa9: {  	_ =	swait.ge @!p0 [sflag:s0], s1  }
0xaa: {  	s1 =	ssub.s32 @!p0 $0x0, s1;
	[sflag:s0] =	ssyncset.done @!p0 $0x0  }
0xab: {  	[sflag:s0] =	ssyncadd.s32 @!p0 s1  }
0xac: {  	[bflag:$0x3] =	sbarrier.arrive $0xFFFF  }
0xad: {  	_ =	shalt  }

// kernel: kernel.31.cloned.1.call-start
scs
__scs_entry_jumppad:
0x0: {  	(pc) =	sbr.rel $0x88, $3  }
0x1: {  	(tag) =	ssettag $0x0;
	lr =	simm.s32 $0x1  }
0x2: {  	[smem:$0x3F98] =	sst lr;
	_ =	strace $0xD0000000  }
0x3: {  	_ = 	snop  }
0x4: {  	_ = 	snop  }
0x5: {  	_ = 	snop  }
0x6: {  	_ = 	snop  }
0x7: {  	_ = 	snop  }
__scs_overlays_trampoline_lowered:
0x8: {  	[smem:$0x3FA7] =	sst s0  }
0x9: {  	[smem:$0x3FA8] =	sst s1  }
0xa: {  	[smem:$0x3FA9] =	sst s2  }
0xb: {  	[smem:$0x3FAA] =	sst s3  }
0xc: {  	[smem:$0x3FAB] =	sst s4  }
0xd: {  	[smem:$0x3FAC] =	sst s5  }
0xe: {  	[smem:$0x3FAD] =	sst s6  }
0xf: {  	[smem:$0x3FAE] =	sst s7  }
0x10: {  	[smem:$0x3FAF] =	sst s8  }
0x11: {  	[smem:$0x3FB0] =	sst s9;
	s0 =	simm.s32 @!p0 $0x0  }
0x12: {  	s1 =	sld [smem:$0x3F96];
	s0 =	simm.s32 @p0 $0x1  }
0x13: {  	[smem:$0x3FB1] =	sst s0;
	s0 =	simm.s32 @!p1 $0x0  }
0x14: {  	s2 =	sld [smem:$0x3F95];
	s0 =	simm.s32 @p1 $0x1  }
0x15: {  	[smem:$0x3FB2] =	sst s0;
	s0 =	simm.s32 @!p2 $0x0  }
0x16: {  	s3 =	sld [smem:$0x3FDB];
	s0 =	simm.s32 @p2 $0x1  }
0x17: {  	s4 =	simm.s32 $0x1BF5;
	[smem:$0x3FB4] =	sst s0  }
0x18: {  	s0 =	sld [smem:$0x3F97];
	_ =	swait.ge [sflag:s4], $0x0  }
0x19: {  	s7 =	sld [smem:$0x3F98]  }
0x1a: {  	s8 =	sadd.s32 $0xFFFFE003, lr  }
0x1b: {  	s9 =	sadd.s32 $0xFFFFFEF7, lr;
	s5 =	simm.s32 $0xFFFFFFFF;
	p2 =	slt.u32 s8, $0xFFFFF086  }
0x1c: {  	p1 =	slt.u32 s9, $0xF7A;
	s5 =	simm.s32 @!p2 $0x0  }
0x1d: {  	s5 =	simm.s32 @p1 $0x1;
	p0 =	seq.s32 s7, s2  }
0x1e: {  	s7 =	smul.u32 @!p0 $0xF7A, s2;
	p2 =	seq.s32 @!p0 s5, $0x0  }
0x1f: {  	s9 =	smul.u32 $0xF7A, s1;
	s8 =	simm.s32 @!p0 $0x1BF5;
	p2 =	por !p2, p0  }
0x20: {  	[sflag:s8] =	ssyncset.s32 @!p0 $0xFFFFF086;
	s6 =	sadd.s32 @!p0 s3, s7;
	s7 =	simm.s32 @!p0 $0x108  }
0x21: {  	s3 =	sadd.s32 s3, s9;
	s6 =	sadd.s32 @!p0 $0x88, s6;
	s7 =	simm.s32 @p2 $0x1082  }
0x22: {  	[simem:s7], [sflag:s8] =	dma.local @!p0 [hbm:s6], $0xF7A  }
0x23: {  	s9 =	sor.u32 $0xD0000000, s2;
	s6 =	simm.s32 $0x108;
	_ =	swait.ge @!p0 [sflag:s8], $0x0  }
0x24: {  	s3 =	sadd.s32 $0x88, s3;
	s6 =	simm.s32 @!p1 $0x1082;
	[sflag:s4] =	ssyncset.s32 $0xFFFFF086  }
0x25: {  	[simem:s6], [sflag:s4] =	dma.local [hbm:s3], $0xF7A  }
0x26: {  	[smem:$0x3F98] =	sst s1;
	(tag) =	ssettag s2;
	_ =	strace s9  }
0x27: {  	s1 =	sld [smem:$0x3FA8]  }
0x28: {  	s2 =	sld [smem:$0x3FA9]  }
0x29: {  	s4 =	sld [smem:$0x3FAB]  }
0x2a: {  	p0 =	seq.s32 s5, $0x0;
	s5 =	sld [smem:$0x3FAC]  }
0x2b: {  	s6 =	sld [smem:$0x3FAD]  }
0x2c: {  	s7 =	sld [smem:$0x3FAE]  }
0x2d: {  	s3 =	simm.s32 $0x108;
	s8 =	sld [smem:$0x3FAF]  }
0x2e: {  	s3 =	simm.s32 @!p0 $0x1082;
	s9 =	sld [smem:$0x3FB0]  }
0x2f: {  	lr =	sadd.s32 s0, s3;
	s0 =	sld [smem:$0x3FA7]  }
0x30: {  	s3 =	sld [smem:$0x3FAA]  }
0x31: {  	[smem:$0x3FB3] =	sst s10  }
0x32: {  	s10 =	sld [smem:$0x3FB1];
	_ =	sdelay $0x3  }
0x33: {  	p0 =	seq.s32 s10, $0x1;
	s10 =	sld [smem:$0x3FB3];
	_ =	sdelay $0x3  }
0x34: {  	[smem:$0x3FB3] =	sst s10  }
0x35: {  	s10 =	sld [smem:$0x3FB2];
	_ =	sdelay $0x3  }
0x36: {  	p1 =	seq.s32 s10, $0x1;
	s10 =	sld [smem:$0x3FB3];
	_ =	sdelay $0x3  }
0x37: {  	[smem:$0x3FB3] =	sst s10  }
0x38: {  	s10 =	sld [smem:$0x3FB4]  }
0x39: {  	_ = 	snop;
	(pc) =	sbr.ind lr, $3  }
0x3a: {  	_ = 	snop  }
0x3b: {  	_ = 	snop  }
0x3c: {  	p2 =	seq.s32 s10, $0x1;
	s10 =	sld [smem:$0x3FB3]  }
0x3d: {  	_ =	shalt  }
0x3e: {  	_ =	shalt  }
0x3f: {  	_ =	shalt  }
0x40: {  	_ =	shalt  }
0x41: {  	_ =	shalt  }
0x42: {  	_ =	shalt  }
0x43: {  	_ =	shalt  }
0x44: {  	_ =	shalt  }
0x45: {  	_ =	shalt  }
0x46: {  	_ =	shalt  }
0x47: {  	_ =	shalt  }
0x48: {  	_ =	shalt  }
0x49: {  	_ =	shalt  }
0x4a: {  	_ =	shalt  }
0x4b: {  	_ =	shalt  }
0x4c: {  	_ =	shalt  }
0x4d: {  	_ =	shalt  }
0x4e: {  	_ =	shalt  }
0x4f: {  	_ =	shalt  }
0x50: {  	_ =	shalt  }
0x51: {  	_ =	shalt  }
0x52: {  	_ =	shalt  }
0x53: {  	_ =	shalt  }
0x54: {  	_ =	shalt  }
0x55: {  	_ =	shalt  }
0x56: {  	_ =	shalt  }
0x57: {  	_ =	shalt  }
0x58: {  	_ =	shalt  }
0x59: {  	_ =	shalt  }
0x5a: {  	_ =	shalt  }
0x5b: {  	_ =	shalt  }
0x5c: {  	_ =	shalt  }
0x5d: {  	_ =	shalt  }
0x5e: {  	_ =	shalt  }
0x5f: {  	_ =	shalt  }
0x60: {  	_ =	shalt  }
0x61: {  	_ =	shalt  }
0x62: {  	_ =	shalt  }
0x63: {  	_ =	shalt  }
0x64: {  	_ =	shalt  }
0x65: {  	_ =	shalt  }
0x66: {  	_ =	shalt  }
0x67: {  	_ =	shalt  }
0x68: {  	_ =	shalt  }
0x69: {  	_ =	shalt  }
0x6a: {  	_ =	shalt  }
0x6b: {  	_ =	shalt  }
0x6c: {  	_ =	shalt  }
0x6d: {  	_ =	shalt  }
0x6e: {  	_ =	shalt  }
0x6f: {  	_ =	shalt  }
0x70: {  	_ =	shalt  }
0x71: {  	_ =	shalt  }
0x72: {  	_ =	shalt  }
0x73: {  	_ =	shalt  }
0x74: {  	_ =	shalt  }
0x75: {  	_ =	shalt  }
0x76: {  	_ =	shalt  }
0x77: {  	_ =	shalt  }
0x78: {  	_ =	shalt  }
0x79: {  	_ =	shalt  }
0x7a: {  	_ =	shalt  }
0x7b: {  	_ =	shalt  }
0x7c: {  	_ =	shalt  }
0x7d: {  	_ =	shalt  }
0x7e: {  	_ =	shalt  }
0x7f: {  	_ =	shalt  }
0x80: {  	_ =	shalt  }
0x81: {  	_ =	shalt  }
0x82: {  	_ =	shalt  }
0x83: {  	_ =	shalt  }
0x84: {  	_ =	shalt  }
0x85: {  	_ =	shalt  }
0x86: {  	_ =	shalt  }
0x87: {  	_ =	shalt  }
.Lfunc_end0:
.L_simem_size_0:
called_computation.5_lowered:
.L_overlay_start_0:
0x88: {  	s2 =	sld [smem:$0x3FD9]  }
0x89: {  	s3 =	sld [smem:$0x3FFE];
	_ =	sdelay $0x1  }
0x8a: {  	s1 =	srdreg.scid  }
0x8b: {  	s0 =	sand.u32 $0x1, s1  }
0x8c: {  	s14 =	sshll.u32 s0, $0xA;
	s2 =	sadd.s32 s3, s2  }
0x8d: {  	s2 =	sadd.s32 s2, s14  }
0x8e: {  	[smem:$0x3FBF] =	sst s2  }
0x8f: {  	_ = 	snop  }
0x90: {  	s2 =	sld [smem:$0x3FD0];
	_ =	sdelay $0x2  }
0x91: {  	s15 =	simm.s32 $0xA;
	s4 =	simm.s32 $0x10  }
0x92: {  	[smem:s4], [sflag:s15] =	dma.local [hbm:s2], $0x1  }
0x93: {  	_ =	swait.eq [sflag:s15], $0x1  }
0x94: {  	[sflag:s15] =	ssyncset.done $0x0  }
0x95: {  	[sflag:s15] =	ssyncadd.s32 $0xFFFFFFFF  }
0x96: {  	s16 =	sld [smem:$0x12];
	(tm) =	ssettm $0x1  }
0x97: {  	s17 =	sld [smem:$0x3FFB];
	_ =	sdelay $0x3  }
0x98: {  	_ =	strace s17  }
0x99: {  	s3 =	sld [smem:$0x3FFC];
	_ =	sdelay $0x3  }
0x9a: {  	_ =	strace s3  }
0x9b: {  	s3 =	sld [smem:$0x3FFD];
	_ =	sdelay $0x3  }
0x9c: {  	_ =	strace s3  }
0x9d: {  	_ =	strace $0x8FFFFFFF  }
0x9e: {  	s18 =	sld [smem:$0x3FDB];
	_ =	sdelay $0x1  }
0x9f: {  	s19 =	simm.s32 $_scs_section_size  }
0xa0: {  	s5 =	simm.s32 $_size__tile_overlayer_lowered;
	s6 =	simm.s32 $_tile_overlayer_lowered  }
0xa1: {  	s22 =	simm.s32 $0x1BFF;
	s21 =	sshll.u32 s6, $0x1;
	s3 =	sadd.s32 s19, s18  }
0xa2: {  	s7 =	simm.s32 $0x0;
	s20 =	sshll.u32 s5, $0x1;
	s5 =	sadd.s32 s21, s3  }
0xa3: {  	[timem:s7], [sflag:s22] =	dma.local [hbm:s5], s20  }
0xa4: {  	_ =	swait.ge [sflag:s22], s20  }
0xa5: {  	s4 =	ssub.s32 $0x0, s20;
	[sflag:s22] =	ssyncset.done $0x0  }
0xa6: {  	[sflag:s22] =	ssyncadd.s32 s4;
	_ =	sdelay $0x1  }
0xa7: {  	s23 =	simm.s32 $0x1B8B  }
0xa8: {  	_ =	swait.ge [sflag:s23], $0x1  }
0xa9: {  	[sflag:s23] =	ssyncset.done $0x0  }
0xaa: {  	s25 =	simm.s32 $0x1B8E;
	s24 =	sld [smem:$0x3FFE];
	[sflag:s23] =	ssyncadd.s32 $0xFFFFFFFF  }
0xab: {  	s26 =	simm.s32 $execute0_lowered;
	[smem:$0x3FD2] =	sst s25  }
0xac: {  	s5 =	sshll.u32 s26, $0x1;
	_ =	strace $0x80000055;
	[dreg:$0x1] =	wrdreg $0xFFFFFFFF  }
0xad: {  	s28 =	simm.s32 $_size_execute0_lowered;
	s3 =	sadd.s32 s3, s5;
	[dreg:$0x0] =	wrdreg $0x0  }
0xae: {  	s5 =	sshll.u32 s28, $0x1;
	[dreg:$0x2] =	wrdreg s3  }
0xaf: {  	[dreg:$0x3] =	wrdreg s5  }
0xb0: {  	[dreg:$0x4] =	wrdreg $0xC0  }
0xb1: {  	_ =	task [dreg:s7], $0x5FFFF  }
0xb2: {  	[dreg:$0x1] =	wrdreg $0xFFFFFFFF  }
0xb3: {  	[dreg:$0x0] =	wrdreg $0x60  }
0xb4: {  	[dreg:$0x2] =	wrdreg s24  }
0xb5: {  	[dreg:$0x3] =	wrdreg s16  }
0xb6: {  	[dreg:$0x4] =	wrdreg $0xB6800  }
0xb7: {  	[dreg:$0x5] =	wrdreg $0x9  }
0xb8: {  	_ =	task.clear_ibuf [dreg:s7], $0x6FFFF;
	_ =	strace $0x90000055  }
0xb9: {  	s29 =	simm.s32 $0x9;
	_ =	strace $0x80000057  }
0xba: {  	_ =	swait.ge [sflag:s29], $0x1  }
0xbb: {  	[sflag:s29] =	ssyncadd.s32 $0xFFFFFFFF  }
0xbc: {  	_ =	strace $0x90000057  }
0xbd: {  	_ =	sfence  }
0xbe: {  	s30 =	sld [smem:$0x0];
	_ =	sdelay $0x2  }
0xbf: {  	s31 =	sshll.u32 s1, $0xD;
	s1 =	sshrl.u32 s1, $0x2  }
0xc0: {  	s3 =	sand.u32 $0x4000, s31;
	s1 =	sadd.s32 s1, s30  }
0xc1: {  	s0 =	sor.u32 s3, s0;
	s1 =	sshll.u32 s1, $0x11  }
0xc2: {  	s0 =	sor.u32 s1, s0  }
0xc3: {  	s0 =	sadd.s32 $0x8F2B, s0  }
0xc4: {  	[sflag:s0] =	ssyncadd.remote.s32 $0x1  }
0xc5: {  	_ =	sfence.sel $0xFFFF  }
0xc6: {  	[dreg:$0x0] =	wrdreg $0xFFFFFFFF;
	(pc) =	sbr.abs _section_cstart, $3  }
0xc7: {  	[dreg:$0x1] =	wrdreg $0xFFFFFFFF  }
0xc8: {  	_ =	task.clear_ibuf [dreg:s7], $0x2FFFF;
	_ =	strace $0x9FFFFFFF  }
0xc9: {  	(tm) =	ssettm $0x7FFFFFFF  }
tec
execute0_lowered:
.L_overlay_start_1:
0x0: {  	(tag) =	ssettag $0x1  }
0x1: {  	s0 =	srdreg.scid;
	s1 =	rddreg [dreg:$0x0]  }
0x2: {  	s11 =	stileid.u32;
	s5 =	rddreg [dreg:$0x1];
	s3 =	simm.s32 $0x0  }
0x3: {  	s14 =	simm.s32 $0x28;
	s15 =	simm.s32 $0x5280;
	s16 =	simm.s32 $0x6680  }
0x4: {  	s18 =	simm.s32 $0x7A80;
	s29 =	simm.s32 $0x3;
	s31 =	simm.s32 $0x7  }
0x5: {  	s19 =	simm.s32 $0x8;
	s30 =	simm.s32 $0x9;
	s17 =	simm.s32 $0xA  }
0x6: {  	s28 =	simm.s32 $0x0;
	s0 =	sand.u32 $0x1, s0;
	s2 =	sshll.u32 s11, $0x1  }
0x7: {  	s8 =	smul.u32 $0x2800, s11;
	[smem:$0x7FF] =	sst s3;
	s4 =	sadd.s32 $0x5D400, s1  }
0x8: {  	s21 =	smul.u32 $0x50000, s11;
	s22 =	sadd.s32 $0xAA00, s1;
	s24 =	sshll.u32 s11, $0x6  }
0x9: {  	s6 =	sor.u32 s0, s2;
	s2 =	rddreg [dreg:$0x2];
	s9 =	smul.u32 $0x28000, s0  }
0xa: {  	_ =	strace $0x80000056;
	s0 =	ssub.s32 $0x2, s0;
	s7 =	smul.u32 $0x271, s6  }
0xb: {  	[dreg:$0x4] =	wrdreg s22;
	s23 =	sshrl.u32 s0, $0x1;
	s25 =	smul.u32 $0x7D0, s6  }
0xc: {  	s6 =	sor.u32 $0x1C0B, s24;
	s24 =	simm.s32 $0x2;
	s20 =	sadd.s32 s8, s9  }
0xd: {  	s8 =	sshrl.u32 s21, $0x2;
	s0 =	ssub.s32 s0, s23;
	s21 =	simm.s32 $0x1  }
0xe: {  	s23 =	simm.s32 $0xA280;
	s10 =	sadd.s32 s7, s1;
	s1 =	sadd.s32 s20, s1  }
.Ltmp0:
0xf: {  	s12 =	sadd.s32 s8, s2;
	s5 =	sadd.s32 s5, s25;
	(pc) =	sbr.rel .LBB2_1-.Ltmp0, $4  }
0x10: {  	s20 =	simm.s32 $0x8E80;
	s25 =	simm.s32 $0x5;
	[dreg:$0x5] =	wrdreg s5  }
0x11: {  	s26 =	sadd.s32 $0x5A00, s10;
	s1 =	sadd.s32 $0xAD800, s1;
	s10 =	smax.u32 s0, $0x1  }
0x12: {  	s11 =	sshrl.u32 s12, $0x3;
	s12 =	simm.s32 $0xB;
	[dreg:$0x6] =	wrdreg s26  }
0x13: {  	s0 =	simm.s32 $0x4;
	[dreg:$0x7] =	wrdreg s1;
	s26 =	simm.s32 $0x6  }
.LBB2_4:
0x14: {  	_ =	swait.ge [sflag:s25], $0x1400  }
0x15: {  	[sflag:s25] =	ssyncset.done $0x0  }
0x16: {  	s1 =	simm.s32 $0x5200;
	[sflag:s25] =	ssyncadd.s32 $0xFFFFEC00  }
0x17: {  	[spmem:s2] =	stream.indirect.scatter.add.f32 [tilespmem:s23], [sflag:$0xA], $0x80, s1, s14, $0xb8;
	[tilespmem:$0x1F680] =	vst v63  }
0x18: {  	_ =	swait.ge [sflag:s26], $0x1400  }
0x19: {  	[sflag:s26] =	ssyncset.done $0x0  }
0x1a: {  	[sflag:s26] =	ssyncadd.s32 $0xFFFFEC00  }
0x1b: {  	_ =	swait.ge [sflag:s31], $0x1400  }
0x1c: {  	[sflag:s31] =	ssyncset.done $0x0  }
0x1d: {  	[sflag:s31] =	ssyncadd.s32 $0xFFFFEC00  }
0x1e: {  	_ =	swait.ge [sflag:s19], $0x1400  }
0x1f: {  	[sflag:s19] =	ssyncset.done $0x0  }
0x20: {  	[sflag:s19] =	ssyncadd.s32 $0xFFFFEC00  }
0x21: {  	_ =	swait.ge [sflag:s30], $0x1400  }
0x22: {  	[sflag:s30] =	ssyncset.done $0x0  }
0x23: {  	[sflag:s30] =	ssyncadd.s32 $0xFFFFEC00  }
0x24: {  	_ =	swait.ge [sflag:s17], $0x1400  }
0x25: {  	[sflag:s17] =	ssyncset.done $0x0  }
0x26: {  	s28 =	sadd.s32 $0x1, s28;
	[sflag:s17] =	ssyncadd.s32 $0xFFFFEC00  }
0x27: {  	p0 =	sne.s32 s28, s10;
	[bflag:$0x0] =	sbarrier.arrive $0xFFFF  }
.Ltmp1:
0x28: {  	s22 =	rddreg [dreg:$0x7];
	(pc) =	sbr.rel @!p0 .LBB2_5-.Ltmp1, $4  }
0x29: {  	[hbm:s22], [sflag:s6] =	dma.local [spmem:s11], $0x2800  }
0x2a: {  	_ =	swait.ge [sflag:s12], $0x2800  }
0x2b: {  	[sflag:s12] =	ssyncset.done $0x0  }
0x2c: {  	[sflag:s12] =	ssyncadd.s32 $0xFFFFD800  }
.LBB2_1:
0x2d: {  	s1 =	rddreg [dreg:$0x4]  }
0x2e: {  	[spmem:s11], [sflag:s6] =	dma.local [hbm:s1], $0x2800  }
0x2f: {  	_ =	swait.ge [sflag:s12], $0x2800  }
0x30: {  	[sflag:s12] =	ssyncset.done $0x0  }
0x31: {  	[sflag:s12] =	ssyncadd.s32 $0xFFFFD800  }
0x32: {  	[bflag:$0x0] =	sbarrier.arrive $0xFFFF  }
0x33: {  	s5 =	simm.s32 $0x1400;
	s13 =	rddreg [dreg:$0x5]  }
0x34: {  	[tilespmem:s5], [sflag:$0xB] =	stream.linear.gather [hbm4b:s13+s3], $0x3E80, $0x38;
	[tilespmem:$0x1F680] =	vst v63  }
0x35: {  	_ =	swait.ge [sflag:s12], $0x3E80  }
0x36: {  	[sflag:s12] =	ssyncset.done $0x0  }
0x37: {  	s22 =	rddreg [dreg:$0x6];
	[sflag:s12] =	ssyncadd.s32 $0xFFFFC180  }
0x38: {  	[tilespmem:s3], [sflag:$0xB] =	stream.linear.gather [hbm4b:s22+s3], $0x1388, $0x38;
	[tilespmem:$0x1F680] =	vst v63  }
0x39: {  	_ =	swait.ge [sflag:s12], $0x1388  }
0x3a: {  	[sflag:s12] =	ssyncset.done $0x0  }
0x3b: {  	[sflag:s12] =	ssyncadd.s32 $0xFFFFEC78  }
0x3c: {  	[tilespmem:s15], [sflag:$0x1] =	stream.indirect.gather [hbm4b:s4+s14], $0x80, s3, s14, $0xb8;
	[tilespmem:$0x1F680] =	vst v63  }
0x3d: {  	_ = 	snop  }
0x3e: {  	[tilespmem:s16], [sflag:$0x2] =	stream.indirect.gather [hbm4b:s4+s14], $0x80, s14, s14, $0xb8;
	[tilespmem:$0x1F680] =	vst v63  }
0x3f: {  	s7 =	simm.s32 $0x50  }
0x40: {  	[tilespmem:s18], [sflag:$0x3] =	stream.indirect.gather [hbm4b:s4+s14], $0x80, s7, s14, $0xb8;
	[tilespmem:$0x1F680] =	vst v63  }
0x41: {  	s8 =	simm.s32 $0x78  }
0x42: {  	[tilespmem:s20], [sflag:$0x4] =	stream.indirect.gather [hbm4b:s4+s14], $0x80, s8, s14, $0xb8;
	[tilespmem:$0x1F680] =	vst v63  }
0x43: {  	_ =	swait.ge [sflag:s21], $0x1400  }
0x44: {  	[sflag:s21] =	ssyncset.done $0x0  }
0x45: {  	[sflag:s21] =	ssyncadd.s32 $0xFFFFEC00  }
0x46: {  	[spmem:s2] =	stream.indirect.scatter.add.f32 [tilespmem:s15], [sflag:$0x6], $0x80, s5, s14, $0xb8;
	[tilespmem:$0x1F680] =	vst v63  }
0x47: {  	s9 =	simm.s32 $0xA0  }
0x48: {  	[tilespmem:s23], [sflag:$0x5] =	stream.indirect.gather [hbm4b:s4+s14], $0x80, s9, s14, $0xb8;
	[tilespmem:$0x1F680] =	vst v63  }
0x49: {  	_ =	swait.ge [sflag:s24], $0x1400  }
0x4a: {  	[sflag:s24] =	ssyncset.done $0x0  }
0x4b: {  	s13 =	simm.s32 $0x1480;
	[sflag:s24] =	ssyncadd.s32 $0xFFFFEC00  }
0x4c: {  	[spmem:s2] =	stream.indirect.scatter.add.f32 [tilespmem:s16], [sflag:$0x7], $0x80, s13, s14, $0xb8;
	[tilespmem:$0x1F680] =	vst v63  }
0x4d: {  	_ =	swait.ge [sflag:s26], $0x1400  }
0x4e: {  	[sflag:s26] =	ssyncset.done $0x0  }
0x4f: {  	s22 =	simm.s32 $0xC8;
	[sflag:s26] =	ssyncadd.s32 $0xFFFFEC00  }
0x50: {  	[tilespmem:s15], [sflag:$0x1] =	stream.indirect.gather [hbm4b:s4+s14], $0x80, s22, s14, $0xb8;
	[tilespmem:$0x1F680] =	vst v63  }
0x51: {  	_ =	swait.ge [sflag:s29], $0x1400  }
0x52: {  	[sflag:s29] =	ssyncset.done $0x0  }
0x53: {  	s5 =	simm.s32 $0x1500;
	[sflag:s29] =	ssyncadd.s32 $0xFFFFEC00  }
0x54: {  	[spmem:s2] =	stream.indirect.scatter.add.f32 [tilespmem:s18], [sflag:$0x8], $0x80, s5, s14, $0xb8;
	[tilespmem:$0x1F680] =	vst v63  }
0x55: {  	_ =	swait.ge [sflag:s31], $0x1400  }
0x56: {  	[sflag:s31] =	ssyncset.done $0x0  }
0x57: {  	s7 =	simm.s32 $0xF0;
	[sflag:s31] =	ssyncadd.s32 $0xFFFFEC00  }
0x58: {  	[tilespmem:s16], [sflag:$0x2] =	stream.indirect.gather [hbm4b:s4+s14], $0x80, s7, s14, $0xb8;
	[tilespmem:$0x1F680] =	vst v63  }
0x59: {  	_ =	swait.ge [sflag:s0], $0x1400  }
0x5a: {  	[sflag:s0] =	ssyncset.done $0x0  }
0x5b: {  	s8 =	simm.s32 $0x1580;
	[sflag:s0] =	ssyncadd.s32 $0xFFFFEC00  }
0x5c: {  	[spmem:s2] =	stream.indirect.scatter.add.f32 [tilespmem:s20], [sflag:$0x9], $0x80, s8, s14, $0xb8;
	[tilespmem:$0x1F680] =	vst v63  }
0x5d: {  	_ =	swait.ge [sflag:s19], $0x1400  }
0x5e: {  	[sflag:s19] =	ssyncset.done $0x0  }
0x5f: {  	s9 =	simm.s32 $0x118;
	[sflag:s19] =	ssyncadd.s32 $0xFFFFEC00  }
0x60: {  	[tilespmem:s18], [sflag:$0x3] =	stream.indirect.gather [hbm4b:s4+s14], $0x80, s9, s14, $0xb8;
	[tilespmem:$0x1F680] =	vst v63  }
0x61: {  	_ =	swait.ge [sflag:s25], $0x1400  }
0x62: {  	[sflag:s25] =	ssyncset.done $0x0  }
0x63: {  	s13 =	simm.s32 $0x1600;
	[sflag:s25] =	ssyncadd.s32 $0xFFFFEC00  }
0x64: {  	[spmem:s2] =	stream.indirect.scatter.add.f32 [tilespmem:s23], [sflag:$0xA], $0x80, s13, s14, $0xb8;
	[tilespmem:$0x1F680] =	vst v63  }
0x65: {  	_ =	swait.ge [sflag:s30], $0x1400  }
0x66: {  	[sflag:s30] =	ssyncset.done $0x0  }
0x67: {  	s22 =	simm.s32 $0x140;
	[sflag:s30] =	ssyncadd.s32 $0xFFFFEC00  }
0x68: {  	[tilespmem:s20], [sflag:$0x4] =	stream.indirect.gather [hbm4b:s4+s14], $0x80, s22, s14, $0xb8;
	[tilespmem:$0x1F680] =	vst v63  }
0x69: {  	s1 =	simm.s32 $0x1880;
	s22 =	simm.s32 $0x0  }
.LBB2_2:
0x6a: {  	_ =	swait.ge [sflag:s21], $0x1400  }
0x6b: {  	[sflag:s21] =	ssyncset.done $0x0  }
0x6c: {  	s5 =	sadd.s32 $0xFFFFFE00, s1;
	[sflag:s21] =	ssyncadd.s32 $0xFFFFEC00  }
0x6d: {  	[spmem:s2] =	stream.indirect.scatter.add.f32 [tilespmem:s15], [sflag:$0x6], $0x80, s5, s14, $0xb8;
	[tilespmem:$0x1F680] =	vst v63  }
0x6e: {  	_ =	swait.ge [sflag:s17], $0x1400  }
0x6f: {  	s5 =	sshra.s32 s22, $0x2;
	[sflag:s17] =	ssyncset.done $0x0  }
0x70: {  	s7 =	sadd.s32 $0x168, s5;
	[sflag:s17] =	ssyncadd.s32 $0xFFFFEC00  }
0x71: {  	[tilespmem:s23], [sflag:$0x5] =	stream.indirect.gather [hbm4b:s4+s14], $0x80, s7, s14, $0xb8;
	[tilespmem:$0x1F680] =	vst v63  }
0x72: {  	_ =	swait.ge [sflag:s24], $0x1400  }
0x73: {  	p0 =	seq.s32 s22, $0x47E0;
	[sflag:s24] =	ssyncset.done $0x0  }
0x74: {  	s9 =	sadd.s32 $0xFFFFFE80, s1;
	s7 =	simm.s32 @p0 $0x3;
	[sflag:s24] =	ssyncadd.s32 $0xFFFFEC00  }
0x75: {  	[spmem:s2] =	stream.indirect.scatter.add.f32 [tilespmem:s16], [sflag:$0x7], $0x80, s9, s14, $0xb8;
	[tilespmem:$0x1F680] =	vst v63  }
0x76: {  	_ =	swait.ge @p0 [sflag:s7], $0x1400  }
0x77: {  	s8 =	simm.s32 @p0 $0x28;
	[sflag:s7] =	ssyncset.done @p0 $0x0  }
0x78: {  	s9 =	simm.s32 @p0 $0x7A80;
	[sflag:s7] =	ssyncadd.s32 @p0 $0xFFFFEC00;
	s7 =	sadd.s32 @p0 $0xFFFFFF00, s1  }
0x79: {  	[spmem:s2] =	stream.indirect.scatter.add.f32 @p0 [tilespmem:s9], [sflag:$0x8], $0x80, s7, s8, $0xb8;
	[tilespmem:$0x1F680] =	vst v63  }
0x7a: {  	s7 =	simm.s32 @!p0 $0x6  }
0x7b: {  	_ =	swait.ge @!p0 [sflag:s7], $0x1400  }
0x7c: {  	[sflag:s7] =	ssyncset.done @!p0 $0x0  }
0x7d: {  	[sflag:s7] =	ssyncadd.s32 @!p0 $0xFFFFEC00;
	s7 =	sshra.s32 @!p0 s22, $0x2  }
0x7e: {  	s13 =	simm.s32 @!p0 $0x5280;
	s9 =	simm.s32 @!p0 $0x28;
	s8 =	sadd.s32 @!p0 $0x190, s7  }
0x7f: {  	[tilespmem:s13], [sflag:$0x1] =	stream.indirect.gather @!p0 [hbm4b:s4+s9], $0x80, s8, s9, $0xb8;
	[tilespmem:$0x1F680] =	vst v63  }
0x80: {  	s8 =	simm.s32 @!p0 $0x3  }
0x81: {  	_ =	swait.ge @!p0 [sflag:s8], $0x1400  }
0x82: {  	[sflag:s8] =	ssyncset.done @!p0 $0x0  }
0x83: {  	s13 =	simm.s32 @!p0 $0x7A80;
	[sflag:s8] =	ssyncadd.s32 @!p0 $0xFFFFEC00;
	s8 =	sadd.s32 @!p0 $0xFFFFFF00, s1  }
0x84: {  	[spmem:s2] =	stream.indirect.scatter.add.f32 @!p0 [tilespmem:s13], [sflag:$0x8], $0x80, s8, s9, $0xb8;
	[tilespmem:$0x1F680] =	vst v63  }
0x85: {  	s8 =	simm.s32 @!p0 $0x7  }
0x86: {  	_ =	swait.ge @!p0 [sflag:s8], $0x1400  }
0x87: {  	[sflag:s8] =	ssyncset.done @!p0 $0x0  }
0x88: {  	s7 =	sadd.s32 @!p0 $0x1B8, s7;
	[sflag:s8] =	ssyncadd.s32 @!p0 $0xFFFFEC00;
	s8 =	simm.s32 @!p0 $0x6680  }
0x89: {  	[tilespmem:s8], [sflag:$0x2] =	stream.indirect.gather @!p0 [hbm4b:s4+s9], $0x80, s7, s9, $0xb8;
	[tilespmem:$0x1F680] =	vst v63  }
.Ltmp2:
0x8a: {  	_ = 	snop;
	(pc) =	sbr.rel @p0 .LBB2_4-.Ltmp2, $4  }
0x8b: {  	_ =	swait.ge [sflag:s0], $0x1400  }
0x8c: {  	[sflag:s0] =	ssyncset.done $0x0  }
0x8d: {  	s13 =	sadd.s32 $0xFFFFFF80, s1;
	[sflag:s0] =	ssyncadd.s32 $0xFFFFEC00  }
0x8e: {  	[spmem:s2] =	stream.indirect.scatter.add.f32 [tilespmem:s20], [sflag:$0x9], $0x80, s13, s14, $0xb8;
	[tilespmem:$0x1F680] =	vst v63  }
0x8f: {  	_ =	swait.ge [sflag:s19], $0x1400  }
0x90: {  	[sflag:s19] =	ssyncset.done $0x0  }
0x91: {  	s7 =	sadd.s32 $0x1E0, s5;
	[sflag:s19] =	ssyncadd.s32 $0xFFFFEC00  }
0x92: {  	[tilespmem:s18], [sflag:$0x3] =	stream.indirect.gather [hbm4b:s4+s14], $0x80, s7, s14, $0xb8;
	[tilespmem:$0x1F680] =	vst v63  }
0x93: {  	_ =	swait.ge [sflag:s25], $0x1400  }
0x94: {  	[sflag:s25] =	ssyncset.done $0x0  }
0x95: {  	[sflag:s25] =	ssyncadd.s32 $0xFFFFEC00  }
0x96: {  	[spmem:s2] =	stream.indirect.scatter.add.f32 [tilespmem:s23], [sflag:$0xA], $0x80, s1, s14, $0xb8;
	[tilespmem:$0x1F680] =	vst v63  }
.Ltmp3:
0x97: {  	_ = 	snop;
	(pc) =	sbr.rel .LBB2_2-.Ltmp3, $4  }
0x98: {  	_ =	swait.ge [sflag:s30], $0x1400  }
0x99: {  	s13 =	sadd.s32 $0x208, s5;
	[sflag:s30] =	ssyncset.done $0x0  }
0x9a: {  	s22 =	sadd.s32 $0x320, s22;
	s1 =	sadd.s32 $0x280, s1;
	[sflag:s30] =	ssyncadd.s32 $0xFFFFEC00  }
0x9b: {  	[tilespmem:s20], [sflag:$0x4] =	stream.indirect.gather [hbm4b:s4+s14], $0x80, s13, s14, $0xb8;
	[tilespmem:$0x1F680] =	vst v63  }
.LBB2_5:
0x9c: {  	_ =	sfence.sel $0x180000  }
0x9d: {  	[bflag:$0x0] =	sbarrier.arrive $0xFFFF  }
0x9e: {  	_ =	strace $0x90000056  }
0x9f: {  	s0 =	stileid.u32;
	[bflag:$0x2] =	sbarrier.arrive $0xFFFF  }
0xa0: {  	p0 =	sne.s32 s0, $0x0;
	s0 =	rddreg [dreg:$0x3]  }
0xa1: {  	s0 =	sadd.s32 @!p0 $0x100000, s0  }
0xa2: {  	[sflag:s0] =	ssyncadd.tile.s32 @!p0 $0x1;
	_ =	shalt  }
.Lfunc_end2:
_tile_overlayer_lowered:
.L_overlay_start_2:
0xa3: {  	(tag) =	ssettag $0x2  }
0xa4: {  	s0 =	rddreg [dreg:$0x0];
	s2 =	stileid.u32  }
0xa5: {  	s1 =	rddreg [dreg:$0x1];
	p0 =	sne.s32 s2, $0x0  }
0xa6: {  	s3 =	rddreg [dreg:$0x2];
	[bflag:$0x3] =	sbarrier.arrive $0xFFFF;
	s2 =	simm.s32 @!p0 $0x1C0B  }
0xa7: {  	[timem:s3], [sflag:s2] =	dma.local @!p0 [hbm:s0], s1  }
0xa8: {  	s0 =	simm.s32 @!p0 $0xB  }
0xa9: {  	_ =	swait.ge @!p0 [sflag:s0], s1  }
0xaa: {  	s1 =	ssub.s32 @!p0 $0x0, s1;
	[sflag:s0] =	ssyncset.done @!p0 $0x0  }
0xab: {  	[sflag:s0] =	ssyncadd.s32 @!p0 s1  }
0xac: {  	[bflag:$0x3] =	sbarrier.arrive $0xFFFF  }
0xad: {  	_ =	shalt  }

// kernel: kernel.34.cloned.1.call-start
scs
__scs_entry_jumppad:
0x0: {  	(pc) =	sbr.rel $0x88, $3  }
0x1: {  	(tag) =	ssettag $0x0;
	lr =	simm.s32 $0x1  }
0x2: {  	[smem:$0x3F98] =	sst lr;
	_ =	strace $0xD0000000  }
0x3: {  	_ = 	snop  }
0x4: {  	_ = 	snop  }
0x5: {  	_ = 	snop  }
0x6: {  	_ = 	snop  }
0x7: {  	_ = 	snop  }
__scs_overlays_trampoline_lowered:
0x8: {  	[smem:$0x3FA7] =	sst s0  }
0x9: {  	[smem:$0x3FA8] =	sst s1  }
0xa: {  	[smem:$0x3FA9] =	sst s2  }
0xb: {  	[smem:$0x3FAA] =	sst s3  }
0xc: {  	[smem:$0x3FAB] =	sst s4  }
0xd: {  	[smem:$0x3FAC] =	sst s5  }
0xe: {  	[smem:$0x3FAD] =	sst s6  }
0xf: {  	[smem:$0x3FAE] =	sst s7  }
0x10: {  	[smem:$0x3FAF] =	sst s8  }
0x11: {  	[smem:$0x3FB0] =	sst s9;
	s0 =	simm.s32 @!p0 $0x0  }
0x12: {  	s1 =	sld [smem:$0x3F96];
	s0 =	simm.s32 @p0 $0x1  }
0x13: {  	[smem:$0x3FB1] =	sst s0;
	s0 =	simm.s32 @!p1 $0x0  }
0x14: {  	s2 =	sld [smem:$0x3F95];
	s0 =	simm.s32 @p1 $0x1  }
0x15: {  	[smem:$0x3FB2] =	sst s0;
	s0 =	simm.s32 @!p2 $0x0  }
0x16: {  	s3 =	sld [smem:$0x3FDB];
	s0 =	simm.s32 @p2 $0x1  }
0x17: {  	s4 =	simm.s32 $0x1BF5;
	[smem:$0x3FB4] =	sst s0  }
0x18: {  	s0 =	sld [smem:$0x3F97];
	_ =	swait.ge [sflag:s4], $0x0  }
0x19: {  	s7 =	sld [smem:$0x3F98]  }
0x1a: {  	s8 =	sadd.s32 $0xFFFFE003, lr  }
0x1b: {  	s9 =	sadd.s32 $0xFFFFFEF7, lr;
	s5 =	simm.s32 $0xFFFFFFFF;
	p2 =	slt.u32 s8, $0xFFFFF086  }
0x1c: {  	p1 =	slt.u32 s9, $0xF7A;
	s5 =	simm.s32 @!p2 $0x0  }
0x1d: {  	s5 =	simm.s32 @p1 $0x1;
	p0 =	seq.s32 s7, s2  }
0x1e: {  	s7 =	smul.u32 @!p0 $0xF7A, s2;
	p2 =	seq.s32 @!p0 s5, $0x0  }
0x1f: {  	s9 =	smul.u32 $0xF7A, s1;
	s8 =	simm.s32 @!p0 $0x1BF5;
	p2 =	por !p2, p0  }
0x20: {  	[sflag:s8] =	ssyncset.s32 @!p0 $0xFFFFF086;
	s6 =	sadd.s32 @!p0 s3, s7;
	s7 =	simm.s32 @!p0 $0x108  }
0x21: {  	s3 =	sadd.s32 s3, s9;
	s6 =	sadd.s32 @!p0 $0x88, s6;
	s7 =	simm.s32 @p2 $0x1082  }
0x22: {  	[simem:s7], [sflag:s8] =	dma.local @!p0 [hbm:s6], $0xF7A  }
0x23: {  	s9 =	sor.u32 $0xD0000000, s2;
	s6 =	simm.s32 $0x108;
	_ =	swait.ge @!p0 [sflag:s8], $0x0  }
0x24: {  	s3 =	sadd.s32 $0x88, s3;
	s6 =	simm.s32 @!p1 $0x1082;
	[sflag:s4] =	ssyncset.s32 $0xFFFFF086  }
0x25: {  	[simem:s6], [sflag:s4] =	dma.local [hbm:s3], $0xF7A  }
0x26: {  	[smem:$0x3F98] =	sst s1;
	(tag) =	ssettag s2;
	_ =	strace s9  }
0x27: {  	s1 =	sld [smem:$0x3FA8]  }
0x28: {  	s2 =	sld [smem:$0x3FA9]  }
0x29: {  	s4 =	sld [smem:$0x3FAB]  }
0x2a: {  	p0 =	seq.s32 s5, $0x0;
	s5 =	sld [smem:$0x3FAC]  }
0x2b: {  	s6 =	sld [smem:$0x3FAD]  }
0x2c: {  	s7 =	sld [smem:$0x3FAE]  }
0x2d: {  	s3 =	simm.s32 $0x108;
	s8 =	sld [smem:$0x3FAF]  }
0x2e: {  	s3 =	simm.s32 @!p0 $0x1082;
	s9 =	sld [smem:$0x3FB0]  }
0x2f: {  	lr =	sadd.s32 s0, s3;
	s0 =	sld [smem:$0x3FA7]  }
0x30: {  	s3 =	sld [smem:$0x3FAA]  }
0x31: {  	[smem:$0x3FB3] =	sst s10  }
0x32: {  	s10 =	sld [smem:$0x3FB1];
	_ =	sdelay $0x3  }
0x33: {  	p0 =	seq.s32 s10, $0x1;
	s10 =	sld [smem:$0x3FB3];
	_ =	sdelay $0x3  }
0x34: {  	[smem:$0x3FB3] =	sst s10  }
0x35: {  	s10 =	sld [smem:$0x3FB2];
	_ =	sdelay $0x3  }
0x36: {  	p1 =	seq.s32 s10, $0x1;
	s10 =	sld [smem:$0x3FB3];
	_ =	sdelay $0x3  }
0x37: {  	[smem:$0x3FB3] =	sst s10  }
0x38: {  	s10 =	sld [smem:$0x3FB4]  }
0x39: {  	_ = 	snop;
	(pc) =	sbr.ind lr, $3  }
0x3a: {  	_ = 	snop  }
0x3b: {  	_ = 	snop  }
0x3c: {  	p2 =	seq.s32 s10, $0x1;
	s10 =	sld [smem:$0x3FB3]  }
0x3d: {  	_ =	shalt  }
0x3e: {  	_ =	shalt  }
0x3f: {  	_ =	shalt  }
0x40: {  	_ =	shalt  }
0x41: {  	_ =	shalt  }
0x42: {  	_ =	shalt  }
0x43: {  	_ =	shalt  }
0x44: {  	_ =	shalt  }
0x45: {  	_ =	shalt  }
0x46: {  	_ =	shalt  }
0x47: {  	_ =	shalt  }
0x48: {  	_ =	shalt  }
0x49: {  	_ =	shalt  }
0x4a: {  	_ =	shalt  }
0x4b: {  	_ =	shalt  }
0x4c: {  	_ =	shalt  }
0x4d: {  	_ =	shalt  }
0x4e: {  	_ =	shalt  }
0x4f: {  	_ =	shalt  }
0x50: {  	_ =	shalt  }
0x51: {  	_ =	shalt  }
0x52: {  	_ =	shalt  }
0x53: {  	_ =	shalt  }
0x54: {  	_ =	shalt  }
0x55: {  	_ =	shalt  }
0x56: {  	_ =	shalt  }
0x57: {  	_ =	shalt  }
0x58: {  	_ =	shalt  }
0x59: {  	_ =	shalt  }
0x5a: {  	_ =	shalt  }
0x5b: {  	_ =	shalt  }
0x5c: {  	_ =	shalt  }
0x5d: {  	_ =	shalt  }
0x5e: {  	_ =	shalt  }
0x5f: {  	_ =	shalt  }
0x60: {  	_ =	shalt  }
0x61: {  	_ =	shalt  }
0x62: {  	_ =	shalt  }
0x63: {  	_ =	shalt  }
0x64: {  	_ =	shalt  }
0x65: {  	_ =	shalt  }
0x66: {  	_ =	shalt  }
0x67: {  	_ =	shalt  }
0x68: {  	_ =	shalt  }
0x69: {  	_ =	shalt  }
0x6a: {  	_ =	shalt  }
0x6b: {  	_ =	shalt  }
0x6c: {  	_ =	shalt  }
0x6d: {  	_ =	shalt  }
0x6e: {  	_ =	shalt  }
0x6f: {  	_ =	shalt  }
0x70: {  	_ =	shalt  }
0x71: {  	_ =	shalt  }
0x72: {  	_ =	shalt  }
0x73: {  	_ =	shalt  }
0x74: {  	_ =	shalt  }
0x75: {  	_ =	shalt  }
0x76: {  	_ =	shalt  }
0x77: {  	_ =	shalt  }
0x78: {  	_ =	shalt  }
0x79: {  	_ =	shalt  }
0x7a: {  	_ =	shalt  }
0x7b: {  	_ =	shalt  }
0x7c: {  	_ =	shalt  }
0x7d: {  	_ =	shalt  }
0x7e: {  	_ =	shalt  }
0x7f: {  	_ =	shalt  }
0x80: {  	_ =	shalt  }
0x81: {  	_ =	shalt  }
0x82: {  	_ =	shalt  }
0x83: {  	_ =	shalt  }
0x84: {  	_ =	shalt  }
0x85: {  	_ =	shalt  }
0x86: {  	_ =	shalt  }
0x87: {  	_ =	shalt  }
.Lfunc_end0:
.L_simem_size_0:
called_computation.6_lowered:
.L_overlay_start_0:
0x88: {  	s2 =	sld [smem:$0x3FD9]  }
0x89: {  	s3 =	sld [smem:$0x3FFE];
	_ =	sdelay $0x1  }
0x8a: {  	s1 =	srdreg.scid  }
0x8b: {  	s0 =	sand.u32 $0x1, s1  }
0x8c: {  	s14 =	sshll.u32 s0, $0xA;
	s2 =	sadd.s32 s3, s2  }
0x8d: {  	s2 =	sadd.s32 s2, s14  }
0x8e: {  	[smem:$0x3FBF] =	sst s2  }
0x8f: {  	_ = 	snop  }
0x90: {  	s2 =	sld [smem:$0x3FD0];
	_ =	sdelay $0x2  }
0x91: {  	s15 =	simm.s32 $0xA;
	s4 =	simm.s32 $0x10  }
0x92: {  	[smem:s4], [sflag:s15] =	dma.local [hbm:s2], $0x1  }
0x93: {  	_ =	swait.eq [sflag:s15], $0x1  }
0x94: {  	[sflag:s15] =	ssyncset.done $0x0  }
0x95: {  	[sflag:s15] =	ssyncadd.s32 $0xFFFFFFFF  }
0x96: {  	s16 =	sld [smem:$0x12];
	(tm) =	ssettm $0x1  }
0x97: {  	s17 =	sld [smem:$0x3FFB];
	_ =	sdelay $0x3  }
0x98: {  	_ =	strace s17  }
0x99: {  	s3 =	sld [smem:$0x3FFC];
	_ =	sdelay $0x3  }
0x9a: {  	_ =	strace s3  }
0x9b: {  	s3 =	sld [smem:$0x3FFD];
	_ =	sdelay $0x3  }
0x9c: {  	_ =	strace s3  }
0x9d: {  	_ =	strace $0x8FFFFFFF  }
0x9e: {  	s18 =	sld [smem:$0x3FDB];
	_ =	sdelay $0x1  }
0x9f: {  	s19 =	simm.s32 $_scs_section_size  }
0xa0: {  	s5 =	simm.s32 $_size__tile_overlayer_lowered;
	s6 =	simm.s32 $_tile_overlayer_lowered  }
0xa1: {  	s22 =	simm.s32 $0x1BFF;
	s21 =	sshll.u32 s6, $0x1;
	s3 =	sadd.s32 s19, s18  }
0xa2: {  	s7 =	simm.s32 $0x0;
	s20 =	sshll.u32 s5, $0x1;
	s5 =	sadd.s32 s21, s3  }
0xa3: {  	[timem:s7], [sflag:s22] =	dma.local [hbm:s5], s20  }
0xa4: {  	_ =	swait.ge [sflag:s22], s20  }
0xa5: {  	s4 =	ssub.s32 $0x0, s20;
	[sflag:s22] =	ssyncset.done $0x0  }
0xa6: {  	[sflag:s22] =	ssyncadd.s32 s4;
	_ =	sdelay $0x1  }
0xa7: {  	s23 =	simm.s32 $0x1B8B  }
0xa8: {  	_ =	swait.ge [sflag:s23], $0x1  }
0xa9: {  	[sflag:s23] =	ssyncset.done $0x0  }
0xaa: {  	s25 =	simm.s32 $0x1B8E;
	s24 =	sld [smem:$0x3FFE];
	[sflag:s23] =	ssyncadd.s32 $0xFFFFFFFF  }
0xab: {  	s26 =	simm.s32 $execute0_lowered;
	[smem:$0x3FD2] =	sst s25  }
0xac: {  	s5 =	sshll.u32 s26, $0x1;
	_ =	strace $0x80000058;
	[dreg:$0x1] =	wrdreg $0xFFFFFFFF  }
0xad: {  	s28 =	simm.s32 $_size_execute0_lowered;
	s3 =	sadd.s32 s3, s5;
	[dreg:$0x0] =	wrdreg $0x0  }
0xae: {  	s5 =	sshll.u32 s28, $0x1;
	[dreg:$0x2] =	wrdreg s3  }
0xaf: {  	[dreg:$0x3] =	wrdreg s5  }
0xb0: {  	[dreg:$0x4] =	wrdreg $0xC0  }
0xb1: {  	_ =	task [dreg:s7], $0x5FFFF  }
0xb2: {  	[dreg:$0x1] =	wrdreg $0xFFFFFFFF  }
0xb3: {  	[dreg:$0x0] =	wrdreg $0x60  }
0xb4: {  	[dreg:$0x2] =	wrdreg s24  }
0xb5: {  	[dreg:$0x3] =	wrdreg s16  }
0xb6: {  	[dreg:$0x4] =	wrdreg $0xB6800  }
0xb7: {  	[dreg:$0x5] =	wrdreg $0x9  }
0xb8: {  	_ =	task.clear_ibuf [dreg:s7], $0x6FFFF;
	_ =	strace $0x90000058  }
0xb9: {  	s29 =	simm.s32 $0x9;
	_ =	strace $0x8000005A  }
0xba: {  	_ =	swait.ge [sflag:s29], $0x1  }
0xbb: {  	[sflag:s29] =	ssyncadd.s32 $0xFFFFFFFF  }
0xbc: {  	_ =	strace $0x9000005A  }
0xbd: {  	_ =	sfence  }
0xbe: {  	s30 =	sld [smem:$0x0];
	_ =	sdelay $0x2  }
0xbf: {  	s31 =	sshll.u32 s1, $0xD;
	s1 =	sshrl.u32 s1, $0x2  }
0xc0: {  	s3 =	sand.u32 $0x4000, s31;
	s1 =	sadd.s32 s1, s30  }
0xc1: {  	s0 =	sor.u32 s3, s0;
	s1 =	sshll.u32 s1, $0x11  }
0xc2: {  	s0 =	sor.u32 s1, s0  }
0xc3: {  	s0 =	sadd.s32 $0x8F2B, s0  }
0xc4: {  	[sflag:s0] =	ssyncadd.remote.s32 $0x1  }
0xc5: {  	_ =	sfence.sel $0xFFFF  }
0xc6: {  	[dreg:$0x0] =	wrdreg $0xFFFFFFFF;
	(pc) =	sbr.abs _section_cstart, $3  }
0xc7: {  	[dreg:$0x1] =	wrdreg $0xFFFFFFFF  }
0xc8: {  	_ =	task.clear_ibuf [dreg:s7], $0x2FFFF;
	_ =	strace $0x9FFFFFFF  }
0xc9: {  	(tm) =	ssettm $0x7FFFFFFF  }
tec
execute0_lowered:
.L_overlay_start_1:
0x0: {  	(tag) =	ssettag $0x1  }
0x1: {  	s0 =	srdreg.scid;
	s1 =	rddreg [dreg:$0x0]  }
0x2: {  	s11 =	stileid.u32;
	s5 =	rddreg [dreg:$0x1];
	s3 =	simm.s32 $0x0  }
0x3: {  	s14 =	simm.s32 $0x28;
	s15 =	simm.s32 $0x5280;
	s16 =	simm.s32 $0x6680  }
0x4: {  	s18 =	simm.s32 $0x7A80;
	s29 =	simm.s32 $0x3;
	s31 =	simm.s32 $0x7  }
0x5: {  	s19 =	simm.s32 $0x8;
	s30 =	simm.s32 $0x9;
	s17 =	simm.s32 $0xA  }
0x6: {  	s28 =	simm.s32 $0x0;
	s0 =	sand.u32 $0x1, s0;
	s2 =	sshll.u32 s11, $0x1  }
0x7: {  	s8 =	smul.u32 $0x2800, s11;
	[smem:$0x7FF] =	sst s3;
	s4 =	sadd.s32 $0xD200, s1  }
0x8: {  	s21 =	smul.u32 $0x50000, s11;
	s22 =	sadd.s32 $0xAA00, s1;
	s24 =	sshll.u32 s11, $0x6  }
0x9: {  	s6 =	sor.u32 s0, s2;
	s2 =	rddreg [dreg:$0x2];
	s9 =	smul.u32 $0x28000, s0  }
0xa: {  	_ =	strace $0x80000059;
	s0 =	ssub.s32 $0x2, s0;
	s7 =	smul.u32 $0x271, s6  }
0xb: {  	[dreg:$0x4] =	wrdreg s22;
	s23 =	sshrl.u32 s0, $0x1;
	s25 =	smul.u32 $0x7D0, s6  }
0xc: {  	s6 =	sor.u32 $0x1C0B, s24;
	s24 =	simm.s32 $0x2;
	s20 =	sadd.s32 s8, s9  }
0xd: {  	s8 =	sshrl.u32 s21, $0x2;
	s0 =	ssub.s32 s0, s23;
	s21 =	simm.s32 $0x1  }
0xe: {  	s23 =	simm.s32 $0xA280;
	s10 =	sadd.s32 s7, s1;
	s1 =	sadd.s32 s20, s1  }
.Ltmp0:
0xf: {  	s12 =	sadd.s32 s8, s2;
	s5 =	sadd.s32 s5, s25;
	(pc) =	sbr.rel .LBB2_1-.Ltmp0, $4  }
0x10: {  	s20 =	simm.s32 $0x8E80;
	s25 =	simm.s32 $0x5;
	[dreg:$0x5] =	wrdreg s5  }
0x11: {  	s26 =	sadd.s32 $0x5A00, s10;
	s1 =	sadd.s32 $0x34400, s1;
	s10 =	smax.u32 s0, $0x1  }
0x12: {  	s11 =	sshrl.u32 s12, $0x3;
	s12 =	simm.s32 $0xB;
	[dreg:$0x6] =	wrdreg s26  }
0x13: {  	s0 =	simm.s32 $0x4;
	[dreg:$0x7] =	wrdreg s1;
	s26 =	simm.s32 $0x6  }
.LBB2_4:
0x14: {  	_ =	swait.ge [sflag:s25], $0x1400  }
0x15: {  	[sflag:s25] =	ssyncset.done $0x0  }
0x16: {  	s1 =	simm.s32 $0x5200;
	[sflag:s25] =	ssyncadd.s32 $0xFFFFEC00  }
0x17: {  	[spmem:s2] =	stream.indirect.scatter.add.f32 [tilespmem:s23], [sflag:$0xA], $0x80, s1, s14, $0xb8;
	[tilespmem:$0x1F680] =	vst v63  }
0x18: {  	_ =	swait.ge [sflag:s26], $0x1400  }
0x19: {  	[sflag:s26] =	ssyncset.done $0x0  }
0x1a: {  	[sflag:s26] =	ssyncadd.s32 $0xFFFFEC00  }
0x1b: {  	_ =	swait.ge [sflag:s31], $0x1400  }
0x1c: {  	[sflag:s31] =	ssyncset.done $0x0  }
0x1d: {  	[sflag:s31] =	ssyncadd.s32 $0xFFFFEC00  }
0x1e: {  	_ =	swait.ge [sflag:s19], $0x1400  }
0x1f: {  	[sflag:s19] =	ssyncset.done $0x0  }
0x20: {  	[sflag:s19] =	ssyncadd.s32 $0xFFFFEC00  }
0x21: {  	_ =	swait.ge [sflag:s30], $0x1400  }
0x22: {  	[sflag:s30] =	ssyncset.done $0x0  }
0x23: {  	[sflag:s30] =	ssyncadd.s32 $0xFFFFEC00  }
0x24: {  	_ =	swait.ge [sflag:s17], $0x1400  }
0x25: {  	[sflag:s17] =	ssyncset.done $0x0  }
0x26: {  	s28 =	sadd.s32 $0x1, s28;
	[sflag:s17] =	ssyncadd.s32 $0xFFFFEC00  }
0x27: {  	p0 =	sne.s32 s28, s10;
	[bflag:$0x0] =	sbarrier.arrive $0xFFFF  }
.Ltmp1:
0x28: {  	s22 =	rddreg [dreg:$0x7];
	(pc) =	sbr.rel @!p0 .LBB2_5-.Ltmp1, $4  }
0x29: {  	[hbm:s22], [sflag:s6] =	dma.local [spmem:s11], $0x2800  }
0x2a: {  	_ =	swait.ge [sflag:s12], $0x2800  }
0x2b: {  	[sflag:s12] =	ssyncset.done $0x0  }
0x2c: {  	[sflag:s12] =	ssyncadd.s32 $0xFFFFD800  }
.LBB2_1:
0x2d: {  	s1 =	rddreg [dreg:$0x4]  }
0x2e: {  	[spmem:s11], [sflag:s6] =	dma.local [hbm:s1], $0x2800  }
0x2f: {  	_ =	swait.ge [sflag:s12], $0x2800  }
0x30: {  	[sflag:s12] =	ssyncset.done $0x0  }
0x31: {  	[sflag:s12] =	ssyncadd.s32 $0xFFFFD800  }
0x32: {  	[bflag:$0x0] =	sbarrier.arrive $0xFFFF  }
0x33: {  	s5 =	simm.s32 $0x1400;
	s13 =	rddreg [dreg:$0x5]  }
0x34: {  	[tilespmem:s5], [sflag:$0xB] =	stream.linear.gather [hbm4b:s13+s3], $0x3E80, $0x38;
	[tilespmem:$0x1F680] =	vst v63  }
0x35: {  	_ =	swait.ge [sflag:s12], $0x3E80  }
0x36: {  	[sflag:s12] =	ssyncset.done $0x0  }
0x37: {  	s22 =	rddreg [dreg:$0x6];
	[sflag:s12] =	ssyncadd.s32 $0xFFFFC180  }
0x38: {  	[tilespmem:s3], [sflag:$0xB] =	stream.linear.gather [hbm4b:s22+s3], $0x1388, $0x38;
	[tilespmem:$0x1F680] =	vst v63  }
0x39: {  	_ =	swait.ge [sflag:s12], $0x1388  }
0x3a: {  	[sflag:s12] =	ssyncset.done $0x0  }
0x3b: {  	[sflag:s12] =	ssyncadd.s32 $0xFFFFEC78  }
0x3c: {  	[tilespmem:s15], [sflag:$0x1] =	stream.indirect.gather [hbm4b:s4+s14], $0x80, s3, s14, $0xb8;
	[tilespmem:$0x1F680] =	vst v63  }
0x3d: {  	_ = 	snop  }
0x3e: {  	[tilespmem:s16], [sflag:$0x2] =	stream.indirect.gather [hbm4b:s4+s14], $0x80, s14, s14, $0xb8;
	[tilespmem:$0x1F680] =	vst v63  }
0x3f: {  	s7 =	simm.s32 $0x50  }
0x40: {  	[tilespmem:s18], [sflag:$0x3] =	stream.indirect.gather [hbm4b:s4+s14], $0x80, s7, s14, $0xb8;
	[tilespmem:$0x1F680] =	vst v63  }
0x41: {  	s8 =	simm.s32 $0x78  }
0x42: {  	[tilespmem:s20], [sflag:$0x4] =	stream.indirect.gather [hbm4b:s4+s14], $0x80, s8, s14, $0xb8;
	[tilespmem:$0x1F680] =	vst v63  }
0x43: {  	_ =	swait.ge [sflag:s21], $0x1400  }
0x44: {  	[sflag:s21] =	ssyncset.done $0x0  }
0x45: {  	[sflag:s21] =	ssyncadd.s32 $0xFFFFEC00  }
0x46: {  	[spmem:s2] =	stream.indirect.scatter.add.f32 [tilespmem:s15], [sflag:$0x6], $0x80, s5, s14, $0xb8;
	[tilespmem:$0x1F680] =	vst v63  }
0x47: {  	s9 =	simm.s32 $0xA0  }
0x48: {  	[tilespmem:s23], [sflag:$0x5] =	stream.indirect.gather [hbm4b:s4+s14], $0x80, s9, s14, $0xb8;
	[tilespmem:$0x1F680] =	vst v63  }
0x49: {  	_ =	swait.ge [sflag:s24], $0x1400  }
0x4a: {  	[sflag:s24] =	ssyncset.done $0x0  }
0x4b: {  	s13 =	simm.s32 $0x1480;
	[sflag:s24] =	ssyncadd.s32 $0xFFFFEC00  }
0x4c: {  	[spmem:s2] =	stream.indirect.scatter.add.f32 [tilespmem:s16], [sflag:$0x7], $0x80, s13, s14, $0xb8;
	[tilespmem:$0x1F680] =	vst v63  }
0x4d: {  	_ =	swait.ge [sflag:s26], $0x1400  }
0x4e: {  	[sflag:s26] =	ssyncset.done $0x0  }
0x4f: {  	s22 =	simm.s32 $0xC8;
	[sflag:s26] =	ssyncadd.s32 $0xFFFFEC00  }
0x50: {  	[tilespmem:s15], [sflag:$0x1] =	stream.indirect.gather [hbm4b:s4+s14], $0x80, s22, s14, $0xb8;
	[tilespmem:$0x1F680] =	vst v63  }
0x51: {  	_ =	swait.ge [sflag:s29], $0x1400  }
0x52: {  	[sflag:s29] =	ssyncset.done $0x0  }
0x53: {  	s5 =	simm.s32 $0x1500;
	[sflag:s29] =	ssyncadd.s32 $0xFFFFEC00  }
0x54: {  	[spmem:s2] =	stream.indirect.scatter.add.f32 [tilespmem:s18], [sflag:$0x8], $0x80, s5, s14, $0xb8;
	[tilespmem:$0x1F680] =	vst v63  }
0x55: {  	_ =	swait.ge [sflag:s31], $0x1400  }
0x56: {  	[sflag:s31] =	ssyncset.done $0x0  }
0x57: {  	s7 =	simm.s32 $0xF0;
	[sflag:s31] =	ssyncadd.s32 $0xFFFFEC00  }
0x58: {  	[tilespmem:s16], [sflag:$0x2] =	stream.indirect.gather [hbm4b:s4+s14], $0x80, s7, s14, $0xb8;
	[tilespmem:$0x1F680] =	vst v63  }
0x59: {  	_ =	swait.ge [sflag:s0], $0x1400  }
0x5a: {  	[sflag:s0] =	ssyncset.done $0x0  }
0x5b: {  	s8 =	simm.s32 $0x1580;
	[sflag:s0] =	ssyncadd.s32 $0xFFFFEC00  }
0x5c: {  	[spmem:s2] =	stream.indirect.scatter.add.f32 [tilespmem:s20], [sflag:$0x9], $0x80, s8, s14, $0xb8;
	[tilespmem:$0x1F680] =	vst v63  }
0x5d: {  	_ =	swait.ge [sflag:s19], $0x1400  }
0x5e: {  	[sflag:s19] =	ssyncset.done $0x0  }
0x5f: {  	s9 =	simm.s32 $0x118;
	[sflag:s19] =	ssyncadd.s32 $0xFFFFEC00  }
0x60: {  	[tilespmem:s18], [sflag:$0x3] =	stream.indirect.gather [hbm4b:s4+s14], $0x80, s9, s14, $0xb8;
	[tilespmem:$0x1F680] =	vst v63  }
0x61: {  	_ =	swait.ge [sflag:s25], $0x1400  }
0x62: {  	[sflag:s25] =	ssyncset.done $0x0  }
0x63: {  	s13 =	simm.s32 $0x1600;
	[sflag:s25] =	ssyncadd.s32 $0xFFFFEC00  }
0x64: {  	[spmem:s2] =	stream.indirect.scatter.add.f32 [tilespmem:s23], [sflag:$0xA], $0x80, s13, s14, $0xb8;
	[tilespmem:$0x1F680] =	vst v63  }
0x65: {  	_ =	swait.ge [sflag:s30], $0x1400  }
0x66: {  	[sflag:s30] =	ssyncset.done $0x0  }
0x67: {  	s22 =	simm.s32 $0x140;
	[sflag:s30] =	ssyncadd.s32 $0xFFFFEC00  }
0x68: {  	[tilespmem:s20], [sflag:$0x4] =	stream.indirect.gather [hbm4b:s4+s14], $0x80, s22, s14, $0xb8;
	[tilespmem:$0x1F680] =	vst v63  }
0x69: {  	s1 =	simm.s32 $0x1880;
	s22 =	simm.s32 $0x0  }
.LBB2_2:
0x6a: {  	_ =	swait.ge [sflag:s21], $0x1400  }
0x6b: {  	[sflag:s21] =	ssyncset.done $0x0  }
0x6c: {  	s5 =	sadd.s32 $0xFFFFFE00, s1;
	[sflag:s21] =	ssyncadd.s32 $0xFFFFEC00  }
0x6d: {  	[spmem:s2] =	stream.indirect.scatter.add.f32 [tilespmem:s15], [sflag:$0x6], $0x80, s5, s14, $0xb8;
	[tilespmem:$0x1F680] =	vst v63  }
0x6e: {  	_ =	swait.ge [sflag:s17], $0x1400  }
0x6f: {  	s5 =	sshra.s32 s22, $0x2;
	[sflag:s17] =	ssyncset.done $0x0  }
0x70: {  	s7 =	sadd.s32 $0x168, s5;
	[sflag:s17] =	ssyncadd.s32 $0xFFFFEC00  }
0x71: {  	[tilespmem:s23], [sflag:$0x5] =	stream.indirect.gather [hbm4b:s4+s14], $0x80, s7, s14, $0xb8;
	[tilespmem:$0x1F680] =	vst v63  }
0x72: {  	_ =	swait.ge [sflag:s24], $0x1400  }
0x73: {  	p0 =	seq.s32 s22, $0x47E0;
	[sflag:s24] =	ssyncset.done $0x0  }
0x74: {  	s9 =	sadd.s32 $0xFFFFFE80, s1;
	s7 =	simm.s32 @p0 $0x3;
	[sflag:s24] =	ssyncadd.s32 $0xFFFFEC00  }
0x75: {  	[spmem:s2] =	stream.indirect.scatter.add.f32 [tilespmem:s16], [sflag:$0x7], $0x80, s9, s14, $0xb8;
	[tilespmem:$0x1F680] =	vst v63  }
0x76: {  	_ =	swait.ge @p0 [sflag:s7], $0x1400  }
0x77: {  	s8 =	simm.s32 @p0 $0x28;
	[sflag:s7] =	ssyncset.done @p0 $0x0  }
0x78: {  	s9 =	simm.s32 @p0 $0x7A80;
	[sflag:s7] =	ssyncadd.s32 @p0 $0xFFFFEC00;
	s7 =	sadd.s32 @p0 $0xFFFFFF00, s1  }
0x79: {  	[spmem:s2] =	stream.indirect.scatter.add.f32 @p0 [tilespmem:s9], [sflag:$0x8], $0x80, s7, s8, $0xb8;
	[tilespmem:$0x1F680] =	vst v63  }
0x7a: {  	s7 =	simm.s32 @!p0 $0x6  }
0x7b: {  	_ =	swait.ge @!p0 [sflag:s7], $0x1400  }
0x7c: {  	[sflag:s7] =	ssyncset.done @!p0 $0x0  }
0x7d: {  	[sflag:s7] =	ssyncadd.s32 @!p0 $0xFFFFEC00;
	s7 =	sshra.s32 @!p0 s22, $0x2  }
0x7e: {  	s13 =	simm.s32 @!p0 $0x5280;
	s9 =	simm.s32 @!p0 $0x28;
	s8 =	sadd.s32 @!p0 $0x190, s7  }
0x7f: {  	[tilespmem:s13], [sflag:$0x1] =	stream.indirect.gather @!p0 [hbm4b:s4+s9], $0x80, s8, s9, $0xb8;
	[tilespmem:$0x1F680] =	vst v63  }
0x80: {  	s8 =	simm.s32 @!p0 $0x3  }
0x81: {  	_ =	swait.ge @!p0 [sflag:s8], $0x1400  }
0x82: {  	[sflag:s8] =	ssyncset.done @!p0 $0x0  }
0x83: {  	s13 =	simm.s32 @!p0 $0x7A80;
	[sflag:s8] =	ssyncadd.s32 @!p0 $0xFFFFEC00;
	s8 =	sadd.s32 @!p0 $0xFFFFFF00, s1  }
0x84: {  	[spmem:s2] =	stream.indirect.scatter.add.f32 @!p0 [tilespmem:s13], [sflag:$0x8], $0x80, s8, s9, $0xb8;
	[tilespmem:$0x1F680] =	vst v63  }
0x85: {  	s8 =	simm.s32 @!p0 $0x7  }
0x86: {  	_ =	swait.ge @!p0 [sflag:s8], $0x1400  }
0x87: {  	[sflag:s8] =	ssyncset.done @!p0 $0x0  }
0x88: {  	s7 =	sadd.s32 @!p0 $0x1B8, s7;
	[sflag:s8] =	ssyncadd.s32 @!p0 $0xFFFFEC00;
	s8 =	simm.s32 @!p0 $0x6680  }
0x89: {  	[tilespmem:s8], [sflag:$0x2] =	stream.indirect.gather @!p0 [hbm4b:s4+s9], $0x80, s7, s9, $0xb8;
	[tilespmem:$0x1F680] =	vst v63  }
.Ltmp2:
0x8a: {  	_ = 	snop;
	(pc) =	sbr.rel @p0 .LBB2_4-.Ltmp2, $4  }
0x8b: {  	_ =	swait.ge [sflag:s0], $0x1400  }
0x8c: {  	[sflag:s0] =	ssyncset.done $0x0  }
0x8d: {  	s13 =	sadd.s32 $0xFFFFFF80, s1;
	[sflag:s0] =	ssyncadd.s32 $0xFFFFEC00  }
0x8e: {  	[spmem:s2] =	stream.indirect.scatter.add.f32 [tilespmem:s20], [sflag:$0x9], $0x80, s13, s14, $0xb8;
	[tilespmem:$0x1F680] =	vst v63  }
0x8f: {  	_ =	swait.ge [sflag:s19], $0x1400  }
0x90: {  	[sflag:s19] =	ssyncset.done $0x0  }
0x91: {  	s7 =	sadd.s32 $0x1E0, s5;
	[sflag:s19] =	ssyncadd.s32 $0xFFFFEC00  }
0x92: {  	[tilespmem:s18], [sflag:$0x3] =	stream.indirect.gather [hbm4b:s4+s14], $0x80, s7, s14, $0xb8;
	[tilespmem:$0x1F680] =	vst v63  }
0x93: {  	_ =	swait.ge [sflag:s25], $0x1400  }
0x94: {  	[sflag:s25] =	ssyncset.done $0x0  }
0x95: {  	[sflag:s25] =	ssyncadd.s32 $0xFFFFEC00  }
0x96: {  	[spmem:s2] =	stream.indirect.scatter.add.f32 [tilespmem:s23], [sflag:$0xA], $0x80, s1, s14, $0xb8;
	[tilespmem:$0x1F680] =	vst v63  }
.Ltmp3:
0x97: {  	_ = 	snop;
	(pc) =	sbr.rel .LBB2_2-.Ltmp3, $4  }
0x98: {  	_ =	swait.ge [sflag:s30], $0x1400  }
0x99: {  	s13 =	sadd.s32 $0x208, s5;
	[sflag:s30] =	ssyncset.done $0x0  }
0x9a: {  	s22 =	sadd.s32 $0x320, s22;
	s1 =	sadd.s32 $0x280, s1;
	[sflag:s30] =	ssyncadd.s32 $0xFFFFEC00  }
0x9b: {  	[tilespmem:s20], [sflag:$0x4] =	stream.indirect.gather [hbm4b:s4+s14], $0x80, s13, s14, $0xb8;
	[tilespmem:$0x1F680] =	vst v63  }
.LBB2_5:
0x9c: {  	_ =	sfence.sel $0x180000  }
0x9d: {  	[bflag:$0x0] =	sbarrier.arrive $0xFFFF  }
0x9e: {  	_ =	strace $0x90000059  }
0x9f: {  	s0 =	stileid.u32;
	[bflag:$0x2] =	sbarrier.arrive $0xFFFF  }
0xa0: {  	p0 =	sne.s32 s0, $0x0;
	s0 =	rddreg [dreg:$0x3]  }
0xa1: {  	s0 =	sadd.s32 @!p0 $0x100000, s0  }
0xa2: {  	[sflag:s0] =	ssyncadd.tile.s32 @!p0 $0x1;
	_ =	shalt  }
.Lfunc_end2:
_tile_overlayer_lowered:
.L_overlay_start_2:
0xa3: {  	(tag) =	ssettag $0x2  }
0xa4: {  	s0 =	rddreg [dreg:$0x0];
	s2 =	stileid.u32  }
0xa5: {  	s1 =	rddreg [dreg:$0x1];
	p0 =	sne.s32 s2, $0x0  }
0xa6: {  	s3 =	rddreg [dreg:$0x2];
	[bflag:$0x3] =	sbarrier.arrive $0xFFFF;
	s2 =	simm.s32 @!p0 $0x1C0B  }
0xa7: {  	[timem:s3], [sflag:s2] =	dma.local @!p0 [hbm:s0], s1  }
0xa8: {  	s0 =	simm.s32 @!p0 $0xB  }
0xa9: {  	_ =	swait.ge @!p0 [sflag:s0], s1  }
0xaa: {  	s1 =	ssub.s32 @!p0 $0x0, s1;
	[sflag:s0] =	ssyncset.done @!p0 $0x0  }
0xab: {  	[sflag:s0] =	ssyncadd.s32 @!p0 s1  }
0xac: {  	[bflag:$0x3] =	sbarrier.arrive $0xFFFF  }
0xad: {  	_ =	shalt  }

</sc_bundles>
